<compile_context>
chip_gen: v7x
topology: tpu7x:2x2x1
jax: 0.10.2.dev20260603
libtpu: 0.0.44.dev20260713+nightly
codegen_flags: <defaults>
</compile_context>

<pallas_src>
import functools

import jax
import jax.numpy as jnp
from jax import lax
from jax.experimental import pallas as pl
from jax.experimental.pallas import tpu as pltpu
from jax.experimental.pallas import tpu_sc as plsc

_B = 16384
_D = 32
_L = 16
_NC = 2
_NS = 16
_NW = _NC * _NS
_BPW = _B // _NW
_NG = _BPW // _L

_NBUF = 8


def _mf_body(users_hbm, items_hbm, ut_hbm, it_hbm, out_hbm,
             idx_u, idx_i, ubuf, vbuf, urows, vrows,
             out_v, sem_u, sem_v):
  wid = lax.axis_index("s") * _NC + lax.axis_index("c")
  base = wid * _BPW
  pltpu.sync_copy(users_hbm.at[pl.ds(base, _BPW)], idx_u.at[pl.ds(0, _BPW)])
  pltpu.sync_copy(items_hbm.at[pl.ds(base, _BPW)], idx_i.at[pl.ds(0, _BPW)])

  lane = lax.iota(jnp.int32, _L)

  def fire(ru, ri, slot):
    pltpu.async_copy(
        ut_hbm.at[:, pl.ds(pl.multiple_of((ru >> 7) << 7, 128), 128)],
        ubuf.at[slot], sem_u)
    pltpu.async_copy(
        it_hbm.at[:, pl.ds(pl.multiple_of((ri >> 7) << 7, 128), 128)],
        vbuf.at[slot], sem_v)

  u0 = idx_u[pl.ds(0, _L)]
  i0 = idx_i[pl.ds(0, _L)]
  for j in range(_NBUF):
    fire(u0[j], i0[j], j)

  def group(g, carry):
    cur_u = idx_u[pl.ds(pl.multiple_of(g * _L, _L), _L)]
    cur_i = idx_i[pl.ds(pl.multiple_of(g * _L, _L), _L)]
    nxt_u = idx_u[pl.ds(pl.multiple_of(g * _L + _L, _L), _L)]
    nxt_i = idx_i[pl.ds(pl.multiple_of(g * _L + _L, _L), _L)]
    u_lo = jnp.zeros((_L,), jnp.float32)
    u_hi = jnp.zeros((_L,), jnp.float32)
    v_lo = jnp.zeros((_L,), jnp.float32)
    v_hi = jnp.zeros((_L,), jnp.float32)
    accs = [u_lo, u_hi, v_lo, v_hi]

    for j in range(_L):
      k = g * _L + j
      slot = lax.rem(k, _NBUF)
      pltpu.make_async_copy(
          ut_hbm.at[:, pl.ds(pl.multiple_of(0, 128), 128)],
          ubuf.at[slot], sem_u).wait()
      pltpu.make_async_copy(
          it_hbm.at[:, pl.ds(pl.multiple_of(0, 128), 128)],
          vbuf.at[slot], sem_v).wait()
      ru = cur_u[j]
      ri = cur_i[j]
      ss = jnp.full((_L,), slot, jnp.int32)
      mu = jnp.full((_L,), ru & 127, jnp.int32)
      mi = jnp.full((_L,), ri & 127, jnp.int32)
      pos = pl.ds(pl.multiple_of(k * _D, _L), _L)
      pos_hi = pl.ds(pl.multiple_of(k * _D + _L, _L), _L)
      urows[pos] = plsc.load_gather(ubuf, [ss, lane, mu])
      urows[pos_hi] = plsc.load_gather(ubuf, [ss, lane + _L, mu])
      vrows[pos] = plsc.load_gather(vbuf, [ss, lane, mi])
      vrows[pos_hi] = plsc.load_gather(vbuf, [ss, lane + _L, mi])
      jn = j + _NBUF
      if jn < _L:
        rn_u, rn_i = cur_u[jn], cur_i[jn]
      else:
        rn_u, rn_i = nxt_u[jn - _L], nxt_i[jn - _L]

      @pl.when(k + _NBUF < _BPW)
      def _():
        fire(rn_u, rn_i, slot)

    return carry

  lax.fori_loop(0, _NG, group, 0)

  def dot_group(g, carry):
    pos0 = g * (_L * _D) + lane * _D
    acc = jnp.zeros((_L,), jnp.float32)
    for c in range(_D):
      pos = pos0 + c
      acc = acc + (plsc.load_gather(urows, [pos])
                   * plsc.load_gather(vrows, [pos]))
    r = 1.0 / (1.0 + jnp.exp(-acc))
    out_v[pl.ds(pl.multiple_of(g * _L, _L), _L)] = r
    return carry

  lax.fori_loop(0, _NG, dot_group, 0)
  pltpu.sync_copy(out_v, out_hbm.at[pl.ds(base, _BPW)])


_mf = functools.partial(
    pl.kernel,
    out_type=jax.ShapeDtypeStruct((_B,), jnp.float32),
    mesh=plsc.VectorSubcoreMesh(core_axis_name="c", subcore_axis_name="s"),
    scratch_types=[
        pltpu.VMEM((_BPW + _L,), jnp.int32),
        pltpu.VMEM((_BPW + _L,), jnp.int32),
        pltpu.VMEM((_NBUF, _D, 128), jnp.float32),
        pltpu.VMEM((_NBUF, _D, 128), jnp.float32),
        pltpu.VMEM((_BPW * _D,), jnp.float32),
        pltpu.VMEM((_BPW * _D,), jnp.float32),
        pltpu.VMEM((_BPW,), jnp.float32),
        pltpu.SemaphoreType.DMA,
        pltpu.SemaphoreType.DMA,
    ],
    compiler_params=pltpu.CompilerParams(
        needs_layout_passes=False, disable_bounds_checks=True),
)(_mf_body)


def kernel(users, items, user_table, item_table):
  out = _mf(users.astype(jnp.int32), items.astype(jnp.int32),
            user_table.T, item_table.T)
  return out.reshape(_B, 1)

# --- scband reference (transcript-rebuilt; emitter-appended) ---
"""Pipeline reference for scband-mf-58909771432121 (READ-ONLY COPY).

The authoritative reference and input builder live on the scoring server;
editing this copy changes nothing except your own understanding.
"""

import jax, jax.numpy as jnp
import numpy as np

N_USERS = 1000000
M_ITEMS = 1000000
LATENT_DIM = 32
BATCH = 16384

def setup_inputs(seed: int = 0) -> dict:
    key = jax.random.key(seed)
    k1, k2, k3, k4 = jax.random.split(key, 4)
    users = jax.random.randint(k1, (BATCH,), 0, N_USERS, dtype=jnp.int64 if jax.config.jax_enable_x64 else jnp.int32)
    items = jax.random.randint(k2, (BATCH,), 0, M_ITEMS, dtype=jnp.int64 if jax.config.jax_enable_x64 else jnp.int32)
    user_table = jax.random.normal(k3, (N_USERS, LATENT_DIM), dtype=jnp.float32)
    item_table = jax.random.normal(k4, (M_ITEMS, LATENT_DIM), dtype=jnp.float32)
    return {"users": users, "items": items, "user_table": user_table, "item_table": item_table}

def reference(users, items, user_table, item_table):
    users_emb = jnp.take(user_table, users, axis=0)
    items_emb = jnp.take(item_table, items, axis=0)
    rating = jax.nn.sigmoid(jnp.sum(users_emb * items_emb, axis=1, keepdims=True))
    return rating

if __name__ == "__main__":
    import jax
    _d = setup_inputs()
    print(jax.jit(kernel)(*tuple(_d.values())))

</pallas_src>

<mosaic_0001>
#map = affine_map<(d0, d1) -> (0)>
#map1 = affine_map<(d0, d1) -> (0, 0)>
module attributes {stable_mosaic.version = 14 : i64} {
  func.func @_mf_body(%arg0: i32, %arg1: i32, %arg2: memref<16384xi32, #tpu.memory_space<hbm>>, %arg3: memref<16384xi32, #tpu.memory_space<hbm>>, %arg4: memref<32x1000000xf32, #tpu.memory_space<hbm>>, %arg5: memref<32x1000000xf32, #tpu.memory_space<hbm>>, %arg6: memref<16384xf32, #tpu.memory_space<hbm>>, %arg7: memref<528xi32, #tpu.memory_space<vmem>>, %arg8: memref<528xi32, #tpu.memory_space<vmem>>, %arg9: memref<8x32x128xf32, #tpu.memory_space<vmem>>, %arg10: memref<8x32x128xf32, #tpu.memory_space<vmem>>, %arg11: memref<16384xf32, #tpu.memory_space<vmem>>, %arg12: memref<16384xf32, #tpu.memory_space<vmem>>, %arg13: memref<512xf32, #tpu.memory_space<vmem>>, %arg14: memref<!tpu.dma_semaphore, #tpu.memory_space<semaphore_mem>>, %arg15: memref<!tpu.dma_semaphore, #tpu.memory_space<semaphore_mem>>) attributes {dimension_semantics = [#tpu.dimension_semantics<core_parallel>, #tpu.dimension_semantics<subcore_parallel>], iteration_bounds = array<i64: 2, 16>, scalar_prefetch = 0 : i64, scratch_operands = 9 : i64, tpu.core_type = #tpu.core_type<sc_vector_subcore>, window_params = [{transform_indices = #map}, {transform_indices = #map}, {transform_indices = #map1}, {transform_indices = #map1}, {transform_indices = #map}]} {
    %mul3A = arith.constant 2 : i32
    %mul3A_0 = arith.muli %arg1, %mul3A : i32
    %add3A = arith.addi %mul3A_0, %arg0 : i32
    %mul3A_1 = arith.constant 512 : i32
    %mul3A_2 = arith.muli %add3A, %mul3A_1 : i32
    "tpu.region"() ({
      %run_scoped3A = tpu.sem_alloc : memref<!tpu.dma_semaphore, #tpu.memory_space<semaphore_mem>>
      %dma_start3A_331 = arith.constant 0 : i32
      %dma_start3A_332 = tpu.memref_slice %arg7[%dma_start3A_331] : memref<528xi32, #tpu.memory_space<vmem>> -> memref<512xi32, #tpu.memory_space<vmem>>
      %dma_start3A_333 = tpu.memref_slice %arg2[%mul3A_2] : memref<16384xi32, #tpu.memory_space<hbm>> -> memref<512xi32, #tpu.memory_space<hbm>>
      %dma_start3A_334 = arith.constant 0 : i32
      %dma_start3A_335 = tpu.memref_slice %arg7[%dma_start3A_334] : memref<528xi32, #tpu.memory_space<vmem>> -> memref<512xi32, #tpu.memory_space<vmem>>
      %dma_start3A_336 = tpu.memref_slice %arg2[%mul3A_2] : memref<16384xi32, #tpu.memory_space<hbm>> -> memref<512xi32, #tpu.memory_space<hbm>>
      tpu.enqueue_dma source(%dma_start3A_336 : memref<512xi32, #tpu.memory_space<hbm>>) target(%dma_start3A_335 : memref<512xi32, #tpu.memory_space<vmem>>) target_semaphore(%run_scoped3A : memref<!tpu.dma_semaphore, #tpu.memory_space<semaphore_mem>>)
      %dma_wait3A = arith.constant 0 : i32
      %dma_wait3A_337 = tpu.memref_slice %arg7[%dma_wait3A] : memref<528xi32, #tpu.memory_space<vmem>> -> memref<512xi32, #tpu.memory_space<vmem>>
      %dma_wait3A_338 = tpu.memref_slice %arg2[%mul3A_2] : memref<16384xi32, #tpu.memory_space<hbm>> -> memref<512xi32, #tpu.memory_space<hbm>>
      %dma_wait3A_339 = arith.constant 0 : i32
      %dma_wait3A_340 = tpu.memref_slice %arg7[%dma_wait3A_339] : memref<528xi32, #tpu.memory_space<vmem>> -> memref<512xi32, #tpu.memory_space<vmem>>
      %dma_wait3A_341 = tpu.memref_slice %arg2[%mul3A_2] : memref<16384xi32, #tpu.memory_space<hbm>> -> memref<512xi32, #tpu.memory_space<hbm>>
      tpu.wait_dma2 semaphore(%run_scoped3A : memref<!tpu.dma_semaphore, #tpu.memory_space<semaphore_mem>>) src(%dma_wait3A_341 : memref<512xi32, #tpu.memory_space<hbm>>) dst(%dma_wait3A_340 : memref<512xi32, #tpu.memory_space<vmem>>)
      tpu.yield
    }) : () -> ()
    "tpu.region"() ({
      %run_scoped3A = tpu.sem_alloc : memref<!tpu.dma_semaphore, #tpu.memory_space<semaphore_mem>>
      %dma_start3A_331 = arith.constant 0 : i32
      %dma_start3A_332 = tpu.memref_slice %arg8[%dma_start3A_331] : memref<528xi32, #tpu.memory_space<vmem>> -> memref<512xi32, #tpu.memory_space<vmem>>
      %dma_start3A_333 = tpu.memref_slice %arg3[%mul3A_2] : memref<16384xi32, #tpu.memory_space<hbm>> -> memref<512xi32, #tpu.memory_space<hbm>>
      %dma_start3A_334 = arith.constant 0 : i32
      %dma_start3A_335 = tpu.memref_slice %arg8[%dma_start3A_334] : memref<528xi32, #tpu.memory_space<vmem>> -> memref<512xi32, #tpu.memory_space<vmem>>
      %dma_start3A_336 = tpu.memref_slice %arg3[%mul3A_2] : memref<16384xi32, #tpu.memory_space<hbm>> -> memref<512xi32, #tpu.memory_space<hbm>>
      tpu.enqueue_dma source(%dma_start3A_336 : memref<512xi32, #tpu.memory_space<hbm>>) target(%dma_start3A_335 : memref<512xi32, #tpu.memory_space<vmem>>) target_semaphore(%run_scoped3A : memref<!tpu.dma_semaphore, #tpu.memory_space<semaphore_mem>>)
      %dma_wait3A = arith.constant 0 : i32
      %dma_wait3A_337 = tpu.memref_slice %arg8[%dma_wait3A] : memref<528xi32, #tpu.memory_space<vmem>> -> memref<512xi32, #tpu.memory_space<vmem>>
      %dma_wait3A_338 = tpu.memref_slice %arg3[%mul3A_2] : memref<16384xi32, #tpu.memory_space<hbm>> -> memref<512xi32, #tpu.memory_space<hbm>>
      %dma_wait3A_339 = arith.constant 0 : i32
      %dma_wait3A_340 = tpu.memref_slice %arg8[%dma_wait3A_339] : memref<528xi32, #tpu.memory_space<vmem>> -> memref<512xi32, #tpu.memory_space<vmem>>
      %dma_wait3A_341 = tpu.memref_slice %arg3[%mul3A_2] : memref<16384xi32, #tpu.memory_space<hbm>> -> memref<512xi32, #tpu.memory_space<hbm>>
      tpu.wait_dma2 semaphore(%run_scoped3A : memref<!tpu.dma_semaphore, #tpu.memory_space<semaphore_mem>>) src(%dma_wait3A_341 : memref<512xi32, #tpu.memory_space<hbm>>) dst(%dma_wait3A_340 : memref<512xi32, #tpu.memory_space<vmem>>)
      tpu.yield
    }) : () -> ()
    %iota3A = tpu.iota {dimensions = array<i32: 0>} : vector<16xi32>
    %get3A = arith.constant 0 : index
    %get3A_3 = tpu.vector_load %arg7[%get3A] {strides = array<i32>} : memref<528xi32, #tpu.memory_space<vmem>>, vector<16xi32>,
    %get3A_4 = arith.constant 0 : index
    %get3A_5 = tpu.vector_load %arg8[%get3A_4] {strides = array<i32>} : memref<528xi32, #tpu.memory_space<vmem>>, vector<16xi32>,
    %slice3A = vector.extract_strided_slice %get3A_3 {offsets = [0], sizes = [1], strides = [1]} : vector<16xi32> to vector<1xi32>
    %squeeze3A = vector.extract %slice3A[0] : i32 from vector<1xi32>
    %slice3A_6 = vector.extract_strided_slice %get3A_5 {offsets = [0], sizes = [1], strides = [1]} : vector<16xi32> to vector<1xi32>
    %squeeze3A_7 = vector.extract %slice3A_6[0] : i32 from vector<1xi32>
    %shift_right_arithmetic3A = arith.constant 7 : i32
    %shift_right_arithmetic3A_8 = arith.shrsi %squeeze3A, %shift_right_arithmetic3A : i32
    %shift_left3A = arith.constant 7 : i32
    %shift_left3A_9 = arith.shli %shift_right_arithmetic3A_8, %shift_left3A : i32
    %multiple_of3A = tpu.assume_multiple %shift_left3A_9, 128 : i32
    %dma_start3A = arith.constant 0 : i32
    %dma_start3A_10 = arith.constant 0 : i32
    %dma_start3A_11 = arith.constant 0 : i32
    %dma_start3A_12 = tpu.memref_slice %arg9[%dma_start3A, %dma_start3A_10, %dma_start3A_11] : memref<8x32x128xf32, #tpu.memory_space<vmem>> -> memref<1x32x128xf32, #tpu.memory_space<vmem>>
    %dma_start3A_13 = tpu.memref_squeeze %dma_start3A_12 : memref<1x32x128xf32, #tpu.memory_space<vmem>> -> memref<32x128xf32, #tpu.memory_space<vmem>>
    %dma_start3A_14 = arith.constant 0 : i32
    %dma_start3A_15 = tpu.memref_slice %arg4[%dma_start3A_14, %multiple_of3A] : memref<32x1000000xf32, #tpu.memory_space<hbm>> -> memref<32x128xf32, #tpu.memory_space<hbm>>
    %dma_start3A_16 = arith.constant 0 : i32
    %dma_start3A_17 = arith.constant 0 : i32
    %dma_start3A_18 = tpu.memref_slice %arg9[%dma_start3A, %dma_start3A_16, %dma_start3A_17] : memref<8x32x128xf32, #tpu.memory_space<vmem>> -> memref<1x32x128xf32, #tpu.memory_space<vmem>>
    %dma_start3A_19 = tpu.memref_squeeze %dma_start3A_18 : memref<1x32x128xf32, #tpu.memory_space<vmem>> -> memref<32x128xf32, #tpu.memory_space<vmem>>
    %dma_start3A_20 = arith.constant 0 : i32
    %dma_start3A_21 = tpu.memref_slice %arg4[%dma_start3A_20, %multiple_of3A] : memref<32x1000000xf32, #tpu.memory_space<hbm>> -> memref<32x128xf32, #tpu.memory_space<hbm>>
    tpu.enqueue_dma source(%dma_start3A_21 : memref<32x128xf32, #tpu.memory_space<hbm>>) target(%dma_start3A_19 : memref<32x128xf32, #tpu.memory_space<vmem>>) target_semaphore(%arg14 : memref<!tpu.dma_semaphore, #tpu.memory_space<semaphore_mem>>)
    %shift_right_arithmetic3A_22 = arith.constant 7 : i32
    %shift_right_arithmetic3A_23 = arith.shrsi %squeeze3A_7, %shift_right_arithmetic3A_22 : i32
    %shift_left3A_24 = arith.constant 7 : i32
    %shift_left3A_25 = arith.shli %shift_right_arithmetic3A_23, %shift_left3A_24 : i32
    %multiple_of3A_26 = tpu.assume_multiple %shift_left3A_25, 128 : i32
    %dma_start3A_27 = arith.constant 0 : i32
    %dma_start3A_28 = arith.constant 0 : i32
    %dma_start3A_29 = arith.constant 0 : i32
    %dma_start3A_30 = tpu.memref_slice %arg10[%dma_start3A_27, %dma_start3A_28, %dma_start3A_29] : memref<8x32x128xf32, #tpu.memory_space<vmem>> -> memref<1x32x128xf32, #tpu.memory_space<vmem>>
    %dma_start3A_31 = tpu.memref_squeeze %dma_start3A_30 : memref<1x32x128xf32, #tpu.memory_space<vmem>> -> memref<32x128xf32, #tpu.memory_space<vmem>>
    %dma_start3A_32 = arith.constant 0 : i32
    %dma_start3A_33 = tpu.memref_slice %arg5[%dma_start3A_32, %multiple_of3A_26] : memref<32x1000000xf32, #tpu.memory_space<hbm>> -> memref<32x128xf32, #tpu.memory_space<hbm>>
    %dma_start3A_34 = arith.constant 0 : i32
    %dma_start3A_35 = arith.constant 0 : i32
    %dma_start3A_36 = tpu.memref_slice %arg10[%dma_start3A_27, %dma_start3A_34, %dma_start3A_35] : memref<8x32x128xf32, #tpu.memory_space<vmem>> -> memref<1x32x128xf32, #tpu.memory_space<vmem>>
    %dma_start3A_37 = tpu.memref_squeeze %dma_start3A_36 : memref<1x32x128xf32, #tpu.memory_space<vmem>> -> memref<32x128xf32, #tpu.memory_space<vmem>>
    %dma_start3A_38 = arith.constant 0 : i32
    %dma_start3A_39 = tpu.memref_slice %arg5[%dma_start3A_38, %multiple_of3A_26] : memref<32x1000000xf32, #tpu.memory_space<hbm>> -> memref<32x128xf32, #tpu.memory_space<hbm>>
    tpu.enqueue_dma source(%dma_start3A_39 : memref<32x128xf32, #tpu.memory_space<hbm>>) target(%dma_start3A_37 : memref<32x128xf32, #tpu.memory_space<vmem>>) target_semaphore(%arg15 : memref<!tpu.dma_semaphore, #tpu.memory_space<semaphore_mem>>)
    %slice3A_40 = vector.extract_strided_slice %get3A_3 {offsets = [1], sizes = [1], strides = [1]} : vector<16xi32> to vector<1xi32>
    %squeeze3A_41 = vector.extract %slice3A_40[0] : i32 from vector<1xi32>
    %slice3A_42 = vector.extract_strided_slice %get3A_5 {offsets = [1], sizes = [1], strides = [1]} : vector<16xi32> to vector<1xi32>
    %squeeze3A_43 = vector.extract %slice3A_42[0] : i32 from vector<1xi32>
    %shift_right_arithmetic3A_44 = arith.constant 7 : i32
    %shift_right_arithmetic3A_45 = arith.shrsi %squeeze3A_41, %shift_right_arithmetic3A_44 : i32
    %shift_left3A_46 = arith.constant 7 : i32
    %shift_left3A_47 = arith.shli %shift_right_arithmetic3A_45, %shift_left3A_46 : i32
    %multiple_of3A_48 = tpu.assume_multiple %shift_left3A_47, 128 : i32
    %dma_start3A_49 = arith.constant 1 : i32
    %dma_start3A_50 = arith.constant 0 : i32
    %dma_start3A_51 = arith.constant 0 : i32
    %dma_start3A_52 = tpu.memref_slice %arg9[%dma_start3A_49, %dma_start3A_50, %dma_start3A_51] : memref<8x32x128xf32, #tpu.memory_space<vmem>> -> memref<1x32x128xf32, #tpu.memory_space<vmem>>
    %dma_start3A_53 = tpu.memref_squeeze %dma_start3A_52 : memref<1x32x128xf32, #tpu.memory_space<vmem>> -> memref<32x128xf32, #tpu.memory_space<vmem>>
    %dma_start3A_54 = arith.constant 0 : i32
    %dma_start3A_55 = tpu.memref_slice %arg4[%dma_start3A_54, %multiple_of3A_48] : memref<32x1000000xf32, #tpu.memory_space<hbm>> -> memref<32x128xf32, #tpu.memory_space<hbm>>
    %dma_start3A_56 = arith.constant 0 : i32
    %dma_start3A_57 = arith.constant 0 : i32
    %dma_start3A_58 = tpu.memref_slice %arg9[%dma_start3A_49, %dma_start3A_56, %dma_start3A_57] : memref<8x32x128xf32, #tpu.memory_space<vmem>> -> memref<1x32x128xf32, #tpu.memory_space<vmem>>
    %dma_start3A_59 = tpu.memref_squeeze %dma_start3A_58 : memref<1x32x128xf32, #tpu.memory_space<vmem>> -> memref<32x128xf32, #tpu.memory_space<vmem>>
    %dma_start3A_60 = arith.constant 0 : i32
    %dma_start3A_61 = tpu.memref_slice %arg4[%dma_start3A_60, %multiple_of3A_48] : memref<32x1000000xf32, #tpu.memory_space<hbm>> -> memref<32x128xf32, #tpu.memory_space<hbm>>
    tpu.enqueue_dma source(%dma_start3A_61 : memref<32x128xf32, #tpu.memory_space<hbm>>) target(%dma_start3A_59 : memref<32x128xf32, #tpu.memory_space<vmem>>) target_semaphore(%arg14 : memref<!tpu.dma_semaphore, #tpu.memory_space<semaphore_mem>>)
    %shift_right_arithmetic3A_62 = arith.constant 7 : i32
    %shift_right_arithmetic3A_63 = arith.shrsi %squeeze3A_43, %shift_right_arithmetic3A_62 : i32
    %shift_left3A_64 = arith.constant 7 : i32
    %shift_left3A_65 = arith.shli %shift_right_arithmetic3A_63, %shift_left3A_64 : i32
    %multiple_of3A_66 = tpu.assume_multiple %shift_left3A_65, 128 : i32
    %dma_start3A_67 = arith.constant 1 : i32
    %dma_start3A_68 = arith.constant 0 : i32
    %dma_start3A_69 = arith.constant 0 : i32
    %dma_start3A_70 = tpu.memref_slice %arg10[%dma_start3A_67, %dma_start3A_68, %dma_start3A_69] : memref<8x32x128xf32, #tpu.memory_space<vmem>> -> memref<1x32x128xf32, #tpu.memory_space<vmem>>
    %dma_start3A_71 = tpu.memref_squeeze %dma_start3A_70 : memref<1x32x128xf32, #tpu.memory_space<vmem>> -> memref<32x128xf32, #tpu.memory_space<vmem>>
    %dma_start3A_72 = arith.constant 0 : i32
    %dma_start3A_73 = tpu.memref_slice %arg5[%dma_start3A_72, %multiple_of3A_66] : memref<32x1000000xf32, #tpu.memory_space<hbm>> -> memref<32x128xf32, #tpu.memory_space<hbm>>
    %dma_start3A_74 = arith.constant 0 : i32
    %dma_start3A_75 = arith.constant 0 : i32
    %dma_start3A_76 = tpu.memref_slice %arg10[%dma_start3A_67, %dma_start3A_74, %dma_start3A_75] : memref<8x32x128xf32, #tpu.memory_space<vmem>> -> memref<1x32x128xf32, #tpu.memory_space<vmem>>
    %dma_start3A_77 = tpu.memref_squeeze %dma_start3A_76 : memref<1x32x128xf32, #tpu.memory_space<vmem>> -> memref<32x128xf32, #tpu.memory_space<vmem>>
    %dma_start3A_78 = arith.constant 0 : i32
    %dma_start3A_79 = tpu.memref_slice %arg5[%dma_start3A_78, %multiple_of3A_66] : memref<32x1000000xf32, #tpu.memory_space<hbm>> -> memref<32x128xf32, #tpu.memory_space<hbm>>
    tpu.enqueue_dma source(%dma_start3A_79 : memref<32x128xf32, #tpu.memory_space<hbm>>) target(%dma_start3A_77 : memref<32x128xf32, #tpu.memory_space<vmem>>) target_semaphore(%arg15 : memref<!tpu.dma_semaphore, #tpu.memory_space<semaphore_mem>>)
    %slice3A_80 = vector.extract_strided_slice %get3A_3 {offsets = [2], sizes = [1], strides = [1]} : vector<16xi32> to vector<1xi32>
    %squeeze3A_81 = vector.extract %slice3A_80[0] : i32 from vector<1xi32>
    %slice3A_82 = vector.extract_strided_slice %get3A_5 {offsets = [2], sizes = [1], strides = [1]} : vector<16xi32> to vector<1xi32>
    %squeeze3A_83 = vector.extract %slice3A_82[0] : i32 from vector<1xi32>
    %shift_right_arithmetic3A_84 = arith.constant 7 : i32
    %shift_right_arithmetic3A_85 = arith.shrsi %squeeze3A_81, %shift_right_arithmetic3A_84 : i32
    %shift_left3A_86 = arith.constant 7 : i32
    %shift_left3A_87 = arith.shli %shift_right_arithmetic3A_85, %shift_left3A_86 : i32
    %multiple_of3A_88 = tpu.assume_multiple %shift_left3A_87, 128 : i32
    %dma_start3A_89 = arith.constant 2 : i32
    %dma_start3A_90 = arith.constant 0 : i32
    %dma_start3A_91 = arith.constant 0 : i32
    %dma_start3A_92 = tpu.memref_slice %arg9[%dma_start3A_89, %dma_start3A_90, %dma_start3A_91] : memref<8x32x128xf32, #tpu.memory_space<vmem>> -> memref<1x32x128xf32, #tpu.memory_space<vmem>>
    %dma_start3A_93 = tpu.memref_squeeze %dma_start3A_92 : memref<1x32x128xf32, #tpu.memory_space<vmem>> -> memref<32x128xf32, #tpu.memory_space<vmem>>
    %dma_start3A_94 = arith.constant 0 : i32
    %dma_start3A_95 = tpu.memref_slice %arg4[%dma_start3A_94, %multiple_of3A_88] : memref<32x1000000xf32, #tpu.memory_space<hbm>> -> memref<32x128xf32, #tpu.memory_space<hbm>>
    %dma_start3A_96 = arith.constant 0 : i32
    %dma_start3A_97 = arith.constant 0 : i32
    %dma_start3A_98 = tpu.memref_slice %arg9[%dma_start3A_89, %dma_start3A_96, %dma_start3A_97] : memref<8x32x128xf32, #tpu.memory_space<vmem>> -> memref<1x32x128xf32, #tpu.memory_space<vmem>>
    %dma_start3A_99 = tpu.memref_squeeze %dma_start3A_98 : memref<1x32x128xf32, #tpu.memory_space<vmem>> -> memref<32x128xf32, #tpu.memory_space<vmem>>
    %dma_start3A_100 = arith.constant 0 : i32
    %dma_start3A_101 = tpu.memref_slice %arg4[%dma_start3A_100, %multiple_of3A_88] : memref<32x1000000xf32, #tpu.memory_space<hbm>> -> memref<32x128xf32, #tpu.memory_space<hbm>>
    tpu.enqueue_dma source(%dma_start3A_101 : memref<32x128xf32, #tpu.memory_space<hbm>>) target(%dma_start3A_99 : memref<32x128xf32, #tpu.memory_space<vmem>>) target_semaphore(%arg14 : memref<!tpu.dma_semaphore, #tpu.memory_space<semaphore_mem>>)
    %shift_right_arithmetic3A_102 = arith.constant 7 : i32
    %shift_right_arithmetic3A_103 = arith.shrsi %squeeze3A_83, %shift_right_arithmetic3A_102 : i32
    %shift_left3A_104 = arith.constant 7 : i32
    %shift_left3A_105 = arith.shli %shift_right_arithmetic3A_103, %shift_left3A_104 : i32
    %multiple_of3A_106 = tpu.assume_multiple %shift_left3A_105, 128 : i32
    %dma_start3A_107 = arith.constant 2 : i32
    %dma_start3A_108 = arith.constant 0 : i32
    %dma_start3A_109 = arith.constant 0 : i32
    %dma_start3A_110 = tpu.memref_slice %arg10[%dma_start3A_107, %dma_start3A_108, %dma_start3A_109] : memref<8x32x128xf32, #tpu.memory_space<vmem>> -> memref<1x32x128xf32, #tpu.memory_space<vmem>>
    %dma_start3A_111 = tpu.memref_squeeze %dma_start3A_110 : memref<1x32x128xf32, #tpu.memory_space<vmem>> -> memref<32x128xf32, #tpu.memory_space<vmem>>
    %dma_start3A_112 = arith.constant 0 : i32
    %dma_start3A_113 = tpu.memref_slice %arg5[%dma_start3A_112, %multiple_of3A_106] : memref<32x1000000xf32, #tpu.memory_space<hbm>> -> memref<32x128xf32, #tpu.memory_space<hbm>>
    %dma_start3A_114 = arith.constant 0 : i32
    %dma_start3A_115 = arith.constant 0 : i32
    %dma_start3A_116 = tpu.memref_slice %arg10[%dma_start3A_107, %dma_start3A_114, %dma_start3A_115] : memref<8x32x128xf32, #tpu.memory_space<vmem>> -> memref<1x32x128xf32, #tpu.memory_space<vmem>>
    %dma_start3A_117 = tpu.memref_squeeze %dma_start3A_116 : memref<1x32x128xf32, #tpu.memory_space<vmem>> -> memref<32x128xf32, #tpu.memory_space<vmem>>
    %dma_start3A_118 = arith.constant 0 : i32
    %dma_start3A_119 = tpu.memref_slice %arg5[%dma_start3A_118, %multiple_of3A_106] : memref<32x1000000xf32, #tpu.memory_space<hbm>> -> memref<32x128xf32, #tpu.memory_space<hbm>>
    tpu.enqueue_dma source(%dma_start3A_119 : memref<32x128xf32, #tpu.memory_space<hbm>>) target(%dma_start3A_117 : memref<32x128xf32, #tpu.memory_space<vmem>>) target_semaphore(%arg15 : memref<!tpu.dma_semaphore, #tpu.memory_space<semaphore_mem>>)
    %slice3A_120 = vector.extract_strided_slice %get3A_3 {offsets = [3], sizes = [1], strides = [1]} : vector<16xi32> to vector<1xi32>
    %squeeze3A_121 = vector.extract %slice3A_120[0] : i32 from vector<1xi32>
    %slice3A_122 = vector.extract_strided_slice %get3A_5 {offsets = [3], sizes = [1], strides = [1]} : vector<16xi32> to vector<1xi32>
    %squeeze3A_123 = vector.extract %slice3A_122[0] : i32 from vector<1xi32>
    %shift_right_arithmetic3A_124 = arith.constant 7 : i32
    %shift_right_arithmetic3A_125 = arith.shrsi %squeeze3A_121, %shift_right_arithmetic3A_124 : i32
    %shift_left3A_126 = arith.constant 7 : i32
    %shift_left3A_127 = arith.shli %shift_right_arithmetic3A_125, %shift_left3A_126 : i32
    %multiple_of3A_128 = tpu.assume_multiple %shift_left3A_127, 128 : i32
    %dma_start3A_129 = arith.constant 3 : i32
    %dma_start3A_130 = arith.constant 0 : i32
    %dma_start3A_131 = arith.constant 0 : i32
    %dma_start3A_132 = tpu.memref_slice %arg9[%dma_start3A_129, %dma_start3A_130, %dma_start3A_131] : memref<8x32x128xf32, #tpu.memory_space<vmem>> -> memref<1x32x128xf32, #tpu.memory_space<vmem>>
    %dma_start3A_133 = tpu.memref_squeeze %dma_start3A_132 : memref<1x32x128xf32, #tpu.memory_space<vmem>> -> memref<32x128xf32, #tpu.memory_space<vmem>>
    %dma_start3A_134 = arith.constant 0 : i32
    %dma_start3A_135 = tpu.memref_slice %arg4[%dma_start3A_134, %multiple_of3A_128] : memref<32x1000000xf32, #tpu.memory_space<hbm>> -> memref<32x128xf32, #tpu.memory_space<hbm>>
    %dma_start3A_136 = arith.constant 0 : i32
    %dma_start3A_137 = arith.constant 0 : i32
    %dma_start3A_138 = tpu.memref_slice %arg9[%dma_start3A_129, %dma_start3A_136, %dma_start3A_137] : memref<8x32x128xf32, #tpu.memory_space<vmem>> -> memref<1x32x128xf32, #tpu.memory_space<vmem>>
    %dma_start3A_139 = tpu.memref_squeeze %dma_start3A_138 : memref<1x32x128xf32, #tpu.memory_space<vmem>> -> memref<32x128xf32, #tpu.memory_space<vmem>>
    %dma_start3A_140 = arith.constant 0 : i32
    %dma_start3A_141 = tpu.memref_slice %arg4[%dma_start3A_140, %multiple_of3A_128] : memref<32x1000000xf32, #tpu.memory_space<hbm>> -> memref<32x128xf32, #tpu.memory_space<hbm>>
    tpu.enqueue_dma source(%dma_start3A_141 : memref<32x128xf32, #tpu.memory_space<hbm>>) target(%dma_start3A_139 : memref<32x128xf32, #tpu.memory_space<vmem>>) target_semaphore(%arg14 : memref<!tpu.dma_semaphore, #tpu.memory_space<semaphore_mem>>)
    %shift_right_arithmetic3A_142 = arith.constant 7 : i32
    %shift_right_arithmetic3A_143 = arith.shrsi %squeeze3A_123, %shift_right_arithmetic3A_142 : i32
    %shift_left3A_144 = arith.constant 7 : i32
    %shift_left3A_145 = arith.shli %shift_right_arithmetic3A_143, %shift_left3A_144 : i32
    %multiple_of3A_146 = tpu.assume_multiple %shift_left3A_145, 128 : i32
    %dma_start3A_147 = arith.constant 3 : i32
    %dma_start3A_148 = arith.constant 0 : i32
    %dma_start3A_149 = arith.constant 0 : i32
    %dma_start3A_150 = tpu.memref_slice %arg10[%dma_start3A_147, %dma_start3A_148, %dma_start3A_149] : memref<8x32x128xf32, #tpu.memory_space<vmem>> -> memref<1x32x128xf32, #tpu.memory_space<vmem>>
    %dma_start3A_151 = tpu.memref_squeeze %dma_start3A_150 : memref<1x32x128xf32, #tpu.memory_space<vmem>> -> memref<32x128xf32, #tpu.memory_space<vmem>>
    %dma_start3A_152 = arith.constant 0 : i32
    %dma_start3A_153 = tpu.memref_slice %arg5[%dma_start3A_152, %multiple_of3A_146] : memref<32x1000000xf32, #tpu.memory_space<hbm>> -> memref<32x128xf32, #tpu.memory_space<hbm>>
    %dma_start3A_154 = arith.constant 0 : i32
    %dma_start3A_155 = arith.constant 0 : i32
    %dma_start3A_156 = tpu.memref_slice %arg10[%dma_start3A_147, %dma_start3A_154, %dma_start3A_155] : memref<8x32x128xf32, #tpu.memory_space<vmem>> -> memref<1x32x128xf32, #tpu.memory_space<vmem>>
    %dma_start3A_157 = tpu.memref_squeeze %dma_start3A_156 : memref<1x32x128xf32, #tpu.memory_space<vmem>> -> memref<32x128xf32, #tpu.memory_space<vmem>>
    %dma_start3A_158 = arith.constant 0 : i32
    %dma_start3A_159 = tpu.memref_slice %arg5[%dma_start3A_158, %multiple_of3A_146] : memref<32x1000000xf32, #tpu.memory_space<hbm>> -> memref<32x128xf32, #tpu.memory_space<hbm>>
    tpu.enqueue_dma source(%dma_start3A_159 : memref<32x128xf32, #tpu.memory_space<hbm>>) target(%dma_start3A_157 : memref<32x128xf32, #tpu.memory_space<vmem>>) target_semaphore(%arg15 : memref<!tpu.dma_semaphore, #tpu.memory_space<semaphore_mem>>)
    %slice3A_160 = vector.extract_strided_slice %get3A_3 {offsets = [4], sizes = [1], strides = [1]} : vector<16xi32> to vector<1xi32>
    %squeeze3A_161 = vector.extract %slice3A_160[0] : i32 from vector<1xi32>
    %slice3A_162 = vector.extract_strided_slice %get3A_5 {offsets = [4], sizes = [1], strides = [1]} : vector<16xi32> to vector<1xi32>
    %squeeze3A_163 = vector.extract %slice3A_162[0] : i32 from vector<1xi32>
    %shift_right_arithmetic3A_164 = arith.constant 7 : i32
    %shift_right_arithmetic3A_165 = arith.shrsi %squeeze3A_161, %shift_right_arithmetic3A_164 : i32
    %shift_left3A_166 = arith.constant 7 : i32
    %shift_left3A_167 = arith.shli %shift_right_arithmetic3A_165, %shift_left3A_166 : i32
    %multiple_of3A_168 = tpu.assume_multiple %shift_left3A_167, 128 : i32
    %dma_start3A_169 = arith.constant 4 : i32
    %dma_start3A_170 = arith.constant 0 : i32
    %dma_start3A_171 = arith.constant 0 : i32
    %dma_start3A_172 = tpu.memref_slice %arg9[%dma_start3A_169, %dma_start3A_170, %dma_start3A_171] : memref<8x32x128xf32, #tpu.memory_space<vmem>> -> memref<1x32x128xf32, #tpu.memory_space<vmem>>
    %dma_start3A_173 = tpu.memref_squeeze %dma_start3A_172 : memref<1x32x128xf32, #tpu.memory_space<vmem>> -> memref<32x128xf32, #tpu.memory_space<vmem>>
    %dma_start3A_174 = arith.constant 0 : i32
    %dma_start3A_175 = tpu.memref_slice %arg4[%dma_start3A_174, %multiple_of3A_168] : memref<32x1000000xf32, #tpu.memory_space<hbm>> -> memref<32x128xf32, #tpu.memory_space<hbm>>
    %dma_start3A_176 = arith.constant 0 : i32
    %dma_start3A_177 = arith.constant 0 : i32
    %dma_start3A_178 = tpu.memref_slice %arg9[%dma_start3A_169, %dma_start3A_176, %dma_start3A_177] : memref<8x32x128xf32, #tpu.memory_space<vmem>> -> memref<1x32x128xf32, #tpu.memory_space<vmem>>
    %dma_start3A_179 = tpu.memref_squeeze %dma_start3A_178 : memref<1x32x128xf32, #tpu.memory_space<vmem>> -> memref<32x128xf32, #tpu.memory_space<vmem>>
    %dma_start3A_180 = arith.constant 0 : i32
    %dma_start3A_181 = tpu.memref_slice %arg4[%dma_start3A_180, %multiple_of3A_168] : memref<32x1000000xf32, #tpu.memory_space<hbm>> -> memref<32x128xf32, #tpu.memory_space<hbm>>
    tpu.enqueue_dma source(%dma_start3A_181 : memref<32x128xf32, #tpu.memory_space<hbm>>) target(%dma_start3A_179 : memref<32x128xf32, #tpu.memory_space<vmem>>) target_semaphore(%arg14 : memref<!tpu.dma_semaphore, #tpu.memory_space<semaphore_mem>>)
    %shift_right_arithmetic3A_182 = arith.constant 7 : i32
    %shift_right_arithmetic3A_183 = arith.shrsi %squeeze3A_163, %shift_right_arithmetic3A_182 : i32
    %shift_left3A_184 = arith.constant 7 : i32
    %shift_left3A_185 = arith.shli %shift_right_arithmetic3A_183, %shift_left3A_184 : i32
    %multiple_of3A_186 = tpu.assume_multiple %shift_left3A_185, 128 : i32
    %dma_start3A_187 = arith.constant 4 : i32
    %dma_start3A_188 = arith.constant 0 : i32
    %dma_start3A_189 = arith.constant 0 : i32
    %dma_start3A_190 = tpu.memref_slice %arg10[%dma_start3A_187, %dma_start3A_188, %dma_start3A_189] : memref<8x32x128xf32, #tpu.memory_space<vmem>> -> memref<1x32x128xf32, #tpu.memory_space<vmem>>
    %dma_start3A_191 = tpu.memref_squeeze %dma_start3A_190 : memref<1x32x128xf32, #tpu.memory_space<vmem>> -> memref<32x128xf32, #tpu.memory_space<vmem>>
    %dma_start3A_192 = arith.constant 0 : i32
    %dma_start3A_193 = tpu.memref_slice %arg5[%dma_start3A_192, %multiple_of3A_186] : memref<32x1000000xf32, #tpu.memory_space<hbm>> -> memref<32x128xf32, #tpu.memory_space<hbm>>
    %dma_start3A_194 = arith.constant 0 : i32
    %dma_start3A_195 = arith.constant 0 : i32
    %dma_start3A_196 = tpu.memref_slice %arg10[%dma_start3A_187, %dma_start3A_194, %dma_start3A_195] : memref<8x32x128xf32, #tpu.memory_space<vmem>> -> memref<1x32x128xf32, #tpu.memory_space<vmem>>
    %dma_start3A_197 = tpu.memref_squeeze %dma_start3A_196 : memref<1x32x128xf32, #tpu.memory_space<vmem>> -> memref<32x128xf32, #tpu.memory_space<vmem>>
    %dma_start3A_198 = arith.constant 0 : i32
    %dma_start3A_199 = tpu.memref_slice %arg5[%dma_start3A_198, %multiple_of3A_186] : memref<32x1000000xf32, #tpu.memory_space<hbm>> -> memref<32x128xf32, #tpu.memory_space<hbm>>
    tpu.enqueue_dma source(%dma_start3A_199 : memref<32x128xf32, #tpu.memory_space<hbm>>) target(%dma_start3A_197 : memref<32x128xf32, #tpu.memory_space<vmem>>) target_semaphore(%arg15 : memref<!tpu.dma_semaphore, #tpu.memory_space<semaphore_mem>>)
    %slice3A_200 = vector.extract_strided_slice %get3A_3 {offsets = [5], sizes = [1], strides = [1]} : vector<16xi32> to vector<1xi32>
    %squeeze3A_201 = vector.extract %slice3A_200[0] : i32 from vector<1xi32>
    %slice3A_202 = vector.extract_strided_slice %get3A_5 {offsets = [5], sizes = [1], strides = [1]} : vector<16xi32> to vector<1xi32>
    %squeeze3A_203 = vector.extract %slice3A_202[0] : i32 from vector<1xi32>
    %shift_right_arithmetic3A_204 = arith.constant 7 : i32
    %shift_right_arithmetic3A_205 = arith.shrsi %squeeze3A_201, %shift_right_arithmetic3A_204 : i32
    %shift_left3A_206 = arith.constant 7 : i32
    %shift_left3A_207 = arith.shli %shift_right_arithmetic3A_205, %shift_left3A_206 : i32
    %multiple_of3A_208 = tpu.assume_multiple %shift_left3A_207, 128 : i32
    %dma_start3A_209 = arith.constant 5 : i32
    %dma_start3A_210 = arith.constant 0 : i32
    %dma_start3A_211 = arith.constant 0 : i32
    %dma_start3A_212 = tpu.memref_slice %arg9[%dma_start3A_209, %dma_start3A_210, %dma_start3A_211] : memref<8x32x128xf32, #tpu.memory_space<vmem>> -> memref<1x32x128xf32, #tpu.memory_space<vmem>>
    %dma_start3A_213 = tpu.memref_squeeze %dma_start3A_212 : memref<1x32x128xf32, #tpu.memory_space<vmem>> -> memref<32x128xf32, #tpu.memory_space<vmem>>
    %dma_start3A_214 = arith.constant 0 : i32
    %dma_start3A_215 = tpu.memref_slice %arg4[%dma_start3A_214, %multiple_of3A_208] : memref<32x1000000xf32, #tpu.memory_space<hbm>> -> memref<32x128xf32, #tpu.memory_space<hbm>>
    %dma_start3A_216 = arith.constant 0 : i32
    %dma_start3A_217 = arith.constant 0 : i32
    %dma_start3A_218 = tpu.memref_slice %arg9[%dma_start3A_209, %dma_start3A_216, %dma_start3A_217] : memref<8x32x128xf32, #tpu.memory_space<vmem>> -> memref<1x32x128xf32, #tpu.memory_space<vmem>>
    %dma_start3A_219 = tpu.memref_squeeze %dma_start3A_218 : memref<1x32x128xf32, #tpu.memory_space<vmem>> -> memref<32x128xf32, #tpu.memory_space<vmem>>
    %dma_start3A_220 = arith.constant 0 : i32
    %dma_start3A_221 = tpu.memref_slice %arg4[%dma_start3A_220, %multiple_of3A_208] : memref<32x1000000xf32, #tpu.memory_space<hbm>> -> memref<32x128xf32, #tpu.memory_space<hbm>>
    tpu.enqueue_dma source(%dma_start3A_221 : memref<32x128xf32, #tpu.memory_space<hbm>>) target(%dma_start3A_219 : memref<32x128xf32, #tpu.memory_space<vmem>>) target_semaphore(%arg14 : memref<!tpu.dma_semaphore, #tpu.memory_space<semaphore_mem>>)
    %shift_right_arithmetic3A_222 = arith.constant 7 : i32
    %shift_right_arithmetic3A_223 = arith.shrsi %squeeze3A_203, %shift_right_arithmetic3A_222 : i32
    %shift_left3A_224 = arith.constant 7 : i32
    %shift_left3A_225 = arith.shli %shift_right_arithmetic3A_223, %shift_left3A_224 : i32
    %multiple_of3A_226 = tpu.assume_multiple %shift_left3A_225, 128 : i32
    %dma_start3A_227 = arith.constant 5 : i32
    %dma_start3A_228 = arith.constant 0 : i32
    %dma_start3A_229 = arith.constant 0 : i32
    %dma_start3A_230 = tpu.memref_slice %arg10[%dma_start3A_227, %dma_start3A_228, %dma_start3A_229] : memref<8x32x128xf32, #tpu.memory_space<vmem>> -> memref<1x32x128xf32, #tpu.memory_space<vmem>>
    %dma_start3A_231 = tpu.memref_squeeze %dma_start3A_230 : memref<1x32x128xf32, #tpu.memory_space<vmem>> -> memref<32x128xf32, #tpu.memory_space<vmem>>
    %dma_start3A_232 = arith.constant 0 : i32
    %dma_start3A_233 = tpu.memref_slice %arg5[%dma_start3A_232, %multiple_of3A_226] : memref<32x1000000xf32, #tpu.memory_space<hbm>> -> memref<32x128xf32, #tpu.memory_space<hbm>>
    %dma_start3A_234 = arith.constant 0 : i32
    %dma_start3A_235 = arith.constant 0 : i32
    %dma_start3A_236 = tpu.memref_slice %arg10[%dma_start3A_227, %dma_start3A_234, %dma_start3A_235] : memref<8x32x128xf32, #tpu.memory_space<vmem>> -> memref<1x32x128xf32, #tpu.memory_space<vmem>>
    %dma_start3A_237 = tpu.memref_squeeze %dma_start3A_236 : memref<1x32x128xf32, #tpu.memory_space<vmem>> -> memref<32x128xf32, #tpu.memory_space<vmem>>
    %dma_start3A_238 = arith.constant 0 : i32
    %dma_start3A_239 = tpu.memref_slice %arg5[%dma_start3A_238, %multiple_of3A_226] : memref<32x1000000xf32, #tpu.memory_space<hbm>> -> memref<32x128xf32, #tpu.memory_space<hbm>>
    tpu.enqueue_dma source(%dma_start3A_239 : memref<32x128xf32, #tpu.memory_space<hbm>>) target(%dma_start3A_237 : memref<32x128xf32, #tpu.memory_space<vmem>>) target_semaphore(%arg15 : memref<!tpu.dma_semaphore, #tpu.memory_space<semaphore_mem>>)
    %slice3A_240 = vector.extract_strided_slice %get3A_3 {offsets = [6], sizes = [1], strides = [1]} : vector<16xi32> to vector<1xi32>
    %squeeze3A_241 = vector.extract %slice3A_240[0] : i32 from vector<1xi32>
    %slice3A_242 = vector.extract_strided_slice %get3A_5 {offsets = [6], sizes = [1], strides = [1]} : vector<16xi32> to vector<1xi32>
    %squeeze3A_243 = vector.extract %slice3A_242[0] : i32 from vector<1xi32>
    %shift_right_arithmetic3A_244 = arith.constant 7 : i32
    %shift_right_arithmetic3A_245 = arith.shrsi %squeeze3A_241, %shift_right_arithmetic3A_244 : i32
    %shift_left3A_246 = arith.constant 7 : i32
    %shift_left3A_247 = arith.shli %shift_right_arithmetic3A_245, %shift_left3A_246 : i32
    %multiple_of3A_248 = tpu.assume_multiple %shift_left3A_247, 128 : i32
    %dma_start3A_249 = arith.constant 6 : i32
    %dma_start3A_250 = arith.constant 0 : i32
    %dma_start3A_251 = arith.constant 0 : i32
    %dma_start3A_252 = tpu.memref_slice %arg9[%dma_start3A_249, %dma_start3A_250, %dma_start3A_251] : memref<8x32x128xf32, #tpu.memory_space<vmem>> -> memref<1x32x128xf32, #tpu.memory_space<vmem>>
    %dma_start3A_253 = tpu.memref_squeeze %dma_start3A_252 : memref<1x32x128xf32, #tpu.memory_space<vmem>> -> memref<32x128xf32, #tpu.memory_space<vmem>>
    %dma_start3A_254 = arith.constant 0 : i32
    %dma_start3A_255 = tpu.memref_slice %arg4[%dma_start3A_254, %multiple_of3A_248] : memref<32x1000000xf32, #tpu.memory_space<hbm>> -> memref<32x128xf32, #tpu.memory_space<hbm>>
    %dma_start3A_256 = arith.constant 0 : i32
    %dma_start3A_257 = arith.constant 0 : i32
    %dma_start3A_258 = tpu.memref_slice %arg9[%dma_start3A_249, %dma_start3A_256, %dma_start3A_257] : memref<8x32x128xf32, #tpu.memory_space<vmem>> -> memref<1x32x128xf32, #tpu.memory_space<vmem>>
    %dma_start3A_259 = tpu.memref_squeeze %dma_start3A_258 : memref<1x32x128xf32, #tpu.memory_space<vmem>> -> memref<32x128xf32, #tpu.memory_space<vmem>>
    %dma_start3A_260 = arith.constant 0 : i32
    %dma_start3A_261 = tpu.memref_slice %arg4[%dma_start3A_260, %multiple_of3A_248] : memref<32x1000000xf32, #tpu.memory_space<hbm>> -> memref<32x128xf32, #tpu.memory_space<hbm>>
    tpu.enqueue_dma source(%dma_start3A_261 : memref<32x128xf32, #tpu.memory_space<hbm>>) target(%dma_start3A_259 : memref<32x128xf32, #tpu.memory_space<vmem>>) target_semaphore(%arg14 : memref<!tpu.dma_semaphore, #tpu.memory_space<semaphore_mem>>)
    %shift_right_arithmetic3A_262 = arith.constant 7 : i32
    %shift_right_arithmetic3A_263 = arith.shrsi %squeeze3A_243, %shift_right_arithmetic3A_262 : i32
    %shift_left3A_264 = arith.constant 7 : i32
    %shift_left3A_265 = arith.shli %shift_right_arithmetic3A_263, %shift_left3A_264 : i32
    %multiple_of3A_266 = tpu.assume_multiple %shift_left3A_265, 128 : i32
    %dma_start3A_267 = arith.constant 6 : i32
    %dma_start3A_268 = arith.constant 0 : i32
    %dma_start3A_269 = arith.constant 0 : i32
    %dma_start3A_270 = tpu.memref_slice %arg10[%dma_start3A_267, %dma_start3A_268, %dma_start3A_269] : memref<8x32x128xf32, #tpu.memory_space<vmem>> -> memref<1x32x128xf32, #tpu.memory_space<vmem>>
    %dma_start3A_271 = tpu.memref_squeeze %dma_start3A_270 : memref<1x32x128xf32, #tpu.memory_space<vmem>> -> memref<32x128xf32, #tpu.memory_space<vmem>>
    %dma_start3A_272 = arith.constant 0 : i32
    %dma_start3A_273 = tpu.memref_slice %arg5[%dma_start3A_272, %multiple_of3A_266] : memref<32x1000000xf32, #tpu.memory_space<hbm>> -> memref<32x128xf32, #tpu.memory_space<hbm>>
    %dma_start3A_274 = arith.constant 0 : i32
    %dma_start3A_275 = arith.constant 0 : i32
    %dma_start3A_276 = tpu.memref_slice %arg10[%dma_start3A_267, %dma_start3A_274, %dma_start3A_275] : memref<8x32x128xf32, #tpu.memory_space<vmem>> -> memref<1x32x128xf32, #tpu.memory_space<vmem>>
    %dma_start3A_277 = tpu.memref_squeeze %dma_start3A_276 : memref<1x32x128xf32, #tpu.memory_space<vmem>> -> memref<32x128xf32, #tpu.memory_space<vmem>>
    %dma_start3A_278 = arith.constant 0 : i32
    %dma_start3A_279 = tpu.memref_slice %arg5[%dma_start3A_278, %multiple_of3A_266] : memref<32x1000000xf32, #tpu.memory_space<hbm>> -> memref<32x128xf32, #tpu.memory_space<hbm>>
    tpu.enqueue_dma source(%dma_start3A_279 : memref<32x128xf32, #tpu.memory_space<hbm>>) target(%dma_start3A_277 : memref<32x128xf32, #tpu.memory_space<vmem>>) target_semaphore(%arg15 : memref<!tpu.dma_semaphore, #tpu.memory_space<semaphore_mem>>)
    %slice3A_280 = vector.extract_strided_slice %get3A_3 {offsets = [7], sizes = [1], strides = [1]} : vector<16xi32> to vector<1xi32>
    %squeeze3A_281 = vector.extract %slice3A_280[0] : i32 from vector<1xi32>
    %slice3A_282 = vector.extract_strided_slice %get3A_5 {offsets = [7], sizes = [1], strides = [1]} : vector<16xi32> to vector<1xi32>
    %squeeze3A_283 = vector.extract %slice3A_282[0] : i32 from vector<1xi32>
    %shift_right_arithmetic3A_284 = arith.constant 7 : i32
    %shift_right_arithmetic3A_285 = arith.shrsi %squeeze3A_281, %shift_right_arithmetic3A_284 : i32
    %shift_left3A_286 = arith.constant 7 : i32
    %shift_left3A_287 = arith.shli %shift_right_arithmetic3A_285, %shift_left3A_286 : i32
    %multiple_of3A_288 = tpu.assume_multiple %shift_left3A_287, 128 : i32
    %dma_start3A_289 = arith.constant 7 : i32
    %dma_start3A_290 = arith.constant 0 : i32
    %dma_start3A_291 = arith.constant 0 : i32
    %dma_start3A_292 = tpu.memref_slice %arg9[%dma_start3A_289, %dma_start3A_290, %dma_start3A_291] : memref<8x32x128xf32, #tpu.memory_space<vmem>> -> memref<1x32x128xf32, #tpu.memory_space<vmem>>
    %dma_start3A_293 = tpu.memref_squeeze %dma_start3A_292 : memref<1x32x128xf32, #tpu.memory_space<vmem>> -> memref<32x128xf32, #tpu.memory_space<vmem>>
    %dma_start3A_294 = arith.constant 0 : i32
    %dma_start3A_295 = tpu.memref_slice %arg4[%dma_start3A_294, %multiple_of3A_288] : memref<32x1000000xf32, #tpu.memory_space<hbm>> -> memref<32x128xf32, #tpu.memory_space<hbm>>
    %dma_start3A_296 = arith.constant 0 : i32
    %dma_start3A_297 = arith.constant 0 : i32
    %dma_start3A_298 = tpu.memref_slice %arg9[%dma_start3A_289, %dma_start3A_296, %dma_start3A_297] : memref<8x32x128xf32, #tpu.memory_space<vmem>> -> memref<1x32x128xf32, #tpu.memory_space<vmem>>
    %dma_start3A_299 = tpu.memref_squeeze %dma_start3A_298 : memref<1x32x128xf32, #tpu.memory_space<vmem>> -> memref<32x128xf32, #tpu.memory_space<vmem>>
    %dma_start3A_300 = arith.constant 0 : i32
    %dma_start3A_301 = tpu.memref_slice %arg4[%dma_start3A_300, %multiple_of3A_288] : memref<32x1000000xf32, #tpu.memory_space<hbm>> -> memref<32x128xf32, #tpu.memory_space<hbm>>
    tpu.enqueue_dma source(%dma_start3A_301 : memref<32x128xf32, #tpu.memory_space<hbm>>) target(%dma_start3A_299 : memref<32x128xf32, #tpu.memory_space<vmem>>) target_semaphore(%arg14 : memref<!tpu.dma_semaphore, #tpu.memory_space<semaphore_mem>>)
    %shift_right_arithmetic3A_302 = arith.constant 7 : i32
    %shift_right_arithmetic3A_303 = arith.shrsi %squeeze3A_283, %shift_right_arithmetic3A_302 : i32
    %shift_left3A_304 = arith.constant 7 : i32
    %shift_left3A_305 = arith.shli %shift_right_arithmetic3A_303, %shift_left3A_304 : i32
    %multiple_of3A_306 = tpu.assume_multiple %shift_left3A_305, 128 : i32
    %dma_start3A_307 = arith.constant 7 : i32
    %dma_start3A_308 = arith.constant 0 : i32
    %dma_start3A_309 = arith.constant 0 : i32
    %dma_start3A_310 = tpu.memref_slice %arg10[%dma_start3A_307, %dma_start3A_308, %dma_start3A_309] : memref<8x32x128xf32, #tpu.memory_space<vmem>> -> memref<1x32x128xf32, #tpu.memory_space<vmem>>
    %dma_start3A_311 = tpu.memref_squeeze %dma_start3A_310 : memref<1x32x128xf32, #tpu.memory_space<vmem>> -> memref<32x128xf32, #tpu.memory_space<vmem>>
    %dma_start3A_312 = arith.constant 0 : i32
    %dma_start3A_313 = tpu.memref_slice %arg5[%dma_start3A_312, %multiple_of3A_306] : memref<32x1000000xf32, #tpu.memory_space<hbm>> -> memref<32x128xf32, #tpu.memory_space<hbm>>
    %dma_start3A_314 = arith.constant 0 : i32
    %dma_start3A_315 = arith.constant 0 : i32
    %dma_start3A_316 = tpu.memref_slice %arg10[%dma_start3A_307, %dma_start3A_314, %dma_start3A_315] : memref<8x32x128xf32, #tpu.memory_space<vmem>> -> memref<1x32x128xf32, #tpu.memory_space<vmem>>
    %dma_start3A_317 = tpu.memref_squeeze %dma_start3A_316 : memref<1x32x128xf32, #tpu.memory_space<vmem>> -> memref<32x128xf32, #tpu.memory_space<vmem>>
    %dma_start3A_318 = arith.constant 0 : i32
    %dma_start3A_319 = tpu.memref_slice %arg5[%dma_start3A_318, %multiple_of3A_306] : memref<32x1000000xf32, #tpu.memory_space<hbm>> -> memref<32x128xf32, #tpu.memory_space<hbm>>
    tpu.enqueue_dma source(%dma_start3A_319 : memref<32x128xf32, #tpu.memory_space<hbm>>) target(%dma_start3A_317 : memref<32x128xf32, #tpu.memory_space<vmem>>) target_semaphore(%arg15 : memref<!tpu.dma_semaphore, #tpu.memory_space<semaphore_mem>>)
    %scan3A = arith.constant 0 : i32
    %scan3A_320 = arith.constant 0 : i32
    %scan3A_321 = arith.constant 32 : i32
    %scan3A_322 = arith.addi %scan3A_320, %scan3A_321 : i32
    %scan3A_323 = arith.constant 1 : i32
    scf.for %scan3A_331 = %scan3A_320 to %scan3A_322 step %scan3A_323  : i32 {
      %mul3A_332 = arith.constant 16 : i32
      %mul3A_333 = arith.muli %scan3A_331, %mul3A_332 : i32
      %multiple_of3A_334 = tpu.assume_multiple %mul3A_333, 16 : i32
      %get3A_335 = arith.index_cast %multiple_of3A_334 : i32 to index
      %get3A_336 = tpu.vector_load %arg7[%get3A_335] {strides = array<i32>} : memref<528xi32, #tpu.memory_space<vmem>>, vector<16xi32>,
      %mul3A_337 = arith.constant 16 : i32
      %mul3A_338 = arith.muli %scan3A_331, %mul3A_337 : i32
      %multiple_of3A_339 = tpu.assume_multiple %mul3A_338, 16 : i32
      %get3A_340 = arith.index_cast %multiple_of3A_339 : i32 to index
      %get3A_341 = tpu.vector_load %arg8[%get3A_340] {strides = array<i32>} : memref<528xi32, #tpu.memory_space<vmem>>, vector<16xi32>,
      %mul3A_342 = arith.constant 16 : i32
      %mul3A_343 = arith.muli %scan3A_331, %mul3A_342 : i32
      %add3A_344 = arith.constant 16 : i32
      %add3A_345 = arith.addi %mul3A_343, %add3A_344 : i32
      %multiple_of3A_346 = tpu.assume_multiple %add3A_345, 16 : i32
      %get3A_347 = arith.index_cast %multiple_of3A_346 : i32 to index
      %get3A_348 = tpu.vector_load %arg7[%get3A_347] {strides = array<i32>} : memref<528xi32, #tpu.memory_space<vmem>>, vector<16xi32>,
      %mul3A_349 = arith.constant 16 : i32
      %mul3A_350 = arith.muli %scan3A_331, %mul3A_349 : i32
      %add3A_351 = arith.constant 16 : i32
      %add3A_352 = arith.addi %mul3A_350, %add3A_351 : i32
      %multiple_of3A_353 = tpu.assume_multiple %add3A_352, 16 : i32
      %get3A_354 = arith.index_cast %multiple_of3A_353 : i32 to index
      %get3A_355 = tpu.vector_load %arg8[%get3A_354] {strides = array<i32>} : memref<528xi32, #tpu.memory_space<vmem>>, vector<16xi32>,
      %broadcast_in_dim3A = arith.constant 0.000000e+00 : f32
      %broadcast_in_dim3A_356 = vector.broadcast %broadcast_in_dim3A : f32 to vector<16xf32>
      %broadcast_in_dim3A_357 = arith.constant 0.000000e+00 : f32
      %broadcast_in_dim3A_358 = vector.broadcast %broadcast_in_dim3A_357 : f32 to vector<16xf32>
      %broadcast_in_dim3A_359 = arith.constant 0.000000e+00 : f32
      %broadcast_in_dim3A_360 = vector.broadcast %broadcast_in_dim3A_359 : f32 to vector<16xf32>
      %broadcast_in_dim3A_361 = arith.constant 0.000000e+00 : f32
      %broadcast_in_dim3A_362 = vector.broadcast %broadcast_in_dim3A_361 : f32 to vector<16xf32>
      %mul3A_363 = arith.constant 16 : i32
      %mul3A_364 = arith.muli %scan3A_331, %mul3A_363 : i32
      %add3A_365 = arith.constant 0 : i32
      %add3A_366 = arith.addi %mul3A_364, %add3A_365 : i32
      %rem3A = arith.constant 8 : i32
      %rem3A_367 = arith.remsi %add3A_366, %rem3A : i32
      %multiple_of3A_368 = arith.constant 0 : i32
      %multiple_of3A_369 = tpu.assume_multiple %multiple_of3A_368, 128 : i32
      %dma_wait3A = arith.constant 0 : i32
      %dma_wait3A_370 = arith.constant 0 : i32
      %dma_wait3A_371 = tpu.memref_slice %arg9[%rem3A_367, %dma_wait3A, %dma_wait3A_370] : memref<8x32x128xf32, #tpu.memory_space<vmem>> -> memref<1x32x128xf32, #tpu.memory_space<vmem>>
      %dma_wait3A_372 = tpu.memref_squeeze %dma_wait3A_371 : memref<1x32x128xf32, #tpu.memory_space<vmem>> -> memref<32x128xf32, #tpu.memory_space<vmem>>
      %dma_wait3A_373 = arith.constant 0 : i32
      %dma_wait3A_374 = tpu.memref_slice %arg4[%dma_wait3A_373, %multiple_of3A_369] : memref<32x1000000xf32, #tpu.memory_space<hbm>> -> memref<32x128xf32, #tpu.memory_space<hbm>>
      %dma_wait3A_375 = arith.constant 0 : i32
      %dma_wait3A_376 = arith.constant 0 : i32
      %dma_wait3A_377 = tpu.memref_slice %arg9[%rem3A_367, %dma_wait3A_375, %dma_wait3A_376] : memref<8x32x128xf32, #tpu.memory_space<vmem>> -> memref<1x32x128xf32, #tpu.memory_space<vmem>>
      %dma_wait3A_378 = tpu.memref_squeeze %dma_wait3A_377 : memref<1x32x128xf32, #tpu.memory_space<vmem>> -> memref<32x128xf32, #tpu.memory_space<vmem>>
      %dma_wait3A_379 = arith.constant 0 : i32
      %dma_wait3A_380 = tpu.memref_slice %arg4[%dma_wait3A_379, %multiple_of3A_369] : memref<32x1000000xf32, #tpu.memory_space<hbm>> -> memref<32x128xf32, #tpu.memory_space<hbm>>
      tpu.wait_dma2 semaphore(%arg14 : memref<!tpu.dma_semaphore, #tpu.memory_space<semaphore_mem>>) src(%dma_wait3A_380 : memref<32x128xf32, #tpu.memory_space<hbm>>) dst(%dma_wait3A_378 : memref<32x128xf32, #tpu.memory_space<vmem>>)
      %multiple_of3A_381 = arith.constant 0 : i32
      %multiple_of3A_382 = tpu.assume_multiple %multiple_of3A_381, 128 : i32
      %dma_wait3A_383 = arith.constant 0 : i32
      %dma_wait3A_384 = arith.constant 0 : i32
      %dma_wait3A_385 = tpu.memref_slice %arg10[%rem3A_367, %dma_wait3A_383, %dma_wait3A_384] : memref<8x32x128xf32, #tpu.memory_space<vmem>> -> memref<1x32x128xf32, #tpu.memory_space<vmem>>
      %dma_wait3A_386 = tpu.memref_squeeze %dma_wait3A_385 : memref<1x32x128xf32, #tpu.memory_space<vmem>> -> memref<32x128xf32, #tpu.memory_space<vmem>>
      %dma_wait3A_387 = arith.constant 0 : i32
      %dma_wait3A_388 = tpu.memref_slice %arg5[%dma_wait3A_387, %multiple_of3A_382] : memref<32x1000000xf32, #tpu.memory_space<hbm>> -> memref<32x128xf32, #tpu.memory_space<hbm>>
      %dma_wait3A_389 = arith.constant 0 : i32
      %dma_wait3A_390 = arith.constant 0 : i32
      %dma_wait3A_391 = tpu.memref_slice %arg10[%rem3A_367, %dma_wait3A_389, %dma_wait3A_390] : memref<8x32x128xf32, #tpu.memory_space<vmem>> -> memref<1x32x128xf32, #tpu.memory_space<vmem>>
      %dma_wait3A_392 = tpu.memref_squeeze %dma_wait3A_391 : memref<1x32x128xf32, #tpu.memory_space<vmem>> -> memref<32x128xf32, #tpu.memory_space<vmem>>
      %dma_wait3A_393 = arith.constant 0 : i32
      %dma_wait3A_394 = tpu.memref_slice %arg5[%dma_wait3A_393, %multiple_of3A_382] : memref<32x1000000xf32, #tpu.memory_space<hbm>> -> memref<32x128xf32, #tpu.memory_space<hbm>>
      tpu.wait_dma2 semaphore(%arg15 : memref<!tpu.dma_semaphore, #tpu.memory_space<semaphore_mem>>) src(%dma_wait3A_394 : memref<32x128xf32, #tpu.memory_space<hbm>>) dst(%dma_wait3A_392 : memref<32x128xf32, #tpu.memory_space<vmem>>)
      %slice3A_395 = vector.extract_strided_slice %get3A_336 {offsets = [0], sizes = [1], strides = [1]} : vector<16xi32> to vector<1xi32>
      %squeeze3A_396 = vector.extract %slice3A_395[0] : i32 from vector<1xi32>
      %slice3A_397 = vector.extract_strided_slice %get3A_341 {offsets = [0], sizes = [1], strides = [1]} : vector<16xi32> to vector<1xi32>
      %squeeze3A_398 = vector.extract %slice3A_397[0] : i32 from vector<1xi32>
      %broadcast_in_dim3A_399 = vector.broadcast %rem3A_367 : i32 to vector<16xi32>
      %and3A = arith.constant 127 : i32
      %and3A_400 = arith.andi %squeeze3A_396, %and3A : i32
      %broadcast_in_dim3A_401 = vector.broadcast %and3A_400 : i32 to vector<16xi32>
      %and3A_402 = arith.constant 127 : i32
      %and3A_403 = arith.andi %squeeze3A_398, %and3A_402 : i32
      %broadcast_in_dim3A_404 = vector.broadcast %and3A_403 : i32 to vector<16xi32>
      %mul3A_405 = arith.constant 32 : i32
      %mul3A_406 = arith.muli %add3A_366, %mul3A_405 : i32
      %multiple_of3A_407 = tpu.assume_multiple %mul3A_406, 16 : i32
      %mul3A_408 = arith.constant 32 : i32
      %mul3A_409 = arith.muli %add3A_366, %mul3A_408 : i32
      %add3A_410 = arith.constant 16 : i32
      %add3A_411 = arith.addi %mul3A_409, %add3A_410 : i32
      %multiple_of3A_412 = tpu.assume_multiple %add3A_411, 16 : i32
      %gather3A = tpu.vector_load_idx %arg9[%broadcast_in_dim3A_399, %iota3A, %broadcast_in_dim3A_401] : memref<8x32x128xf32, #tpu.memory_space<vmem>>[vector<16xi32>, vector<16xi32>, vector<16xi32>], vector<16xf32>,
      %swap3A = arith.index_cast %multiple_of3A_407 : i32 to index
      %swap3A_413 = tpu.vector_load %arg11[%swap3A] {strides = array<i32>} : memref<16384xf32, #tpu.memory_space<vmem>>, vector<16xf32>,
      tpu.vector_store %arg11[%swap3A], %gather3A {strides = array<i32>} : memref<16384xf32, #tpu.memory_space<vmem>>, vector<16xf32>,
      %add3A_414 = arith.constant 16 : i32
      %add3A_415 = vector.broadcast %add3A_414 : i32 to vector<16xi32>
      %add3A_416 = arith.addi %iota3A, %add3A_415 : vector<16xi32>
      %gather3A_417 = tpu.vector_load_idx %arg9[%broadcast_in_dim3A_399, %add3A_416, %broadcast_in_dim3A_401] : memref<8x32x128xf32, #tpu.memory_space<vmem>>[vector<16xi32>, vector<16xi32>, vector<16xi32>], vector<16xf32>,
      %swap3A_418 = arith.index_cast %multiple_of3A_412 : i32 to index
      %swap3A_419 = tpu.vector_load %arg11[%swap3A_418] {strides = array<i32>} : memref<16384xf32, #tpu.memory_space<vmem>>, vector<16xf32>,
      tpu.vector_store %arg11[%swap3A_418], %gather3A_417 {strides = array<i32>} : memref<16384xf32, #tpu.memory_space<vmem>>, vector<16xf32>,
      %gather3A_420 = tpu.vector_load_idx %arg10[%broadcast_in_dim3A_399, %iota3A, %broadcast_in_dim3A_404] : memref<8x32x128xf32, #tpu.memory_space<vmem>>[vector<16xi32>, vector<16xi32>, vector<16xi32>], vector<16xf32>,
      %swap3A_421 = arith.index_cast %multiple_of3A_407 : i32 to index
      %swap3A_422 = tpu.vector_load %arg12[%swap3A_421] {strides = array<i32>} : memref<16384xf32, #tpu.memory_space<vmem>>, vector<16xf32>,
      tpu.vector_store %arg12[%swap3A_421], %gather3A_420 {strides = array<i32>} : memref<16384xf32, #tpu.memory_space<vmem>>, vector<16xf32>,
      %add3A_423 = arith.constant 16 : i32
      %add3A_424 = vector.broadcast %add3A_423 : i32 to vector<16xi32>
      %add3A_425 = arith.addi %iota3A, %add3A_424 : vector<16xi32>
      %gather3A_426 = tpu.vector_load_idx %arg10[%broadcast_in_dim3A_399, %add3A_425, %broadcast_in_dim3A_404] : memref<8x32x128xf32, #tpu.memory_space<vmem>>[vector<16xi32>, vector<16xi32>, vector<16xi32>], vector<16xf32>,
      %swap3A_427 = arith.index_cast %multiple_of3A_412 : i32 to index
      %swap3A_428 = tpu.vector_load %arg12[%swap3A_427] {strides = array<i32>} : memref<16384xf32, #tpu.memory_space<vmem>>, vector<16xf32>,
      tpu.vector_store %arg12[%swap3A_427], %gather3A_426 {strides = array<i32>} : memref<16384xf32, #tpu.memory_space<vmem>>, vector<16xf32>,
      %slice3A_429 = vector.extract_strided_slice %get3A_336 {offsets = [8], sizes = [1], strides = [1]} : vector<16xi32> to vector<1xi32>
      %squeeze3A_430 = vector.extract %slice3A_429[0] : i32 from vector<1xi32>
      %slice3A_431 = vector.extract_strided_slice %get3A_341 {offsets = [8], sizes = [1], strides = [1]} : vector<16xi32> to vector<1xi32>
      %squeeze3A_432 = vector.extract %slice3A_431[0] : i32 from vector<1xi32>
      %add3A_433 = arith.constant 8 : i32
      %add3A_434 = arith.addi %add3A_366, %add3A_433 : i32
      %lt3A = arith.constant 512 : i32
      %lt3A_435 = arith.cmpi slt, %add3A_434, %lt3A : i32
      %convert_element_type3A = arith.extui %lt3A_435 : i1 to i32
      %cond3A = arith.constant 0 : i32
      %cond3A_436 = arith.cmpi ne, %convert_element_type3A, %cond3A : i32
      scf.if %cond3A_436 {
        %shift_right_arithmetic3A_1667 = arith.constant 7 : i32
        %shift_right_arithmetic3A_1668 = arith.shrsi %squeeze3A_430, %shift_right_arithmetic3A_1667 : i32
        %shift_left3A_1669 = arith.constant 7 : i32
        %shift_left3A_1670 = arith.shli %shift_right_arithmetic3A_1668, %shift_left3A_1669 : i32
        %multiple_of3A_1671 = tpu.assume_multiple %shift_left3A_1670, 128 : i32
        %dma_start3A_1672 = arith.constant 0 : i32
        %dma_start3A_1673 = arith.constant 0 : i32
        %dma_start3A_1674 = tpu.memref_slice %arg9[%rem3A_367, %dma_start3A_1672, %dma_start3A_1673] : memref<8x32x128xf32, #tpu.memory_space<vmem>> -> memref<1x32x128xf32, #tpu.memory_space<vmem>>
        %dma_start3A_1675 = tpu.memref_squeeze %dma_start3A_1674 : memref<1x32x128xf32, #tpu.memory_space<vmem>> -> memref<32x128xf32, #tpu.memory_space<vmem>>
        %dma_start3A_1676 = arith.constant 0 : i32
        %dma_start3A_1677 = tpu.memref_slice %arg4[%dma_start3A_1676, %multiple_of3A_1671] : memref<32x1000000xf32, #tpu.memory_space<hbm>> -> memref<32x128xf32, #tpu.memory_space<hbm>>
        %dma_start3A_1678 = arith.constant 0 : i32
        %dma_start3A_1679 = arith.constant 0 : i32
        %dma_start3A_1680 = tpu.memref_slice %arg9[%rem3A_367, %dma_start3A_1678, %dma_start3A_1679] : memref<8x32x128xf32, #tpu.memory_space<vmem>> -> memref<1x32x128xf32, #tpu.memory_space<vmem>>
        %dma_start3A_1681 = tpu.memref_squeeze %dma_start3A_1680 : memref<1x32x128xf32, #tpu.memory_space<vmem>> -> memref<32x128xf32, #tpu.memory_space<vmem>>
        %dma_start3A_1682 = arith.constant 0 : i32
        %dma_start3A_1683 = tpu.memref_slice %arg4[%dma_start3A_1682, %multiple_of3A_1671] : memref<32x1000000xf32, #tpu.memory_space<hbm>> -> memref<32x128xf32, #tpu.memory_space<hbm>>
        tpu.enqueue_dma source(%dma_start3A_1683 : memref<32x128xf32, #tpu.memory_space<hbm>>) target(%dma_start3A_1681 : memref<32x128xf32, #tpu.memory_space<vmem>>) target_semaphore(%arg14 : memref<!tpu.dma_semaphore, #tpu.memory_space<semaphore_mem>>)
        %shift_right_arithmetic3A_1684 = arith.constant 7 : i32
        %shift_right_arithmetic3A_1685 = arith.shrsi %squeeze3A_432, %shift_right_arithmetic3A_1684 : i32
        %shift_left3A_1686 = arith.constant 7 : i32
        %shift_left3A_1687 = arith.shli %shift_right_arithmetic3A_1685, %shift_left3A_1686 : i32
        %multiple_of3A_1688 = tpu.assume_multiple %shift_left3A_1687, 128 : i32
        %dma_start3A_1689 = arith.constant 0 : i32
        %dma_start3A_1690 = arith.constant 0 : i32
        %dma_start3A_1691 = tpu.memref_slice %arg10[%rem3A_367, %dma_start3A_1689, %dma_start3A_1690] : memref<8x32x128xf32, #tpu.memory_space<vmem>> -> memref<1x32x128xf32, #tpu.memory_space<vmem>>
        %dma_start3A_1692 = tpu.memref_squeeze %dma_start3A_1691 : memref<1x32x128xf32, #tpu.memory_space<vmem>> -> memref<32x128xf32, #tpu.memory_space<vmem>>
        %dma_start3A_1693 = arith.constant 0 : i32
        %dma_start3A_1694 = tpu.memref_slice %arg5[%dma_start3A_1693, %multiple_of3A_1688] : memref<32x1000000xf32, #tpu.memory_space<hbm>> -> memref<32x128xf32, #tpu.memory_space<hbm>>
        %dma_start3A_1695 = arith.constant 0 : i32
        %dma_start3A_1696 = arith.constant 0 : i32
        %dma_start3A_1697 = tpu.memref_slice %arg10[%rem3A_367, %dma_start3A_1695, %dma_start3A_1696] : memref<8x32x128xf32, #tpu.memory_space<vmem>> -> memref<1x32x128xf32, #tpu.memory_space<vmem>>
        %dma_start3A_1698 = tpu.memref_squeeze %dma_start3A_1697 : memref<1x32x128xf32, #tpu.memory_space<vmem>> -> memref<32x128xf32, #tpu.memory_space<vmem>>
        %dma_start3A_1699 = arith.constant 0 : i32
        %dma_start3A_1700 = tpu.memref_slice %arg5[%dma_start3A_1699, %multiple_of3A_1688] : memref<32x1000000xf32, #tpu.memory_space<hbm>> -> memref<32x128xf32, #tpu.memory_space<hbm>>
        tpu.enqueue_dma source(%dma_start3A_1700 : memref<32x128xf32, #tpu.memory_space<hbm>>) target(%dma_start3A_1698 : memref<32x128xf32, #tpu.memory_space<vmem>>) target_semaphore(%arg15 : memref<!tpu.dma_semaphore, #tpu.memory_space<semaphore_mem>>)
      } else {
      }
      %mul3A_437 = arith.constant 16 : i32
      %mul3A_438 = arith.muli %scan3A_331, %mul3A_437 : i32
      %add3A_439 = arith.constant 1 : i32
      %add3A_440 = arith.addi %mul3A_438, %add3A_439 : i32
      %rem3A_441 = arith.constant 8 : i32
      %rem3A_442 = arith.remsi %add3A_440, %rem3A_441 : i32
      %multiple_of3A_443 = arith.constant 0 : i32
      %multiple_of3A_444 = tpu.assume_multiple %multiple_of3A_443, 128 : i32
      %dma_wait3A_445 = arith.constant 0 : i32
      %dma_wait3A_446 = arith.constant 0 : i32
      %dma_wait3A_447 = tpu.memref_slice %arg9[%rem3A_442, %dma_wait3A_445, %dma_wait3A_446] : memref<8x32x128xf32, #tpu.memory_space<vmem>> -> memref<1x32x128xf32, #tpu.memory_space<vmem>>
      %dma_wait3A_448 = tpu.memref_squeeze %dma_wait3A_447 : memref<1x32x128xf32, #tpu.memory_space<vmem>> -> memref<32x128xf32, #tpu.memory_space<vmem>>
      %dma_wait3A_449 = arith.constant 0 : i32
      %dma_wait3A_450 = tpu.memref_slice %arg4[%dma_wait3A_449, %multiple_of3A_444] : memref<32x1000000xf32, #tpu.memory_space<hbm>> -> memref<32x128xf32, #tpu.memory_space<hbm>>
      %dma_wait3A_451 = arith.constant 0 : i32
      %dma_wait3A_452 = arith.constant 0 : i32
      %dma_wait3A_453 = tpu.memref_slice %arg9[%rem3A_442, %dma_wait3A_451, %dma_wait3A_452] : memref<8x32x128xf32, #tpu.memory_space<vmem>> -> memref<1x32x128xf32, #tpu.memory_space<vmem>>
      %dma_wait3A_454 = tpu.memref_squeeze %dma_wait3A_453 : memref<1x32x128xf32, #tpu.memory_space<vmem>> -> memref<32x128xf32, #tpu.memory_space<vmem>>
      %dma_wait3A_455 = arith.constant 0 : i32
      %dma_wait3A_456 = tpu.memref_slice %arg4[%dma_wait3A_455, %multiple_of3A_444] : memref<32x1000000xf32, #tpu.memory_space<hbm>> -> memref<32x128xf32, #tpu.memory_space<hbm>>
      tpu.wait_dma2 semaphore(%arg14 : memref<!tpu.dma_semaphore, #tpu.memory_space<semaphore_mem>>) src(%dma_wait3A_456 : memref<32x128xf32, #tpu.memory_space<hbm>>) dst(%dma_wait3A_454 : memref<32x128xf32, #tpu.memory_space<vmem>>)
      %multiple_of3A_457 = arith.constant 0 : i32
      %multiple_of3A_458 = tpu.assume_multiple %multiple_of3A_457, 128 : i32
      %dma_wait3A_459 = arith.constant 0 : i32
      %dma_wait3A_460 = arith.constant 0 : i32
      %dma_wait3A_461 = tpu.memref_slice %arg10[%rem3A_442, %dma_wait3A_459, %dma_wait3A_460] : memref<8x32x128xf32, #tpu.memory_space<vmem>> -> memref<1x32x128xf32, #tpu.memory_space<vmem>>
      %dma_wait3A_462 = tpu.memref_squeeze %dma_wait3A_461 : memref<1x32x128xf32, #tpu.memory_space<vmem>> -> memref<32x128xf32, #tpu.memory_space<vmem>>
      %dma_wait3A_463 = arith.constant 0 : i32
      %dma_wait3A_464 = tpu.memref_slice %arg5[%dma_wait3A_463, %multiple_of3A_458] : memref<32x1000000xf32, #tpu.memory_space<hbm>> -> memref<32x128xf32, #tpu.memory_space<hbm>>
      %dma_wait3A_465 = arith.constant 0 : i32
      %dma_wait3A_466 = arith.constant 0 : i32
      %dma_wait3A_467 = tpu.memref_slice %arg10[%rem3A_442, %dma_wait3A_465, %dma_wait3A_466] : memref<8x32x128xf32, #tpu.memory_space<vmem>> -> memref<1x32x128xf32, #tpu.memory_space<vmem>>
      %dma_wait3A_468 = tpu.memref_squeeze %dma_wait3A_467 : memref<1x32x128xf32, #tpu.memory_space<vmem>> -> memref<32x128xf32, #tpu.memory_space<vmem>>
      %dma_wait3A_469 = arith.constant 0 : i32
      %dma_wait3A_470 = tpu.memref_slice %arg5[%dma_wait3A_469, %multiple_of3A_458] : memref<32x1000000xf32, #tpu.memory_space<hbm>> -> memref<32x128xf32, #tpu.memory_space<hbm>>
      tpu.wait_dma2 semaphore(%arg15 : memref<!tpu.dma_semaphore, #tpu.memory_space<semaphore_mem>>) src(%dma_wait3A_470 : memref<32x128xf32, #tpu.memory_space<hbm>>) dst(%dma_wait3A_468 : memref<32x128xf32, #tpu.memory_space<vmem>>)
      %slice3A_471 = vector.extract_strided_slice %get3A_336 {offsets = [1], sizes = [1], strides = [1]} : vector<16xi32> to vector<1xi32>
      %squeeze3A_472 = vector.extract %slice3A_471[0] : i32 from vector<1xi32>
      %slice3A_473 = vector.extract_strided_slice %get3A_341 {offsets = [1], sizes = [1], strides = [1]} : vector<16xi32> to vector<1xi32>
      %squeeze3A_474 = vector.extract %slice3A_473[0] : i32 from vector<1xi32>
      %broadcast_in_dim3A_475 = vector.broadcast %rem3A_442 : i32 to vector<16xi32>
      %and3A_476 = arith.constant 127 : i32
      %and3A_477 = arith.andi %squeeze3A_472, %and3A_476 : i32
      %broadcast_in_dim3A_478 = vector.broadcast %and3A_477 : i32 to vector<16xi32>
      %and3A_479 = arith.constant 127 : i32
      %and3A_480 = arith.andi %squeeze3A_474, %and3A_479 : i32
      %broadcast_in_dim3A_481 = vector.broadcast %and3A_480 : i32 to vector<16xi32>
      %mul3A_482 = arith.constant 32 : i32
      %mul3A_483 = arith.muli %add3A_440, %mul3A_482 : i32
      %multiple_of3A_484 = tpu.assume_multiple %mul3A_483, 16 : i32
      %mul3A_485 = arith.constant 32 : i32
      %mul3A_486 = arith.muli %add3A_440, %mul3A_485 : i32
      %add3A_487 = arith.constant 16 : i32
      %add3A_488 = arith.addi %mul3A_486, %add3A_487 : i32
      %multiple_of3A_489 = tpu.assume_multiple %add3A_488, 16 : i32
      %gather3A_490 = tpu.vector_load_idx %arg9[%broadcast_in_dim3A_475, %iota3A, %broadcast_in_dim3A_478] : memref<8x32x128xf32, #tpu.memory_space<vmem>>[vector<16xi32>, vector<16xi32>, vector<16xi32>], vector<16xf32>,
      %swap3A_491 = arith.index_cast %multiple_of3A_484 : i32 to index
      %swap3A_492 = tpu.vector_load %arg11[%swap3A_491] {strides = array<i32>} : memref<16384xf32, #tpu.memory_space<vmem>>, vector<16xf32>,
      tpu.vector_store %arg11[%swap3A_491], %gather3A_490 {strides = array<i32>} : memref<16384xf32, #tpu.memory_space<vmem>>, vector<16xf32>,
      %add3A_493 = arith.constant 16 : i32
      %add3A_494 = vector.broadcast %add3A_493 : i32 to vector<16xi32>
      %add3A_495 = arith.addi %iota3A, %add3A_494 : vector<16xi32>
      %gather3A_496 = tpu.vector_load_idx %arg9[%broadcast_in_dim3A_475, %add3A_495, %broadcast_in_dim3A_478] : memref<8x32x128xf32, #tpu.memory_space<vmem>>[vector<16xi32>, vector<16xi32>, vector<16xi32>], vector<16xf32>,
      %swap3A_497 = arith.index_cast %multiple_of3A_489 : i32 to index
      %swap3A_498 = tpu.vector_load %arg11[%swap3A_497] {strides = array<i32>} : memref<16384xf32, #tpu.memory_space<vmem>>, vector<16xf32>,
      tpu.vector_store %arg11[%swap3A_497], %gather3A_496 {strides = array<i32>} : memref<16384xf32, #tpu.memory_space<vmem>>, vector<16xf32>,
      %gather3A_499 = tpu.vector_load_idx %arg10[%broadcast_in_dim3A_475, %iota3A, %broadcast_in_dim3A_481] : memref<8x32x128xf32, #tpu.memory_space<vmem>>[vector<16xi32>, vector<16xi32>, vector<16xi32>], vector<16xf32>,
      %swap3A_500 = arith.index_cast %multiple_of3A_484 : i32 to index
      %swap3A_501 = tpu.vector_load %arg12[%swap3A_500] {strides = array<i32>} : memref<16384xf32, #tpu.memory_space<vmem>>, vector<16xf32>,
      tpu.vector_store %arg12[%swap3A_500], %gather3A_499 {strides = array<i32>} : memref<16384xf32, #tpu.memory_space<vmem>>, vector<16xf32>,
      %add3A_502 = arith.constant 16 : i32
      %add3A_503 = vector.broadcast %add3A_502 : i32 to vector<16xi32>
      %add3A_504 = arith.addi %iota3A, %add3A_503 : vector<16xi32>
      %gather3A_505 = tpu.vector_load_idx %arg10[%broadcast_in_dim3A_475, %add3A_504, %broadcast_in_dim3A_481] : memref<8x32x128xf32, #tpu.memory_space<vmem>>[vector<16xi32>, vector<16xi32>, vector<16xi32>], vector<16xf32>,
      %swap3A_506 = arith.index_cast %multiple_of3A_489 : i32 to index
      %swap3A_507 = tpu.vector_load %arg12[%swap3A_506] {strides = array<i32>} : memref<16384xf32, #tpu.memory_space<vmem>>, vector<16xf32>,
      tpu.vector_store %arg12[%swap3A_506], %gather3A_505 {strides = array<i32>} : memref<16384xf32, #tpu.memory_space<vmem>>, vector<16xf32>,
      %slice3A_508 = vector.extract_strided_slice %get3A_336 {offsets = [9], sizes = [1], strides = [1]} : vector<16xi32> to vector<1xi32>
      %squeeze3A_509 = vector.extract %slice3A_508[0] : i32 from vector<1xi32>
      %slice3A_510 = vector.extract_strided_slice %get3A_341 {offsets = [9], sizes = [1], strides = [1]} : vector<16xi32> to vector<1xi32>
      %squeeze3A_511 = vector.extract %slice3A_510[0] : i32 from vector<1xi32>
      %add3A_512 = arith.constant 8 : i32
      %add3A_513 = arith.addi %add3A_440, %add3A_512 : i32
      %lt3A_514 = arith.constant 512 : i32
      %lt3A_515 = arith.cmpi slt, %add3A_513, %lt3A_514 : i32
      %convert_element_type3A_516 = arith.extui %lt3A_515 : i1 to i32
      %cond3A_517 = arith.constant 0 : i32
      %cond3A_518 = arith.cmpi ne, %convert_element_type3A_516, %cond3A_517 : i32
      scf.if %cond3A_518 {
        %shift_right_arithmetic3A_1667 = arith.constant 7 : i32
        %shift_right_arithmetic3A_1668 = arith.shrsi %squeeze3A_509, %shift_right_arithmetic3A_1667 : i32
        %shift_left3A_1669 = arith.constant 7 : i32
        %shift_left3A_1670 = arith.shli %shift_right_arithmetic3A_1668, %shift_left3A_1669 : i32
        %multiple_of3A_1671 = tpu.assume_multiple %shift_left3A_1670, 128 : i32
        %dma_start3A_1672 = arith.constant 0 : i32
        %dma_start3A_1673 = arith.constant 0 : i32
        %dma_start3A_1674 = tpu.memref_slice %arg9[%rem3A_442, %dma_start3A_1672, %dma_start3A_1673] : memref<8x32x128xf32, #tpu.memory_space<vmem>> -> memref<1x32x128xf32, #tpu.memory_space<vmem>>
        %dma_start3A_1675 = tpu.memref_squeeze %dma_start3A_1674 : memref<1x32x128xf32, #tpu.memory_space<vmem>> -> memref<32x128xf32, #tpu.memory_space<vmem>>
        %dma_start3A_1676 = arith.constant 0 : i32
        %dma_start3A_1677 = tpu.memref_slice %arg4[%dma_start3A_1676, %multiple_of3A_1671] : memref<32x1000000xf32, #tpu.memory_space<hbm>> -> memref<32x128xf32, #tpu.memory_space<hbm>>
        %dma_start3A_1678 = arith.constant 0 : i32
        %dma_start3A_1679 = arith.constant 0 : i32
        %dma_start3A_1680 = tpu.memref_slice %arg9[%rem3A_442, %dma_start3A_1678, %dma_start3A_1679] : memref<8x32x128xf32, #tpu.memory_space<vmem>> -> memref<1x32x128xf32, #tpu.memory_space<vmem>>
        %dma_start3A_1681 = tpu.memref_squeeze %dma_start3A_1680 : memref<1x32x128xf32, #tpu.memory_space<vmem>> -> memref<32x128xf32, #tpu.memory_space<vmem>>
        %dma_start3A_1682 = arith.constant 0 : i32
        %dma_start3A_1683 = tpu.memref_slice %arg4[%dma_start3A_1682, %multiple_of3A_1671] : memref<32x1000000xf32, #tpu.memory_space<hbm>> -> memref<32x128xf32, #tpu.memory_space<hbm>>
        tpu.enqueue_dma source(%dma_start3A_1683 : memref<32x128xf32, #tpu.memory_space<hbm>>) target(%dma_start3A_1681 : memref<32x128xf32, #tpu.memory_space<vmem>>) target_semaphore(%arg14 : memref<!tpu.dma_semaphore, #tpu.memory_space<semaphore_mem>>)
        %shift_right_arithmetic3A_1684 = arith.constant 7 : i32
        %shift_right_arithmetic3A_1685 = arith.shrsi %squeeze3A_511, %shift_right_arithmetic3A_1684 : i32
        %shift_left3A_1686 = arith.constant 7 : i32
        %shift_left3A_1687 = arith.shli %shift_right_arithmetic3A_1685, %shift_left3A_1686 : i32
        %multiple_of3A_1688 = tpu.assume_multiple %shift_left3A_1687, 128 : i32
        %dma_start3A_1689 = arith.constant 0 : i32
        %dma_start3A_1690 = arith.constant 0 : i32
        %dma_start3A_1691 = tpu.memref_slice %arg10[%rem3A_442, %dma_start3A_1689, %dma_start3A_1690] : memref<8x32x128xf32, #tpu.memory_space<vmem>> -> memref<1x32x128xf32, #tpu.memory_space<vmem>>
        %dma_start3A_1692 = tpu.memref_squeeze %dma_start3A_1691 : memref<1x32x128xf32, #tpu.memory_space<vmem>> -> memref<32x128xf32, #tpu.memory_space<vmem>>
        %dma_start3A_1693 = arith.constant 0 : i32
        %dma_start3A_1694 = tpu.memref_slice %arg5[%dma_start3A_1693, %multiple_of3A_1688] : memref<32x1000000xf32, #tpu.memory_space<hbm>> -> memref<32x128xf32, #tpu.memory_space<hbm>>
        %dma_start3A_1695 = arith.constant 0 : i32
        %dma_start3A_1696 = arith.constant 0 : i32
        %dma_start3A_1697 = tpu.memref_slice %arg10[%rem3A_442, %dma_start3A_1695, %dma_start3A_1696] : memref<8x32x128xf32, #tpu.memory_space<vmem>> -> memref<1x32x128xf32, #tpu.memory_space<vmem>>
        %dma_start3A_1698 = tpu.memref_squeeze %dma_start3A_1697 : memref<1x32x128xf32, #tpu.memory_space<vmem>> -> memref<32x128xf32, #tpu.memory_space<vmem>>
        %dma_start3A_1699 = arith.constant 0 : i32
        %dma_start3A_1700 = tpu.memref_slice %arg5[%dma_start3A_1699, %multiple_of3A_1688] : memref<32x1000000xf32, #tpu.memory_space<hbm>> -> memref<32x128xf32, #tpu.memory_space<hbm>>
        tpu.enqueue_dma source(%dma_start3A_1700 : memref<32x128xf32, #tpu.memory_space<hbm>>) target(%dma_start3A_1698 : memref<32x128xf32, #tpu.memory_space<vmem>>) target_semaphore(%arg15 : memref<!tpu.dma_semaphore, #tpu.memory_space<semaphore_mem>>)
      } else {
      }
      %mul3A_519 = arith.constant 16 : i32
      %mul3A_520 = arith.muli %scan3A_331, %mul3A_519 : i32
      %add3A_521 = arith.constant 2 : i32
      %add3A_522 = arith.addi %mul3A_520, %add3A_521 : i32
      %rem3A_523 = arith.constant 8 : i32
      %rem3A_524 = arith.remsi %add3A_522, %rem3A_523 : i32
      %multiple_of3A_525 = arith.constant 0 : i32
      %multiple_of3A_526 = tpu.assume_multiple %multiple_of3A_525, 128 : i32
      %dma_wait3A_527 = arith.constant 0 : i32
      %dma_wait3A_528 = arith.constant 0 : i32
      %dma_wait3A_529 = tpu.memref_slice %arg9[%rem3A_524, %dma_wait3A_527, %dma_wait3A_528] : memref<8x32x128xf32, #tpu.memory_space<vmem>> -> memref<1x32x128xf32, #tpu.memory_space<vmem>>
      %dma_wait3A_530 = tpu.memref_squeeze %dma_wait3A_529 : memref<1x32x128xf32, #tpu.memory_space<vmem>> -> memref<32x128xf32, #tpu.memory_space<vmem>>
      %dma_wait3A_531 = arith.constant 0 : i32
      %dma_wait3A_532 = tpu.memref_slice %arg4[%dma_wait3A_531, %multiple_of3A_526] : memref<32x1000000xf32, #tpu.memory_space<hbm>> -> memref<32x128xf32, #tpu.memory_space<hbm>>
      %dma_wait3A_533 = arith.constant 0 : i32
      %dma_wait3A_534 = arith.constant 0 : i32
      %dma_wait3A_535 = tpu.memref_slice %arg9[%rem3A_524, %dma_wait3A_533, %dma_wait3A_534] : memref<8x32x128xf32, #tpu.memory_space<vmem>> -> memref<1x32x128xf32, #tpu.memory_space<vmem>>
      %dma_wait3A_536 = tpu.memref_squeeze %dma_wait3A_535 : memref<1x32x128xf32, #tpu.memory_space<vmem>> -> memref<32x128xf32, #tpu.memory_space<vmem>>
      %dma_wait3A_537 = arith.constant 0 : i32
      %dma_wait3A_538 = tpu.memref_slice %arg4[%dma_wait3A_537, %multiple_of3A_526] : memref<32x1000000xf32, #tpu.memory_space<hbm>> -> memref<32x128xf32, #tpu.memory_space<hbm>>
      tpu.wait_dma2 semaphore(%arg14 : memref<!tpu.dma_semaphore, #tpu.memory_space<semaphore_mem>>) src(%dma_wait3A_538 : memref<32x128xf32, #tpu.memory_space<hbm>>) dst(%dma_wait3A_536 : memref<32x128xf32, #tpu.memory_space<vmem>>)
      %multiple_of3A_539 = arith.constant 0 : i32
      %multiple_of3A_540 = tpu.assume_multiple %multiple_of3A_539, 128 : i32
      %dma_wait3A_541 = arith.constant 0 : i32
      %dma_wait3A_542 = arith.constant 0 : i32
      %dma_wait3A_543 = tpu.memref_slice %arg10[%rem3A_524, %dma_wait3A_541, %dma_wait3A_542] : memref<8x32x128xf32, #tpu.memory_space<vmem>> -> memref<1x32x128xf32, #tpu.memory_space<vmem>>
      %dma_wait3A_544 = tpu.memref_squeeze %dma_wait3A_543 : memref<1x32x128xf32, #tpu.memory_space<vmem>> -> memref<32x128xf32, #tpu.memory_space<vmem>>
      %dma_wait3A_545 = arith.constant 0 : i32
      %dma_wait3A_546 = tpu.memref_slice %arg5[%dma_wait3A_545, %multiple_of3A_540] : memref<32x1000000xf32, #tpu.memory_space<hbm>> -> memref<32x128xf32, #tpu.memory_space<hbm>>
      %dma_wait3A_547 = arith.constant 0 : i32
      %dma_wait3A_548 = arith.constant 0 : i32
      %dma_wait3A_549 = tpu.memref_slice %arg10[%rem3A_524, %dma_wait3A_547, %dma_wait3A_548] : memref<8x32x128xf32, #tpu.memory_space<vmem>> -> memref<1x32x128xf32, #tpu.memory_space<vmem>>
      %dma_wait3A_550 = tpu.memref_squeeze %dma_wait3A_549 : memref<1x32x128xf32, #tpu.memory_space<vmem>> -> memref<32x128xf32, #tpu.memory_space<vmem>>
      %dma_wait3A_551 = arith.constant 0 : i32
      %dma_wait3A_552 = tpu.memref_slice %arg5[%dma_wait3A_551, %multiple_of3A_540] : memref<32x1000000xf32, #tpu.memory_space<hbm>> -> memref<32x128xf32, #tpu.memory_space<hbm>>
      tpu.wait_dma2 semaphore(%arg15 : memref<!tpu.dma_semaphore, #tpu.memory_space<semaphore_mem>>) src(%dma_wait3A_552 : memref<32x128xf32, #tpu.memory_space<hbm>>) dst(%dma_wait3A_550 : memref<32x128xf32, #tpu.memory_space<vmem>>)
      %slice3A_553 = vector.extract_strided_slice %get3A_336 {offsets = [2], sizes = [1], strides = [1]} : vector<16xi32> to vector<1xi32>
      %squeeze3A_554 = vector.extract %slice3A_553[0] : i32 from vector<1xi32>
      %slice3A_555 = vector.extract_strided_slice %get3A_341 {offsets = [2], sizes = [1], strides = [1]} : vector<16xi32> to vector<1xi32>
      %squeeze3A_556 = vector.extract %slice3A_555[0] : i32 from vector<1xi32>
      %broadcast_in_dim3A_557 = vector.broadcast %rem3A_524 : i32 to vector<16xi32>
      %and3A_558 = arith.constant 127 : i32
      %and3A_559 = arith.andi %squeeze3A_554, %and3A_558 : i32
      %broadcast_in_dim3A_560 = vector.broadcast %and3A_559 : i32 to vector<16xi32>
      %and3A_561 = arith.constant 127 : i32
      %and3A_562 = arith.andi %squeeze3A_556, %and3A_561 : i32
      %broadcast_in_dim3A_563 = vector.broadcast %and3A_562 : i32 to vector<16xi32>
      %mul3A_564 = arith.constant 32 : i32
      %mul3A_565 = arith.muli %add3A_522, %mul3A_564 : i32
      %multiple_of3A_566 = tpu.assume_multiple %mul3A_565, 16 : i32
      %mul3A_567 = arith.constant 32 : i32
      %mul3A_568 = arith.muli %add3A_522, %mul3A_567 : i32
      %add3A_569 = arith.constant 16 : i32
      %add3A_570 = arith.addi %mul3A_568, %add3A_569 : i32
      %multiple_of3A_571 = tpu.assume_multiple %add3A_570, 16 : i32
      %gather3A_572 = tpu.vector_load_idx %arg9[%broadcast_in_dim3A_557, %iota3A, %broadcast_in_dim3A_560] : memref<8x32x128xf32, #tpu.memory_space<vmem>>[vector<16xi32>, vector<16xi32>, vector<16xi32>], vector<16xf32>,
      %swap3A_573 = arith.index_cast %multiple_of3A_566 : i32 to index
      %swap3A_574 = tpu.vector_load %arg11[%swap3A_573] {strides = array<i32>} : memref<16384xf32, #tpu.memory_space<vmem>>, vector<16xf32>,
      tpu.vector_store %arg11[%swap3A_573], %gather3A_572 {strides = array<i32>} : memref<16384xf32, #tpu.memory_space<vmem>>, vector<16xf32>,
      %add3A_575 = arith.constant 16 : i32
      %add3A_576 = vector.broadcast %add3A_575 : i32 to vector<16xi32>
      %add3A_577 = arith.addi %iota3A, %add3A_576 : vector<16xi32>
      %gather3A_578 = tpu.vector_load_idx %arg9[%broadcast_in_dim3A_557, %add3A_577, %broadcast_in_dim3A_560] : memref<8x32x128xf32, #tpu.memory_space<vmem>>[vector<16xi32>, vector<16xi32>, vector<16xi32>], vector<16xf32>,
      %swap3A_579 = arith.index_cast %multiple_of3A_571 : i32 to index
      %swap3A_580 = tpu.vector_load %arg11[%swap3A_579] {strides = array<i32>} : memref<16384xf32, #tpu.memory_space<vmem>>, vector<16xf32>,
      tpu.vector_store %arg11[%swap3A_579], %gather3A_578 {strides = array<i32>} : memref<16384xf32, #tpu.memory_space<vmem>>, vector<16xf32>,
      %gather3A_581 = tpu.vector_load_idx %arg10[%broadcast_in_dim3A_557, %iota3A, %broadcast_in_dim3A_563] : memref<8x32x128xf32, #tpu.memory_space<vmem>>[vector<16xi32>, vector<16xi32>, vector<16xi32>], vector<16xf32>,
      %swap3A_582 = arith.index_cast %multiple_of3A_566 : i32 to index
      %swap3A_583 = tpu.vector_load %arg12[%swap3A_582] {strides = array<i32>} : memref<16384xf32, #tpu.memory_space<vmem>>, vector<16xf32>,
      tpu.vector_store %arg12[%swap3A_582], %gather3A_581 {strides = array<i32>} : memref<16384xf32, #tpu.memory_space<vmem>>, vector<16xf32>,
      %add3A_584 = arith.constant 16 : i32
      %add3A_585 = vector.broadcast %add3A_584 : i32 to vector<16xi32>
      %add3A_586 = arith.addi %iota3A, %add3A_585 : vector<16xi32>
      %gather3A_587 = tpu.vector_load_idx %arg10[%broadcast_in_dim3A_557, %add3A_586, %broadcast_in_dim3A_563] : memref<8x32x128xf32, #tpu.memory_space<vmem>>[vector<16xi32>, vector<16xi32>, vector<16xi32>], vector<16xf32>,
      %swap3A_588 = arith.index_cast %multiple_of3A_571 : i32 to index
      %swap3A_589 = tpu.vector_load %arg12[%swap3A_588] {strides = array<i32>} : memref<16384xf32, #tpu.memory_space<vmem>>, vector<16xf32>,
      tpu.vector_store %arg12[%swap3A_588], %gather3A_587 {strides = array<i32>} : memref<16384xf32, #tpu.memory_space<vmem>>, vector<16xf32>,
      %slice3A_590 = vector.extract_strided_slice %get3A_336 {offsets = [10], sizes = [1], strides = [1]} : vector<16xi32> to vector<1xi32>
      %squeeze3A_591 = vector.extract %slice3A_590[0] : i32 from vector<1xi32>
      %slice3A_592 = vector.extract_strided_slice %get3A_341 {offsets = [10], sizes = [1], strides = [1]} : vector<16xi32> to vector<1xi32>
      %squeeze3A_593 = vector.extract %slice3A_592[0] : i32 from vector<1xi32>
      %add3A_594 = arith.constant 8 : i32
      %add3A_595 = arith.addi %add3A_522, %add3A_594 : i32
      %lt3A_596 = arith.constant 512 : i32
      %lt3A_597 = arith.cmpi slt, %add3A_595, %lt3A_596 : i32
      %convert_element_type3A_598 = arith.extui %lt3A_597 : i1 to i32
      %cond3A_599 = arith.constant 0 : i32
      %cond3A_600 = arith.cmpi ne, %convert_element_type3A_598, %cond3A_599 : i32
      scf.if %cond3A_600 {
        %shift_right_arithmetic3A_1667 = arith.constant 7 : i32
        %shift_right_arithmetic3A_1668 = arith.shrsi %squeeze3A_591, %shift_right_arithmetic3A_1667 : i32
        %shift_left3A_1669 = arith.constant 7 : i32
        %shift_left3A_1670 = arith.shli %shift_right_arithmetic3A_1668, %shift_left3A_1669 : i32
        %multiple_of3A_1671 = tpu.assume_multiple %shift_left3A_1670, 128 : i32
        %dma_start3A_1672 = arith.constant 0 : i32
        %dma_start3A_1673 = arith.constant 0 : i32
        %dma_start3A_1674 = tpu.memref_slice %arg9[%rem3A_524, %dma_start3A_1672, %dma_start3A_1673] : memref<8x32x128xf32, #tpu.memory_space<vmem>> -> memref<1x32x128xf32, #tpu.memory_space<vmem>>
        %dma_start3A_1675 = tpu.memref_squeeze %dma_start3A_1674 : memref<1x32x128xf32, #tpu.memory_space<vmem>> -> memref<32x128xf32, #tpu.memory_space<vmem>>
        %dma_start3A_1676 = arith.constant 0 : i32
        %dma_start3A_1677 = tpu.memref_slice %arg4[%dma_start3A_1676, %multiple_of3A_1671] : memref<32x1000000xf32, #tpu.memory_space<hbm>> -> memref<32x128xf32, #tpu.memory_space<hbm>>
        %dma_start3A_1678 = arith.constant 0 : i32
        %dma_start3A_1679 = arith.constant 0 : i32
        %dma_start3A_1680 = tpu.memref_slice %arg9[%rem3A_524, %dma_start3A_1678, %dma_start3A_1679] : memref<8x32x128xf32, #tpu.memory_space<vmem>> -> memref<1x32x128xf32, #tpu.memory_space<vmem>>
        %dma_start3A_1681 = tpu.memref_squeeze %dma_start3A_1680 : memref<1x32x128xf32, #tpu.memory_space<vmem>> -> memref<32x128xf32, #tpu.memory_space<vmem>>
        %dma_start3A_1682 = arith.constant 0 : i32
        %dma_start3A_1683 = tpu.memref_slice %arg4[%dma_start3A_1682, %multiple_of3A_1671] : memref<32x1000000xf32, #tpu.memory_space<hbm>> -> memref<32x128xf32, #tpu.memory_space<hbm>>
        tpu.enqueue_dma source(%dma_start3A_1683 : memref<32x128xf32, #tpu.memory_space<hbm>>) target(%dma_start3A_1681 : memref<32x128xf32, #tpu.memory_space<vmem>>) target_semaphore(%arg14 : memref<!tpu.dma_semaphore, #tpu.memory_space<semaphore_mem>>)
        %shift_right_arithmetic3A_1684 = arith.constant 7 : i32
        %shift_right_arithmetic3A_1685 = arith.shrsi %squeeze3A_593, %shift_right_arithmetic3A_1684 : i32
        %shift_left3A_1686 = arith.constant 7 : i32
        %shift_left3A_1687 = arith.shli %shift_right_arithmetic3A_1685, %shift_left3A_1686 : i32
        %multiple_of3A_1688 = tpu.assume_multiple %shift_left3A_1687, 128 : i32
        %dma_start3A_1689 = arith.constant 0 : i32
        %dma_start3A_1690 = arith.constant 0 : i32
        %dma_start3A_1691 = tpu.memref_slice %arg10[%rem3A_524, %dma_start3A_1689, %dma_start3A_1690] : memref<8x32x128xf32, #tpu.memory_space<vmem>> -> memref<1x32x128xf32, #tpu.memory_space<vmem>>
        %dma_start3A_1692 = tpu.memref_squeeze %dma_start3A_1691 : memref<1x32x128xf32, #tpu.memory_space<vmem>> -> memref<32x128xf32, #tpu.memory_space<vmem>>
        %dma_start3A_1693 = arith.constant 0 : i32
        %dma_start3A_1694 = tpu.memref_slice %arg5[%dma_start3A_1693, %multiple_of3A_1688] : memref<32x1000000xf32, #tpu.memory_space<hbm>> -> memref<32x128xf32, #tpu.memory_space<hbm>>
        %dma_start3A_1695 = arith.constant 0 : i32
        %dma_start3A_1696 = arith.constant 0 : i32
        %dma_start3A_1697 = tpu.memref_slice %arg10[%rem3A_524, %dma_start3A_1695, %dma_start3A_1696] : memref<8x32x128xf32, #tpu.memory_space<vmem>> -> memref<1x32x128xf32, #tpu.memory_space<vmem>>
        %dma_start3A_1698 = tpu.memref_squeeze %dma_start3A_1697 : memref<1x32x128xf32, #tpu.memory_space<vmem>> -> memref<32x128xf32, #tpu.memory_space<vmem>>
        %dma_start3A_1699 = arith.constant 0 : i32
        %dma_start3A_1700 = tpu.memref_slice %arg5[%dma_start3A_1699, %multiple_of3A_1688] : memref<32x1000000xf32, #tpu.memory_space<hbm>> -> memref<32x128xf32, #tpu.memory_space<hbm>>
        tpu.enqueue_dma source(%dma_start3A_1700 : memref<32x128xf32, #tpu.memory_space<hbm>>) target(%dma_start3A_1698 : memref<32x128xf32, #tpu.memory_space<vmem>>) target_semaphore(%arg15 : memref<!tpu.dma_semaphore, #tpu.memory_space<semaphore_mem>>)
      } else {
      }
      %mul3A_601 = arith.constant 16 : i32
      %mul3A_602 = arith.muli %scan3A_331, %mul3A_601 : i32
      %add3A_603 = arith.constant 3 : i32
      %add3A_604 = arith.addi %mul3A_602, %add3A_603 : i32
      %rem3A_605 = arith.constant 8 : i32
      %rem3A_606 = arith.remsi %add3A_604, %rem3A_605 : i32
      %multiple_of3A_607 = arith.constant 0 : i32
      %multiple_of3A_608 = tpu.assume_multiple %multiple_of3A_607, 128 : i32
      %dma_wait3A_609 = arith.constant 0 : i32
      %dma_wait3A_610 = arith.constant 0 : i32
      %dma_wait3A_611 = tpu.memref_slice %arg9[%rem3A_606, %dma_wait3A_609, %dma_wait3A_610] : memref<8x32x128xf32, #tpu.memory_space<vmem>> -> memref<1x32x128xf32, #tpu.memory_space<vmem>>
      %dma_wait3A_612 = tpu.memref_squeeze %dma_wait3A_611 : memref<1x32x128xf32, #tpu.memory_space<vmem>> -> memref<32x128xf32, #tpu.memory_space<vmem>>
      %dma_wait3A_613 = arith.constant 0 : i32
      %dma_wait3A_614 = tpu.memref_slice %arg4[%dma_wait3A_613, %multiple_of3A_608] : memref<32x1000000xf32, #tpu.memory_space<hbm>> -> memref<32x128xf32, #tpu.memory_space<hbm>>
      %dma_wait3A_615 = arith.constant 0 : i32
      %dma_wait3A_616 = arith.constant 0 : i32
      %dma_wait3A_617 = tpu.memref_slice %arg9[%rem3A_606, %dma_wait3A_615, %dma_wait3A_616] : memref<8x32x128xf32, #tpu.memory_space<vmem>> -> memref<1x32x128xf32, #tpu.memory_space<vmem>>
      %dma_wait3A_618 = tpu.memref_squeeze %dma_wait3A_617 : memref<1x32x128xf32, #tpu.memory_space<vmem>> -> memref<32x128xf32, #tpu.memory_space<vmem>>
      %dma_wait3A_619 = arith.constant 0 : i32
      %dma_wait3A_620 = tpu.memref_slice %arg4[%dma_wait3A_619, %multiple_of3A_608] : memref<32x1000000xf32, #tpu.memory_space<hbm>> -> memref<32x128xf32, #tpu.memory_space<hbm>>
      tpu.wait_dma2 semaphore(%arg14 : memref<!tpu.dma_semaphore, #tpu.memory_space<semaphore_mem>>) src(%dma_wait3A_620 : memref<32x128xf32, #tpu.memory_space<hbm>>) dst(%dma_wait3A_618 : memref<32x128xf32, #tpu.memory_space<vmem>>)
      %multiple_of3A_621 = arith.constant 0 : i32
      %multiple_of3A_622 = tpu.assume_multiple %multiple_of3A_621, 128 : i32
      %dma_wait3A_623 = arith.constant 0 : i32
      %dma_wait3A_624 = arith.constant 0 : i32
      %dma_wait3A_625 = tpu.memref_slice %arg10[%rem3A_606, %dma_wait3A_623, %dma_wait3A_624] : memref<8x32x128xf32, #tpu.memory_space<vmem>> -> memref<1x32x128xf32, #tpu.memory_space<vmem>>
      %dma_wait3A_626 = tpu.memref_squeeze %dma_wait3A_625 : memref<1x32x128xf32, #tpu.memory_space<vmem>> -> memref<32x128xf32, #tpu.memory_space<vmem>>
      %dma_wait3A_627 = arith.constant 0 : i32
      %dma_wait3A_628 = tpu.memref_slice %arg5[%dma_wait3A_627, %multiple_of3A_622] : memref<32x1000000xf32, #tpu.memory_space<hbm>> -> memref<32x128xf32, #tpu.memory_space<hbm>>
      %dma_wait3A_629 = arith.constant 0 : i32
      %dma_wait3A_630 = arith.constant 0 : i32
      %dma_wait3A_631 = tpu.memref_slice %arg10[%rem3A_606, %dma_wait3A_629, %dma_wait3A_630] : memref<8x32x128xf32, #tpu.memory_space<vmem>> -> memref<1x32x128xf32, #tpu.memory_space<vmem>>
      %dma_wait3A_632 = tpu.memref_squeeze %dma_wait3A_631 : memref<1x32x128xf32, #tpu.memory_space<vmem>> -> memref<32x128xf32, #tpu.memory_space<vmem>>
      %dma_wait3A_633 = arith.constant 0 : i32
      %dma_wait3A_634 = tpu.memref_slice %arg5[%dma_wait3A_633, %multiple_of3A_622] : memref<32x1000000xf32, #tpu.memory_space<hbm>> -> memref<32x128xf32, #tpu.memory_space<hbm>>
      tpu.wait_dma2 semaphore(%arg15 : memref<!tpu.dma_semaphore, #tpu.memory_space<semaphore_mem>>) src(%dma_wait3A_634 : memref<32x128xf32, #tpu.memory_space<hbm>>) dst(%dma_wait3A_632 : memref<32x128xf32, #tpu.memory_space<vmem>>)
      %slice3A_635 = vector.extract_strided_slice %get3A_336 {offsets = [3], sizes = [1], strides = [1]} : vector<16xi32> to vector<1xi32>
      %squeeze3A_636 = vector.extract %slice3A_635[0] : i32 from vector<1xi32>
      %slice3A_637 = vector.extract_strided_slice %get3A_341 {offsets = [3], sizes = [1], strides = [1]} : vector<16xi32> to vector<1xi32>
      %squeeze3A_638 = vector.extract %slice3A_637[0] : i32 from vector<1xi32>
      %broadcast_in_dim3A_639 = vector.broadcast %rem3A_606 : i32 to vector<16xi32>
      %and3A_640 = arith.constant 127 : i32
      %and3A_641 = arith.andi %squeeze3A_636, %and3A_640 : i32
      %broadcast_in_dim3A_642 = vector.broadcast %and3A_641 : i32 to vector<16xi32>
      %and3A_643 = arith.constant 127 : i32
      %and3A_644 = arith.andi %squeeze3A_638, %and3A_643 : i32
      %broadcast_in_dim3A_645 = vector.broadcast %and3A_644 : i32 to vector<16xi32>
      %mul3A_646 = arith.constant 32 : i32
      %mul3A_647 = arith.muli %add3A_604, %mul3A_646 : i32
      %multiple_of3A_648 = tpu.assume_multiple %mul3A_647, 16 : i32
      %mul3A_649 = arith.constant 32 : i32
      %mul3A_650 = arith.muli %add3A_604, %mul3A_649 : i32
      %add3A_651 = arith.constant 16 : i32
      %add3A_652 = arith.addi %mul3A_650, %add3A_651 : i32
      %multiple_of3A_653 = tpu.assume_multiple %add3A_652, 16 : i32
      %gather3A_654 = tpu.vector_load_idx %arg9[%broadcast_in_dim3A_639, %iota3A, %broadcast_in_dim3A_642] : memref<8x32x128xf32, #tpu.memory_space<vmem>>[vector<16xi32>, vector<16xi32>, vector<16xi32>], vector<16xf32>,
      %swap3A_655 = arith.index_cast %multiple_of3A_648 : i32 to index
      %swap3A_656 = tpu.vector_load %arg11[%swap3A_655] {strides = array<i32>} : memref<16384xf32, #tpu.memory_space<vmem>>, vector<16xf32>,
      tpu.vector_store %arg11[%swap3A_655], %gather3A_654 {strides = array<i32>} : memref<16384xf32, #tpu.memory_space<vmem>>, vector<16xf32>,
      %add3A_657 = arith.constant 16 : i32
      %add3A_658 = vector.broadcast %add3A_657 : i32 to vector<16xi32>
      %add3A_659 = arith.addi %iota3A, %add3A_658 : vector<16xi32>
      %gather3A_660 = tpu.vector_load_idx %arg9[%broadcast_in_dim3A_639, %add3A_659, %broadcast_in_dim3A_642] : memref<8x32x128xf32, #tpu.memory_space<vmem>>[vector<16xi32>, vector<16xi32>, vector<16xi32>], vector<16xf32>,
      %swap3A_661 = arith.index_cast %multiple_of3A_653 : i32 to index
      %swap3A_662 = tpu.vector_load %arg11[%swap3A_661] {strides = array<i32>} : memref<16384xf32, #tpu.memory_space<vmem>>, vector<16xf32>,
      tpu.vector_store %arg11[%swap3A_661], %gather3A_660 {strides = array<i32>} : memref<16384xf32, #tpu.memory_space<vmem>>, vector<16xf32>,
      %gather3A_663 = tpu.vector_load_idx %arg10[%broadcast_in_dim3A_639, %iota3A, %broadcast_in_dim3A_645] : memref<8x32x128xf32, #tpu.memory_space<vmem>>[vector<16xi32>, vector<16xi32>, vector<16xi32>], vector<16xf32>,
      %swap3A_664 = arith.index_cast %multiple_of3A_648 : i32 to index
      %swap3A_665 = tpu.vector_load %arg12[%swap3A_664] {strides = array<i32>} : memref<16384xf32, #tpu.memory_space<vmem>>, vector<16xf32>,
      tpu.vector_store %arg12[%swap3A_664], %gather3A_663 {strides = array<i32>} : memref<16384xf32, #tpu.memory_space<vmem>>, vector<16xf32>,
      %add3A_666 = arith.constant 16 : i32
      %add3A_667 = vector.broadcast %add3A_666 : i32 to vector<16xi32>
      %add3A_668 = arith.addi %iota3A, %add3A_667 : vector<16xi32>
      %gather3A_669 = tpu.vector_load_idx %arg10[%broadcast_in_dim3A_639, %add3A_668, %broadcast_in_dim3A_645] : memref<8x32x128xf32, #tpu.memory_space<vmem>>[vector<16xi32>, vector<16xi32>, vector<16xi32>], vector<16xf32>,
      %swap3A_670 = arith.index_cast %multiple_of3A_653 : i32 to index
      %swap3A_671 = tpu.vector_load %arg12[%swap3A_670] {strides = array<i32>} : memref<16384xf32, #tpu.memory_space<vmem>>, vector<16xf32>,
      tpu.vector_store %arg12[%swap3A_670], %gather3A_669 {strides = array<i32>} : memref<16384xf32, #tpu.memory_space<vmem>>, vector<16xf32>,
      %slice3A_672 = vector.extract_strided_slice %get3A_336 {offsets = [11], sizes = [1], strides = [1]} : vector<16xi32> to vector<1xi32>
      %squeeze3A_673 = vector.extract %slice3A_672[0] : i32 from vector<1xi32>
      %slice3A_674 = vector.extract_strided_slice %get3A_341 {offsets = [11], sizes = [1], strides = [1]} : vector<16xi32> to vector<1xi32>
      %squeeze3A_675 = vector.extract %slice3A_674[0] : i32 from vector<1xi32>
      %add3A_676 = arith.constant 8 : i32
      %add3A_677 = arith.addi %add3A_604, %add3A_676 : i32
      %lt3A_678 = arith.constant 512 : i32
      %lt3A_679 = arith.cmpi slt, %add3A_677, %lt3A_678 : i32
      %convert_element_type3A_680 = arith.extui %lt3A_679 : i1 to i32
      %cond3A_681 = arith.constant 0 : i32
      %cond3A_682 = arith.cmpi ne, %convert_element_type3A_680, %cond3A_681 : i32
      scf.if %cond3A_682 {
        %shift_right_arithmetic3A_1667 = arith.constant 7 : i32
        %shift_right_arithmetic3A_1668 = arith.shrsi %squeeze3A_673, %shift_right_arithmetic3A_1667 : i32
        %shift_left3A_1669 = arith.constant 7 : i32
        %shift_left3A_1670 = arith.shli %shift_right_arithmetic3A_1668, %shift_left3A_1669 : i32
        %multiple_of3A_1671 = tpu.assume_multiple %shift_left3A_1670, 128 : i32
        %dma_start3A_1672 = arith.constant 0 : i32
        %dma_start3A_1673 = arith.constant 0 : i32
        %dma_start3A_1674 = tpu.memref_slice %arg9[%rem3A_606, %dma_start3A_1672, %dma_start3A_1673] : memref<8x32x128xf32, #tpu.memory_space<vmem>> -> memref<1x32x128xf32, #tpu.memory_space<vmem>>
        %dma_start3A_1675 = tpu.memref_squeeze %dma_start3A_1674 : memref<1x32x128xf32, #tpu.memory_space<vmem>> -> memref<32x128xf32, #tpu.memory_space<vmem>>
        %dma_start3A_1676 = arith.constant 0 : i32
        %dma_start3A_1677 = tpu.memref_slice %arg4[%dma_start3A_1676, %multiple_of3A_1671] : memref<32x1000000xf32, #tpu.memory_space<hbm>> -> memref<32x128xf32, #tpu.memory_space<hbm>>
        %dma_start3A_1678 = arith.constant 0 : i32
        %dma_start3A_1679 = arith.constant 0 : i32
        %dma_start3A_1680 = tpu.memref_slice %arg9[%rem3A_606, %dma_start3A_1678, %dma_start3A_1679] : memref<8x32x128xf32, #tpu.memory_space<vmem>> -> memref<1x32x128xf32, #tpu.memory_space<vmem>>
        %dma_start3A_1681 = tpu.memref_squeeze %dma_start3A_1680 : memref<1x32x128xf32, #tpu.memory_space<vmem>> -> memref<32x128xf32, #tpu.memory_space<vmem>>
        %dma_start3A_1682 = arith.constant 0 : i32
        %dma_start3A_1683 = tpu.memref_slice %arg4[%dma_start3A_1682, %multiple_of3A_1671] : memref<32x1000000xf32, #tpu.memory_space<hbm>> -> memref<32x128xf32, #tpu.memory_space<hbm>>
        tpu.enqueue_dma source(%dma_start3A_1683 : memref<32x128xf32, #tpu.memory_space<hbm>>) target(%dma_start3A_1681 : memref<32x128xf32, #tpu.memory_space<vmem>>) target_semaphore(%arg14 : memref<!tpu.dma_semaphore, #tpu.memory_space<semaphore_mem>>)
        %shift_right_arithmetic3A_1684 = arith.constant 7 : i32
        %shift_right_arithmetic3A_1685 = arith.shrsi %squeeze3A_675, %shift_right_arithmetic3A_1684 : i32
        %shift_left3A_1686 = arith.constant 7 : i32
        %shift_left3A_1687 = arith.shli %shift_right_arithmetic3A_1685, %shift_left3A_1686 : i32
        %multiple_of3A_1688 = tpu.assume_multiple %shift_left3A_1687, 128 : i32
        %dma_start3A_1689 = arith.constant 0 : i32
        %dma_start3A_1690 = arith.constant 0 : i32
        %dma_start3A_1691 = tpu.memref_slice %arg10[%rem3A_606, %dma_start3A_1689, %dma_start3A_1690] : memref<8x32x128xf32, #tpu.memory_space<vmem>> -> memref<1x32x128xf32, #tpu.memory_space<vmem>>
        %dma_start3A_1692 = tpu.memref_squeeze %dma_start3A_1691 : memref<1x32x128xf32, #tpu.memory_space<vmem>> -> memref<32x128xf32, #tpu.memory_space<vmem>>
        %dma_start3A_1693 = arith.constant 0 : i32
        %dma_start3A_1694 = tpu.memref_slice %arg5[%dma_start3A_1693, %multiple_of3A_1688] : memref<32x1000000xf32, #tpu.memory_space<hbm>> -> memref<32x128xf32, #tpu.memory_space<hbm>>
        %dma_start3A_1695 = arith.constant 0 : i32
        %dma_start3A_1696 = arith.constant 0 : i32
        %dma_start3A_1697 = tpu.memref_slice %arg10[%rem3A_606, %dma_start3A_1695, %dma_start3A_1696] : memref<8x32x128xf32, #tpu.memory_space<vmem>> -> memref<1x32x128xf32, #tpu.memory_space<vmem>>
        %dma_start3A_1698 = tpu.memref_squeeze %dma_start3A_1697 : memref<1x32x128xf32, #tpu.memory_space<vmem>> -> memref<32x128xf32, #tpu.memory_space<vmem>>
        %dma_start3A_1699 = arith.constant 0 : i32
        %dma_start3A_1700 = tpu.memref_slice %arg5[%dma_start3A_1699, %multiple_of3A_1688] : memref<32x1000000xf32, #tpu.memory_space<hbm>> -> memref<32x128xf32, #tpu.memory_space<hbm>>
        tpu.enqueue_dma source(%dma_start3A_1700 : memref<32x128xf32, #tpu.memory_space<hbm>>) target(%dma_start3A_1698 : memref<32x128xf32, #tpu.memory_space<vmem>>) target_semaphore(%arg15 : memref<!tpu.dma_semaphore, #tpu.memory_space<semaphore_mem>>)
      } else {
      }
      %mul3A_683 = arith.constant 16 : i32
      %mul3A_684 = arith.muli %scan3A_331, %mul3A_683 : i32
      %add3A_685 = arith.constant 4 : i32
      %add3A_686 = arith.addi %mul3A_684, %add3A_685 : i32
      %rem3A_687 = arith.constant 8 : i32
      %rem3A_688 = arith.remsi %add3A_686, %rem3A_687 : i32
      %multiple_of3A_689 = arith.constant 0 : i32
      %multiple_of3A_690 = tpu.assume_multiple %multiple_of3A_689, 128 : i32
      %dma_wait3A_691 = arith.constant 0 : i32
      %dma_wait3A_692 = arith.constant 0 : i32
      %dma_wait3A_693 = tpu.memref_slice %arg9[%rem3A_688, %dma_wait3A_691, %dma_wait3A_692] : memref<8x32x128xf32, #tpu.memory_space<vmem>> -> memref<1x32x128xf32, #tpu.memory_space<vmem>>
      %dma_wait3A_694 = tpu.memref_squeeze %dma_wait3A_693 : memref<1x32x128xf32, #tpu.memory_space<vmem>> -> memref<32x128xf32, #tpu.memory_space<vmem>>
      %dma_wait3A_695 = arith.constant 0 : i32
      %dma_wait3A_696 = tpu.memref_slice %arg4[%dma_wait3A_695, %multiple_of3A_690] : memref<32x1000000xf32, #tpu.memory_space<hbm>> -> memref<32x128xf32, #tpu.memory_space<hbm>>
      %dma_wait3A_697 = arith.constant 0 : i32
      %dma_wait3A_698 = arith.constant 0 : i32
      %dma_wait3A_699 = tpu.memref_slice %arg9[%rem3A_688, %dma_wait3A_697, %dma_wait3A_698] : memref<8x32x128xf32, #tpu.memory_space<vmem>> -> memref<1x32x128xf32, #tpu.memory_space<vmem>>
      %dma_wait3A_700 = tpu.memref_squeeze %dma_wait3A_699 : memref<1x32x128xf32, #tpu.memory_space<vmem>> -> memref<32x128xf32, #tpu.memory_space<vmem>>
      %dma_wait3A_701 = arith.constant 0 : i32
      %dma_wait3A_702 = tpu.memref_slice %arg4[%dma_wait3A_701, %multiple_of3A_690] : memref<32x1000000xf32, #tpu.memory_space<hbm>> -> memref<32x128xf32, #tpu.memory_space<hbm>>
      tpu.wait_dma2 semaphore(%arg14 : memref<!tpu.dma_semaphore, #tpu.memory_space<semaphore_mem>>) src(%dma_wait3A_702 : memref<32x128xf32, #tpu.memory_space<hbm>>) dst(%dma_wait3A_700 : memref<32x128xf32, #tpu.memory_space<vmem>>)
      %multiple_of3A_703 = arith.constant 0 : i32
      %multiple_of3A_704 = tpu.assume_multiple %multiple_of3A_703, 128 : i32
      %dma_wait3A_705 = arith.constant 0 : i32
      %dma_wait3A_706 = arith.constant 0 : i32
      %dma_wait3A_707 = tpu.memref_slice %arg10[%rem3A_688, %dma_wait3A_705, %dma_wait3A_706] : memref<8x32x128xf32, #tpu.memory_space<vmem>> -> memref<1x32x128xf32, #tpu.memory_space<vmem>>
      %dma_wait3A_708 = tpu.memref_squeeze %dma_wait3A_707 : memref<1x32x128xf32, #tpu.memory_space<vmem>> -> memref<32x128xf32, #tpu.memory_space<vmem>>
      %dma_wait3A_709 = arith.constant 0 : i32
      %dma_wait3A_710 = tpu.memref_slice %arg5[%dma_wait3A_709, %multiple_of3A_704] : memref<32x1000000xf32, #tpu.memory_space<hbm>> -> memref<32x128xf32, #tpu.memory_space<hbm>>
      %dma_wait3A_711 = arith.constant 0 : i32
      %dma_wait3A_712 = arith.constant 0 : i32
      %dma_wait3A_713 = tpu.memref_slice %arg10[%rem3A_688, %dma_wait3A_711, %dma_wait3A_712] : memref<8x32x128xf32, #tpu.memory_space<vmem>> -> memref<1x32x128xf32, #tpu.memory_space<vmem>>
      %dma_wait3A_714 = tpu.memref_squeeze %dma_wait3A_713 : memref<1x32x128xf32, #tpu.memory_space<vmem>> -> memref<32x128xf32, #tpu.memory_space<vmem>>
      %dma_wait3A_715 = arith.constant 0 : i32
      %dma_wait3A_716 = tpu.memref_slice %arg5[%dma_wait3A_715, %multiple_of3A_704] : memref<32x1000000xf32, #tpu.memory_space<hbm>> -> memref<32x128xf32, #tpu.memory_space<hbm>>
      tpu.wait_dma2 semaphore(%arg15 : memref<!tpu.dma_semaphore, #tpu.memory_space<semaphore_mem>>) src(%dma_wait3A_716 : memref<32x128xf32, #tpu.memory_space<hbm>>) dst(%dma_wait3A_714 : memref<32x128xf32, #tpu.memory_space<vmem>>)
      %slice3A_717 = vector.extract_strided_slice %get3A_336 {offsets = [4], sizes = [1], strides = [1]} : vector<16xi32> to vector<1xi32>
      %squeeze3A_718 = vector.extract %slice3A_717[0] : i32 from vector<1xi32>
      %slice3A_719 = vector.extract_strided_slice %get3A_341 {offsets = [4], sizes = [1], strides = [1]} : vector<16xi32> to vector<1xi32>
      %squeeze3A_720 = vector.extract %slice3A_719[0] : i32 from vector<1xi32>
      %broadcast_in_dim3A_721 = vector.broadcast %rem3A_688 : i32 to vector<16xi32>
      %and3A_722 = arith.constant 127 : i32
      %and3A_723 = arith.andi %squeeze3A_718, %and3A_722 : i32
      %broadcast_in_dim3A_724 = vector.broadcast %and3A_723 : i32 to vector<16xi32>
      %and3A_725 = arith.constant 127 : i32
      %and3A_726 = arith.andi %squeeze3A_720, %and3A_725 : i32
      %broadcast_in_dim3A_727 = vector.broadcast %and3A_726 : i32 to vector<16xi32>
      %mul3A_728 = arith.constant 32 : i32
      %mul3A_729 = arith.muli %add3A_686, %mul3A_728 : i32
      %multiple_of3A_730 = tpu.assume_multiple %mul3A_729, 16 : i32
      %mul3A_731 = arith.constant 32 : i32
      %mul3A_732 = arith.muli %add3A_686, %mul3A_731 : i32
      %add3A_733 = arith.constant 16 : i32
      %add3A_734 = arith.addi %mul3A_732, %add3A_733 : i32
      %multiple_of3A_735 = tpu.assume_multiple %add3A_734, 16 : i32
      %gather3A_736 = tpu.vector_load_idx %arg9[%broadcast_in_dim3A_721, %iota3A, %broadcast_in_dim3A_724] : memref<8x32x128xf32, #tpu.memory_space<vmem>>[vector<16xi32>, vector<16xi32>, vector<16xi32>], vector<16xf32>,
      %swap3A_737 = arith.index_cast %multiple_of3A_730 : i32 to index
      %swap3A_738 = tpu.vector_load %arg11[%swap3A_737] {strides = array<i32>} : memref<16384xf32, #tpu.memory_space<vmem>>, vector<16xf32>,
      tpu.vector_store %arg11[%swap3A_737], %gather3A_736 {strides = array<i32>} : memref<16384xf32, #tpu.memory_space<vmem>>, vector<16xf32>,
      %add3A_739 = arith.constant 16 : i32
      %add3A_740 = vector.broadcast %add3A_739 : i32 to vector<16xi32>
      %add3A_741 = arith.addi %iota3A, %add3A_740 : vector<16xi32>
      %gather3A_742 = tpu.vector_load_idx %arg9[%broadcast_in_dim3A_721, %add3A_741, %broadcast_in_dim3A_724] : memref<8x32x128xf32, #tpu.memory_space<vmem>>[vector<16xi32>, vector<16xi32>, vector<16xi32>], vector<16xf32>,
      %swap3A_743 = arith.index_cast %multiple_of3A_735 : i32 to index
      %swap3A_744 = tpu.vector_load %arg11[%swap3A_743] {strides = array<i32>} : memref<16384xf32, #tpu.memory_space<vmem>>, vector<16xf32>,
      tpu.vector_store %arg11[%swap3A_743], %gather3A_742 {strides = array<i32>} : memref<16384xf32, #tpu.memory_space<vmem>>, vector<16xf32>,
      %gather3A_745 = tpu.vector_load_idx %arg10[%broadcast_in_dim3A_721, %iota3A, %broadcast_in_dim3A_727] : memref<8x32x128xf32, #tpu.memory_space<vmem>>[vector<16xi32>, vector<16xi32>, vector<16xi32>], vector<16xf32>,
      %swap3A_746 = arith.index_cast %multiple_of3A_730 : i32 to index
      %swap3A_747 = tpu.vector_load %arg12[%swap3A_746] {strides = array<i32>} : memref<16384xf32, #tpu.memory_space<vmem>>, vector<16xf32>,
      tpu.vector_store %arg12[%swap3A_746], %gather3A_745 {strides = array<i32>} : memref<16384xf32, #tpu.memory_space<vmem>>, vector<16xf32>,
      %add3A_748 = arith.constant 16 : i32
      %add3A_749 = vector.broadcast %add3A_748 : i32 to vector<16xi32>
      %add3A_750 = arith.addi %iota3A, %add3A_749 : vector<16xi32>
      %gather3A_751 = tpu.vector_load_idx %arg10[%broadcast_in_dim3A_721, %add3A_750, %broadcast_in_dim3A_727] : memref<8x32x128xf32, #tpu.memory_space<vmem>>[vector<16xi32>, vector<16xi32>, vector<16xi32>], vector<16xf32>,
      %swap3A_752 = arith.index_cast %multiple_of3A_735 : i32 to index
      %swap3A_753 = tpu.vector_load %arg12[%swap3A_752] {strides = array<i32>} : memref<16384xf32, #tpu.memory_space<vmem>>, vector<16xf32>,
      tpu.vector_store %arg12[%swap3A_752], %gather3A_751 {strides = array<i32>} : memref<16384xf32, #tpu.memory_space<vmem>>, vector<16xf32>,
      %slice3A_754 = vector.extract_strided_slice %get3A_336 {offsets = [12], sizes = [1], strides = [1]} : vector<16xi32> to vector<1xi32>
      %squeeze3A_755 = vector.extract %slice3A_754[0] : i32 from vector<1xi32>
      %slice3A_756 = vector.extract_strided_slice %get3A_341 {offsets = [12], sizes = [1], strides = [1]} : vector<16xi32> to vector<1xi32>
      %squeeze3A_757 = vector.extract %slice3A_756[0] : i32 from vector<1xi32>
      %add3A_758 = arith.constant 8 : i32
      %add3A_759 = arith.addi %add3A_686, %add3A_758 : i32
      %lt3A_760 = arith.constant 512 : i32
      %lt3A_761 = arith.cmpi slt, %add3A_759, %lt3A_760 : i32
      %convert_element_type3A_762 = arith.extui %lt3A_761 : i1 to i32
      %cond3A_763 = arith.constant 0 : i32
      %cond3A_764 = arith.cmpi ne, %convert_element_type3A_762, %cond3A_763 : i32
      scf.if %cond3A_764 {
        %shift_right_arithmetic3A_1667 = arith.constant 7 : i32
        %shift_right_arithmetic3A_1668 = arith.shrsi %squeeze3A_755, %shift_right_arithmetic3A_1667 : i32
        %shift_left3A_1669 = arith.constant 7 : i32
        %shift_left3A_1670 = arith.shli %shift_right_arithmetic3A_1668, %shift_left3A_1669 : i32
        %multiple_of3A_1671 = tpu.assume_multiple %shift_left3A_1670, 128 : i32
        %dma_start3A_1672 = arith.constant 0 : i32
        %dma_start3A_1673 = arith.constant 0 : i32
        %dma_start3A_1674 = tpu.memref_slice %arg9[%rem3A_688, %dma_start3A_1672, %dma_start3A_1673] : memref<8x32x128xf32, #tpu.memory_space<vmem>> -> memref<1x32x128xf32, #tpu.memory_space<vmem>>
        %dma_start3A_1675 = tpu.memref_squeeze %dma_start3A_1674 : memref<1x32x128xf32, #tpu.memory_space<vmem>> -> memref<32x128xf32, #tpu.memory_space<vmem>>
        %dma_start3A_1676 = arith.constant 0 : i32
        %dma_start3A_1677 = tpu.memref_slice %arg4[%dma_start3A_1676, %multiple_of3A_1671] : memref<32x1000000xf32, #tpu.memory_space<hbm>> -> memref<32x128xf32, #tpu.memory_space<hbm>>
        %dma_start3A_1678 = arith.constant 0 : i32
        %dma_start3A_1679 = arith.constant 0 : i32
        %dma_start3A_1680 = tpu.memref_slice %arg9[%rem3A_688, %dma_start3A_1678, %dma_start3A_1679] : memref<8x32x128xf32, #tpu.memory_space<vmem>> -> memref<1x32x128xf32, #tpu.memory_space<vmem>>
        %dma_start3A_1681 = tpu.memref_squeeze %dma_start3A_1680 : memref<1x32x128xf32, #tpu.memory_space<vmem>> -> memref<32x128xf32, #tpu.memory_space<vmem>>
        %dma_start3A_1682 = arith.constant 0 : i32
        %dma_start3A_1683 = tpu.memref_slice %arg4[%dma_start3A_1682, %multiple_of3A_1671] : memref<32x1000000xf32, #tpu.memory_space<hbm>> -> memref<32x128xf32, #tpu.memory_space<hbm>>
        tpu.enqueue_dma source(%dma_start3A_1683 : memref<32x128xf32, #tpu.memory_space<hbm>>) target(%dma_start3A_1681 : memref<32x128xf32, #tpu.memory_space<vmem>>) target_semaphore(%arg14 : memref<!tpu.dma_semaphore, #tpu.memory_space<semaphore_mem>>)
        %shift_right_arithmetic3A_1684 = arith.constant 7 : i32
        %shift_right_arithmetic3A_1685 = arith.shrsi %squeeze3A_757, %shift_right_arithmetic3A_1684 : i32
        %shift_left3A_1686 = arith.constant 7 : i32
        %shift_left3A_1687 = arith.shli %shift_right_arithmetic3A_1685, %shift_left3A_1686 : i32
        %multiple_of3A_1688 = tpu.assume_multiple %shift_left3A_1687, 128 : i32
        %dma_start3A_1689 = arith.constant 0 : i32
        %dma_start3A_1690 = arith.constant 0 : i32
        %dma_start3A_1691 = tpu.memref_slice %arg10[%rem3A_688, %dma_start3A_1689, %dma_start3A_1690] : memref<8x32x128xf32, #tpu.memory_space<vmem>> -> memref<1x32x128xf32, #tpu.memory_space<vmem>>
        %dma_start3A_1692 = tpu.memref_squeeze %dma_start3A_1691 : memref<1x32x128xf32, #tpu.memory_space<vmem>> -> memref<32x128xf32, #tpu.memory_space<vmem>>
        %dma_start3A_1693 = arith.constant 0 : i32
        %dma_start3A_1694 = tpu.memref_slice %arg5[%dma_start3A_1693, %multiple_of3A_1688] : memref<32x1000000xf32, #tpu.memory_space<hbm>> -> memref<32x128xf32, #tpu.memory_space<hbm>>
        %dma_start3A_1695 = arith.constant 0 : i32
        %dma_start3A_1696 = arith.constant 0 : i32
        %dma_start3A_1697 = tpu.memref_slice %arg10[%rem3A_688, %dma_start3A_1695, %dma_start3A_1696] : memref<8x32x128xf32, #tpu.memory_space<vmem>> -> memref<1x32x128xf32, #tpu.memory_space<vmem>>
        %dma_start3A_1698 = tpu.memref_squeeze %dma_start3A_1697 : memref<1x32x128xf32, #tpu.memory_space<vmem>> -> memref<32x128xf32, #tpu.memory_space<vmem>>
        %dma_start3A_1699 = arith.constant 0 : i32
        %dma_start3A_1700 = tpu.memref_slice %arg5[%dma_start3A_1699, %multiple_of3A_1688] : memref<32x1000000xf32, #tpu.memory_space<hbm>> -> memref<32x128xf32, #tpu.memory_space<hbm>>
        tpu.enqueue_dma source(%dma_start3A_1700 : memref<32x128xf32, #tpu.memory_space<hbm>>) target(%dma_start3A_1698 : memref<32x128xf32, #tpu.memory_space<vmem>>) target_semaphore(%arg15 : memref<!tpu.dma_semaphore, #tpu.memory_space<semaphore_mem>>)
      } else {
      }
      %mul3A_765 = arith.constant 16 : i32
      %mul3A_766 = arith.muli %scan3A_331, %mul3A_765 : i32
      %add3A_767 = arith.constant 5 : i32
      %add3A_768 = arith.addi %mul3A_766, %add3A_767 : i32
      %rem3A_769 = arith.constant 8 : i32
      %rem3A_770 = arith.remsi %add3A_768, %rem3A_769 : i32
      %multiple_of3A_771 = arith.constant 0 : i32
      %multiple_of3A_772 = tpu.assume_multiple %multiple_of3A_771, 128 : i32
      %dma_wait3A_773 = arith.constant 0 : i32
      %dma_wait3A_774 = arith.constant 0 : i32
      %dma_wait3A_775 = tpu.memref_slice %arg9[%rem3A_770, %dma_wait3A_773, %dma_wait3A_774] : memref<8x32x128xf32, #tpu.memory_space<vmem>> -> memref<1x32x128xf32, #tpu.memory_space<vmem>>
      %dma_wait3A_776 = tpu.memref_squeeze %dma_wait3A_775 : memref<1x32x128xf32, #tpu.memory_space<vmem>> -> memref<32x128xf32, #tpu.memory_space<vmem>>
      %dma_wait3A_777 = arith.constant 0 : i32
      %dma_wait3A_778 = tpu.memref_slice %arg4[%dma_wait3A_777, %multiple_of3A_772] : memref<32x1000000xf32, #tpu.memory_space<hbm>> -> memref<32x128xf32, #tpu.memory_space<hbm>>
      %dma_wait3A_779 = arith.constant 0 : i32
      %dma_wait3A_780 = arith.constant 0 : i32
      %dma_wait3A_781 = tpu.memref_slice %arg9[%rem3A_770, %dma_wait3A_779, %dma_wait3A_780] : memref<8x32x128xf32, #tpu.memory_space<vmem>> -> memref<1x32x128xf32, #tpu.memory_space<vmem>>
      %dma_wait3A_782 = tpu.memref_squeeze %dma_wait3A_781 : memref<1x32x128xf32, #tpu.memory_space<vmem>> -> memref<32x128xf32, #tpu.memory_space<vmem>>
      %dma_wait3A_783 = arith.constant 0 : i32
      %dma_wait3A_784 = tpu.memref_slice %arg4[%dma_wait3A_783, %multiple_of3A_772] : memref<32x1000000xf32, #tpu.memory_space<hbm>> -> memref<32x128xf32, #tpu.memory_space<hbm>>
      tpu.wait_dma2 semaphore(%arg14 : memref<!tpu.dma_semaphore, #tpu.memory_space<semaphore_mem>>) src(%dma_wait3A_784 : memref<32x128xf32, #tpu.memory_space<hbm>>) dst(%dma_wait3A_782 : memref<32x128xf32, #tpu.memory_space<vmem>>)
      %multiple_of3A_785 = arith.constant 0 : i32
      %multiple_of3A_786 = tpu.assume_multiple %multiple_of3A_785, 128 : i32
      %dma_wait3A_787 = arith.constant 0 : i32
      %dma_wait3A_788 = arith.constant 0 : i32
      %dma_wait3A_789 = tpu.memref_slice %arg10[%rem3A_770, %dma_wait3A_787, %dma_wait3A_788] : memref<8x32x128xf32, #tpu.memory_space<vmem>> -> memref<1x32x128xf32, #tpu.memory_space<vmem>>
      %dma_wait3A_790 = tpu.memref_squeeze %dma_wait3A_789 : memref<1x32x128xf32, #tpu.memory_space<vmem>> -> memref<32x128xf32, #tpu.memory_space<vmem>>
      %dma_wait3A_791 = arith.constant 0 : i32
      %dma_wait3A_792 = tpu.memref_slice %arg5[%dma_wait3A_791, %multiple_of3A_786] : memref<32x1000000xf32, #tpu.memory_space<hbm>> -> memref<32x128xf32, #tpu.memory_space<hbm>>
      %dma_wait3A_793 = arith.constant 0 : i32
      %dma_wait3A_794 = arith.constant 0 : i32
      %dma_wait3A_795 = tpu.memref_slice %arg10[%rem3A_770, %dma_wait3A_793, %dma_wait3A_794] : memref<8x32x128xf32, #tpu.memory_space<vmem>> -> memref<1x32x128xf32, #tpu.memory_space<vmem>>
      %dma_wait3A_796 = tpu.memref_squeeze %dma_wait3A_795 : memref<1x32x128xf32, #tpu.memory_space<vmem>> -> memref<32x128xf32, #tpu.memory_space<vmem>>
      %dma_wait3A_797 = arith.constant 0 : i32
      %dma_wait3A_798 = tpu.memref_slice %arg5[%dma_wait3A_797, %multiple_of3A_786] : memref<32x1000000xf32, #tpu.memory_space<hbm>> -> memref<32x128xf32, #tpu.memory_space<hbm>>
      tpu.wait_dma2 semaphore(%arg15 : memref<!tpu.dma_semaphore, #tpu.memory_space<semaphore_mem>>) src(%dma_wait3A_798 : memref<32x128xf32, #tpu.memory_space<hbm>>) dst(%dma_wait3A_796 : memref<32x128xf32, #tpu.memory_space<vmem>>)
      %slice3A_799 = vector.extract_strided_slice %get3A_336 {offsets = [5], sizes = [1], strides = [1]} : vector<16xi32> to vector<1xi32>
      %squeeze3A_800 = vector.extract %slice3A_799[0] : i32 from vector<1xi32>
      %slice3A_801 = vector.extract_strided_slice %get3A_341 {offsets = [5], sizes = [1], strides = [1]} : vector<16xi32> to vector<1xi32>
      %squeeze3A_802 = vector.extract %slice3A_801[0] : i32 from vector<1xi32>
      %broadcast_in_dim3A_803 = vector.broadcast %rem3A_770 : i32 to vector<16xi32>
      %and3A_804 = arith.constant 127 : i32
      %and3A_805 = arith.andi %squeeze3A_800, %and3A_804 : i32
      %broadcast_in_dim3A_806 = vector.broadcast %and3A_805 : i32 to vector<16xi32>
      %and3A_807 = arith.constant 127 : i32
      %and3A_808 = arith.andi %squeeze3A_802, %and3A_807 : i32
      %broadcast_in_dim3A_809 = vector.broadcast %and3A_808 : i32 to vector<16xi32>
      %mul3A_810 = arith.constant 32 : i32
      %mul3A_811 = arith.muli %add3A_768, %mul3A_810 : i32
      %multiple_of3A_812 = tpu.assume_multiple %mul3A_811, 16 : i32
      %mul3A_813 = arith.constant 32 : i32
      %mul3A_814 = arith.muli %add3A_768, %mul3A_813 : i32
      %add3A_815 = arith.constant 16 : i32
      %add3A_816 = arith.addi %mul3A_814, %add3A_815 : i32
      %multiple_of3A_817 = tpu.assume_multiple %add3A_816, 16 : i32
      %gather3A_818 = tpu.vector_load_idx %arg9[%broadcast_in_dim3A_803, %iota3A, %broadcast_in_dim3A_806] : memref<8x32x128xf32, #tpu.memory_space<vmem>>[vector<16xi32>, vector<16xi32>, vector<16xi32>], vector<16xf32>,
      %swap3A_819 = arith.index_cast %multiple_of3A_812 : i32 to index
      %swap3A_820 = tpu.vector_load %arg11[%swap3A_819] {strides = array<i32>} : memref<16384xf32, #tpu.memory_space<vmem>>, vector<16xf32>,
      tpu.vector_store %arg11[%swap3A_819], %gather3A_818 {strides = array<i32>} : memref<16384xf32, #tpu.memory_space<vmem>>, vector<16xf32>,
      %add3A_821 = arith.constant 16 : i32
      %add3A_822 = vector.broadcast %add3A_821 : i32 to vector<16xi32>
      %add3A_823 = arith.addi %iota3A, %add3A_822 : vector<16xi32>
      %gather3A_824 = tpu.vector_load_idx %arg9[%broadcast_in_dim3A_803, %add3A_823, %broadcast_in_dim3A_806] : memref<8x32x128xf32, #tpu.memory_space<vmem>>[vector<16xi32>, vector<16xi32>, vector<16xi32>], vector<16xf32>,
      %swap3A_825 = arith.index_cast %multiple_of3A_817 : i32 to index
      %swap3A_826 = tpu.vector_load %arg11[%swap3A_825] {strides = array<i32>} : memref<16384xf32, #tpu.memory_space<vmem>>, vector<16xf32>,
      tpu.vector_store %arg11[%swap3A_825], %gather3A_824 {strides = array<i32>} : memref<16384xf32, #tpu.memory_space<vmem>>, vector<16xf32>,
      %gather3A_827 = tpu.vector_load_idx %arg10[%broadcast_in_dim3A_803, %iota3A, %broadcast_in_dim3A_809] : memref<8x32x128xf32, #tpu.memory_space<vmem>>[vector<16xi32>, vector<16xi32>, vector<16xi32>], vector<16xf32>,
      %swap3A_828 = arith.index_cast %multiple_of3A_812 : i32 to index
      %swap3A_829 = tpu.vector_load %arg12[%swap3A_828] {strides = array<i32>} : memref<16384xf32, #tpu.memory_space<vmem>>, vector<16xf32>,
      tpu.vector_store %arg12[%swap3A_828], %gather3A_827 {strides = array<i32>} : memref<16384xf32, #tpu.memory_space<vmem>>, vector<16xf32>,
      %add3A_830 = arith.constant 16 : i32
      %add3A_831 = vector.broadcast %add3A_830 : i32 to vector<16xi32>
      %add3A_832 = arith.addi %iota3A, %add3A_831 : vector<16xi32>
      %gather3A_833 = tpu.vector_load_idx %arg10[%broadcast_in_dim3A_803, %add3A_832, %broadcast_in_dim3A_809] : memref<8x32x128xf32, #tpu.memory_space<vmem>>[vector<16xi32>, vector<16xi32>, vector<16xi32>], vector<16xf32>,
      %swap3A_834 = arith.index_cast %multiple_of3A_817 : i32 to index
      %swap3A_835 = tpu.vector_load %arg12[%swap3A_834] {strides = array<i32>} : memref<16384xf32, #tpu.memory_space<vmem>>, vector<16xf32>,
      tpu.vector_store %arg12[%swap3A_834], %gather3A_833 {strides = array<i32>} : memref<16384xf32, #tpu.memory_space<vmem>>, vector<16xf32>,
      %slice3A_836 = vector.extract_strided_slice %get3A_336 {offsets = [13], sizes = [1], strides = [1]} : vector<16xi32> to vector<1xi32>
      %squeeze3A_837 = vector.extract %slice3A_836[0] : i32 from vector<1xi32>
      %slice3A_838 = vector.extract_strided_slice %get3A_341 {offsets = [13], sizes = [1], strides = [1]} : vector<16xi32> to vector<1xi32>
      %squeeze3A_839 = vector.extract %slice3A_838[0] : i32 from vector<1xi32>
      %add3A_840 = arith.constant 8 : i32
      %add3A_841 = arith.addi %add3A_768, %add3A_840 : i32
      %lt3A_842 = arith.constant 512 : i32
      %lt3A_843 = arith.cmpi slt, %add3A_841, %lt3A_842 : i32
      %convert_element_type3A_844 = arith.extui %lt3A_843 : i1 to i32
      %cond3A_845 = arith.constant 0 : i32
      %cond3A_846 = arith.cmpi ne, %convert_element_type3A_844, %cond3A_845 : i32
      scf.if %cond3A_846 {
        %shift_right_arithmetic3A_1667 = arith.constant 7 : i32
        %shift_right_arithmetic3A_1668 = arith.shrsi %squeeze3A_837, %shift_right_arithmetic3A_1667 : i32
        %shift_left3A_1669 = arith.constant 7 : i32
        %shift_left3A_1670 = arith.shli %shift_right_arithmetic3A_1668, %shift_left3A_1669 : i32
        %multiple_of3A_1671 = tpu.assume_multiple %shift_left3A_1670, 128 : i32
        %dma_start3A_1672 = arith.constant 0 : i32
        %dma_start3A_1673 = arith.constant 0 : i32
        %dma_start3A_1674 = tpu.memref_slice %arg9[%rem3A_770, %dma_start3A_1672, %dma_start3A_1673] : memref<8x32x128xf32, #tpu.memory_space<vmem>> -> memref<1x32x128xf32, #tpu.memory_space<vmem>>
        %dma_start3A_1675 = tpu.memref_squeeze %dma_start3A_1674 : memref<1x32x128xf32, #tpu.memory_space<vmem>> -> memref<32x128xf32, #tpu.memory_space<vmem>>
        %dma_start3A_1676 = arith.constant 0 : i32
        %dma_start3A_1677 = tpu.memref_slice %arg4[%dma_start3A_1676, %multiple_of3A_1671] : memref<32x1000000xf32, #tpu.memory_space<hbm>> -> memref<32x128xf32, #tpu.memory_space<hbm>>
        %dma_start3A_1678 = arith.constant 0 : i32
        %dma_start3A_1679 = arith.constant 0 : i32
        %dma_start3A_1680 = tpu.memref_slice %arg9[%rem3A_770, %dma_start3A_1678, %dma_start3A_1679] : memref<8x32x128xf32, #tpu.memory_space<vmem>> -> memref<1x32x128xf32, #tpu.memory_space<vmem>>
        %dma_start3A_1681 = tpu.memref_squeeze %dma_start3A_1680 : memref<1x32x128xf32, #tpu.memory_space<vmem>> -> memref<32x128xf32, #tpu.memory_space<vmem>>
        %dma_start3A_1682 = arith.constant 0 : i32
        %dma_start3A_1683 = tpu.memref_slice %arg4[%dma_start3A_1682, %multiple_of3A_1671] : memref<32x1000000xf32, #tpu.memory_space<hbm>> -> memref<32x128xf32, #tpu.memory_space<hbm>>
        tpu.enqueue_dma source(%dma_start3A_1683 : memref<32x128xf32, #tpu.memory_space<hbm>>) target(%dma_start3A_1681 : memref<32x128xf32, #tpu.memory_space<vmem>>) target_semaphore(%arg14 : memref<!tpu.dma_semaphore, #tpu.memory_space<semaphore_mem>>)
        %shift_right_arithmetic3A_1684 = arith.constant 7 : i32
        %shift_right_arithmetic3A_1685 = arith.shrsi %squeeze3A_839, %shift_right_arithmetic3A_1684 : i32
        %shift_left3A_1686 = arith.constant 7 : i32
        %shift_left3A_1687 = arith.shli %shift_right_arithmetic3A_1685, %shift_left3A_1686 : i32
        %multiple_of3A_1688 = tpu.assume_multiple %shift_left3A_1687, 128 : i32
        %dma_start3A_1689 = arith.constant 0 : i32
        %dma_start3A_1690 = arith.constant 0 : i32
        %dma_start3A_1691 = tpu.memref_slice %arg10[%rem3A_770, %dma_start3A_1689, %dma_start3A_1690] : memref<8x32x128xf32, #tpu.memory_space<vmem>> -> memref<1x32x128xf32, #tpu.memory_space<vmem>>
        %dma_start3A_1692 = tpu.memref_squeeze %dma_start3A_1691 : memref<1x32x128xf32, #tpu.memory_space<vmem>> -> memref<32x128xf32, #tpu.memory_space<vmem>>
        %dma_start3A_1693 = arith.constant 0 : i32
        %dma_start3A_1694 = tpu.memref_slice %arg5[%dma_start3A_1693, %multiple_of3A_1688] : memref<32x1000000xf32, #tpu.memory_space<hbm>> -> memref<32x128xf32, #tpu.memory_space<hbm>>
        %dma_start3A_1695 = arith.constant 0 : i32
        %dma_start3A_1696 = arith.constant 0 : i32
        %dma_start3A_1697 = tpu.memref_slice %arg10[%rem3A_770, %dma_start3A_1695, %dma_start3A_1696] : memref<8x32x128xf32, #tpu.memory_space<vmem>> -> memref<1x32x128xf32, #tpu.memory_space<vmem>>
        %dma_start3A_1698 = tpu.memref_squeeze %dma_start3A_1697 : memref<1x32x128xf32, #tpu.memory_space<vmem>> -> memref<32x128xf32, #tpu.memory_space<vmem>>
        %dma_start3A_1699 = arith.constant 0 : i32
        %dma_start3A_1700 = tpu.memref_slice %arg5[%dma_start3A_1699, %multiple_of3A_1688] : memref<32x1000000xf32, #tpu.memory_space<hbm>> -> memref<32x128xf32, #tpu.memory_space<hbm>>
        tpu.enqueue_dma source(%dma_start3A_1700 : memref<32x128xf32, #tpu.memory_space<hbm>>) target(%dma_start3A_1698 : memref<32x128xf32, #tpu.memory_space<vmem>>) target_semaphore(%arg15 : memref<!tpu.dma_semaphore, #tpu.memory_space<semaphore_mem>>)
      } else {
      }
      %mul3A_847 = arith.constant 16 : i32
      %mul3A_848 = arith.muli %scan3A_331, %mul3A_847 : i32
      %add3A_849 = arith.constant 6 : i32
      %add3A_850 = arith.addi %mul3A_848, %add3A_849 : i32
      %rem3A_851 = arith.constant 8 : i32
      %rem3A_852 = arith.remsi %add3A_850, %rem3A_851 : i32
      %multiple_of3A_853 = arith.constant 0 : i32
      %multiple_of3A_854 = tpu.assume_multiple %multiple_of3A_853, 128 : i32
      %dma_wait3A_855 = arith.constant 0 : i32
      %dma_wait3A_856 = arith.constant 0 : i32
      %dma_wait3A_857 = tpu.memref_slice %arg9[%rem3A_852, %dma_wait3A_855, %dma_wait3A_856] : memref<8x32x128xf32, #tpu.memory_space<vmem>> -> memref<1x32x128xf32, #tpu.memory_space<vmem>>
      %dma_wait3A_858 = tpu.memref_squeeze %dma_wait3A_857 : memref<1x32x128xf32, #tpu.memory_space<vmem>> -> memref<32x128xf32, #tpu.memory_space<vmem>>
      %dma_wait3A_859 = arith.constant 0 : i32
      %dma_wait3A_860 = tpu.memref_slice %arg4[%dma_wait3A_859, %multiple_of3A_854] : memref<32x1000000xf32, #tpu.memory_space<hbm>> -> memref<32x128xf32, #tpu.memory_space<hbm>>
      %dma_wait3A_861 = arith.constant 0 : i32
      %dma_wait3A_862 = arith.constant 0 : i32
      %dma_wait3A_863 = tpu.memref_slice %arg9[%rem3A_852, %dma_wait3A_861, %dma_wait3A_862] : memref<8x32x128xf32, #tpu.memory_space<vmem>> -> memref<1x32x128xf32, #tpu.memory_space<vmem>>
      %dma_wait3A_864 = tpu.memref_squeeze %dma_wait3A_863 : memref<1x32x128xf32, #tpu.memory_space<vmem>> -> memref<32x128xf32, #tpu.memory_space<vmem>>
      %dma_wait3A_865 = arith.constant 0 : i32
      %dma_wait3A_866 = tpu.memref_slice %arg4[%dma_wait3A_865, %multiple_of3A_854] : memref<32x1000000xf32, #tpu.memory_space<hbm>> -> memref<32x128xf32, #tpu.memory_space<hbm>>
      tpu.wait_dma2 semaphore(%arg14 : memref<!tpu.dma_semaphore, #tpu.memory_space<semaphore_mem>>) src(%dma_wait3A_866 : memref<32x128xf32, #tpu.memory_space<hbm>>) dst(%dma_wait3A_864 : memref<32x128xf32, #tpu.memory_space<vmem>>)
      %multiple_of3A_867 = arith.constant 0 : i32
      %multiple_of3A_868 = tpu.assume_multiple %multiple_of3A_867, 128 : i32
      %dma_wait3A_869 = arith.constant 0 : i32
      %dma_wait3A_870 = arith.constant 0 : i32
      %dma_wait3A_871 = tpu.memref_slice %arg10[%rem3A_852, %dma_wait3A_869, %dma_wait3A_870] : memref<8x32x128xf32, #tpu.memory_space<vmem>> -> memref<1x32x128xf32, #tpu.memory_space<vmem>>
      %dma_wait3A_872 = tpu.memref_squeeze %dma_wait3A_871 : memref<1x32x128xf32, #tpu.memory_space<vmem>> -> memref<32x128xf32, #tpu.memory_space<vmem>>
      %dma_wait3A_873 = arith.constant 0 : i32
      %dma_wait3A_874 = tpu.memref_slice %arg5[%dma_wait3A_873, %multiple_of3A_868] : memref<32x1000000xf32, #tpu.memory_space<hbm>> -> memref<32x128xf32, #tpu.memory_space<hbm>>
      %dma_wait3A_875 = arith.constant 0 : i32
      %dma_wait3A_876 = arith.constant 0 : i32
      %dma_wait3A_877 = tpu.memref_slice %arg10[%rem3A_852, %dma_wait3A_875, %dma_wait3A_876] : memref<8x32x128xf32, #tpu.memory_space<vmem>> -> memref<1x32x128xf32, #tpu.memory_space<vmem>>
      %dma_wait3A_878 = tpu.memref_squeeze %dma_wait3A_877 : memref<1x32x128xf32, #tpu.memory_space<vmem>> -> memref<32x128xf32, #tpu.memory_space<vmem>>
      %dma_wait3A_879 = arith.constant 0 : i32
      %dma_wait3A_880 = tpu.memref_slice %arg5[%dma_wait3A_879, %multiple_of3A_868] : memref<32x1000000xf32, #tpu.memory_space<hbm>> -> memref<32x128xf32, #tpu.memory_space<hbm>>
      tpu.wait_dma2 semaphore(%arg15 : memref<!tpu.dma_semaphore, #tpu.memory_space<semaphore_mem>>) src(%dma_wait3A_880 : memref<32x128xf32, #tpu.memory_space<hbm>>) dst(%dma_wait3A_878 : memref<32x128xf32, #tpu.memory_space<vmem>>)
      %slice3A_881 = vector.extract_strided_slice %get3A_336 {offsets = [6], sizes = [1], strides = [1]} : vector<16xi32> to vector<1xi32>
      %squeeze3A_882 = vector.extract %slice3A_881[0] : i32 from vector<1xi32>
      %slice3A_883 = vector.extract_strided_slice %get3A_341 {offsets = [6], sizes = [1], strides = [1]} : vector<16xi32> to vector<1xi32>
      %squeeze3A_884 = vector.extract %slice3A_883[0] : i32 from vector<1xi32>
      %broadcast_in_dim3A_885 = vector.broadcast %rem3A_852 : i32 to vector<16xi32>
      %and3A_886 = arith.constant 127 : i32
      %and3A_887 = arith.andi %squeeze3A_882, %and3A_886 : i32
      %broadcast_in_dim3A_888 = vector.broadcast %and3A_887 : i32 to vector<16xi32>
      %and3A_889 = arith.constant 127 : i32
      %and3A_890 = arith.andi %squeeze3A_884, %and3A_889 : i32
      %broadcast_in_dim3A_891 = vector.broadcast %and3A_890 : i32 to vector<16xi32>
      %mul3A_892 = arith.constant 32 : i32
      %mul3A_893 = arith.muli %add3A_850, %mul3A_892 : i32
      %multiple_of3A_894 = tpu.assume_multiple %mul3A_893, 16 : i32
      %mul3A_895 = arith.constant 32 : i32
      %mul3A_896 = arith.muli %add3A_850, %mul3A_895 : i32
      %add3A_897 = arith.constant 16 : i32
      %add3A_898 = arith.addi %mul3A_896, %add3A_897 : i32
      %multiple_of3A_899 = tpu.assume_multiple %add3A_898, 16 : i32
      %gather3A_900 = tpu.vector_load_idx %arg9[%broadcast_in_dim3A_885, %iota3A, %broadcast_in_dim3A_888] : memref<8x32x128xf32, #tpu.memory_space<vmem>>[vector<16xi32>, vector<16xi32>, vector<16xi32>], vector<16xf32>,
      %swap3A_901 = arith.index_cast %multiple_of3A_894 : i32 to index
      %swap3A_902 = tpu.vector_load %arg11[%swap3A_901] {strides = array<i32>} : memref<16384xf32, #tpu.memory_space<vmem>>, vector<16xf32>,
      tpu.vector_store %arg11[%swap3A_901], %gather3A_900 {strides = array<i32>} : memref<16384xf32, #tpu.memory_space<vmem>>, vector<16xf32>,
      %add3A_903 = arith.constant 16 : i32
      %add3A_904 = vector.broadcast %add3A_903 : i32 to vector<16xi32>
      %add3A_905 = arith.addi %iota3A, %add3A_904 : vector<16xi32>
      %gather3A_906 = tpu.vector_load_idx %arg9[%broadcast_in_dim3A_885, %add3A_905, %broadcast_in_dim3A_888] : memref<8x32x128xf32, #tpu.memory_space<vmem>>[vector<16xi32>, vector<16xi32>, vector<16xi32>], vector<16xf32>,
      %swap3A_907 = arith.index_cast %multiple_of3A_899 : i32 to index
      %swap3A_908 = tpu.vector_load %arg11[%swap3A_907] {strides = array<i32>} : memref<16384xf32, #tpu.memory_space<vmem>>, vector<16xf32>,
      tpu.vector_store %arg11[%swap3A_907], %gather3A_906 {strides = array<i32>} : memref<16384xf32, #tpu.memory_space<vmem>>, vector<16xf32>,
      %gather3A_909 = tpu.vector_load_idx %arg10[%broadcast_in_dim3A_885, %iota3A, %broadcast_in_dim3A_891] : memref<8x32x128xf32, #tpu.memory_space<vmem>>[vector<16xi32>, vector<16xi32>, vector<16xi32>], vector<16xf32>,
      %swap3A_910 = arith.index_cast %multiple_of3A_894 : i32 to index
      %swap3A_911 = tpu.vector_load %arg12[%swap3A_910] {strides = array<i32>} : memref<16384xf32, #tpu.memory_space<vmem>>, vector<16xf32>,
      tpu.vector_store %arg12[%swap3A_910], %gather3A_909 {strides = array<i32>} : memref<16384xf32, #tpu.memory_space<vmem>>, vector<16xf32>,
      %add3A_912 = arith.constant 16 : i32
      %add3A_913 = vector.broadcast %add3A_912 : i32 to vector<16xi32>
      %add3A_914 = arith.addi %iota3A, %add3A_913 : vector<16xi32>
      %gather3A_915 = tpu.vector_load_idx %arg10[%broadcast_in_dim3A_885, %add3A_914, %broadcast_in_dim3A_891] : memref<8x32x128xf32, #tpu.memory_space<vmem>>[vector<16xi32>, vector<16xi32>, vector<16xi32>], vector<16xf32>,
      %swap3A_916 = arith.index_cast %multiple_of3A_899 : i32 to index
      %swap3A_917 = tpu.vector_load %arg12[%swap3A_916] {strides = array<i32>} : memref<16384xf32, #tpu.memory_space<vmem>>, vector<16xf32>,
      tpu.vector_store %arg12[%swap3A_916], %gather3A_915 {strides = array<i32>} : memref<16384xf32, #tpu.memory_space<vmem>>, vector<16xf32>,
      %slice3A_918 = vector.extract_strided_slice %get3A_336 {offsets = [14], sizes = [1], strides = [1]} : vector<16xi32> to vector<1xi32>
      %squeeze3A_919 = vector.extract %slice3A_918[0] : i32 from vector<1xi32>
      %slice3A_920 = vector.extract_strided_slice %get3A_341 {offsets = [14], sizes = [1], strides = [1]} : vector<16xi32> to vector<1xi32>
      %squeeze3A_921 = vector.extract %slice3A_920[0] : i32 from vector<1xi32>
      %add3A_922 = arith.constant 8 : i32
      %add3A_923 = arith.addi %add3A_850, %add3A_922 : i32
      %lt3A_924 = arith.constant 512 : i32
      %lt3A_925 = arith.cmpi slt, %add3A_923, %lt3A_924 : i32
      %convert_element_type3A_926 = arith.extui %lt3A_925 : i1 to i32
      %cond3A_927 = arith.constant 0 : i32
      %cond3A_928 = arith.cmpi ne, %convert_element_type3A_926, %cond3A_927 : i32
      scf.if %cond3A_928 {
        %shift_right_arithmetic3A_1667 = arith.constant 7 : i32
        %shift_right_arithmetic3A_1668 = arith.shrsi %squeeze3A_919, %shift_right_arithmetic3A_1667 : i32
        %shift_left3A_1669 = arith.constant 7 : i32
        %shift_left3A_1670 = arith.shli %shift_right_arithmetic3A_1668, %shift_left3A_1669 : i32
        %multiple_of3A_1671 = tpu.assume_multiple %shift_left3A_1670, 128 : i32
        %dma_start3A_1672 = arith.constant 0 : i32
        %dma_start3A_1673 = arith.constant 0 : i32
        %dma_start3A_1674 = tpu.memref_slice %arg9[%rem3A_852, %dma_start3A_1672, %dma_start3A_1673] : memref<8x32x128xf32, #tpu.memory_space<vmem>> -> memref<1x32x128xf32, #tpu.memory_space<vmem>>
        %dma_start3A_1675 = tpu.memref_squeeze %dma_start3A_1674 : memref<1x32x128xf32, #tpu.memory_space<vmem>> -> memref<32x128xf32, #tpu.memory_space<vmem>>
        %dma_start3A_1676 = arith.constant 0 : i32
        %dma_start3A_1677 = tpu.memref_slice %arg4[%dma_start3A_1676, %multiple_of3A_1671] : memref<32x1000000xf32, #tpu.memory_space<hbm>> -> memref<32x128xf32, #tpu.memory_space<hbm>>
        %dma_start3A_1678 = arith.constant 0 : i32
        %dma_start3A_1679 = arith.constant 0 : i32
        %dma_start3A_1680 = tpu.memref_slice %arg9[%rem3A_852, %dma_start3A_1678, %dma_start3A_1679] : memref<8x32x128xf32, #tpu.memory_space<vmem>> -> memref<1x32x128xf32, #tpu.memory_space<vmem>>
        %dma_start3A_1681 = tpu.memref_squeeze %dma_start3A_1680 : memref<1x32x128xf32, #tpu.memory_space<vmem>> -> memref<32x128xf32, #tpu.memory_space<vmem>>
        %dma_start3A_1682 = arith.constant 0 : i32
        %dma_start3A_1683 = tpu.memref_slice %arg4[%dma_start3A_1682, %multiple_of3A_1671] : memref<32x1000000xf32, #tpu.memory_space<hbm>> -> memref<32x128xf32, #tpu.memory_space<hbm>>
        tpu.enqueue_dma source(%dma_start3A_1683 : memref<32x128xf32, #tpu.memory_space<hbm>>) target(%dma_start3A_1681 : memref<32x128xf32, #tpu.memory_space<vmem>>) target_semaphore(%arg14 : memref<!tpu.dma_semaphore, #tpu.memory_space<semaphore_mem>>)
        %shift_right_arithmetic3A_1684 = arith.constant 7 : i32
        %shift_right_arithmetic3A_1685 = arith.shrsi %squeeze3A_921, %shift_right_arithmetic3A_1684 : i32
        %shift_left3A_1686 = arith.constant 7 : i32
        %shift_left3A_1687 = arith.shli %shift_right_arithmetic3A_1685, %shift_left3A_1686 : i32
        %multiple_of3A_1688 = tpu.assume_multiple %shift_left3A_1687, 128 : i32
        %dma_start3A_1689 = arith.constant 0 : i32
        %dma_start3A_1690 = arith.constant 0 : i32
        %dma_start3A_1691 = tpu.memref_slice %arg10[%rem3A_852, %dma_start3A_1689, %dma_start3A_1690] : memref<8x32x128xf32, #tpu.memory_space<vmem>> -> memref<1x32x128xf32, #tpu.memory_space<vmem>>
        %dma_start3A_1692 = tpu.memref_squeeze %dma_start3A_1691 : memref<1x32x128xf32, #tpu.memory_space<vmem>> -> memref<32x128xf32, #tpu.memory_space<vmem>>
        %dma_start3A_1693 = arith.constant 0 : i32
        %dma_start3A_1694 = tpu.memref_slice %arg5[%dma_start3A_1693, %multiple_of3A_1688] : memref<32x1000000xf32, #tpu.memory_space<hbm>> -> memref<32x128xf32, #tpu.memory_space<hbm>>
        %dma_start3A_1695 = arith.constant 0 : i32
        %dma_start3A_1696 = arith.constant 0 : i32
        %dma_start3A_1697 = tpu.memref_slice %arg10[%rem3A_852, %dma_start3A_1695, %dma_start3A_1696] : memref<8x32x128xf32, #tpu.memory_space<vmem>> -> memref<1x32x128xf32, #tpu.memory_space<vmem>>
        %dma_start3A_1698 = tpu.memref_squeeze %dma_start3A_1697 : memref<1x32x128xf32, #tpu.memory_space<vmem>> -> memref<32x128xf32, #tpu.memory_space<vmem>>
        %dma_start3A_1699 = arith.constant 0 : i32
        %dma_start3A_1700 = tpu.memref_slice %arg5[%dma_start3A_1699, %multiple_of3A_1688] : memref<32x1000000xf32, #tpu.memory_space<hbm>> -> memref<32x128xf32, #tpu.memory_space<hbm>>
        tpu.enqueue_dma source(%dma_start3A_1700 : memref<32x128xf32, #tpu.memory_space<hbm>>) target(%dma_start3A_1698 : memref<32x128xf32, #tpu.memory_space<vmem>>) target_semaphore(%arg15 : memref<!tpu.dma_semaphore, #tpu.memory_space<semaphore_mem>>)
      } else {
      }
      %mul3A_929 = arith.constant 16 : i32
      %mul3A_930 = arith.muli %scan3A_331, %mul3A_929 : i32
      %add3A_931 = arith.constant 7 : i32
      %add3A_932 = arith.addi %mul3A_930, %add3A_931 : i32
      %rem3A_933 = arith.constant 8 : i32
      %rem3A_934 = arith.remsi %add3A_932, %rem3A_933 : i32
      %multiple_of3A_935 = arith.constant 0 : i32
      %multiple_of3A_936 = tpu.assume_multiple %multiple_of3A_935, 128 : i32
      %dma_wait3A_937 = arith.constant 0 : i32
      %dma_wait3A_938 = arith.constant 0 : i32
      %dma_wait3A_939 = tpu.memref_slice %arg9[%rem3A_934, %dma_wait3A_937, %dma_wait3A_938] : memref<8x32x128xf32, #tpu.memory_space<vmem>> -> memref<1x32x128xf32, #tpu.memory_space<vmem>>
      %dma_wait3A_940 = tpu.memref_squeeze %dma_wait3A_939 : memref<1x32x128xf32, #tpu.memory_space<vmem>> -> memref<32x128xf32, #tpu.memory_space<vmem>>
      %dma_wait3A_941 = arith.constant 0 : i32
      %dma_wait3A_942 = tpu.memref_slice %arg4[%dma_wait3A_941, %multiple_of3A_936] : memref<32x1000000xf32, #tpu.memory_space<hbm>> -> memref<32x128xf32, #tpu.memory_space<hbm>>
      %dma_wait3A_943 = arith.constant 0 : i32
      %dma_wait3A_944 = arith.constant 0 : i32
      %dma_wait3A_945 = tpu.memref_slice %arg9[%rem3A_934, %dma_wait3A_943, %dma_wait3A_944] : memref<8x32x128xf32, #tpu.memory_space<vmem>> -> memref<1x32x128xf32, #tpu.memory_space<vmem>>
      %dma_wait3A_946 = tpu.memref_squeeze %dma_wait3A_945 : memref<1x32x128xf32, #tpu.memory_space<vmem>> -> memref<32x128xf32, #tpu.memory_space<vmem>>
      %dma_wait3A_947 = arith.constant 0 : i32
      %dma_wait3A_948 = tpu.memref_slice %arg4[%dma_wait3A_947, %multiple_of3A_936] : memref<32x1000000xf32, #tpu.memory_space<hbm>> -> memref<32x128xf32, #tpu.memory_space<hbm>>
      tpu.wait_dma2 semaphore(%arg14 : memref<!tpu.dma_semaphore, #tpu.memory_space<semaphore_mem>>) src(%dma_wait3A_948 : memref<32x128xf32, #tpu.memory_space<hbm>>) dst(%dma_wait3A_946 : memref<32x128xf32, #tpu.memory_space<vmem>>)
      %multiple_of3A_949 = arith.constant 0 : i32
      %multiple_of3A_950 = tpu.assume_multiple %multiple_of3A_949, 128 : i32
      %dma_wait3A_951 = arith.constant 0 : i32
      %dma_wait3A_952 = arith.constant 0 : i32
      %dma_wait3A_953 = tpu.memref_slice %arg10[%rem3A_934, %dma_wait3A_951, %dma_wait3A_952] : memref<8x32x128xf32, #tpu.memory_space<vmem>> -> memref<1x32x128xf32, #tpu.memory_space<vmem>>
      %dma_wait3A_954 = tpu.memref_squeeze %dma_wait3A_953 : memref<1x32x128xf32, #tpu.memory_space<vmem>> -> memref<32x128xf32, #tpu.memory_space<vmem>>
      %dma_wait3A_955 = arith.constant 0 : i32
      %dma_wait3A_956 = tpu.memref_slice %arg5[%dma_wait3A_955, %multiple_of3A_950] : memref<32x1000000xf32, #tpu.memory_space<hbm>> -> memref<32x128xf32, #tpu.memory_space<hbm>>
      %dma_wait3A_957 = arith.constant 0 : i32
      %dma_wait3A_958 = arith.constant 0 : i32
      %dma_wait3A_959 = tpu.memref_slice %arg10[%rem3A_934, %dma_wait3A_957, %dma_wait3A_958] : memref<8x32x128xf32, #tpu.memory_space<vmem>> -> memref<1x32x128xf32, #tpu.memory_space<vmem>>
      %dma_wait3A_960 = tpu.memref_squeeze %dma_wait3A_959 : memref<1x32x128xf32, #tpu.memory_space<vmem>> -> memref<32x128xf32, #tpu.memory_space<vmem>>
      %dma_wait3A_961 = arith.constant 0 : i32
      %dma_wait3A_962 = tpu.memref_slice %arg5[%dma_wait3A_961, %multiple_of3A_950] : memref<32x1000000xf32, #tpu.memory_space<hbm>> -> memref<32x128xf32, #tpu.memory_space<hbm>>
      tpu.wait_dma2 semaphore(%arg15 : memref<!tpu.dma_semaphore, #tpu.memory_space<semaphore_mem>>) src(%dma_wait3A_962 : memref<32x128xf32, #tpu.memory_space<hbm>>) dst(%dma_wait3A_960 : memref<32x128xf32, #tpu.memory_space<vmem>>)
      %slice3A_963 = vector.extract_strided_slice %get3A_336 {offsets = [7], sizes = [1], strides = [1]} : vector<16xi32> to vector<1xi32>
      %squeeze3A_964 = vector.extract %slice3A_963[0] : i32 from vector<1xi32>
      %slice3A_965 = vector.extract_strided_slice %get3A_341 {offsets = [7], sizes = [1], strides = [1]} : vector<16xi32> to vector<1xi32>
      %squeeze3A_966 = vector.extract %slice3A_965[0] : i32 from vector<1xi32>
      %broadcast_in_dim3A_967 = vector.broadcast %rem3A_934 : i32 to vector<16xi32>
      %and3A_968 = arith.constant 127 : i32
      %and3A_969 = arith.andi %squeeze3A_964, %and3A_968 : i32
      %broadcast_in_dim3A_970 = vector.broadcast %and3A_969 : i32 to vector<16xi32>
      %and3A_971 = arith.constant 127 : i32
      %and3A_972 = arith.andi %squeeze3A_966, %and3A_971 : i32
      %broadcast_in_dim3A_973 = vector.broadcast %and3A_972 : i32 to vector<16xi32>
      %mul3A_974 = arith.constant 32 : i32
      %mul3A_975 = arith.muli %add3A_932, %mul3A_974 : i32
      %multiple_of3A_976 = tpu.assume_multiple %mul3A_975, 16 : i32
      %mul3A_977 = arith.constant 32 : i32
      %mul3A_978 = arith.muli %add3A_932, %mul3A_977 : i32
      %add3A_979 = arith.constant 16 : i32
      %add3A_980 = arith.addi %mul3A_978, %add3A_979 : i32
      %multiple_of3A_981 = tpu.assume_multiple %add3A_980, 16 : i32
      %gather3A_982 = tpu.vector_load_idx %arg9[%broadcast_in_dim3A_967, %iota3A, %broadcast_in_dim3A_970] : memref<8x32x128xf32, #tpu.memory_space<vmem>>[vector<16xi32>, vector<16xi32>, vector<16xi32>], vector<16xf32>,
      %swap3A_983 = arith.index_cast %multiple_of3A_976 : i32 to index
      %swap3A_984 = tpu.vector_load %arg11[%swap3A_983] {strides = array<i32>} : memref<16384xf32, #tpu.memory_space<vmem>>, vector<16xf32>,
      tpu.vector_store %arg11[%swap3A_983], %gather3A_982 {strides = array<i32>} : memref<16384xf32, #tpu.memory_space<vmem>>, vector<16xf32>,
      %add3A_985 = arith.constant 16 : i32
      %add3A_986 = vector.broadcast %add3A_985 : i32 to vector<16xi32>
      %add3A_987 = arith.addi %iota3A, %add3A_986 : vector<16xi32>
      %gather3A_988 = tpu.vector_load_idx %arg9[%broadcast_in_dim3A_967, %add3A_987, %broadcast_in_dim3A_970] : memref<8x32x128xf32, #tpu.memory_space<vmem>>[vector<16xi32>, vector<16xi32>, vector<16xi32>], vector<16xf32>,
      %swap3A_989 = arith.index_cast %multiple_of3A_981 : i32 to index
      %swap3A_990 = tpu.vector_load %arg11[%swap3A_989] {strides = array<i32>} : memref<16384xf32, #tpu.memory_space<vmem>>, vector<16xf32>,
      tpu.vector_store %arg11[%swap3A_989], %gather3A_988 {strides = array<i32>} : memref<16384xf32, #tpu.memory_space<vmem>>, vector<16xf32>,
      %gather3A_991 = tpu.vector_load_idx %arg10[%broadcast_in_dim3A_967, %iota3A, %broadcast_in_dim3A_973] : memref<8x32x128xf32, #tpu.memory_space<vmem>>[vector<16xi32>, vector<16xi32>, vector<16xi32>], vector<16xf32>,
      %swap3A_992 = arith.index_cast %multiple_of3A_976 : i32 to index
      %swap3A_993 = tpu.vector_load %arg12[%swap3A_992] {strides = array<i32>} : memref<16384xf32, #tpu.memory_space<vmem>>, vector<16xf32>,
      tpu.vector_store %arg12[%swap3A_992], %gather3A_991 {strides = array<i32>} : memref<16384xf32, #tpu.memory_space<vmem>>, vector<16xf32>,
      %add3A_994 = arith.constant 16 : i32
      %add3A_995 = vector.broadcast %add3A_994 : i32 to vector<16xi32>
      %add3A_996 = arith.addi %iota3A, %add3A_995 : vector<16xi32>
      %gather3A_997 = tpu.vector_load_idx %arg10[%broadcast_in_dim3A_967, %add3A_996, %broadcast_in_dim3A_973] : memref<8x32x128xf32, #tpu.memory_space<vmem>>[vector<16xi32>, vector<16xi32>, vector<16xi32>], vector<16xf32>,
      %swap3A_998 = arith.index_cast %multiple_of3A_981 : i32 to index
      %swap3A_999 = tpu.vector_load %arg12[%swap3A_998] {strides = array<i32>} : memref<16384xf32, #tpu.memory_space<vmem>>, vector<16xf32>,
      tpu.vector_store %arg12[%swap3A_998], %gather3A_997 {strides = array<i32>} : memref<16384xf32, #tpu.memory_space<vmem>>, vector<16xf32>,
      %slice3A_1000 = vector.extract_strided_slice %get3A_336 {offsets = [15], sizes = [1], strides = [1]} : vector<16xi32> to vector<1xi32>
      %squeeze3A_1001 = vector.extract %slice3A_1000[0] : i32 from vector<1xi32>
      %slice3A_1002 = vector.extract_strided_slice %get3A_341 {offsets = [15], sizes = [1], strides = [1]} : vector<16xi32> to vector<1xi32>
      %squeeze3A_1003 = vector.extract %slice3A_1002[0] : i32 from vector<1xi32>
      %add3A_1004 = arith.constant 8 : i32
      %add3A_1005 = arith.addi %add3A_932, %add3A_1004 : i32
      %lt3A_1006 = arith.constant 512 : i32
      %lt3A_1007 = arith.cmpi slt, %add3A_1005, %lt3A_1006 : i32
      %convert_element_type3A_1008 = arith.extui %lt3A_1007 : i1 to i32
      %cond3A_1009 = arith.constant 0 : i32
      %cond3A_1010 = arith.cmpi ne, %convert_element_type3A_1008, %cond3A_1009 : i32
      scf.if %cond3A_1010 {
        %shift_right_arithmetic3A_1667 = arith.constant 7 : i32
        %shift_right_arithmetic3A_1668 = arith.shrsi %squeeze3A_1001, %shift_right_arithmetic3A_1667 : i32
        %shift_left3A_1669 = arith.constant 7 : i32
        %shift_left3A_1670 = arith.shli %shift_right_arithmetic3A_1668, %shift_left3A_1669 : i32
        %multiple_of3A_1671 = tpu.assume_multiple %shift_left3A_1670, 128 : i32
        %dma_start3A_1672 = arith.constant 0 : i32
        %dma_start3A_1673 = arith.constant 0 : i32
        %dma_start3A_1674 = tpu.memref_slice %arg9[%rem3A_934, %dma_start3A_1672, %dma_start3A_1673] : memref<8x32x128xf32, #tpu.memory_space<vmem>> -> memref<1x32x128xf32, #tpu.memory_space<vmem>>
        %dma_start3A_1675 = tpu.memref_squeeze %dma_start3A_1674 : memref<1x32x128xf32, #tpu.memory_space<vmem>> -> memref<32x128xf32, #tpu.memory_space<vmem>>
        %dma_start3A_1676 = arith.constant 0 : i32
        %dma_start3A_1677 = tpu.memref_slice %arg4[%dma_start3A_1676, %multiple_of3A_1671] : memref<32x1000000xf32, #tpu.memory_space<hbm>> -> memref<32x128xf32, #tpu.memory_space<hbm>>
        %dma_start3A_1678 = arith.constant 0 : i32
        %dma_start3A_1679 = arith.constant 0 : i32
        %dma_start3A_1680 = tpu.memref_slice %arg9[%rem3A_934, %dma_start3A_1678, %dma_start3A_1679] : memref<8x32x128xf32, #tpu.memory_space<vmem>> -> memref<1x32x128xf32, #tpu.memory_space<vmem>>
        %dma_start3A_1681 = tpu.memref_squeeze %dma_start3A_1680 : memref<1x32x128xf32, #tpu.memory_space<vmem>> -> memref<32x128xf32, #tpu.memory_space<vmem>>
        %dma_start3A_1682 = arith.constant 0 : i32
        %dma_start3A_1683 = tpu.memref_slice %arg4[%dma_start3A_1682, %multiple_of3A_1671] : memref<32x1000000xf32, #tpu.memory_space<hbm>> -> memref<32x128xf32, #tpu.memory_space<hbm>>
        tpu.enqueue_dma source(%dma_start3A_1683 : memref<32x128xf32, #tpu.memory_space<hbm>>) target(%dma_start3A_1681 : memref<32x128xf32, #tpu.memory_space<vmem>>) target_semaphore(%arg14 : memref<!tpu.dma_semaphore, #tpu.memory_space<semaphore_mem>>)
        %shift_right_arithmetic3A_1684 = arith.constant 7 : i32
        %shift_right_arithmetic3A_1685 = arith.shrsi %squeeze3A_1003, %shift_right_arithmetic3A_1684 : i32
        %shift_left3A_1686 = arith.constant 7 : i32
        %shift_left3A_1687 = arith.shli %shift_right_arithmetic3A_1685, %shift_left3A_1686 : i32
        %multiple_of3A_1688 = tpu.assume_multiple %shift_left3A_1687, 128 : i32
        %dma_start3A_1689 = arith.constant 0 : i32
        %dma_start3A_1690 = arith.constant 0 : i32
        %dma_start3A_1691 = tpu.memref_slice %arg10[%rem3A_934, %dma_start3A_1689, %dma_start3A_1690] : memref<8x32x128xf32, #tpu.memory_space<vmem>> -> memref<1x32x128xf32, #tpu.memory_space<vmem>>
        %dma_start3A_1692 = tpu.memref_squeeze %dma_start3A_1691 : memref<1x32x128xf32, #tpu.memory_space<vmem>> -> memref<32x128xf32, #tpu.memory_space<vmem>>
        %dma_start3A_1693 = arith.constant 0 : i32
        %dma_start3A_1694 = tpu.memref_slice %arg5[%dma_start3A_1693, %multiple_of3A_1688] : memref<32x1000000xf32, #tpu.memory_space<hbm>> -> memref<32x128xf32, #tpu.memory_space<hbm>>
        %dma_start3A_1695 = arith.constant 0 : i32
        %dma_start3A_1696 = arith.constant 0 : i32
        %dma_start3A_1697 = tpu.memref_slice %arg10[%rem3A_934, %dma_start3A_1695, %dma_start3A_1696] : memref<8x32x128xf32, #tpu.memory_space<vmem>> -> memref<1x32x128xf32, #tpu.memory_space<vmem>>
        %dma_start3A_1698 = tpu.memref_squeeze %dma_start3A_1697 : memref<1x32x128xf32, #tpu.memory_space<vmem>> -> memref<32x128xf32, #tpu.memory_space<vmem>>
        %dma_start3A_1699 = arith.constant 0 : i32
        %dma_start3A_1700 = tpu.memref_slice %arg5[%dma_start3A_1699, %multiple_of3A_1688] : memref<32x1000000xf32, #tpu.memory_space<hbm>> -> memref<32x128xf32, #tpu.memory_space<hbm>>
        tpu.enqueue_dma source(%dma_start3A_1700 : memref<32x128xf32, #tpu.memory_space<hbm>>) target(%dma_start3A_1698 : memref<32x128xf32, #tpu.memory_space<vmem>>) target_semaphore(%arg15 : memref<!tpu.dma_semaphore, #tpu.memory_space<semaphore_mem>>)
      } else {
      }
      %mul3A_1011 = arith.constant 16 : i32
      %mul3A_1012 = arith.muli %scan3A_331, %mul3A_1011 : i32
      %add3A_1013 = arith.constant 8 : i32
      %add3A_1014 = arith.addi %mul3A_1012, %add3A_1013 : i32
      %rem3A_1015 = arith.constant 8 : i32
      %rem3A_1016 = arith.remsi %add3A_1014, %rem3A_1015 : i32
      %multiple_of3A_1017 = arith.constant 0 : i32
      %multiple_of3A_1018 = tpu.assume_multiple %multiple_of3A_1017, 128 : i32
      %dma_wait3A_1019 = arith.constant 0 : i32
      %dma_wait3A_1020 = arith.constant 0 : i32
      %dma_wait3A_1021 = tpu.memref_slice %arg9[%rem3A_1016, %dma_wait3A_1019, %dma_wait3A_1020] : memref<8x32x128xf32, #tpu.memory_space<vmem>> -> memref<1x32x128xf32, #tpu.memory_space<vmem>>
      %dma_wait3A_1022 = tpu.memref_squeeze %dma_wait3A_1021 : memref<1x32x128xf32, #tpu.memory_space<vmem>> -> memref<32x128xf32, #tpu.memory_space<vmem>>
      %dma_wait3A_1023 = arith.constant 0 : i32
      %dma_wait3A_1024 = tpu.memref_slice %arg4[%dma_wait3A_1023, %multiple_of3A_1018] : memref<32x1000000xf32, #tpu.memory_space<hbm>> -> memref<32x128xf32, #tpu.memory_space<hbm>>
      %dma_wait3A_1025 = arith.constant 0 : i32
      %dma_wait3A_1026 = arith.constant 0 : i32
      %dma_wait3A_1027 = tpu.memref_slice %arg9[%rem3A_1016, %dma_wait3A_1025, %dma_wait3A_1026] : memref<8x32x128xf32, #tpu.memory_space<vmem>> -> memref<1x32x128xf32, #tpu.memory_space<vmem>>
      %dma_wait3A_1028 = tpu.memref_squeeze %dma_wait3A_1027 : memref<1x32x128xf32, #tpu.memory_space<vmem>> -> memref<32x128xf32, #tpu.memory_space<vmem>>
      %dma_wait3A_1029 = arith.constant 0 : i32
      %dma_wait3A_1030 = tpu.memref_slice %arg4[%dma_wait3A_1029, %multiple_of3A_1018] : memref<32x1000000xf32, #tpu.memory_space<hbm>> -> memref<32x128xf32, #tpu.memory_space<hbm>>
      tpu.wait_dma2 semaphore(%arg14 : memref<!tpu.dma_semaphore, #tpu.memory_space<semaphore_mem>>) src(%dma_wait3A_1030 : memref<32x128xf32, #tpu.memory_space<hbm>>) dst(%dma_wait3A_1028 : memref<32x128xf32, #tpu.memory_space<vmem>>)
      %multiple_of3A_1031 = arith.constant 0 : i32
      %multiple_of3A_1032 = tpu.assume_multiple %multiple_of3A_1031, 128 : i32
      %dma_wait3A_1033 = arith.constant 0 : i32
      %dma_wait3A_1034 = arith.constant 0 : i32
      %dma_wait3A_1035 = tpu.memref_slice %arg10[%rem3A_1016, %dma_wait3A_1033, %dma_wait3A_1034] : memref<8x32x128xf32, #tpu.memory_space<vmem>> -> memref<1x32x128xf32, #tpu.memory_space<vmem>>
      %dma_wait3A_1036 = tpu.memref_squeeze %dma_wait3A_1035 : memref<1x32x128xf32, #tpu.memory_space<vmem>> -> memref<32x128xf32, #tpu.memory_space<vmem>>
      %dma_wait3A_1037 = arith.constant 0 : i32
      %dma_wait3A_1038 = tpu.memref_slice %arg5[%dma_wait3A_1037, %multiple_of3A_1032] : memref<32x1000000xf32, #tpu.memory_space<hbm>> -> memref<32x128xf32, #tpu.memory_space<hbm>>
      %dma_wait3A_1039 = arith.constant 0 : i32
      %dma_wait3A_1040 = arith.constant 0 : i32
      %dma_wait3A_1041 = tpu.memref_slice %arg10[%rem3A_1016, %dma_wait3A_1039, %dma_wait3A_1040] : memref<8x32x128xf32, #tpu.memory_space<vmem>> -> memref<1x32x128xf32, #tpu.memory_space<vmem>>
      %dma_wait3A_1042 = tpu.memref_squeeze %dma_wait3A_1041 : memref<1x32x128xf32, #tpu.memory_space<vmem>> -> memref<32x128xf32, #tpu.memory_space<vmem>>
      %dma_wait3A_1043 = arith.constant 0 : i32
      %dma_wait3A_1044 = tpu.memref_slice %arg5[%dma_wait3A_1043, %multiple_of3A_1032] : memref<32x1000000xf32, #tpu.memory_space<hbm>> -> memref<32x128xf32, #tpu.memory_space<hbm>>
      tpu.wait_dma2 semaphore(%arg15 : memref<!tpu.dma_semaphore, #tpu.memory_space<semaphore_mem>>) src(%dma_wait3A_1044 : memref<32x128xf32, #tpu.memory_space<hbm>>) dst(%dma_wait3A_1042 : memref<32x128xf32, #tpu.memory_space<vmem>>)
      %slice3A_1045 = vector.extract_strided_slice %get3A_336 {offsets = [8], sizes = [1], strides = [1]} : vector<16xi32> to vector<1xi32>
      %squeeze3A_1046 = vector.extract %slice3A_1045[0] : i32 from vector<1xi32>
      %slice3A_1047 = vector.extract_strided_slice %get3A_341 {offsets = [8], sizes = [1], strides = [1]} : vector<16xi32> to vector<1xi32>
      %squeeze3A_1048 = vector.extract %slice3A_1047[0] : i32 from vector<1xi32>
      %broadcast_in_dim3A_1049 = vector.broadcast %rem3A_1016 : i32 to vector<16xi32>
      %and3A_1050 = arith.constant 127 : i32
      %and3A_1051 = arith.andi %squeeze3A_1046, %and3A_1050 : i32
      %broadcast_in_dim3A_1052 = vector.broadcast %and3A_1051 : i32 to vector<16xi32>
      %and3A_1053 = arith.constant 127 : i32
      %and3A_1054 = arith.andi %squeeze3A_1048, %and3A_1053 : i32
      %broadcast_in_dim3A_1055 = vector.broadcast %and3A_1054 : i32 to vector<16xi32>
      %mul3A_1056 = arith.constant 32 : i32
      %mul3A_1057 = arith.muli %add3A_1014, %mul3A_1056 : i32
      %multiple_of3A_1058 = tpu.assume_multiple %mul3A_1057, 16 : i32
      %mul3A_1059 = arith.constant 32 : i32
      %mul3A_1060 = arith.muli %add3A_1014, %mul3A_1059 : i32
      %add3A_1061 = arith.constant 16 : i32
      %add3A_1062 = arith.addi %mul3A_1060, %add3A_1061 : i32
      %multiple_of3A_1063 = tpu.assume_multiple %add3A_1062, 16 : i32
      %gather3A_1064 = tpu.vector_load_idx %arg9[%broadcast_in_dim3A_1049, %iota3A, %broadcast_in_dim3A_1052] : memref<8x32x128xf32, #tpu.memory_space<vmem>>[vector<16xi32>, vector<16xi32>, vector<16xi32>], vector<16xf32>,
      %swap3A_1065 = arith.index_cast %multiple_of3A_1058 : i32 to index
      %swap3A_1066 = tpu.vector_load %arg11[%swap3A_1065] {strides = array<i32>} : memref<16384xf32, #tpu.memory_space<vmem>>, vector<16xf32>,
      tpu.vector_store %arg11[%swap3A_1065], %gather3A_1064 {strides = array<i32>} : memref<16384xf32, #tpu.memory_space<vmem>>, vector<16xf32>,
      %add3A_1067 = arith.constant 16 : i32
      %add3A_1068 = vector.broadcast %add3A_1067 : i32 to vector<16xi32>
      %add3A_1069 = arith.addi %iota3A, %add3A_1068 : vector<16xi32>
      %gather3A_1070 = tpu.vector_load_idx %arg9[%broadcast_in_dim3A_1049, %add3A_1069, %broadcast_in_dim3A_1052] : memref<8x32x128xf32, #tpu.memory_space<vmem>>[vector<16xi32>, vector<16xi32>, vector<16xi32>], vector<16xf32>,
      %swap3A_1071 = arith.index_cast %multiple_of3A_1063 : i32 to index
      %swap3A_1072 = tpu.vector_load %arg11[%swap3A_1071] {strides = array<i32>} : memref<16384xf32, #tpu.memory_space<vmem>>, vector<16xf32>,
      tpu.vector_store %arg11[%swap3A_1071], %gather3A_1070 {strides = array<i32>} : memref<16384xf32, #tpu.memory_space<vmem>>, vector<16xf32>,
      %gather3A_1073 = tpu.vector_load_idx %arg10[%broadcast_in_dim3A_1049, %iota3A, %broadcast_in_dim3A_1055] : memref<8x32x128xf32, #tpu.memory_space<vmem>>[vector<16xi32>, vector<16xi32>, vector<16xi32>], vector<16xf32>,
      %swap3A_1074 = arith.index_cast %multiple_of3A_1058 : i32 to index
      %swap3A_1075 = tpu.vector_load %arg12[%swap3A_1074] {strides = array<i32>} : memref<16384xf32, #tpu.memory_space<vmem>>, vector<16xf32>,
      tpu.vector_store %arg12[%swap3A_1074], %gather3A_1073 {strides = array<i32>} : memref<16384xf32, #tpu.memory_space<vmem>>, vector<16xf32>,
      %add3A_1076 = arith.constant 16 : i32
      %add3A_1077 = vector.broadcast %add3A_1076 : i32 to vector<16xi32>
      %add3A_1078 = arith.addi %iota3A, %add3A_1077 : vector<16xi32>
      %gather3A_1079 = tpu.vector_load_idx %arg10[%broadcast_in_dim3A_1049, %add3A_1078, %broadcast_in_dim3A_1055] : memref<8x32x128xf32, #tpu.memory_space<vmem>>[vector<16xi32>, vector<16xi32>, vector<16xi32>], vector<16xf32>,
      %swap3A_1080 = arith.index_cast %multiple_of3A_1063 : i32 to index
      %swap3A_1081 = tpu.vector_load %arg12[%swap3A_1080] {strides = array<i32>} : memref<16384xf32, #tpu.memory_space<vmem>>, vector<16xf32>,
      tpu.vector_store %arg12[%swap3A_1080], %gather3A_1079 {strides = array<i32>} : memref<16384xf32, #tpu.memory_space<vmem>>, vector<16xf32>,
      %slice3A_1082 = vector.extract_strided_slice %get3A_348 {offsets = [0], sizes = [1], strides = [1]} : vector<16xi32> to vector<1xi32>
      %squeeze3A_1083 = vector.extract %slice3A_1082[0] : i32 from vector<1xi32>
      %slice3A_1084 = vector.extract_strided_slice %get3A_355 {offsets = [0], sizes = [1], strides = [1]} : vector<16xi32> to vector<1xi32>
      %squeeze3A_1085 = vector.extract %slice3A_1084[0] : i32 from vector<1xi32>
      %add3A_1086 = arith.constant 8 : i32
      %add3A_1087 = arith.addi %add3A_1014, %add3A_1086 : i32
      %lt3A_1088 = arith.constant 512 : i32
      %lt3A_1089 = arith.cmpi slt, %add3A_1087, %lt3A_1088 : i32
      %convert_element_type3A_1090 = arith.extui %lt3A_1089 : i1 to i32
      %cond3A_1091 = arith.constant 0 : i32
      %cond3A_1092 = arith.cmpi ne, %convert_element_type3A_1090, %cond3A_1091 : i32
      scf.if %cond3A_1092 {
        %shift_right_arithmetic3A_1667 = arith.constant 7 : i32
        %shift_right_arithmetic3A_1668 = arith.shrsi %squeeze3A_1083, %shift_right_arithmetic3A_1667 : i32
        %shift_left3A_1669 = arith.constant 7 : i32
        %shift_left3A_1670 = arith.shli %shift_right_arithmetic3A_1668, %shift_left3A_1669 : i32
        %multiple_of3A_1671 = tpu.assume_multiple %shift_left3A_1670, 128 : i32
        %dma_start3A_1672 = arith.constant 0 : i32
        %dma_start3A_1673 = arith.constant 0 : i32
        %dma_start3A_1674 = tpu.memref_slice %arg9[%rem3A_1016, %dma_start3A_1672, %dma_start3A_1673] : memref<8x32x128xf32, #tpu.memory_space<vmem>> -> memref<1x32x128xf32, #tpu.memory_space<vmem>>
        %dma_start3A_1675 = tpu.memref_squeeze %dma_start3A_1674 : memref<1x32x128xf32, #tpu.memory_space<vmem>> -> memref<32x128xf32, #tpu.memory_space<vmem>>
        %dma_start3A_1676 = arith.constant 0 : i32
        %dma_start3A_1677 = tpu.memref_slice %arg4[%dma_start3A_1676, %multiple_of3A_1671] : memref<32x1000000xf32, #tpu.memory_space<hbm>> -> memref<32x128xf32, #tpu.memory_space<hbm>>
        %dma_start3A_1678 = arith.constant 0 : i32
        %dma_start3A_1679 = arith.constant 0 : i32
        %dma_start3A_1680 = tpu.memref_slice %arg9[%rem3A_1016, %dma_start3A_1678, %dma_start3A_1679] : memref<8x32x128xf32, #tpu.memory_space<vmem>> -> memref<1x32x128xf32, #tpu.memory_space<vmem>>
        %dma_start3A_1681 = tpu.memref_squeeze %dma_start3A_1680 : memref<1x32x128xf32, #tpu.memory_space<vmem>> -> memref<32x128xf32, #tpu.memory_space<vmem>>
        %dma_start3A_1682 = arith.constant 0 : i32
        %dma_start3A_1683 = tpu.memref_slice %arg4[%dma_start3A_1682, %multiple_of3A_1671] : memref<32x1000000xf32, #tpu.memory_space<hbm>> -> memref<32x128xf32, #tpu.memory_space<hbm>>
        tpu.enqueue_dma source(%dma_start3A_1683 : memref<32x128xf32, #tpu.memory_space<hbm>>) target(%dma_start3A_1681 : memref<32x128xf32, #tpu.memory_space<vmem>>) target_semaphore(%arg14 : memref<!tpu.dma_semaphore, #tpu.memory_space<semaphore_mem>>)
        %shift_right_arithmetic3A_1684 = arith.constant 7 : i32
        %shift_right_arithmetic3A_1685 = arith.shrsi %squeeze3A_1085, %shift_right_arithmetic3A_1684 : i32
        %shift_left3A_1686 = arith.constant 7 : i32
        %shift_left3A_1687 = arith.shli %shift_right_arithmetic3A_1685, %shift_left3A_1686 : i32
        %multiple_of3A_1688 = tpu.assume_multiple %shift_left3A_1687, 128 : i32
        %dma_start3A_1689 = arith.constant 0 : i32
        %dma_start3A_1690 = arith.constant 0 : i32
        %dma_start3A_1691 = tpu.memref_slice %arg10[%rem3A_1016, %dma_start3A_1689, %dma_start3A_1690] : memref<8x32x128xf32, #tpu.memory_space<vmem>> -> memref<1x32x128xf32, #tpu.memory_space<vmem>>
        %dma_start3A_1692 = tpu.memref_squeeze %dma_start3A_1691 : memref<1x32x128xf32, #tpu.memory_space<vmem>> -> memref<32x128xf32, #tpu.memory_space<vmem>>
        %dma_start3A_1693 = arith.constant 0 : i32
        %dma_start3A_1694 = tpu.memref_slice %arg5[%dma_start3A_1693, %multiple_of3A_1688] : memref<32x1000000xf32, #tpu.memory_space<hbm>> -> memref<32x128xf32, #tpu.memory_space<hbm>>
        %dma_start3A_1695 = arith.constant 0 : i32
        %dma_start3A_1696 = arith.constant 0 : i32
        %dma_start3A_1697 = tpu.memref_slice %arg10[%rem3A_1016, %dma_start3A_1695, %dma_start3A_1696] : memref<8x32x128xf32, #tpu.memory_space<vmem>> -> memref<1x32x128xf32, #tpu.memory_space<vmem>>
        %dma_start3A_1698 = tpu.memref_squeeze %dma_start3A_1697 : memref<1x32x128xf32, #tpu.memory_space<vmem>> -> memref<32x128xf32, #tpu.memory_space<vmem>>
        %dma_start3A_1699 = arith.constant 0 : i32
        %dma_start3A_1700 = tpu.memref_slice %arg5[%dma_start3A_1699, %multiple_of3A_1688] : memref<32x1000000xf32, #tpu.memory_space<hbm>> -> memref<32x128xf32, #tpu.memory_space<hbm>>
        tpu.enqueue_dma source(%dma_start3A_1700 : memref<32x128xf32, #tpu.memory_space<hbm>>) target(%dma_start3A_1698 : memref<32x128xf32, #tpu.memory_space<vmem>>) target_semaphore(%arg15 : memref<!tpu.dma_semaphore, #tpu.memory_space<semaphore_mem>>)
      } else {
      }
      %mul3A_1093 = arith.constant 16 : i32
      %mul3A_1094 = arith.muli %scan3A_331, %mul3A_1093 : i32
      %add3A_1095 = arith.constant 9 : i32
      %add3A_1096 = arith.addi %mul3A_1094, %add3A_1095 : i32
      %rem3A_1097 = arith.constant 8 : i32
      %rem3A_1098 = arith.remsi %add3A_1096, %rem3A_1097 : i32
      %multiple_of3A_1099 = arith.constant 0 : i32
      %multiple_of3A_1100 = tpu.assume_multiple %multiple_of3A_1099, 128 : i32
      %dma_wait3A_1101 = arith.constant 0 : i32
      %dma_wait3A_1102 = arith.constant 0 : i32
      %dma_wait3A_1103 = tpu.memref_slice %arg9[%rem3A_1098, %dma_wait3A_1101, %dma_wait3A_1102] : memref<8x32x128xf32, #tpu.memory_space<vmem>> -> memref<1x32x128xf32, #tpu.memory_space<vmem>>
      %dma_wait3A_1104 = tpu.memref_squeeze %dma_wait3A_1103 : memref<1x32x128xf32, #tpu.memory_space<vmem>> -> memref<32x128xf32, #tpu.memory_space<vmem>>
      %dma_wait3A_1105 = arith.constant 0 : i32
      %dma_wait3A_1106 = tpu.memref_slice %arg4[%dma_wait3A_1105, %multiple_of3A_1100] : memref<32x1000000xf32, #tpu.memory_space<hbm>> -> memref<32x128xf32, #tpu.memory_space<hbm>>
      %dma_wait3A_1107 = arith.constant 0 : i32
      %dma_wait3A_1108 = arith.constant 0 : i32
      %dma_wait3A_1109 = tpu.memref_slice %arg9[%rem3A_1098, %dma_wait3A_1107, %dma_wait3A_1108] : memref<8x32x128xf32, #tpu.memory_space<vmem>> -> memref<1x32x128xf32, #tpu.memory_space<vmem>>
      %dma_wait3A_1110 = tpu.memref_squeeze %dma_wait3A_1109 : memref<1x32x128xf32, #tpu.memory_space<vmem>> -> memref<32x128xf32, #tpu.memory_space<vmem>>
      %dma_wait3A_1111 = arith.constant 0 : i32
      %dma_wait3A_1112 = tpu.memref_slice %arg4[%dma_wait3A_1111, %multiple_of3A_1100] : memref<32x1000000xf32, #tpu.memory_space<hbm>> -> memref<32x128xf32, #tpu.memory_space<hbm>>
      tpu.wait_dma2 semaphore(%arg14 : memref<!tpu.dma_semaphore, #tpu.memory_space<semaphore_mem>>) src(%dma_wait3A_1112 : memref<32x128xf32, #tpu.memory_space<hbm>>) dst(%dma_wait3A_1110 : memref<32x128xf32, #tpu.memory_space<vmem>>)
      %multiple_of3A_1113 = arith.constant 0 : i32
      %multiple_of3A_1114 = tpu.assume_multiple %multiple_of3A_1113, 128 : i32
      %dma_wait3A_1115 = arith.constant 0 : i32
      %dma_wait3A_1116 = arith.constant 0 : i32
      %dma_wait3A_1117 = tpu.memref_slice %arg10[%rem3A_1098, %dma_wait3A_1115, %dma_wait3A_1116] : memref<8x32x128xf32, #tpu.memory_space<vmem>> -> memref<1x32x128xf32, #tpu.memory_space<vmem>>
      %dma_wait3A_1118 = tpu.memref_squeeze %dma_wait3A_1117 : memref<1x32x128xf32, #tpu.memory_space<vmem>> -> memref<32x128xf32, #tpu.memory_space<vmem>>
      %dma_wait3A_1119 = arith.constant 0 : i32
      %dma_wait3A_1120 = tpu.memref_slice %arg5[%dma_wait3A_1119, %multiple_of3A_1114] : memref<32x1000000xf32, #tpu.memory_space<hbm>> -> memref<32x128xf32, #tpu.memory_space<hbm>>
      %dma_wait3A_1121 = arith.constant 0 : i32
      %dma_wait3A_1122 = arith.constant 0 : i32
      %dma_wait3A_1123 = tpu.memref_slice %arg10[%rem3A_1098, %dma_wait3A_1121, %dma_wait3A_1122] : memref<8x32x128xf32, #tpu.memory_space<vmem>> -> memref<1x32x128xf32, #tpu.memory_space<vmem>>
      %dma_wait3A_1124 = tpu.memref_squeeze %dma_wait3A_1123 : memref<1x32x128xf32, #tpu.memory_space<vmem>> -> memref<32x128xf32, #tpu.memory_space<vmem>>
      %dma_wait3A_1125 = arith.constant 0 : i32
      %dma_wait3A_1126 = tpu.memref_slice %arg5[%dma_wait3A_1125, %multiple_of3A_1114] : memref<32x1000000xf32, #tpu.memory_space<hbm>> -> memref<32x128xf32, #tpu.memory_space<hbm>>
      tpu.wait_dma2 semaphore(%arg15 : memref<!tpu.dma_semaphore, #tpu.memory_space<semaphore_mem>>) src(%dma_wait3A_1126 : memref<32x128xf32, #tpu.memory_space<hbm>>) dst(%dma_wait3A_1124 : memref<32x128xf32, #tpu.memory_space<vmem>>)
      %slice3A_1127 = vector.extract_strided_slice %get3A_336 {offsets = [9], sizes = [1], strides = [1]} : vector<16xi32> to vector<1xi32>
      %squeeze3A_1128 = vector.extract %slice3A_1127[0] : i32 from vector<1xi32>
      %slice3A_1129 = vector.extract_strided_slice %get3A_341 {offsets = [9], sizes = [1], strides = [1]} : vector<16xi32> to vector<1xi32>
      %squeeze3A_1130 = vector.extract %slice3A_1129[0] : i32 from vector<1xi32>
      %broadcast_in_dim3A_1131 = vector.broadcast %rem3A_1098 : i32 to vector<16xi32>
      %and3A_1132 = arith.constant 127 : i32
      %and3A_1133 = arith.andi %squeeze3A_1128, %and3A_1132 : i32
      %broadcast_in_dim3A_1134 = vector.broadcast %and3A_1133 : i32 to vector<16xi32>
      %and3A_1135 = arith.constant 127 : i32
      %and3A_1136 = arith.andi %squeeze3A_1130, %and3A_1135 : i32
      %broadcast_in_dim3A_1137 = vector.broadcast %and3A_1136 : i32 to vector<16xi32>
      %mul3A_1138 = arith.constant 32 : i32
      %mul3A_1139 = arith.muli %add3A_1096, %mul3A_1138 : i32
      %multiple_of3A_1140 = tpu.assume_multiple %mul3A_1139, 16 : i32
      %mul3A_1141 = arith.constant 32 : i32
      %mul3A_1142 = arith.muli %add3A_1096, %mul3A_1141 : i32
      %add3A_1143 = arith.constant 16 : i32
      %add3A_1144 = arith.addi %mul3A_1142, %add3A_1143 : i32
      %multiple_of3A_1145 = tpu.assume_multiple %add3A_1144, 16 : i32
      %gather3A_1146 = tpu.vector_load_idx %arg9[%broadcast_in_dim3A_1131, %iota3A, %broadcast_in_dim3A_1134] : memref<8x32x128xf32, #tpu.memory_space<vmem>>[vector<16xi32>, vector<16xi32>, vector<16xi32>], vector<16xf32>,
      %swap3A_1147 = arith.index_cast %multiple_of3A_1140 : i32 to index
      %swap3A_1148 = tpu.vector_load %arg11[%swap3A_1147] {strides = array<i32>} : memref<16384xf32, #tpu.memory_space<vmem>>, vector<16xf32>,
      tpu.vector_store %arg11[%swap3A_1147], %gather3A_1146 {strides = array<i32>} : memref<16384xf32, #tpu.memory_space<vmem>>, vector<16xf32>,
      %add3A_1149 = arith.constant 16 : i32
      %add3A_1150 = vector.broadcast %add3A_1149 : i32 to vector<16xi32>
      %add3A_1151 = arith.addi %iota3A, %add3A_1150 : vector<16xi32>
      %gather3A_1152 = tpu.vector_load_idx %arg9[%broadcast_in_dim3A_1131, %add3A_1151, %broadcast_in_dim3A_1134] : memref<8x32x128xf32, #tpu.memory_space<vmem>>[vector<16xi32>, vector<16xi32>, vector<16xi32>], vector<16xf32>,
      %swap3A_1153 = arith.index_cast %multiple_of3A_1145 : i32 to index
      %swap3A_1154 = tpu.vector_load %arg11[%swap3A_1153] {strides = array<i32>} : memref<16384xf32, #tpu.memory_space<vmem>>, vector<16xf32>,
      tpu.vector_store %arg11[%swap3A_1153], %gather3A_1152 {strides = array<i32>} : memref<16384xf32, #tpu.memory_space<vmem>>, vector<16xf32>,
      %gather3A_1155 = tpu.vector_load_idx %arg10[%broadcast_in_dim3A_1131, %iota3A, %broadcast_in_dim3A_1137] : memref<8x32x128xf32, #tpu.memory_space<vmem>>[vector<16xi32>, vector<16xi32>, vector<16xi32>], vector<16xf32>,
      %swap3A_1156 = arith.index_cast %multiple_of3A_1140 : i32 to index
      %swap3A_1157 = tpu.vector_load %arg12[%swap3A_1156] {strides = array<i32>} : memref<16384xf32, #tpu.memory_space<vmem>>, vector<16xf32>,
      tpu.vector_store %arg12[%swap3A_1156], %gather3A_1155 {strides = array<i32>} : memref<16384xf32, #tpu.memory_space<vmem>>, vector<16xf32>,
      %add3A_1158 = arith.constant 16 : i32
      %add3A_1159 = vector.broadcast %add3A_1158 : i32 to vector<16xi32>
      %add3A_1160 = arith.addi %iota3A, %add3A_1159 : vector<16xi32>
      %gather3A_1161 = tpu.vector_load_idx %arg10[%broadcast_in_dim3A_1131, %add3A_1160, %broadcast_in_dim3A_1137] : memref<8x32x128xf32, #tpu.memory_space<vmem>>[vector<16xi32>, vector<16xi32>, vector<16xi32>], vector<16xf32>,
      %swap3A_1162 = arith.index_cast %multiple_of3A_1145 : i32 to index
      %swap3A_1163 = tpu.vector_load %arg12[%swap3A_1162] {strides = array<i32>} : memref<16384xf32, #tpu.memory_space<vmem>>, vector<16xf32>,
      tpu.vector_store %arg12[%swap3A_1162], %gather3A_1161 {strides = array<i32>} : memref<16384xf32, #tpu.memory_space<vmem>>, vector<16xf32>,
      %slice3A_1164 = vector.extract_strided_slice %get3A_348 {offsets = [1], sizes = [1], strides = [1]} : vector<16xi32> to vector<1xi32>
      %squeeze3A_1165 = vector.extract %slice3A_1164[0] : i32 from vector<1xi32>
      %slice3A_1166 = vector.extract_strided_slice %get3A_355 {offsets = [1], sizes = [1], strides = [1]} : vector<16xi32> to vector<1xi32>
      %squeeze3A_1167 = vector.extract %slice3A_1166[0] : i32 from vector<1xi32>
      %add3A_1168 = arith.constant 8 : i32
      %add3A_1169 = arith.addi %add3A_1096, %add3A_1168 : i32
      %lt3A_1170 = arith.constant 512 : i32
      %lt3A_1171 = arith.cmpi slt, %add3A_1169, %lt3A_1170 : i32
      %convert_element_type3A_1172 = arith.extui %lt3A_1171 : i1 to i32
      %cond3A_1173 = arith.constant 0 : i32
      %cond3A_1174 = arith.cmpi ne, %convert_element_type3A_1172, %cond3A_1173 : i32
      scf.if %cond3A_1174 {
        %shift_right_arithmetic3A_1667 = arith.constant 7 : i32
        %shift_right_arithmetic3A_1668 = arith.shrsi %squeeze3A_1165, %shift_right_arithmetic3A_1667 : i32
        %shift_left3A_1669 = arith.constant 7 : i32
        %shift_left3A_1670 = arith.shli %shift_right_arithmetic3A_1668, %shift_left3A_1669 : i32
        %multiple_of3A_1671 = tpu.assume_multiple %shift_left3A_1670, 128 : i32
        %dma_start3A_1672 = arith.constant 0 : i32
        %dma_start3A_1673 = arith.constant 0 : i32
        %dma_start3A_1674 = tpu.memref_slice %arg9[%rem3A_1098, %dma_start3A_1672, %dma_start3A_1673] : memref<8x32x128xf32, #tpu.memory_space<vmem>> -> memref<1x32x128xf32, #tpu.memory_space<vmem>>
        %dma_start3A_1675 = tpu.memref_squeeze %dma_start3A_1674 : memref<1x32x128xf32, #tpu.memory_space<vmem>> -> memref<32x128xf32, #tpu.memory_space<vmem>>
        %dma_start3A_1676 = arith.constant 0 : i32
        %dma_start3A_1677 = tpu.memref_slice %arg4[%dma_start3A_1676, %multiple_of3A_1671] : memref<32x1000000xf32, #tpu.memory_space<hbm>> -> memref<32x128xf32, #tpu.memory_space<hbm>>
        %dma_start3A_1678 = arith.constant 0 : i32
        %dma_start3A_1679 = arith.constant 0 : i32
        %dma_start3A_1680 = tpu.memref_slice %arg9[%rem3A_1098, %dma_start3A_1678, %dma_start3A_1679] : memref<8x32x128xf32, #tpu.memory_space<vmem>> -> memref<1x32x128xf32, #tpu.memory_space<vmem>>
        %dma_start3A_1681 = tpu.memref_squeeze %dma_start3A_1680 : memref<1x32x128xf32, #tpu.memory_space<vmem>> -> memref<32x128xf32, #tpu.memory_space<vmem>>
        %dma_start3A_1682 = arith.constant 0 : i32
        %dma_start3A_1683 = tpu.memref_slice %arg4[%dma_start3A_1682, %multiple_of3A_1671] : memref<32x1000000xf32, #tpu.memory_space<hbm>> -> memref<32x128xf32, #tpu.memory_space<hbm>>
        tpu.enqueue_dma source(%dma_start3A_1683 : memref<32x128xf32, #tpu.memory_space<hbm>>) target(%dma_start3A_1681 : memref<32x128xf32, #tpu.memory_space<vmem>>) target_semaphore(%arg14 : memref<!tpu.dma_semaphore, #tpu.memory_space<semaphore_mem>>)
        %shift_right_arithmetic3A_1684 = arith.constant 7 : i32
        %shift_right_arithmetic3A_1685 = arith.shrsi %squeeze3A_1167, %shift_right_arithmetic3A_1684 : i32
        %shift_left3A_1686 = arith.constant 7 : i32
        %shift_left3A_1687 = arith.shli %shift_right_arithmetic3A_1685, %shift_left3A_1686 : i32
        %multiple_of3A_1688 = tpu.assume_multiple %shift_left3A_1687, 128 : i32
        %dma_start3A_1689 = arith.constant 0 : i32
        %dma_start3A_1690 = arith.constant 0 : i32
        %dma_start3A_1691 = tpu.memref_slice %arg10[%rem3A_1098, %dma_start3A_1689, %dma_start3A_1690] : memref<8x32x128xf32, #tpu.memory_space<vmem>> -> memref<1x32x128xf32, #tpu.memory_space<vmem>>
        %dma_start3A_1692 = tpu.memref_squeeze %dma_start3A_1691 : memref<1x32x128xf32, #tpu.memory_space<vmem>> -> memref<32x128xf32, #tpu.memory_space<vmem>>
        %dma_start3A_1693 = arith.constant 0 : i32
        %dma_start3A_1694 = tpu.memref_slice %arg5[%dma_start3A_1693, %multiple_of3A_1688] : memref<32x1000000xf32, #tpu.memory_space<hbm>> -> memref<32x128xf32, #tpu.memory_space<hbm>>
        %dma_start3A_1695 = arith.constant 0 : i32
        %dma_start3A_1696 = arith.constant 0 : i32
        %dma_start3A_1697 = tpu.memref_slice %arg10[%rem3A_1098, %dma_start3A_1695, %dma_start3A_1696] : memref<8x32x128xf32, #tpu.memory_space<vmem>> -> memref<1x32x128xf32, #tpu.memory_space<vmem>>
        %dma_start3A_1698 = tpu.memref_squeeze %dma_start3A_1697 : memref<1x32x128xf32, #tpu.memory_space<vmem>> -> memref<32x128xf32, #tpu.memory_space<vmem>>
        %dma_start3A_1699 = arith.constant 0 : i32
        %dma_start3A_1700 = tpu.memref_slice %arg5[%dma_start3A_1699, %multiple_of3A_1688] : memref<32x1000000xf32, #tpu.memory_space<hbm>> -> memref<32x128xf32, #tpu.memory_space<hbm>>
        tpu.enqueue_dma source(%dma_start3A_1700 : memref<32x128xf32, #tpu.memory_space<hbm>>) target(%dma_start3A_1698 : memref<32x128xf32, #tpu.memory_space<vmem>>) target_semaphore(%arg15 : memref<!tpu.dma_semaphore, #tpu.memory_space<semaphore_mem>>)
      } else {
      }
      %mul3A_1175 = arith.constant 16 : i32
      %mul3A_1176 = arith.muli %scan3A_331, %mul3A_1175 : i32
      %add3A_1177 = arith.constant 10 : i32
      %add3A_1178 = arith.addi %mul3A_1176, %add3A_1177 : i32
      %rem3A_1179 = arith.constant 8 : i32
      %rem3A_1180 = arith.remsi %add3A_1178, %rem3A_1179 : i32
      %multiple_of3A_1181 = arith.constant 0 : i32
      %multiple_of3A_1182 = tpu.assume_multiple %multiple_of3A_1181, 128 : i32
      %dma_wait3A_1183 = arith.constant 0 : i32
      %dma_wait3A_1184 = arith.constant 0 : i32
      %dma_wait3A_1185 = tpu.memref_slice %arg9[%rem3A_1180, %dma_wait3A_1183, %dma_wait3A_1184] : memref<8x32x128xf32, #tpu.memory_space<vmem>> -> memref<1x32x128xf32, #tpu.memory_space<vmem>>
      %dma_wait3A_1186 = tpu.memref_squeeze %dma_wait3A_1185 : memref<1x32x128xf32, #tpu.memory_space<vmem>> -> memref<32x128xf32, #tpu.memory_space<vmem>>
      %dma_wait3A_1187 = arith.constant 0 : i32
      %dma_wait3A_1188 = tpu.memref_slice %arg4[%dma_wait3A_1187, %multiple_of3A_1182] : memref<32x1000000xf32, #tpu.memory_space<hbm>> -> memref<32x128xf32, #tpu.memory_space<hbm>>
      %dma_wait3A_1189 = arith.constant 0 : i32
      %dma_wait3A_1190 = arith.constant 0 : i32
      %dma_wait3A_1191 = tpu.memref_slice %arg9[%rem3A_1180, %dma_wait3A_1189, %dma_wait3A_1190] : memref<8x32x128xf32, #tpu.memory_space<vmem>> -> memref<1x32x128xf32, #tpu.memory_space<vmem>>
      %dma_wait3A_1192 = tpu.memref_squeeze %dma_wait3A_1191 : memref<1x32x128xf32, #tpu.memory_space<vmem>> -> memref<32x128xf32, #tpu.memory_space<vmem>>
      %dma_wait3A_1193 = arith.constant 0 : i32
      %dma_wait3A_1194 = tpu.memref_slice %arg4[%dma_wait3A_1193, %multiple_of3A_1182] : memref<32x1000000xf32, #tpu.memory_space<hbm>> -> memref<32x128xf32, #tpu.memory_space<hbm>>
      tpu.wait_dma2 semaphore(%arg14 : memref<!tpu.dma_semaphore, #tpu.memory_space<semaphore_mem>>) src(%dma_wait3A_1194 : memref<32x128xf32, #tpu.memory_space<hbm>>) dst(%dma_wait3A_1192 : memref<32x128xf32, #tpu.memory_space<vmem>>)
      %multiple_of3A_1195 = arith.constant 0 : i32
      %multiple_of3A_1196 = tpu.assume_multiple %multiple_of3A_1195, 128 : i32
      %dma_wait3A_1197 = arith.constant 0 : i32
      %dma_wait3A_1198 = arith.constant 0 : i32
      %dma_wait3A_1199 = tpu.memref_slice %arg10[%rem3A_1180, %dma_wait3A_1197, %dma_wait3A_1198] : memref<8x32x128xf32, #tpu.memory_space<vmem>> -> memref<1x32x128xf32, #tpu.memory_space<vmem>>
      %dma_wait3A_1200 = tpu.memref_squeeze %dma_wait3A_1199 : memref<1x32x128xf32, #tpu.memory_space<vmem>> -> memref<32x128xf32, #tpu.memory_space<vmem>>
      %dma_wait3A_1201 = arith.constant 0 : i32
      %dma_wait3A_1202 = tpu.memref_slice %arg5[%dma_wait3A_1201, %multiple_of3A_1196] : memref<32x1000000xf32, #tpu.memory_space<hbm>> -> memref<32x128xf32, #tpu.memory_space<hbm>>
      %dma_wait3A_1203 = arith.constant 0 : i32
      %dma_wait3A_1204 = arith.constant 0 : i32
      %dma_wait3A_1205 = tpu.memref_slice %arg10[%rem3A_1180, %dma_wait3A_1203, %dma_wait3A_1204] : memref<8x32x128xf32, #tpu.memory_space<vmem>> -> memref<1x32x128xf32, #tpu.memory_space<vmem>>
      %dma_wait3A_1206 = tpu.memref_squeeze %dma_wait3A_1205 : memref<1x32x128xf32, #tpu.memory_space<vmem>> -> memref<32x128xf32, #tpu.memory_space<vmem>>
      %dma_wait3A_1207 = arith.constant 0 : i32
      %dma_wait3A_1208 = tpu.memref_slice %arg5[%dma_wait3A_1207, %multiple_of3A_1196] : memref<32x1000000xf32, #tpu.memory_space<hbm>> -> memref<32x128xf32, #tpu.memory_space<hbm>>
      tpu.wait_dma2 semaphore(%arg15 : memref<!tpu.dma_semaphore, #tpu.memory_space<semaphore_mem>>) src(%dma_wait3A_1208 : memref<32x128xf32, #tpu.memory_space<hbm>>) dst(%dma_wait3A_1206 : memref<32x128xf32, #tpu.memory_space<vmem>>)
      %slice3A_1209 = vector.extract_strided_slice %get3A_336 {offsets = [10], sizes = [1], strides = [1]} : vector<16xi32> to vector<1xi32>
      %squeeze3A_1210 = vector.extract %slice3A_1209[0] : i32 from vector<1xi32>
      %slice3A_1211 = vector.extract_strided_slice %get3A_341 {offsets = [10], sizes = [1], strides = [1]} : vector<16xi32> to vector<1xi32>
      %squeeze3A_1212 = vector.extract %slice3A_1211[0] : i32 from vector<1xi32>
      %broadcast_in_dim3A_1213 = vector.broadcast %rem3A_1180 : i32 to vector<16xi32>
      %and3A_1214 = arith.constant 127 : i32
      %and3A_1215 = arith.andi %squeeze3A_1210, %and3A_1214 : i32
      %broadcast_in_dim3A_1216 = vector.broadcast %and3A_1215 : i32 to vector<16xi32>
      %and3A_1217 = arith.constant 127 : i32
      %and3A_1218 = arith.andi %squeeze3A_1212, %and3A_1217 : i32
      %broadcast_in_dim3A_1219 = vector.broadcast %and3A_1218 : i32 to vector<16xi32>
      %mul3A_1220 = arith.constant 32 : i32
      %mul3A_1221 = arith.muli %add3A_1178, %mul3A_1220 : i32
      %multiple_of3A_1222 = tpu.assume_multiple %mul3A_1221, 16 : i32
      %mul3A_1223 = arith.constant 32 : i32
      %mul3A_1224 = arith.muli %add3A_1178, %mul3A_1223 : i32
      %add3A_1225 = arith.constant 16 : i32
      %add3A_1226 = arith.addi %mul3A_1224, %add3A_1225 : i32
      %multiple_of3A_1227 = tpu.assume_multiple %add3A_1226, 16 : i32
      %gather3A_1228 = tpu.vector_load_idx %arg9[%broadcast_in_dim3A_1213, %iota3A, %broadcast_in_dim3A_1216] : memref<8x32x128xf32, #tpu.memory_space<vmem>>[vector<16xi32>, vector<16xi32>, vector<16xi32>], vector<16xf32>,
      %swap3A_1229 = arith.index_cast %multiple_of3A_1222 : i32 to index
      %swap3A_1230 = tpu.vector_load %arg11[%swap3A_1229] {strides = array<i32>} : memref<16384xf32, #tpu.memory_space<vmem>>, vector<16xf32>,
      tpu.vector_store %arg11[%swap3A_1229], %gather3A_1228 {strides = array<i32>} : memref<16384xf32, #tpu.memory_space<vmem>>, vector<16xf32>,
      %add3A_1231 = arith.constant 16 : i32
      %add3A_1232 = vector.broadcast %add3A_1231 : i32 to vector<16xi32>
      %add3A_1233 = arith.addi %iota3A, %add3A_1232 : vector<16xi32>
      %gather3A_1234 = tpu.vector_load_idx %arg9[%broadcast_in_dim3A_1213, %add3A_1233, %broadcast_in_dim3A_1216] : memref<8x32x128xf32, #tpu.memory_space<vmem>>[vector<16xi32>, vector<16xi32>, vector<16xi32>], vector<16xf32>,
      %swap3A_1235 = arith.index_cast %multiple_of3A_1227 : i32 to index
      %swap3A_1236 = tpu.vector_load %arg11[%swap3A_1235] {strides = array<i32>} : memref<16384xf32, #tpu.memory_space<vmem>>, vector<16xf32>,
      tpu.vector_store %arg11[%swap3A_1235], %gather3A_1234 {strides = array<i32>} : memref<16384xf32, #tpu.memory_space<vmem>>, vector<16xf32>,
      %gather3A_1237 = tpu.vector_load_idx %arg10[%broadcast_in_dim3A_1213, %iota3A, %broadcast_in_dim3A_1219] : memref<8x32x128xf32, #tpu.memory_space<vmem>>[vector<16xi32>, vector<16xi32>, vector<16xi32>], vector<16xf32>,
      %swap3A_1238 = arith.index_cast %multiple_of3A_1222 : i32 to index
      %swap3A_1239 = tpu.vector_load %arg12[%swap3A_1238] {strides = array<i32>} : memref<16384xf32, #tpu.memory_space<vmem>>, vector<16xf32>,
      tpu.vector_store %arg12[%swap3A_1238], %gather3A_1237 {strides = array<i32>} : memref<16384xf32, #tpu.memory_space<vmem>>, vector<16xf32>,
      %add3A_1240 = arith.constant 16 : i32
      %add3A_1241 = vector.broadcast %add3A_1240 : i32 to vector<16xi32>
      %add3A_1242 = arith.addi %iota3A, %add3A_1241 : vector<16xi32>
      %gather3A_1243 = tpu.vector_load_idx %arg10[%broadcast_in_dim3A_1213, %add3A_1242, %broadcast_in_dim3A_1219] : memref<8x32x128xf32, #tpu.memory_space<vmem>>[vector<16xi32>, vector<16xi32>, vector<16xi32>], vector<16xf32>,
      %swap3A_1244 = arith.index_cast %multiple_of3A_1227 : i32 to index
      %swap3A_1245 = tpu.vector_load %arg12[%swap3A_1244] {strides = array<i32>} : memref<16384xf32, #tpu.memory_space<vmem>>, vector<16xf32>,
      tpu.vector_store %arg12[%swap3A_1244], %gather3A_1243 {strides = array<i32>} : memref<16384xf32, #tpu.memory_space<vmem>>, vector<16xf32>,
      %slice3A_1246 = vector.extract_strided_slice %get3A_348 {offsets = [2], sizes = [1], strides = [1]} : vector<16xi32> to vector<1xi32>
      %squeeze3A_1247 = vector.extract %slice3A_1246[0] : i32 from vector<1xi32>
      %slice3A_1248 = vector.extract_strided_slice %get3A_355 {offsets = [2], sizes = [1], strides = [1]} : vector<16xi32> to vector<1xi32>
      %squeeze3A_1249 = vector.extract %slice3A_1248[0] : i32 from vector<1xi32>
      %add3A_1250 = arith.constant 8 : i32
      %add3A_1251 = arith.addi %add3A_1178, %add3A_1250 : i32
      %lt3A_1252 = arith.constant 512 : i32
      %lt3A_1253 = arith.cmpi slt, %add3A_1251, %lt3A_1252 : i32
      %convert_element_type3A_1254 = arith.extui %lt3A_1253 : i1 to i32
      %cond3A_1255 = arith.constant 0 : i32
      %cond3A_1256 = arith.cmpi ne, %convert_element_type3A_1254, %cond3A_1255 : i32
      scf.if %cond3A_1256 {
        %shift_right_arithmetic3A_1667 = arith.constant 7 : i32
        %shift_right_arithmetic3A_1668 = arith.shrsi %squeeze3A_1247, %shift_right_arithmetic3A_1667 : i32
        %shift_left3A_1669 = arith.constant 7 : i32
        %shift_left3A_1670 = arith.shli %shift_right_arithmetic3A_1668, %shift_left3A_1669 : i32
        %multiple_of3A_1671 = tpu.assume_multiple %shift_left3A_1670, 128 : i32
        %dma_start3A_1672 = arith.constant 0 : i32
        %dma_start3A_1673 = arith.constant 0 : i32
        %dma_start3A_1674 = tpu.memref_slice %arg9[%rem3A_1180, %dma_start3A_1672, %dma_start3A_1673] : memref<8x32x128xf32, #tpu.memory_space<vmem>> -> memref<1x32x128xf32, #tpu.memory_space<vmem>>
        %dma_start3A_1675 = tpu.memref_squeeze %dma_start3A_1674 : memref<1x32x128xf32, #tpu.memory_space<vmem>> -> memref<32x128xf32, #tpu.memory_space<vmem>>
        %dma_start3A_1676 = arith.constant 0 : i32
        %dma_start3A_1677 = tpu.memref_slice %arg4[%dma_start3A_1676, %multiple_of3A_1671] : memref<32x1000000xf32, #tpu.memory_space<hbm>> -> memref<32x128xf32, #tpu.memory_space<hbm>>
        %dma_start3A_1678 = arith.constant 0 : i32
        %dma_start3A_1679 = arith.constant 0 : i32
        %dma_start3A_1680 = tpu.memref_slice %arg9[%rem3A_1180, %dma_start3A_1678, %dma_start3A_1679] : memref<8x32x128xf32, #tpu.memory_space<vmem>> -> memref<1x32x128xf32, #tpu.memory_space<vmem>>
        %dma_start3A_1681 = tpu.memref_squeeze %dma_start3A_1680 : memref<1x32x128xf32, #tpu.memory_space<vmem>> -> memref<32x128xf32, #tpu.memory_space<vmem>>
        %dma_start3A_1682 = arith.constant 0 : i32
        %dma_start3A_1683 = tpu.memref_slice %arg4[%dma_start3A_1682, %multiple_of3A_1671] : memref<32x1000000xf32, #tpu.memory_space<hbm>> -> memref<32x128xf32, #tpu.memory_space<hbm>>
        tpu.enqueue_dma source(%dma_start3A_1683 : memref<32x128xf32, #tpu.memory_space<hbm>>) target(%dma_start3A_1681 : memref<32x128xf32, #tpu.memory_space<vmem>>) target_semaphore(%arg14 : memref<!tpu.dma_semaphore, #tpu.memory_space<semaphore_mem>>)
        %shift_right_arithmetic3A_1684 = arith.constant 7 : i32
        %shift_right_arithmetic3A_1685 = arith.shrsi %squeeze3A_1249, %shift_right_arithmetic3A_1684 : i32
        %shift_left3A_1686 = arith.constant 7 : i32
        %shift_left3A_1687 = arith.shli %shift_right_arithmetic3A_1685, %shift_left3A_1686 : i32
        %multiple_of3A_1688 = tpu.assume_multiple %shift_left3A_1687, 128 : i32
        %dma_start3A_1689 = arith.constant 0 : i32
        %dma_start3A_1690 = arith.constant 0 : i32
        %dma_start3A_1691 = tpu.memref_slice %arg10[%rem3A_1180, %dma_start3A_1689, %dma_start3A_1690] : memref<8x32x128xf32, #tpu.memory_space<vmem>> -> memref<1x32x128xf32, #tpu.memory_space<vmem>>
        %dma_start3A_1692 = tpu.memref_squeeze %dma_start3A_1691 : memref<1x32x128xf32, #tpu.memory_space<vmem>> -> memref<32x128xf32, #tpu.memory_space<vmem>>
        %dma_start3A_1693 = arith.constant 0 : i32
        %dma_start3A_1694 = tpu.memref_slice %arg5[%dma_start3A_1693, %multiple_of3A_1688] : memref<32x1000000xf32, #tpu.memory_space<hbm>> -> memref<32x128xf32, #tpu.memory_space<hbm>>
        %dma_start3A_1695 = arith.constant 0 : i32
        %dma_start3A_1696 = arith.constant 0 : i32
        %dma_start3A_1697 = tpu.memref_slice %arg10[%rem3A_1180, %dma_start3A_1695, %dma_start3A_1696] : memref<8x32x128xf32, #tpu.memory_space<vmem>> -> memref<1x32x128xf32, #tpu.memory_space<vmem>>
        %dma_start3A_1698 = tpu.memref_squeeze %dma_start3A_1697 : memref<1x32x128xf32, #tpu.memory_space<vmem>> -> memref<32x128xf32, #tpu.memory_space<vmem>>
        %dma_start3A_1699 = arith.constant 0 : i32
        %dma_start3A_1700 = tpu.memref_slice %arg5[%dma_start3A_1699, %multiple_of3A_1688] : memref<32x1000000xf32, #tpu.memory_space<hbm>> -> memref<32x128xf32, #tpu.memory_space<hbm>>
        tpu.enqueue_dma source(%dma_start3A_1700 : memref<32x128xf32, #tpu.memory_space<hbm>>) target(%dma_start3A_1698 : memref<32x128xf32, #tpu.memory_space<vmem>>) target_semaphore(%arg15 : memref<!tpu.dma_semaphore, #tpu.memory_space<semaphore_mem>>)
      } else {
      }
      %mul3A_1257 = arith.constant 16 : i32
      %mul3A_1258 = arith.muli %scan3A_331, %mul3A_1257 : i32
      %add3A_1259 = arith.constant 11 : i32
      %add3A_1260 = arith.addi %mul3A_1258, %add3A_1259 : i32
      %rem3A_1261 = arith.constant 8 : i32
      %rem3A_1262 = arith.remsi %add3A_1260, %rem3A_1261 : i32
      %multiple_of3A_1263 = arith.constant 0 : i32
      %multiple_of3A_1264 = tpu.assume_multiple %multiple_of3A_1263, 128 : i32
      %dma_wait3A_1265 = arith.constant 0 : i32
      %dma_wait3A_1266 = arith.constant 0 : i32
      %dma_wait3A_1267 = tpu.memref_slice %arg9[%rem3A_1262, %dma_wait3A_1265, %dma_wait3A_1266] : memref<8x32x128xf32, #tpu.memory_space<vmem>> -> memref<1x32x128xf32, #tpu.memory_space<vmem>>
      %dma_wait3A_1268 = tpu.memref_squeeze %dma_wait3A_1267 : memref<1x32x128xf32, #tpu.memory_space<vmem>> -> memref<32x128xf32, #tpu.memory_space<vmem>>
      %dma_wait3A_1269 = arith.constant 0 : i32
      %dma_wait3A_1270 = tpu.memref_slice %arg4[%dma_wait3A_1269, %multiple_of3A_1264] : memref<32x1000000xf32, #tpu.memory_space<hbm>> -> memref<32x128xf32, #tpu.memory_space<hbm>>
      %dma_wait3A_1271 = arith.constant 0 : i32
      %dma_wait3A_1272 = arith.constant 0 : i32
      %dma_wait3A_1273 = tpu.memref_slice %arg9[%rem3A_1262, %dma_wait3A_1271, %dma_wait3A_1272] : memref<8x32x128xf32, #tpu.memory_space<vmem>> -> memref<1x32x128xf32, #tpu.memory_space<vmem>>
      %dma_wait3A_1274 = tpu.memref_squeeze %dma_wait3A_1273 : memref<1x32x128xf32, #tpu.memory_space<vmem>> -> memref<32x128xf32, #tpu.memory_space<vmem>>
      %dma_wait3A_1275 = arith.constant 0 : i32
      %dma_wait3A_1276 = tpu.memref_slice %arg4[%dma_wait3A_1275, %multiple_of3A_1264] : memref<32x1000000xf32, #tpu.memory_space<hbm>> -> memref<32x128xf32, #tpu.memory_space<hbm>>
      tpu.wait_dma2 semaphore(%arg14 : memref<!tpu.dma_semaphore, #tpu.memory_space<semaphore_mem>>) src(%dma_wait3A_1276 : memref<32x128xf32, #tpu.memory_space<hbm>>) dst(%dma_wait3A_1274 : memref<32x128xf32, #tpu.memory_space<vmem>>)
      %multiple_of3A_1277 = arith.constant 0 : i32
      %multiple_of3A_1278 = tpu.assume_multiple %multiple_of3A_1277, 128 : i32
      %dma_wait3A_1279 = arith.constant 0 : i32
      %dma_wait3A_1280 = arith.constant 0 : i32
      %dma_wait3A_1281 = tpu.memref_slice %arg10[%rem3A_1262, %dma_wait3A_1279, %dma_wait3A_1280] : memref<8x32x128xf32, #tpu.memory_space<vmem>> -> memref<1x32x128xf32, #tpu.memory_space<vmem>>
      %dma_wait3A_1282 = tpu.memref_squeeze %dma_wait3A_1281 : memref<1x32x128xf32, #tpu.memory_space<vmem>> -> memref<32x128xf32, #tpu.memory_space<vmem>>
      %dma_wait3A_1283 = arith.constant 0 : i32
      %dma_wait3A_1284 = tpu.memref_slice %arg5[%dma_wait3A_1283, %multiple_of3A_1278] : memref<32x1000000xf32, #tpu.memory_space<hbm>> -> memref<32x128xf32, #tpu.memory_space<hbm>>
      %dma_wait3A_1285 = arith.constant 0 : i32
      %dma_wait3A_1286 = arith.constant 0 : i32
      %dma_wait3A_1287 = tpu.memref_slice %arg10[%rem3A_1262, %dma_wait3A_1285, %dma_wait3A_1286] : memref<8x32x128xf32, #tpu.memory_space<vmem>> -> memref<1x32x128xf32, #tpu.memory_space<vmem>>
      %dma_wait3A_1288 = tpu.memref_squeeze %dma_wait3A_1287 : memref<1x32x128xf32, #tpu.memory_space<vmem>> -> memref<32x128xf32, #tpu.memory_space<vmem>>
      %dma_wait3A_1289 = arith.constant 0 : i32
      %dma_wait3A_1290 = tpu.memref_slice %arg5[%dma_wait3A_1289, %multiple_of3A_1278] : memref<32x1000000xf32, #tpu.memory_space<hbm>> -> memref<32x128xf32, #tpu.memory_space<hbm>>
      tpu.wait_dma2 semaphore(%arg15 : memref<!tpu.dma_semaphore, #tpu.memory_space<semaphore_mem>>) src(%dma_wait3A_1290 : memref<32x128xf32, #tpu.memory_space<hbm>>) dst(%dma_wait3A_1288 : memref<32x128xf32, #tpu.memory_space<vmem>>)
      %slice3A_1291 = vector.extract_strided_slice %get3A_336 {offsets = [11], sizes = [1], strides = [1]} : vector<16xi32> to vector<1xi32>
      %squeeze3A_1292 = vector.extract %slice3A_1291[0] : i32 from vector<1xi32>
      %slice3A_1293 = vector.extract_strided_slice %get3A_341 {offsets = [11], sizes = [1], strides = [1]} : vector<16xi32> to vector<1xi32>
      %squeeze3A_1294 = vector.extract %slice3A_1293[0] : i32 from vector<1xi32>
      %broadcast_in_dim3A_1295 = vector.broadcast %rem3A_1262 : i32 to vector<16xi32>
      %and3A_1296 = arith.constant 127 : i32
      %and3A_1297 = arith.andi %squeeze3A_1292, %and3A_1296 : i32
      %broadcast_in_dim3A_1298 = vector.broadcast %and3A_1297 : i32 to vector<16xi32>
      %and3A_1299 = arith.constant 127 : i32
      %and3A_1300 = arith.andi %squeeze3A_1294, %and3A_1299 : i32
      %broadcast_in_dim3A_1301 = vector.broadcast %and3A_1300 : i32 to vector<16xi32>
      %mul3A_1302 = arith.constant 32 : i32
      %mul3A_1303 = arith.muli %add3A_1260, %mul3A_1302 : i32
      %multiple_of3A_1304 = tpu.assume_multiple %mul3A_1303, 16 : i32
      %mul3A_1305 = arith.constant 32 : i32
      %mul3A_1306 = arith.muli %add3A_1260, %mul3A_1305 : i32
      %add3A_1307 = arith.constant 16 : i32
      %add3A_1308 = arith.addi %mul3A_1306, %add3A_1307 : i32
      %multiple_of3A_1309 = tpu.assume_multiple %add3A_1308, 16 : i32
      %gather3A_1310 = tpu.vector_load_idx %arg9[%broadcast_in_dim3A_1295, %iota3A, %broadcast_in_dim3A_1298] : memref<8x32x128xf32, #tpu.memory_space<vmem>>[vector<16xi32>, vector<16xi32>, vector<16xi32>], vector<16xf32>,
      %swap3A_1311 = arith.index_cast %multiple_of3A_1304 : i32 to index
      %swap3A_1312 = tpu.vector_load %arg11[%swap3A_1311] {strides = array<i32>} : memref<16384xf32, #tpu.memory_space<vmem>>, vector<16xf32>,
      tpu.vector_store %arg11[%swap3A_1311], %gather3A_1310 {strides = array<i32>} : memref<16384xf32, #tpu.memory_space<vmem>>, vector<16xf32>,
      %add3A_1313 = arith.constant 16 : i32
      %add3A_1314 = vector.broadcast %add3A_1313 : i32 to vector<16xi32>
      %add3A_1315 = arith.addi %iota3A, %add3A_1314 : vector<16xi32>
      %gather3A_1316 = tpu.vector_load_idx %arg9[%broadcast_in_dim3A_1295, %add3A_1315, %broadcast_in_dim3A_1298] : memref<8x32x128xf32, #tpu.memory_space<vmem>>[vector<16xi32>, vector<16xi32>, vector<16xi32>], vector<16xf32>,
      %swap3A_1317 = arith.index_cast %multiple_of3A_1309 : i32 to index
      %swap3A_1318 = tpu.vector_load %arg11[%swap3A_1317] {strides = array<i32>} : memref<16384xf32, #tpu.memory_space<vmem>>, vector<16xf32>,
      tpu.vector_store %arg11[%swap3A_1317], %gather3A_1316 {strides = array<i32>} : memref<16384xf32, #tpu.memory_space<vmem>>, vector<16xf32>,
      %gather3A_1319 = tpu.vector_load_idx %arg10[%broadcast_in_dim3A_1295, %iota3A, %broadcast_in_dim3A_1301] : memref<8x32x128xf32, #tpu.memory_space<vmem>>[vector<16xi32>, vector<16xi32>, vector<16xi32>], vector<16xf32>,
      %swap3A_1320 = arith.index_cast %multiple_of3A_1304 : i32 to index
      %swap3A_1321 = tpu.vector_load %arg12[%swap3A_1320] {strides = array<i32>} : memref<16384xf32, #tpu.memory_space<vmem>>, vector<16xf32>,
      tpu.vector_store %arg12[%swap3A_1320], %gather3A_1319 {strides = array<i32>} : memref<16384xf32, #tpu.memory_space<vmem>>, vector<16xf32>,
      %add3A_1322 = arith.constant 16 : i32
      %add3A_1323 = vector.broadcast %add3A_1322 : i32 to vector<16xi32>
      %add3A_1324 = arith.addi %iota3A, %add3A_1323 : vector<16xi32>
      %gather3A_1325 = tpu.vector_load_idx %arg10[%broadcast_in_dim3A_1295, %add3A_1324, %broadcast_in_dim3A_1301] : memref<8x32x128xf32, #tpu.memory_space<vmem>>[vector<16xi32>, vector<16xi32>, vector<16xi32>], vector<16xf32>,
      %swap3A_1326 = arith.index_cast %multiple_of3A_1309 : i32 to index
      %swap3A_1327 = tpu.vector_load %arg12[%swap3A_1326] {strides = array<i32>} : memref<16384xf32, #tpu.memory_space<vmem>>, vector<16xf32>,
      tpu.vector_store %arg12[%swap3A_1326], %gather3A_1325 {strides = array<i32>} : memref<16384xf32, #tpu.memory_space<vmem>>, vector<16xf32>,
      %slice3A_1328 = vector.extract_strided_slice %get3A_348 {offsets = [3], sizes = [1], strides = [1]} : vector<16xi32> to vector<1xi32>
      %squeeze3A_1329 = vector.extract %slice3A_1328[0] : i32 from vector<1xi32>
      %slice3A_1330 = vector.extract_strided_slice %get3A_355 {offsets = [3], sizes = [1], strides = [1]} : vector<16xi32> to vector<1xi32>
      %squeeze3A_1331 = vector.extract %slice3A_1330[0] : i32 from vector<1xi32>
      %add3A_1332 = arith.constant 8 : i32
      %add3A_1333 = arith.addi %add3A_1260, %add3A_1332 : i32
      %lt3A_1334 = arith.constant 512 : i32
      %lt3A_1335 = arith.cmpi slt, %add3A_1333, %lt3A_1334 : i32
      %convert_element_type3A_1336 = arith.extui %lt3A_1335 : i1 to i32
      %cond3A_1337 = arith.constant 0 : i32
      %cond3A_1338 = arith.cmpi ne, %convert_element_type3A_1336, %cond3A_1337 : i32
      scf.if %cond3A_1338 {
        %shift_right_arithmetic3A_1667 = arith.constant 7 : i32
        %shift_right_arithmetic3A_1668 = arith.shrsi %squeeze3A_1329, %shift_right_arithmetic3A_1667 : i32
        %shift_left3A_1669 = arith.constant 7 : i32
        %shift_left3A_1670 = arith.shli %shift_right_arithmetic3A_1668, %shift_left3A_1669 : i32
        %multiple_of3A_1671 = tpu.assume_multiple %shift_left3A_1670, 128 : i32
        %dma_start3A_1672 = arith.constant 0 : i32
        %dma_start3A_1673 = arith.constant 0 : i32
        %dma_start3A_1674 = tpu.memref_slice %arg9[%rem3A_1262, %dma_start3A_1672, %dma_start3A_1673] : memref<8x32x128xf32, #tpu.memory_space<vmem>> -> memref<1x32x128xf32, #tpu.memory_space<vmem>>
        %dma_start3A_1675 = tpu.memref_squeeze %dma_start3A_1674 : memref<1x32x128xf32, #tpu.memory_space<vmem>> -> memref<32x128xf32, #tpu.memory_space<vmem>>
        %dma_start3A_1676 = arith.constant 0 : i32
        %dma_start3A_1677 = tpu.memref_slice %arg4[%dma_start3A_1676, %multiple_of3A_1671] : memref<32x1000000xf32, #tpu.memory_space<hbm>> -> memref<32x128xf32, #tpu.memory_space<hbm>>
        %dma_start3A_1678 = arith.constant 0 : i32
        %dma_start3A_1679 = arith.constant 0 : i32
        %dma_start3A_1680 = tpu.memref_slice %arg9[%rem3A_1262, %dma_start3A_1678, %dma_start3A_1679] : memref<8x32x128xf32, #tpu.memory_space<vmem>> -> memref<1x32x128xf32, #tpu.memory_space<vmem>>
        %dma_start3A_1681 = tpu.memref_squeeze %dma_start3A_1680 : memref<1x32x128xf32, #tpu.memory_space<vmem>> -> memref<32x128xf32, #tpu.memory_space<vmem>>
        %dma_start3A_1682 = arith.constant 0 : i32
        %dma_start3A_1683 = tpu.memref_slice %arg4[%dma_start3A_1682, %multiple_of3A_1671] : memref<32x1000000xf32, #tpu.memory_space<hbm>> -> memref<32x128xf32, #tpu.memory_space<hbm>>
        tpu.enqueue_dma source(%dma_start3A_1683 : memref<32x128xf32, #tpu.memory_space<hbm>>) target(%dma_start3A_1681 : memref<32x128xf32, #tpu.memory_space<vmem>>) target_semaphore(%arg14 : memref<!tpu.dma_semaphore, #tpu.memory_space<semaphore_mem>>)
        %shift_right_arithmetic3A_1684 = arith.constant 7 : i32
        %shift_right_arithmetic3A_1685 = arith.shrsi %squeeze3A_1331, %shift_right_arithmetic3A_1684 : i32
        %shift_left3A_1686 = arith.constant 7 : i32
        %shift_left3A_1687 = arith.shli %shift_right_arithmetic3A_1685, %shift_left3A_1686 : i32
        %multiple_of3A_1688 = tpu.assume_multiple %shift_left3A_1687, 128 : i32
        %dma_start3A_1689 = arith.constant 0 : i32
        %dma_start3A_1690 = arith.constant 0 : i32
        %dma_start3A_1691 = tpu.memref_slice %arg10[%rem3A_1262, %dma_start3A_1689, %dma_start3A_1690] : memref<8x32x128xf32, #tpu.memory_space<vmem>> -> memref<1x32x128xf32, #tpu.memory_space<vmem>>
        %dma_start3A_1692 = tpu.memref_squeeze %dma_start3A_1691 : memref<1x32x128xf32, #tpu.memory_space<vmem>> -> memref<32x128xf32, #tpu.memory_space<vmem>>
        %dma_start3A_1693 = arith.constant 0 : i32
        %dma_start3A_1694 = tpu.memref_slice %arg5[%dma_start3A_1693, %multiple_of3A_1688] : memref<32x1000000xf32, #tpu.memory_space<hbm>> -> memref<32x128xf32, #tpu.memory_space<hbm>>
        %dma_start3A_1695 = arith.constant 0 : i32
        %dma_start3A_1696 = arith.constant 0 : i32
        %dma_start3A_1697 = tpu.memref_slice %arg10[%rem3A_1262, %dma_start3A_1695, %dma_start3A_1696] : memref<8x32x128xf32, #tpu.memory_space<vmem>> -> memref<1x32x128xf32, #tpu.memory_space<vmem>>
        %dma_start3A_1698 = tpu.memref_squeeze %dma_start3A_1697 : memref<1x32x128xf32, #tpu.memory_space<vmem>> -> memref<32x128xf32, #tpu.memory_space<vmem>>
        %dma_start3A_1699 = arith.constant 0 : i32
        %dma_start3A_1700 = tpu.memref_slice %arg5[%dma_start3A_1699, %multiple_of3A_1688] : memref<32x1000000xf32, #tpu.memory_space<hbm>> -> memref<32x128xf32, #tpu.memory_space<hbm>>
        tpu.enqueue_dma source(%dma_start3A_1700 : memref<32x128xf32, #tpu.memory_space<hbm>>) target(%dma_start3A_1698 : memref<32x128xf32, #tpu.memory_space<vmem>>) target_semaphore(%arg15 : memref<!tpu.dma_semaphore, #tpu.memory_space<semaphore_mem>>)
      } else {
      }
      %mul3A_1339 = arith.constant 16 : i32
      %mul3A_1340 = arith.muli %scan3A_331, %mul3A_1339 : i32
      %add3A_1341 = arith.constant 12 : i32
      %add3A_1342 = arith.addi %mul3A_1340, %add3A_1341 : i32
      %rem3A_1343 = arith.constant 8 : i32
      %rem3A_1344 = arith.remsi %add3A_1342, %rem3A_1343 : i32
      %multiple_of3A_1345 = arith.constant 0 : i32
      %multiple_of3A_1346 = tpu.assume_multiple %multiple_of3A_1345, 128 : i32
      %dma_wait3A_1347 = arith.constant 0 : i32
      %dma_wait3A_1348 = arith.constant 0 : i32
      %dma_wait3A_1349 = tpu.memref_slice %arg9[%rem3A_1344, %dma_wait3A_1347, %dma_wait3A_1348] : memref<8x32x128xf32, #tpu.memory_space<vmem>> -> memref<1x32x128xf32, #tpu.memory_space<vmem>>
      %dma_wait3A_1350 = tpu.memref_squeeze %dma_wait3A_1349 : memref<1x32x128xf32, #tpu.memory_space<vmem>> -> memref<32x128xf32, #tpu.memory_space<vmem>>
      %dma_wait3A_1351 = arith.constant 0 : i32
      %dma_wait3A_1352 = tpu.memref_slice %arg4[%dma_wait3A_1351, %multiple_of3A_1346] : memref<32x1000000xf32, #tpu.memory_space<hbm>> -> memref<32x128xf32, #tpu.memory_space<hbm>>
      %dma_wait3A_1353 = arith.constant 0 : i32
      %dma_wait3A_1354 = arith.constant 0 : i32
      %dma_wait3A_1355 = tpu.memref_slice %arg9[%rem3A_1344, %dma_wait3A_1353, %dma_wait3A_1354] : memref<8x32x128xf32, #tpu.memory_space<vmem>> -> memref<1x32x128xf32, #tpu.memory_space<vmem>>
      %dma_wait3A_1356 = tpu.memref_squeeze %dma_wait3A_1355 : memref<1x32x128xf32, #tpu.memory_space<vmem>> -> memref<32x128xf32, #tpu.memory_space<vmem>>
      %dma_wait3A_1357 = arith.constant 0 : i32
      %dma_wait3A_1358 = tpu.memref_slice %arg4[%dma_wait3A_1357, %multiple_of3A_1346] : memref<32x1000000xf32, #tpu.memory_space<hbm>> -> memref<32x128xf32, #tpu.memory_space<hbm>>
      tpu.wait_dma2 semaphore(%arg14 : memref<!tpu.dma_semaphore, #tpu.memory_space<semaphore_mem>>) src(%dma_wait3A_1358 : memref<32x128xf32, #tpu.memory_space<hbm>>) dst(%dma_wait3A_1356 : memref<32x128xf32, #tpu.memory_space<vmem>>)
      %multiple_of3A_1359 = arith.constant 0 : i32
      %multiple_of3A_1360 = tpu.assume_multiple %multiple_of3A_1359, 128 : i32
      %dma_wait3A_1361 = arith.constant 0 : i32
      %dma_wait3A_1362 = arith.constant 0 : i32
      %dma_wait3A_1363 = tpu.memref_slice %arg10[%rem3A_1344, %dma_wait3A_1361, %dma_wait3A_1362] : memref<8x32x128xf32, #tpu.memory_space<vmem>> -> memref<1x32x128xf32, #tpu.memory_space<vmem>>
      %dma_wait3A_1364 = tpu.memref_squeeze %dma_wait3A_1363 : memref<1x32x128xf32, #tpu.memory_space<vmem>> -> memref<32x128xf32, #tpu.memory_space<vmem>>
      %dma_wait3A_1365 = arith.constant 0 : i32
      %dma_wait3A_1366 = tpu.memref_slice %arg5[%dma_wait3A_1365, %multiple_of3A_1360] : memref<32x1000000xf32, #tpu.memory_space<hbm>> -> memref<32x128xf32, #tpu.memory_space<hbm>>
      %dma_wait3A_1367 = arith.constant 0 : i32
      %dma_wait3A_1368 = arith.constant 0 : i32
      %dma_wait3A_1369 = tpu.memref_slice %arg10[%rem3A_1344, %dma_wait3A_1367, %dma_wait3A_1368] : memref<8x32x128xf32, #tpu.memory_space<vmem>> -> memref<1x32x128xf32, #tpu.memory_space<vmem>>
      %dma_wait3A_1370 = tpu.memref_squeeze %dma_wait3A_1369 : memref<1x32x128xf32, #tpu.memory_space<vmem>> -> memref<32x128xf32, #tpu.memory_space<vmem>>
      %dma_wait3A_1371 = arith.constant 0 : i32
      %dma_wait3A_1372 = tpu.memref_slice %arg5[%dma_wait3A_1371, %multiple_of3A_1360] : memref<32x1000000xf32, #tpu.memory_space<hbm>> -> memref<32x128xf32, #tpu.memory_space<hbm>>
      tpu.wait_dma2 semaphore(%arg15 : memref<!tpu.dma_semaphore, #tpu.memory_space<semaphore_mem>>) src(%dma_wait3A_1372 : memref<32x128xf32, #tpu.memory_space<hbm>>) dst(%dma_wait3A_1370 : memref<32x128xf32, #tpu.memory_space<vmem>>)
      %slice3A_1373 = vector.extract_strided_slice %get3A_336 {offsets = [12], sizes = [1], strides = [1]} : vector<16xi32> to vector<1xi32>
      %squeeze3A_1374 = vector.extract %slice3A_1373[0] : i32 from vector<1xi32>
      %slice3A_1375 = vector.extract_strided_slice %get3A_341 {offsets = [12], sizes = [1], strides = [1]} : vector<16xi32> to vector<1xi32>
      %squeeze3A_1376 = vector.extract %slice3A_1375[0] : i32 from vector<1xi32>
      %broadcast_in_dim3A_1377 = vector.broadcast %rem3A_1344 : i32 to vector<16xi32>
      %and3A_1378 = arith.constant 127 : i32
      %and3A_1379 = arith.andi %squeeze3A_1374, %and3A_1378 : i32
      %broadcast_in_dim3A_1380 = vector.broadcast %and3A_1379 : i32 to vector<16xi32>
      %and3A_1381 = arith.constant 127 : i32
      %and3A_1382 = arith.andi %squeeze3A_1376, %and3A_1381 : i32
      %broadcast_in_dim3A_1383 = vector.broadcast %and3A_1382 : i32 to vector<16xi32>
      %mul3A_1384 = arith.constant 32 : i32
      %mul3A_1385 = arith.muli %add3A_1342, %mul3A_1384 : i32
      %multiple_of3A_1386 = tpu.assume_multiple %mul3A_1385, 16 : i32
      %mul3A_1387 = arith.constant 32 : i32
      %mul3A_1388 = arith.muli %add3A_1342, %mul3A_1387 : i32
      %add3A_1389 = arith.constant 16 : i32
      %add3A_1390 = arith.addi %mul3A_1388, %add3A_1389 : i32
      %multiple_of3A_1391 = tpu.assume_multiple %add3A_1390, 16 : i32
      %gather3A_1392 = tpu.vector_load_idx %arg9[%broadcast_in_dim3A_1377, %iota3A, %broadcast_in_dim3A_1380] : memref<8x32x128xf32, #tpu.memory_space<vmem>>[vector<16xi32>, vector<16xi32>, vector<16xi32>], vector<16xf32>,
      %swap3A_1393 = arith.index_cast %multiple_of3A_1386 : i32 to index
      %swap3A_1394 = tpu.vector_load %arg11[%swap3A_1393] {strides = array<i32>} : memref<16384xf32, #tpu.memory_space<vmem>>, vector<16xf32>,
      tpu.vector_store %arg11[%swap3A_1393], %gather3A_1392 {strides = array<i32>} : memref<16384xf32, #tpu.memory_space<vmem>>, vector<16xf32>,
      %add3A_1395 = arith.constant 16 : i32
      %add3A_1396 = vector.broadcast %add3A_1395 : i32 to vector<16xi32>
      %add3A_1397 = arith.addi %iota3A, %add3A_1396 : vector<16xi32>
      %gather3A_1398 = tpu.vector_load_idx %arg9[%broadcast_in_dim3A_1377, %add3A_1397, %broadcast_in_dim3A_1380] : memref<8x32x128xf32, #tpu.memory_space<vmem>>[vector<16xi32>, vector<16xi32>, vector<16xi32>], vector<16xf32>,
      %swap3A_1399 = arith.index_cast %multiple_of3A_1391 : i32 to index
      %swap3A_1400 = tpu.vector_load %arg11[%swap3A_1399] {strides = array<i32>} : memref<16384xf32, #tpu.memory_space<vmem>>, vector<16xf32>,
      tpu.vector_store %arg11[%swap3A_1399], %gather3A_1398 {strides = array<i32>} : memref<16384xf32, #tpu.memory_space<vmem>>, vector<16xf32>,
      %gather3A_1401 = tpu.vector_load_idx %arg10[%broadcast_in_dim3A_1377, %iota3A, %broadcast_in_dim3A_1383] : memref<8x32x128xf32, #tpu.memory_space<vmem>>[vector<16xi32>, vector<16xi32>, vector<16xi32>], vector<16xf32>,
      %swap3A_1402 = arith.index_cast %multiple_of3A_1386 : i32 to index
      %swap3A_1403 = tpu.vector_load %arg12[%swap3A_1402] {strides = array<i32>} : memref<16384xf32, #tpu.memory_space<vmem>>, vector<16xf32>,
      tpu.vector_store %arg12[%swap3A_1402], %gather3A_1401 {strides = array<i32>} : memref<16384xf32, #tpu.memory_space<vmem>>, vector<16xf32>,
      %add3A_1404 = arith.constant 16 : i32
      %add3A_1405 = vector.broadcast %add3A_1404 : i32 to vector<16xi32>
      %add3A_1406 = arith.addi %iota3A, %add3A_1405 : vector<16xi32>
      %gather3A_1407 = tpu.vector_load_idx %arg10[%broadcast_in_dim3A_1377, %add3A_1406, %broadcast_in_dim3A_1383] : memref<8x32x128xf32, #tpu.memory_space<vmem>>[vector<16xi32>, vector<16xi32>, vector<16xi32>], vector<16xf32>,
      %swap3A_1408 = arith.index_cast %multiple_of3A_1391 : i32 to index
      %swap3A_1409 = tpu.vector_load %arg12[%swap3A_1408] {strides = array<i32>} : memref<16384xf32, #tpu.memory_space<vmem>>, vector<16xf32>,
      tpu.vector_store %arg12[%swap3A_1408], %gather3A_1407 {strides = array<i32>} : memref<16384xf32, #tpu.memory_space<vmem>>, vector<16xf32>,
      %slice3A_1410 = vector.extract_strided_slice %get3A_348 {offsets = [4], sizes = [1], strides = [1]} : vector<16xi32> to vector<1xi32>
      %squeeze3A_1411 = vector.extract %slice3A_1410[0] : i32 from vector<1xi32>
      %slice3A_1412 = vector.extract_strided_slice %get3A_355 {offsets = [4], sizes = [1], strides = [1]} : vector<16xi32> to vector<1xi32>
      %squeeze3A_1413 = vector.extract %slice3A_1412[0] : i32 from vector<1xi32>
      %add3A_1414 = arith.constant 8 : i32
      %add3A_1415 = arith.addi %add3A_1342, %add3A_1414 : i32
      %lt3A_1416 = arith.constant 512 : i32
      %lt3A_1417 = arith.cmpi slt, %add3A_1415, %lt3A_1416 : i32
      %convert_element_type3A_1418 = arith.extui %lt3A_1417 : i1 to i32
      %cond3A_1419 = arith.constant 0 : i32
      %cond3A_1420 = arith.cmpi ne, %convert_element_type3A_1418, %cond3A_1419 : i32
      scf.if %cond3A_1420 {
        %shift_right_arithmetic3A_1667 = arith.constant 7 : i32
        %shift_right_arithmetic3A_1668 = arith.shrsi %squeeze3A_1411, %shift_right_arithmetic3A_1667 : i32
        %shift_left3A_1669 = arith.constant 7 : i32
        %shift_left3A_1670 = arith.shli %shift_right_arithmetic3A_1668, %shift_left3A_1669 : i32
        %multiple_of3A_1671 = tpu.assume_multiple %shift_left3A_1670, 128 : i32
        %dma_start3A_1672 = arith.constant 0 : i32
        %dma_start3A_1673 = arith.constant 0 : i32
        %dma_start3A_1674 = tpu.memref_slice %arg9[%rem3A_1344, %dma_start3A_1672, %dma_start3A_1673] : memref<8x32x128xf32, #tpu.memory_space<vmem>> -> memref<1x32x128xf32, #tpu.memory_space<vmem>>
        %dma_start3A_1675 = tpu.memref_squeeze %dma_start3A_1674 : memref<1x32x128xf32, #tpu.memory_space<vmem>> -> memref<32x128xf32, #tpu.memory_space<vmem>>
        %dma_start3A_1676 = arith.constant 0 : i32
        %dma_start3A_1677 = tpu.memref_slice %arg4[%dma_start3A_1676, %multiple_of3A_1671] : memref<32x1000000xf32, #tpu.memory_space<hbm>> -> memref<32x128xf32, #tpu.memory_space<hbm>>
        %dma_start3A_1678 = arith.constant 0 : i32
        %dma_start3A_1679 = arith.constant 0 : i32
        %dma_start3A_1680 = tpu.memref_slice %arg9[%rem3A_1344, %dma_start3A_1678, %dma_start3A_1679] : memref<8x32x128xf32, #tpu.memory_space<vmem>> -> memref<1x32x128xf32, #tpu.memory_space<vmem>>
        %dma_start3A_1681 = tpu.memref_squeeze %dma_start3A_1680 : memref<1x32x128xf32, #tpu.memory_space<vmem>> -> memref<32x128xf32, #tpu.memory_space<vmem>>
        %dma_start3A_1682 = arith.constant 0 : i32
        %dma_start3A_1683 = tpu.memref_slice %arg4[%dma_start3A_1682, %multiple_of3A_1671] : memref<32x1000000xf32, #tpu.memory_space<hbm>> -> memref<32x128xf32, #tpu.memory_space<hbm>>
        tpu.enqueue_dma source(%dma_start3A_1683 : memref<32x128xf32, #tpu.memory_space<hbm>>) target(%dma_start3A_1681 : memref<32x128xf32, #tpu.memory_space<vmem>>) target_semaphore(%arg14 : memref<!tpu.dma_semaphore, #tpu.memory_space<semaphore_mem>>)
        %shift_right_arithmetic3A_1684 = arith.constant 7 : i32
        %shift_right_arithmetic3A_1685 = arith.shrsi %squeeze3A_1413, %shift_right_arithmetic3A_1684 : i32
        %shift_left3A_1686 = arith.constant 7 : i32
        %shift_left3A_1687 = arith.shli %shift_right_arithmetic3A_1685, %shift_left3A_1686 : i32
        %multiple_of3A_1688 = tpu.assume_multiple %shift_left3A_1687, 128 : i32
        %dma_start3A_1689 = arith.constant 0 : i32
        %dma_start3A_1690 = arith.constant 0 : i32
        %dma_start3A_1691 = tpu.memref_slice %arg10[%rem3A_1344, %dma_start3A_1689, %dma_start3A_1690] : memref<8x32x128xf32, #tpu.memory_space<vmem>> -> memref<1x32x128xf32, #tpu.memory_space<vmem>>
        %dma_start3A_1692 = tpu.memref_squeeze %dma_start3A_1691 : memref<1x32x128xf32, #tpu.memory_space<vmem>> -> memref<32x128xf32, #tpu.memory_space<vmem>>
        %dma_start3A_1693 = arith.constant 0 : i32
        %dma_start3A_1694 = tpu.memref_slice %arg5[%dma_start3A_1693, %multiple_of3A_1688] : memref<32x1000000xf32, #tpu.memory_space<hbm>> -> memref<32x128xf32, #tpu.memory_space<hbm>>
        %dma_start3A_1695 = arith.constant 0 : i32
        %dma_start3A_1696 = arith.constant 0 : i32
        %dma_start3A_1697 = tpu.memref_slice %arg10[%rem3A_1344, %dma_start3A_1695, %dma_start3A_1696] : memref<8x32x128xf32, #tpu.memory_space<vmem>> -> memref<1x32x128xf32, #tpu.memory_space<vmem>>
        %dma_start3A_1698 = tpu.memref_squeeze %dma_start3A_1697 : memref<1x32x128xf32, #tpu.memory_space<vmem>> -> memref<32x128xf32, #tpu.memory_space<vmem>>
        %dma_start3A_1699 = arith.constant 0 : i32
        %dma_start3A_1700 = tpu.memref_slice %arg5[%dma_start3A_1699, %multiple_of3A_1688] : memref<32x1000000xf32, #tpu.memory_space<hbm>> -> memref<32x128xf32, #tpu.memory_space<hbm>>
        tpu.enqueue_dma source(%dma_start3A_1700 : memref<32x128xf32, #tpu.memory_space<hbm>>) target(%dma_start3A_1698 : memref<32x128xf32, #tpu.memory_space<vmem>>) target_semaphore(%arg15 : memref<!tpu.dma_semaphore, #tpu.memory_space<semaphore_mem>>)
      } else {
      }
      %mul3A_1421 = arith.constant 16 : i32
      %mul3A_1422 = arith.muli %scan3A_331, %mul3A_1421 : i32
      %add3A_1423 = arith.constant 13 : i32
      %add3A_1424 = arith.addi %mul3A_1422, %add3A_1423 : i32
      %rem3A_1425 = arith.constant 8 : i32
      %rem3A_1426 = arith.remsi %add3A_1424, %rem3A_1425 : i32
      %multiple_of3A_1427 = arith.constant 0 : i32
      %multiple_of3A_1428 = tpu.assume_multiple %multiple_of3A_1427, 128 : i32
      %dma_wait3A_1429 = arith.constant 0 : i32
      %dma_wait3A_1430 = arith.constant 0 : i32
      %dma_wait3A_1431 = tpu.memref_slice %arg9[%rem3A_1426, %dma_wait3A_1429, %dma_wait3A_1430] : memref<8x32x128xf32, #tpu.memory_space<vmem>> -> memref<1x32x128xf32, #tpu.memory_space<vmem>>
      %dma_wait3A_1432 = tpu.memref_squeeze %dma_wait3A_1431 : memref<1x32x128xf32, #tpu.memory_space<vmem>> -> memref<32x128xf32, #tpu.memory_space<vmem>>
      %dma_wait3A_1433 = arith.constant 0 : i32
      %dma_wait3A_1434 = tpu.memref_slice %arg4[%dma_wait3A_1433, %multiple_of3A_1428] : memref<32x1000000xf32, #tpu.memory_space<hbm>> -> memref<32x128xf32, #tpu.memory_space<hbm>>
      %dma_wait3A_1435 = arith.constant 0 : i32
      %dma_wait3A_1436 = arith.constant 0 : i32
      %dma_wait3A_1437 = tpu.memref_slice %arg9[%rem3A_1426, %dma_wait3A_1435, %dma_wait3A_1436] : memref<8x32x128xf32, #tpu.memory_space<vmem>> -> memref<1x32x128xf32, #tpu.memory_space<vmem>>
      %dma_wait3A_1438 = tpu.memref_squeeze %dma_wait3A_1437 : memref<1x32x128xf32, #tpu.memory_space<vmem>> -> memref<32x128xf32, #tpu.memory_space<vmem>>
      %dma_wait3A_1439 = arith.constant 0 : i32
      %dma_wait3A_1440 = tpu.memref_slice %arg4[%dma_wait3A_1439, %multiple_of3A_1428] : memref<32x1000000xf32, #tpu.memory_space<hbm>> -> memref<32x128xf32, #tpu.memory_space<hbm>>
      tpu.wait_dma2 semaphore(%arg14 : memref<!tpu.dma_semaphore, #tpu.memory_space<semaphore_mem>>) src(%dma_wait3A_1440 : memref<32x128xf32, #tpu.memory_space<hbm>>) dst(%dma_wait3A_1438 : memref<32x128xf32, #tpu.memory_space<vmem>>)
      %multiple_of3A_1441 = arith.constant 0 : i32
      %multiple_of3A_1442 = tpu.assume_multiple %multiple_of3A_1441, 128 : i32
      %dma_wait3A_1443 = arith.constant 0 : i32
      %dma_wait3A_1444 = arith.constant 0 : i32
      %dma_wait3A_1445 = tpu.memref_slice %arg10[%rem3A_1426, %dma_wait3A_1443, %dma_wait3A_1444] : memref<8x32x128xf32, #tpu.memory_space<vmem>> -> memref<1x32x128xf32, #tpu.memory_space<vmem>>
      %dma_wait3A_1446 = tpu.memref_squeeze %dma_wait3A_1445 : memref<1x32x128xf32, #tpu.memory_space<vmem>> -> memref<32x128xf32, #tpu.memory_space<vmem>>
      %dma_wait3A_1447 = arith.constant 0 : i32
      %dma_wait3A_1448 = tpu.memref_slice %arg5[%dma_wait3A_1447, %multiple_of3A_1442] : memref<32x1000000xf32, #tpu.memory_space<hbm>> -> memref<32x128xf32, #tpu.memory_space<hbm>>
      %dma_wait3A_1449 = arith.constant 0 : i32
      %dma_wait3A_1450 = arith.constant 0 : i32
      %dma_wait3A_1451 = tpu.memref_slice %arg10[%rem3A_1426, %dma_wait3A_1449, %dma_wait3A_1450] : memref<8x32x128xf32, #tpu.memory_space<vmem>> -> memref<1x32x128xf32, #tpu.memory_space<vmem>>
      %dma_wait3A_1452 = tpu.memref_squeeze %dma_wait3A_1451 : memref<1x32x128xf32, #tpu.memory_space<vmem>> -> memref<32x128xf32, #tpu.memory_space<vmem>>
      %dma_wait3A_1453 = arith.constant 0 : i32
      %dma_wait3A_1454 = tpu.memref_slice %arg5[%dma_wait3A_1453, %multiple_of3A_1442] : memref<32x1000000xf32, #tpu.memory_space<hbm>> -> memref<32x128xf32, #tpu.memory_space<hbm>>
      tpu.wait_dma2 semaphore(%arg15 : memref<!tpu.dma_semaphore, #tpu.memory_space<semaphore_mem>>) src(%dma_wait3A_1454 : memref<32x128xf32, #tpu.memory_space<hbm>>) dst(%dma_wait3A_1452 : memref<32x128xf32, #tpu.memory_space<vmem>>)
      %slice3A_1455 = vector.extract_strided_slice %get3A_336 {offsets = [13], sizes = [1], strides = [1]} : vector<16xi32> to vector<1xi32>
      %squeeze3A_1456 = vector.extract %slice3A_1455[0] : i32 from vector<1xi32>
      %slice3A_1457 = vector.extract_strided_slice %get3A_341 {offsets = [13], sizes = [1], strides = [1]} : vector<16xi32> to vector<1xi32>
      %squeeze3A_1458 = vector.extract %slice3A_1457[0] : i32 from vector<1xi32>
      %broadcast_in_dim3A_1459 = vector.broadcast %rem3A_1426 : i32 to vector<16xi32>
      %and3A_1460 = arith.constant 127 : i32
      %and3A_1461 = arith.andi %squeeze3A_1456, %and3A_1460 : i32
      %broadcast_in_dim3A_1462 = vector.broadcast %and3A_1461 : i32 to vector<16xi32>
      %and3A_1463 = arith.constant 127 : i32
      %and3A_1464 = arith.andi %squeeze3A_1458, %and3A_1463 : i32
      %broadcast_in_dim3A_1465 = vector.broadcast %and3A_1464 : i32 to vector<16xi32>
      %mul3A_1466 = arith.constant 32 : i32
      %mul3A_1467 = arith.muli %add3A_1424, %mul3A_1466 : i32
      %multiple_of3A_1468 = tpu.assume_multiple %mul3A_1467, 16 : i32
      %mul3A_1469 = arith.constant 32 : i32
      %mul3A_1470 = arith.muli %add3A_1424, %mul3A_1469 : i32
      %add3A_1471 = arith.constant 16 : i32
      %add3A_1472 = arith.addi %mul3A_1470, %add3A_1471 : i32
      %multiple_of3A_1473 = tpu.assume_multiple %add3A_1472, 16 : i32
      %gather3A_1474 = tpu.vector_load_idx %arg9[%broadcast_in_dim3A_1459, %iota3A, %broadcast_in_dim3A_1462] : memref<8x32x128xf32, #tpu.memory_space<vmem>>[vector<16xi32>, vector<16xi32>, vector<16xi32>], vector<16xf32>,
      %swap3A_1475 = arith.index_cast %multiple_of3A_1468 : i32 to index
      %swap3A_1476 = tpu.vector_load %arg11[%swap3A_1475] {strides = array<i32>} : memref<16384xf32, #tpu.memory_space<vmem>>, vector<16xf32>,
      tpu.vector_store %arg11[%swap3A_1475], %gather3A_1474 {strides = array<i32>} : memref<16384xf32, #tpu.memory_space<vmem>>, vector<16xf32>,
      %add3A_1477 = arith.constant 16 : i32
      %add3A_1478 = vector.broadcast %add3A_1477 : i32 to vector<16xi32>
      %add3A_1479 = arith.addi %iota3A, %add3A_1478 : vector<16xi32>
      %gather3A_1480 = tpu.vector_load_idx %arg9[%broadcast_in_dim3A_1459, %add3A_1479, %broadcast_in_dim3A_1462] : memref<8x32x128xf32, #tpu.memory_space<vmem>>[vector<16xi32>, vector<16xi32>, vector<16xi32>], vector<16xf32>,
      %swap3A_1481 = arith.index_cast %multiple_of3A_1473 : i32 to index
      %swap3A_1482 = tpu.vector_load %arg11[%swap3A_1481] {strides = array<i32>} : memref<16384xf32, #tpu.memory_space<vmem>>, vector<16xf32>,
      tpu.vector_store %arg11[%swap3A_1481], %gather3A_1480 {strides = array<i32>} : memref<16384xf32, #tpu.memory_space<vmem>>, vector<16xf32>,
      %gather3A_1483 = tpu.vector_load_idx %arg10[%broadcast_in_dim3A_1459, %iota3A, %broadcast_in_dim3A_1465] : memref<8x32x128xf32, #tpu.memory_space<vmem>>[vector<16xi32>, vector<16xi32>, vector<16xi32>], vector<16xf32>,
      %swap3A_1484 = arith.index_cast %multiple_of3A_1468 : i32 to index
      %swap3A_1485 = tpu.vector_load %arg12[%swap3A_1484] {strides = array<i32>} : memref<16384xf32, #tpu.memory_space<vmem>>, vector<16xf32>,
      tpu.vector_store %arg12[%swap3A_1484], %gather3A_1483 {strides = array<i32>} : memref<16384xf32, #tpu.memory_space<vmem>>, vector<16xf32>,
      %add3A_1486 = arith.constant 16 : i32
      %add3A_1487 = vector.broadcast %add3A_1486 : i32 to vector<16xi32>
      %add3A_1488 = arith.addi %iota3A, %add3A_1487 : vector<16xi32>
      %gather3A_1489 = tpu.vector_load_idx %arg10[%broadcast_in_dim3A_1459, %add3A_1488, %broadcast_in_dim3A_1465] : memref<8x32x128xf32, #tpu.memory_space<vmem>>[vector<16xi32>, vector<16xi32>, vector<16xi32>], vector<16xf32>,
      %swap3A_1490 = arith.index_cast %multiple_of3A_1473 : i32 to index
      %swap3A_1491 = tpu.vector_load %arg12[%swap3A_1490] {strides = array<i32>} : memref<16384xf32, #tpu.memory_space<vmem>>, vector<16xf32>,
      tpu.vector_store %arg12[%swap3A_1490], %gather3A_1489 {strides = array<i32>} : memref<16384xf32, #tpu.memory_space<vmem>>, vector<16xf32>,
      %slice3A_1492 = vector.extract_strided_slice %get3A_348 {offsets = [5], sizes = [1], strides = [1]} : vector<16xi32> to vector<1xi32>
      %squeeze3A_1493 = vector.extract %slice3A_1492[0] : i32 from vector<1xi32>
      %slice3A_1494 = vector.extract_strided_slice %get3A_355 {offsets = [5], sizes = [1], strides = [1]} : vector<16xi32> to vector<1xi32>
      %squeeze3A_1495 = vector.extract %slice3A_1494[0] : i32 from vector<1xi32>
      %add3A_1496 = arith.constant 8 : i32
      %add3A_1497 = arith.addi %add3A_1424, %add3A_1496 : i32
      %lt3A_1498 = arith.constant 512 : i32
      %lt3A_1499 = arith.cmpi slt, %add3A_1497, %lt3A_1498 : i32
      %convert_element_type3A_1500 = arith.extui %lt3A_1499 : i1 to i32
      %cond3A_1501 = arith.constant 0 : i32
      %cond3A_1502 = arith.cmpi ne, %convert_element_type3A_1500, %cond3A_1501 : i32
      scf.if %cond3A_1502 {
        %shift_right_arithmetic3A_1667 = arith.constant 7 : i32
        %shift_right_arithmetic3A_1668 = arith.shrsi %squeeze3A_1493, %shift_right_arithmetic3A_1667 : i32
        %shift_left3A_1669 = arith.constant 7 : i32
        %shift_left3A_1670 = arith.shli %shift_right_arithmetic3A_1668, %shift_left3A_1669 : i32
        %multiple_of3A_1671 = tpu.assume_multiple %shift_left3A_1670, 128 : i32
        %dma_start3A_1672 = arith.constant 0 : i32
        %dma_start3A_1673 = arith.constant 0 : i32
        %dma_start3A_1674 = tpu.memref_slice %arg9[%rem3A_1426, %dma_start3A_1672, %dma_start3A_1673] : memref<8x32x128xf32, #tpu.memory_space<vmem>> -> memref<1x32x128xf32, #tpu.memory_space<vmem>>
        %dma_start3A_1675 = tpu.memref_squeeze %dma_start3A_1674 : memref<1x32x128xf32, #tpu.memory_space<vmem>> -> memref<32x128xf32, #tpu.memory_space<vmem>>
        %dma_start3A_1676 = arith.constant 0 : i32
        %dma_start3A_1677 = tpu.memref_slice %arg4[%dma_start3A_1676, %multiple_of3A_1671] : memref<32x1000000xf32, #tpu.memory_space<hbm>> -> memref<32x128xf32, #tpu.memory_space<hbm>>
        %dma_start3A_1678 = arith.constant 0 : i32
        %dma_start3A_1679 = arith.constant 0 : i32
        %dma_start3A_1680 = tpu.memref_slice %arg9[%rem3A_1426, %dma_start3A_1678, %dma_start3A_1679] : memref<8x32x128xf32, #tpu.memory_space<vmem>> -> memref<1x32x128xf32, #tpu.memory_space<vmem>>
        %dma_start3A_1681 = tpu.memref_squeeze %dma_start3A_1680 : memref<1x32x128xf32, #tpu.memory_space<vmem>> -> memref<32x128xf32, #tpu.memory_space<vmem>>
        %dma_start3A_1682 = arith.constant 0 : i32
        %dma_start3A_1683 = tpu.memref_slice %arg4[%dma_start3A_1682, %multiple_of3A_1671] : memref<32x1000000xf32, #tpu.memory_space<hbm>> -> memref<32x128xf32, #tpu.memory_space<hbm>>
        tpu.enqueue_dma source(%dma_start3A_1683 : memref<32x128xf32, #tpu.memory_space<hbm>>) target(%dma_start3A_1681 : memref<32x128xf32, #tpu.memory_space<vmem>>) target_semaphore(%arg14 : memref<!tpu.dma_semaphore, #tpu.memory_space<semaphore_mem>>)
        %shift_right_arithmetic3A_1684 = arith.constant 7 : i32
        %shift_right_arithmetic3A_1685 = arith.shrsi %squeeze3A_1495, %shift_right_arithmetic3A_1684 : i32
        %shift_left3A_1686 = arith.constant 7 : i32
        %shift_left3A_1687 = arith.shli %shift_right_arithmetic3A_1685, %shift_left3A_1686 : i32
        %multiple_of3A_1688 = tpu.assume_multiple %shift_left3A_1687, 128 : i32
        %dma_start3A_1689 = arith.constant 0 : i32
        %dma_start3A_1690 = arith.constant 0 : i32
        %dma_start3A_1691 = tpu.memref_slice %arg10[%rem3A_1426, %dma_start3A_1689, %dma_start3A_1690] : memref<8x32x128xf32, #tpu.memory_space<vmem>> -> memref<1x32x128xf32, #tpu.memory_space<vmem>>
        %dma_start3A_1692 = tpu.memref_squeeze %dma_start3A_1691 : memref<1x32x128xf32, #tpu.memory_space<vmem>> -> memref<32x128xf32, #tpu.memory_space<vmem>>
        %dma_start3A_1693 = arith.constant 0 : i32
        %dma_start3A_1694 = tpu.memref_slice %arg5[%dma_start3A_1693, %multiple_of3A_1688] : memref<32x1000000xf32, #tpu.memory_space<hbm>> -> memref<32x128xf32, #tpu.memory_space<hbm>>
        %dma_start3A_1695 = arith.constant 0 : i32
        %dma_start3A_1696 = arith.constant 0 : i32
        %dma_start3A_1697 = tpu.memref_slice %arg10[%rem3A_1426, %dma_start3A_1695, %dma_start3A_1696] : memref<8x32x128xf32, #tpu.memory_space<vmem>> -> memref<1x32x128xf32, #tpu.memory_space<vmem>>
        %dma_start3A_1698 = tpu.memref_squeeze %dma_start3A_1697 : memref<1x32x128xf32, #tpu.memory_space<vmem>> -> memref<32x128xf32, #tpu.memory_space<vmem>>
        %dma_start3A_1699 = arith.constant 0 : i32
        %dma_start3A_1700 = tpu.memref_slice %arg5[%dma_start3A_1699, %multiple_of3A_1688] : memref<32x1000000xf32, #tpu.memory_space<hbm>> -> memref<32x128xf32, #tpu.memory_space<hbm>>
        tpu.enqueue_dma source(%dma_start3A_1700 : memref<32x128xf32, #tpu.memory_space<hbm>>) target(%dma_start3A_1698 : memref<32x128xf32, #tpu.memory_space<vmem>>) target_semaphore(%arg15 : memref<!tpu.dma_semaphore, #tpu.memory_space<semaphore_mem>>)
      } else {
      }
      %mul3A_1503 = arith.constant 16 : i32
      %mul3A_1504 = arith.muli %scan3A_331, %mul3A_1503 : i32
      %add3A_1505 = arith.constant 14 : i32
      %add3A_1506 = arith.addi %mul3A_1504, %add3A_1505 : i32
      %rem3A_1507 = arith.constant 8 : i32
      %rem3A_1508 = arith.remsi %add3A_1506, %rem3A_1507 : i32
      %multiple_of3A_1509 = arith.constant 0 : i32
      %multiple_of3A_1510 = tpu.assume_multiple %multiple_of3A_1509, 128 : i32
      %dma_wait3A_1511 = arith.constant 0 : i32
      %dma_wait3A_1512 = arith.constant 0 : i32
      %dma_wait3A_1513 = tpu.memref_slice %arg9[%rem3A_1508, %dma_wait3A_1511, %dma_wait3A_1512] : memref<8x32x128xf32, #tpu.memory_space<vmem>> -> memref<1x32x128xf32, #tpu.memory_space<vmem>>
      %dma_wait3A_1514 = tpu.memref_squeeze %dma_wait3A_1513 : memref<1x32x128xf32, #tpu.memory_space<vmem>> -> memref<32x128xf32, #tpu.memory_space<vmem>>
      %dma_wait3A_1515 = arith.constant 0 : i32
      %dma_wait3A_1516 = tpu.memref_slice %arg4[%dma_wait3A_1515, %multiple_of3A_1510] : memref<32x1000000xf32, #tpu.memory_space<hbm>> -> memref<32x128xf32, #tpu.memory_space<hbm>>
      %dma_wait3A_1517 = arith.constant 0 : i32
      %dma_wait3A_1518 = arith.constant 0 : i32
      %dma_wait3A_1519 = tpu.memref_slice %arg9[%rem3A_1508, %dma_wait3A_1517, %dma_wait3A_1518] : memref<8x32x128xf32, #tpu.memory_space<vmem>> -> memref<1x32x128xf32, #tpu.memory_space<vmem>>
      %dma_wait3A_1520 = tpu.memref_squeeze %dma_wait3A_1519 : memref<1x32x128xf32, #tpu.memory_space<vmem>> -> memref<32x128xf32, #tpu.memory_space<vmem>>
      %dma_wait3A_1521 = arith.constant 0 : i32
      %dma_wait3A_1522 = tpu.memref_slice %arg4[%dma_wait3A_1521, %multiple_of3A_1510] : memref<32x1000000xf32, #tpu.memory_space<hbm>> -> memref<32x128xf32, #tpu.memory_space<hbm>>
      tpu.wait_dma2 semaphore(%arg14 : memref<!tpu.dma_semaphore, #tpu.memory_space<semaphore_mem>>) src(%dma_wait3A_1522 : memref<32x128xf32, #tpu.memory_space<hbm>>) dst(%dma_wait3A_1520 : memref<32x128xf32, #tpu.memory_space<vmem>>)
      %multiple_of3A_1523 = arith.constant 0 : i32
      %multiple_of3A_1524 = tpu.assume_multiple %multiple_of3A_1523, 128 : i32
      %dma_wait3A_1525 = arith.constant 0 : i32
      %dma_wait3A_1526 = arith.constant 0 : i32
      %dma_wait3A_1527 = tpu.memref_slice %arg10[%rem3A_1508, %dma_wait3A_1525, %dma_wait3A_1526] : memref<8x32x128xf32, #tpu.memory_space<vmem>> -> memref<1x32x128xf32, #tpu.memory_space<vmem>>
      %dma_wait3A_1528 = tpu.memref_squeeze %dma_wait3A_1527 : memref<1x32x128xf32, #tpu.memory_space<vmem>> -> memref<32x128xf32, #tpu.memory_space<vmem>>
      %dma_wait3A_1529 = arith.constant 0 : i32
      %dma_wait3A_1530 = tpu.memref_slice %arg5[%dma_wait3A_1529, %multiple_of3A_1524] : memref<32x1000000xf32, #tpu.memory_space<hbm>> -> memref<32x128xf32, #tpu.memory_space<hbm>>
      %dma_wait3A_1531 = arith.constant 0 : i32
      %dma_wait3A_1532 = arith.constant 0 : i32
      %dma_wait3A_1533 = tpu.memref_slice %arg10[%rem3A_1508, %dma_wait3A_1531, %dma_wait3A_1532] : memref<8x32x128xf32, #tpu.memory_space<vmem>> -> memref<1x32x128xf32, #tpu.memory_space<vmem>>
      %dma_wait3A_1534 = tpu.memref_squeeze %dma_wait3A_1533 : memref<1x32x128xf32, #tpu.memory_space<vmem>> -> memref<32x128xf32, #tpu.memory_space<vmem>>
      %dma_wait3A_1535 = arith.constant 0 : i32
      %dma_wait3A_1536 = tpu.memref_slice %arg5[%dma_wait3A_1535, %multiple_of3A_1524] : memref<32x1000000xf32, #tpu.memory_space<hbm>> -> memref<32x128xf32, #tpu.memory_space<hbm>>
      tpu.wait_dma2 semaphore(%arg15 : memref<!tpu.dma_semaphore, #tpu.memory_space<semaphore_mem>>) src(%dma_wait3A_1536 : memref<32x128xf32, #tpu.memory_space<hbm>>) dst(%dma_wait3A_1534 : memref<32x128xf32, #tpu.memory_space<vmem>>)
      %slice3A_1537 = vector.extract_strided_slice %get3A_336 {offsets = [14], sizes = [1], strides = [1]} : vector<16xi32> to vector<1xi32>
      %squeeze3A_1538 = vector.extract %slice3A_1537[0] : i32 from vector<1xi32>
      %slice3A_1539 = vector.extract_strided_slice %get3A_341 {offsets = [14], sizes = [1], strides = [1]} : vector<16xi32> to vector<1xi32>
      %squeeze3A_1540 = vector.extract %slice3A_1539[0] : i32 from vector<1xi32>
      %broadcast_in_dim3A_1541 = vector.broadcast %rem3A_1508 : i32 to vector<16xi32>
      %and3A_1542 = arith.constant 127 : i32
      %and3A_1543 = arith.andi %squeeze3A_1538, %and3A_1542 : i32
      %broadcast_in_dim3A_1544 = vector.broadcast %and3A_1543 : i32 to vector<16xi32>
      %and3A_1545 = arith.constant 127 : i32
      %and3A_1546 = arith.andi %squeeze3A_1540, %and3A_1545 : i32
      %broadcast_in_dim3A_1547 = vector.broadcast %and3A_1546 : i32 to vector<16xi32>
      %mul3A_1548 = arith.constant 32 : i32
      %mul3A_1549 = arith.muli %add3A_1506, %mul3A_1548 : i32
      %multiple_of3A_1550 = tpu.assume_multiple %mul3A_1549, 16 : i32
      %mul3A_1551 = arith.constant 32 : i32
      %mul3A_1552 = arith.muli %add3A_1506, %mul3A_1551 : i32
      %add3A_1553 = arith.constant 16 : i32
      %add3A_1554 = arith.addi %mul3A_1552, %add3A_1553 : i32
      %multiple_of3A_1555 = tpu.assume_multiple %add3A_1554, 16 : i32
      %gather3A_1556 = tpu.vector_load_idx %arg9[%broadcast_in_dim3A_1541, %iota3A, %broadcast_in_dim3A_1544] : memref<8x32x128xf32, #tpu.memory_space<vmem>>[vector<16xi32>, vector<16xi32>, vector<16xi32>], vector<16xf32>,
      %swap3A_1557 = arith.index_cast %multiple_of3A_1550 : i32 to index
      %swap3A_1558 = tpu.vector_load %arg11[%swap3A_1557] {strides = array<i32>} : memref<16384xf32, #tpu.memory_space<vmem>>, vector<16xf32>,
      tpu.vector_store %arg11[%swap3A_1557], %gather3A_1556 {strides = array<i32>} : memref<16384xf32, #tpu.memory_space<vmem>>, vector<16xf32>,
      %add3A_1559 = arith.constant 16 : i32
      %add3A_1560 = vector.broadcast %add3A_1559 : i32 to vector<16xi32>
      %add3A_1561 = arith.addi %iota3A, %add3A_1560 : vector<16xi32>
      %gather3A_1562 = tpu.vector_load_idx %arg9[%broadcast_in_dim3A_1541, %add3A_1561, %broadcast_in_dim3A_1544] : memref<8x32x128xf32, #tpu.memory_space<vmem>>[vector<16xi32>, vector<16xi32>, vector<16xi32>], vector<16xf32>,
      %swap3A_1563 = arith.index_cast %multiple_of3A_1555 : i32 to index
      %swap3A_1564 = tpu.vector_load %arg11[%swap3A_1563] {strides = array<i32>} : memref<16384xf32, #tpu.memory_space<vmem>>, vector<16xf32>,
      tpu.vector_store %arg11[%swap3A_1563], %gather3A_1562 {strides = array<i32>} : memref<16384xf32, #tpu.memory_space<vmem>>, vector<16xf32>,
      %gather3A_1565 = tpu.vector_load_idx %arg10[%broadcast_in_dim3A_1541, %iota3A, %broadcast_in_dim3A_1547] : memref<8x32x128xf32, #tpu.memory_space<vmem>>[vector<16xi32>, vector<16xi32>, vector<16xi32>], vector<16xf32>,
      %swap3A_1566 = arith.index_cast %multiple_of3A_1550 : i32 to index
      %swap3A_1567 = tpu.vector_load %arg12[%swap3A_1566] {strides = array<i32>} : memref<16384xf32, #tpu.memory_space<vmem>>, vector<16xf32>,
      tpu.vector_store %arg12[%swap3A_1566], %gather3A_1565 {strides = array<i32>} : memref<16384xf32, #tpu.memory_space<vmem>>, vector<16xf32>,
      %add3A_1568 = arith.constant 16 : i32
      %add3A_1569 = vector.broadcast %add3A_1568 : i32 to vector<16xi32>
      %add3A_1570 = arith.addi %iota3A, %add3A_1569 : vector<16xi32>
      %gather3A_1571 = tpu.vector_load_idx %arg10[%broadcast_in_dim3A_1541, %add3A_1570, %broadcast_in_dim3A_1547] : memref<8x32x128xf32, #tpu.memory_space<vmem>>[vector<16xi32>, vector<16xi32>, vector<16xi32>], vector<16xf32>,
      %swap3A_1572 = arith.index_cast %multiple_of3A_1555 : i32 to index
      %swap3A_1573 = tpu.vector_load %arg12[%swap3A_1572] {strides = array<i32>} : memref<16384xf32, #tpu.memory_space<vmem>>, vector<16xf32>,
      tpu.vector_store %arg12[%swap3A_1572], %gather3A_1571 {strides = array<i32>} : memref<16384xf32, #tpu.memory_space<vmem>>, vector<16xf32>,
      %slice3A_1574 = vector.extract_strided_slice %get3A_348 {offsets = [6], sizes = [1], strides = [1]} : vector<16xi32> to vector<1xi32>
      %squeeze3A_1575 = vector.extract %slice3A_1574[0] : i32 from vector<1xi32>
      %slice3A_1576 = vector.extract_strided_slice %get3A_355 {offsets = [6], sizes = [1], strides = [1]} : vector<16xi32> to vector<1xi32>
      %squeeze3A_1577 = vector.extract %slice3A_1576[0] : i32 from vector<1xi32>
      %add3A_1578 = arith.constant 8 : i32
      %add3A_1579 = arith.addi %add3A_1506, %add3A_1578 : i32
      %lt3A_1580 = arith.constant 512 : i32
      %lt3A_1581 = arith.cmpi slt, %add3A_1579, %lt3A_1580 : i32
      %convert_element_type3A_1582 = arith.extui %lt3A_1581 : i1 to i32
      %cond3A_1583 = arith.constant 0 : i32
      %cond3A_1584 = arith.cmpi ne, %convert_element_type3A_1582, %cond3A_1583 : i32
      scf.if %cond3A_1584 {
        %shift_right_arithmetic3A_1667 = arith.constant 7 : i32
        %shift_right_arithmetic3A_1668 = arith.shrsi %squeeze3A_1575, %shift_right_arithmetic3A_1667 : i32
        %shift_left3A_1669 = arith.constant 7 : i32
        %shift_left3A_1670 = arith.shli %shift_right_arithmetic3A_1668, %shift_left3A_1669 : i32
        %multiple_of3A_1671 = tpu.assume_multiple %shift_left3A_1670, 128 : i32
        %dma_start3A_1672 = arith.constant 0 : i32
        %dma_start3A_1673 = arith.constant 0 : i32
        %dma_start3A_1674 = tpu.memref_slice %arg9[%rem3A_1508, %dma_start3A_1672, %dma_start3A_1673] : memref<8x32x128xf32, #tpu.memory_space<vmem>> -> memref<1x32x128xf32, #tpu.memory_space<vmem>>
        %dma_start3A_1675 = tpu.memref_squeeze %dma_start3A_1674 : memref<1x32x128xf32, #tpu.memory_space<vmem>> -> memref<32x128xf32, #tpu.memory_space<vmem>>
        %dma_start3A_1676 = arith.constant 0 : i32
        %dma_start3A_1677 = tpu.memref_slice %arg4[%dma_start3A_1676, %multiple_of3A_1671] : memref<32x1000000xf32, #tpu.memory_space<hbm>> -> memref<32x128xf32, #tpu.memory_space<hbm>>
        %dma_start3A_1678 = arith.constant 0 : i32
        %dma_start3A_1679 = arith.constant 0 : i32
        %dma_start3A_1680 = tpu.memref_slice %arg9[%rem3A_1508, %dma_start3A_1678, %dma_start3A_1679] : memref<8x32x128xf32, #tpu.memory_space<vmem>> -> memref<1x32x128xf32, #tpu.memory_space<vmem>>
        %dma_start3A_1681 = tpu.memref_squeeze %dma_start3A_1680 : memref<1x32x128xf32, #tpu.memory_space<vmem>> -> memref<32x128xf32, #tpu.memory_space<vmem>>
        %dma_start3A_1682 = arith.constant 0 : i32
        %dma_start3A_1683 = tpu.memref_slice %arg4[%dma_start3A_1682, %multiple_of3A_1671] : memref<32x1000000xf32, #tpu.memory_space<hbm>> -> memref<32x128xf32, #tpu.memory_space<hbm>>
        tpu.enqueue_dma source(%dma_start3A_1683 : memref<32x128xf32, #tpu.memory_space<hbm>>) target(%dma_start3A_1681 : memref<32x128xf32, #tpu.memory_space<vmem>>) target_semaphore(%arg14 : memref<!tpu.dma_semaphore, #tpu.memory_space<semaphore_mem>>)
        %shift_right_arithmetic3A_1684 = arith.constant 7 : i32
        %shift_right_arithmetic3A_1685 = arith.shrsi %squeeze3A_1577, %shift_right_arithmetic3A_1684 : i32
        %shift_left3A_1686 = arith.constant 7 : i32
        %shift_left3A_1687 = arith.shli %shift_right_arithmetic3A_1685, %shift_left3A_1686 : i32
        %multiple_of3A_1688 = tpu.assume_multiple %shift_left3A_1687, 128 : i32
        %dma_start3A_1689 = arith.constant 0 : i32
        %dma_start3A_1690 = arith.constant 0 : i32
        %dma_start3A_1691 = tpu.memref_slice %arg10[%rem3A_1508, %dma_start3A_1689, %dma_start3A_1690] : memref<8x32x128xf32, #tpu.memory_space<vmem>> -> memref<1x32x128xf32, #tpu.memory_space<vmem>>
        %dma_start3A_1692 = tpu.memref_squeeze %dma_start3A_1691 : memref<1x32x128xf32, #tpu.memory_space<vmem>> -> memref<32x128xf32, #tpu.memory_space<vmem>>
        %dma_start3A_1693 = arith.constant 0 : i32
        %dma_start3A_1694 = tpu.memref_slice %arg5[%dma_start3A_1693, %multiple_of3A_1688] : memref<32x1000000xf32, #tpu.memory_space<hbm>> -> memref<32x128xf32, #tpu.memory_space<hbm>>
        %dma_start3A_1695 = arith.constant 0 : i32
        %dma_start3A_1696 = arith.constant 0 : i32
        %dma_start3A_1697 = tpu.memref_slice %arg10[%rem3A_1508, %dma_start3A_1695, %dma_start3A_1696] : memref<8x32x128xf32, #tpu.memory_space<vmem>> -> memref<1x32x128xf32, #tpu.memory_space<vmem>>
        %dma_start3A_1698 = tpu.memref_squeeze %dma_start3A_1697 : memref<1x32x128xf32, #tpu.memory_space<vmem>> -> memref<32x128xf32, #tpu.memory_space<vmem>>
        %dma_start3A_1699 = arith.constant 0 : i32
        %dma_start3A_1700 = tpu.memref_slice %arg5[%dma_start3A_1699, %multiple_of3A_1688] : memref<32x1000000xf32, #tpu.memory_space<hbm>> -> memref<32x128xf32, #tpu.memory_space<hbm>>
        tpu.enqueue_dma source(%dma_start3A_1700 : memref<32x128xf32, #tpu.memory_space<hbm>>) target(%dma_start3A_1698 : memref<32x128xf32, #tpu.memory_space<vmem>>) target_semaphore(%arg15 : memref<!tpu.dma_semaphore, #tpu.memory_space<semaphore_mem>>)
      } else {
      }
      %mul3A_1585 = arith.constant 16 : i32
      %mul3A_1586 = arith.muli %scan3A_331, %mul3A_1585 : i32
      %add3A_1587 = arith.constant 15 : i32
      %add3A_1588 = arith.addi %mul3A_1586, %add3A_1587 : i32
      %rem3A_1589 = arith.constant 8 : i32
      %rem3A_1590 = arith.remsi %add3A_1588, %rem3A_1589 : i32
      %multiple_of3A_1591 = arith.constant 0 : i32
      %multiple_of3A_1592 = tpu.assume_multiple %multiple_of3A_1591, 128 : i32
      %dma_wait3A_1593 = arith.constant 0 : i32
      %dma_wait3A_1594 = arith.constant 0 : i32
      %dma_wait3A_1595 = tpu.memref_slice %arg9[%rem3A_1590, %dma_wait3A_1593, %dma_wait3A_1594] : memref<8x32x128xf32, #tpu.memory_space<vmem>> -> memref<1x32x128xf32, #tpu.memory_space<vmem>>
      %dma_wait3A_1596 = tpu.memref_squeeze %dma_wait3A_1595 : memref<1x32x128xf32, #tpu.memory_space<vmem>> -> memref<32x128xf32, #tpu.memory_space<vmem>>
      %dma_wait3A_1597 = arith.constant 0 : i32
      %dma_wait3A_1598 = tpu.memref_slice %arg4[%dma_wait3A_1597, %multiple_of3A_1592] : memref<32x1000000xf32, #tpu.memory_space<hbm>> -> memref<32x128xf32, #tpu.memory_space<hbm>>
      %dma_wait3A_1599 = arith.constant 0 : i32
      %dma_wait3A_1600 = arith.constant 0 : i32
      %dma_wait3A_1601 = tpu.memref_slice %arg9[%rem3A_1590, %dma_wait3A_1599, %dma_wait3A_1600] : memref<8x32x128xf32, #tpu.memory_space<vmem>> -> memref<1x32x128xf32, #tpu.memory_space<vmem>>
      %dma_wait3A_1602 = tpu.memref_squeeze %dma_wait3A_1601 : memref<1x32x128xf32, #tpu.memory_space<vmem>> -> memref<32x128xf32, #tpu.memory_space<vmem>>
      %dma_wait3A_1603 = arith.constant 0 : i32
      %dma_wait3A_1604 = tpu.memref_slice %arg4[%dma_wait3A_1603, %multiple_of3A_1592] : memref<32x1000000xf32, #tpu.memory_space<hbm>> -> memref<32x128xf32, #tpu.memory_space<hbm>>
      tpu.wait_dma2 semaphore(%arg14 : memref<!tpu.dma_semaphore, #tpu.memory_space<semaphore_mem>>) src(%dma_wait3A_1604 : memref<32x128xf32, #tpu.memory_space<hbm>>) dst(%dma_wait3A_1602 : memref<32x128xf32, #tpu.memory_space<vmem>>)
      %multiple_of3A_1605 = arith.constant 0 : i32
      %multiple_of3A_1606 = tpu.assume_multiple %multiple_of3A_1605, 128 : i32
      %dma_wait3A_1607 = arith.constant 0 : i32
      %dma_wait3A_1608 = arith.constant 0 : i32
      %dma_wait3A_1609 = tpu.memref_slice %arg10[%rem3A_1590, %dma_wait3A_1607, %dma_wait3A_1608] : memref<8x32x128xf32, #tpu.memory_space<vmem>> -> memref<1x32x128xf32, #tpu.memory_space<vmem>>
      %dma_wait3A_1610 = tpu.memref_squeeze %dma_wait3A_1609 : memref<1x32x128xf32, #tpu.memory_space<vmem>> -> memref<32x128xf32, #tpu.memory_space<vmem>>
      %dma_wait3A_1611 = arith.constant 0 : i32
      %dma_wait3A_1612 = tpu.memref_slice %arg5[%dma_wait3A_1611, %multiple_of3A_1606] : memref<32x1000000xf32, #tpu.memory_space<hbm>> -> memref<32x128xf32, #tpu.memory_space<hbm>>
      %dma_wait3A_1613 = arith.constant 0 : i32
      %dma_wait3A_1614 = arith.constant 0 : i32
      %dma_wait3A_1615 = tpu.memref_slice %arg10[%rem3A_1590, %dma_wait3A_1613, %dma_wait3A_1614] : memref<8x32x128xf32, #tpu.memory_space<vmem>> -> memref<1x32x128xf32, #tpu.memory_space<vmem>>
      %dma_wait3A_1616 = tpu.memref_squeeze %dma_wait3A_1615 : memref<1x32x128xf32, #tpu.memory_space<vmem>> -> memref<32x128xf32, #tpu.memory_space<vmem>>
      %dma_wait3A_1617 = arith.constant 0 : i32
      %dma_wait3A_1618 = tpu.memref_slice %arg5[%dma_wait3A_1617, %multiple_of3A_1606] : memref<32x1000000xf32, #tpu.memory_space<hbm>> -> memref<32x128xf32, #tpu.memory_space<hbm>>
      tpu.wait_dma2 semaphore(%arg15 : memref<!tpu.dma_semaphore, #tpu.memory_space<semaphore_mem>>) src(%dma_wait3A_1618 : memref<32x128xf32, #tpu.memory_space<hbm>>) dst(%dma_wait3A_1616 : memref<32x128xf32, #tpu.memory_space<vmem>>)
      %slice3A_1619 = vector.extract_strided_slice %get3A_336 {offsets = [15], sizes = [1], strides = [1]} : vector<16xi32> to vector<1xi32>
      %squeeze3A_1620 = vector.extract %slice3A_1619[0] : i32 from vector<1xi32>
      %slice3A_1621 = vector.extract_strided_slice %get3A_341 {offsets = [15], sizes = [1], strides = [1]} : vector<16xi32> to vector<1xi32>
      %squeeze3A_1622 = vector.extract %slice3A_1621[0] : i32 from vector<1xi32>
      %broadcast_in_dim3A_1623 = vector.broadcast %rem3A_1590 : i32 to vector<16xi32>
      %and3A_1624 = arith.constant 127 : i32
      %and3A_1625 = arith.andi %squeeze3A_1620, %and3A_1624 : i32
      %broadcast_in_dim3A_1626 = vector.broadcast %and3A_1625 : i32 to vector<16xi32>
      %and3A_1627 = arith.constant 127 : i32
      %and3A_1628 = arith.andi %squeeze3A_1622, %and3A_1627 : i32
      %broadcast_in_dim3A_1629 = vector.broadcast %and3A_1628 : i32 to vector<16xi32>
      %mul3A_1630 = arith.constant 32 : i32
      %mul3A_1631 = arith.muli %add3A_1588, %mul3A_1630 : i32
      %multiple_of3A_1632 = tpu.assume_multiple %mul3A_1631, 16 : i32
      %mul3A_1633 = arith.constant 32 : i32
      %mul3A_1634 = arith.muli %add3A_1588, %mul3A_1633 : i32
      %add3A_1635 = arith.constant 16 : i32
      %add3A_1636 = arith.addi %mul3A_1634, %add3A_1635 : i32
      %multiple_of3A_1637 = tpu.assume_multiple %add3A_1636, 16 : i32
      %gather3A_1638 = tpu.vector_load_idx %arg9[%broadcast_in_dim3A_1623, %iota3A, %broadcast_in_dim3A_1626] : memref<8x32x128xf32, #tpu.memory_space<vmem>>[vector<16xi32>, vector<16xi32>, vector<16xi32>], vector<16xf32>,
      %swap3A_1639 = arith.index_cast %multiple_of3A_1632 : i32 to index
      %swap3A_1640 = tpu.vector_load %arg11[%swap3A_1639] {strides = array<i32>} : memref<16384xf32, #tpu.memory_space<vmem>>, vector<16xf32>,
      tpu.vector_store %arg11[%swap3A_1639], %gather3A_1638 {strides = array<i32>} : memref<16384xf32, #tpu.memory_space<vmem>>, vector<16xf32>,
      %add3A_1641 = arith.constant 16 : i32
      %add3A_1642 = vector.broadcast %add3A_1641 : i32 to vector<16xi32>
      %add3A_1643 = arith.addi %iota3A, %add3A_1642 : vector<16xi32>
      %gather3A_1644 = tpu.vector_load_idx %arg9[%broadcast_in_dim3A_1623, %add3A_1643, %broadcast_in_dim3A_1626] : memref<8x32x128xf32, #tpu.memory_space<vmem>>[vector<16xi32>, vector<16xi32>, vector<16xi32>], vector<16xf32>,
      %swap3A_1645 = arith.index_cast %multiple_of3A_1637 : i32 to index
      %swap3A_1646 = tpu.vector_load %arg11[%swap3A_1645] {strides = array<i32>} : memref<16384xf32, #tpu.memory_space<vmem>>, vector<16xf32>,
      tpu.vector_store %arg11[%swap3A_1645], %gather3A_1644 {strides = array<i32>} : memref<16384xf32, #tpu.memory_space<vmem>>, vector<16xf32>,
      %gather3A_1647 = tpu.vector_load_idx %arg10[%broadcast_in_dim3A_1623, %iota3A, %broadcast_in_dim3A_1629] : memref<8x32x128xf32, #tpu.memory_space<vmem>>[vector<16xi32>, vector<16xi32>, vector<16xi32>], vector<16xf32>,
      %swap3A_1648 = arith.index_cast %multiple_of3A_1632 : i32 to index
      %swap3A_1649 = tpu.vector_load %arg12[%swap3A_1648] {strides = array<i32>} : memref<16384xf32, #tpu.memory_space<vmem>>, vector<16xf32>,
      tpu.vector_store %arg12[%swap3A_1648], %gather3A_1647 {strides = array<i32>} : memref<16384xf32, #tpu.memory_space<vmem>>, vector<16xf32>,
      %add3A_1650 = arith.constant 16 : i32
      %add3A_1651 = vector.broadcast %add3A_1650 : i32 to vector<16xi32>
      %add3A_1652 = arith.addi %iota3A, %add3A_1651 : vector<16xi32>
      %gather3A_1653 = tpu.vector_load_idx %arg10[%broadcast_in_dim3A_1623, %add3A_1652, %broadcast_in_dim3A_1629] : memref<8x32x128xf32, #tpu.memory_space<vmem>>[vector<16xi32>, vector<16xi32>, vector<16xi32>], vector<16xf32>,
      %swap3A_1654 = arith.index_cast %multiple_of3A_1637 : i32 to index
      %swap3A_1655 = tpu.vector_load %arg12[%swap3A_1654] {strides = array<i32>} : memref<16384xf32, #tpu.memory_space<vmem>>, vector<16xf32>,
      tpu.vector_store %arg12[%swap3A_1654], %gather3A_1653 {strides = array<i32>} : memref<16384xf32, #tpu.memory_space<vmem>>, vector<16xf32>,
      %slice3A_1656 = vector.extract_strided_slice %get3A_348 {offsets = [7], sizes = [1], strides = [1]} : vector<16xi32> to vector<1xi32>
      %squeeze3A_1657 = vector.extract %slice3A_1656[0] : i32 from vector<1xi32>
      %slice3A_1658 = vector.extract_strided_slice %get3A_355 {offsets = [7], sizes = [1], strides = [1]} : vector<16xi32> to vector<1xi32>
      %squeeze3A_1659 = vector.extract %slice3A_1658[0] : i32 from vector<1xi32>
      %add3A_1660 = arith.constant 8 : i32
      %add3A_1661 = arith.addi %add3A_1588, %add3A_1660 : i32
      %lt3A_1662 = arith.constant 512 : i32
      %lt3A_1663 = arith.cmpi slt, %add3A_1661, %lt3A_1662 : i32
      %convert_element_type3A_1664 = arith.extui %lt3A_1663 : i1 to i32
      %cond3A_1665 = arith.constant 0 : i32
      %cond3A_1666 = arith.cmpi ne, %convert_element_type3A_1664, %cond3A_1665 : i32
      scf.if %cond3A_1666 {
        %shift_right_arithmetic3A_1667 = arith.constant 7 : i32
        %shift_right_arithmetic3A_1668 = arith.shrsi %squeeze3A_1657, %shift_right_arithmetic3A_1667 : i32
        %shift_left3A_1669 = arith.constant 7 : i32
        %shift_left3A_1670 = arith.shli %shift_right_arithmetic3A_1668, %shift_left3A_1669 : i32
        %multiple_of3A_1671 = tpu.assume_multiple %shift_left3A_1670, 128 : i32
        %dma_start3A_1672 = arith.constant 0 : i32
        %dma_start3A_1673 = arith.constant 0 : i32
        %dma_start3A_1674 = tpu.memref_slice %arg9[%rem3A_1590, %dma_start3A_1672, %dma_start3A_1673] : memref<8x32x128xf32, #tpu.memory_space<vmem>> -> memref<1x32x128xf32, #tpu.memory_space<vmem>>
        %dma_start3A_1675 = tpu.memref_squeeze %dma_start3A_1674 : memref<1x32x128xf32, #tpu.memory_space<vmem>> -> memref<32x128xf32, #tpu.memory_space<vmem>>
        %dma_start3A_1676 = arith.constant 0 : i32
        %dma_start3A_1677 = tpu.memref_slice %arg4[%dma_start3A_1676, %multiple_of3A_1671] : memref<32x1000000xf32, #tpu.memory_space<hbm>> -> memref<32x128xf32, #tpu.memory_space<hbm>>
        %dma_start3A_1678 = arith.constant 0 : i32
        %dma_start3A_1679 = arith.constant 0 : i32
        %dma_start3A_1680 = tpu.memref_slice %arg9[%rem3A_1590, %dma_start3A_1678, %dma_start3A_1679] : memref<8x32x128xf32, #tpu.memory_space<vmem>> -> memref<1x32x128xf32, #tpu.memory_space<vmem>>
        %dma_start3A_1681 = tpu.memref_squeeze %dma_start3A_1680 : memref<1x32x128xf32, #tpu.memory_space<vmem>> -> memref<32x128xf32, #tpu.memory_space<vmem>>
        %dma_start3A_1682 = arith.constant 0 : i32
        %dma_start3A_1683 = tpu.memref_slice %arg4[%dma_start3A_1682, %multiple_of3A_1671] : memref<32x1000000xf32, #tpu.memory_space<hbm>> -> memref<32x128xf32, #tpu.memory_space<hbm>>
        tpu.enqueue_dma source(%dma_start3A_1683 : memref<32x128xf32, #tpu.memory_space<hbm>>) target(%dma_start3A_1681 : memref<32x128xf32, #tpu.memory_space<vmem>>) target_semaphore(%arg14 : memref<!tpu.dma_semaphore, #tpu.memory_space<semaphore_mem>>)
        %shift_right_arithmetic3A_1684 = arith.constant 7 : i32
        %shift_right_arithmetic3A_1685 = arith.shrsi %squeeze3A_1659, %shift_right_arithmetic3A_1684 : i32
        %shift_left3A_1686 = arith.constant 7 : i32
        %shift_left3A_1687 = arith.shli %shift_right_arithmetic3A_1685, %shift_left3A_1686 : i32
        %multiple_of3A_1688 = tpu.assume_multiple %shift_left3A_1687, 128 : i32
        %dma_start3A_1689 = arith.constant 0 : i32
        %dma_start3A_1690 = arith.constant 0 : i32
        %dma_start3A_1691 = tpu.memref_slice %arg10[%rem3A_1590, %dma_start3A_1689, %dma_start3A_1690] : memref<8x32x128xf32, #tpu.memory_space<vmem>> -> memref<1x32x128xf32, #tpu.memory_space<vmem>>
        %dma_start3A_1692 = tpu.memref_squeeze %dma_start3A_1691 : memref<1x32x128xf32, #tpu.memory_space<vmem>> -> memref<32x128xf32, #tpu.memory_space<vmem>>
        %dma_start3A_1693 = arith.constant 0 : i32
        %dma_start3A_1694 = tpu.memref_slice %arg5[%dma_start3A_1693, %multiple_of3A_1688] : memref<32x1000000xf32, #tpu.memory_space<hbm>> -> memref<32x128xf32, #tpu.memory_space<hbm>>
        %dma_start3A_1695 = arith.constant 0 : i32
        %dma_start3A_1696 = arith.constant 0 : i32
        %dma_start3A_1697 = tpu.memref_slice %arg10[%rem3A_1590, %dma_start3A_1695, %dma_start3A_1696] : memref<8x32x128xf32, #tpu.memory_space<vmem>> -> memref<1x32x128xf32, #tpu.memory_space<vmem>>
        %dma_start3A_1698 = tpu.memref_squeeze %dma_start3A_1697 : memref<1x32x128xf32, #tpu.memory_space<vmem>> -> memref<32x128xf32, #tpu.memory_space<vmem>>
        %dma_start3A_1699 = arith.constant 0 : i32
        %dma_start3A_1700 = tpu.memref_slice %arg5[%dma_start3A_1699, %multiple_of3A_1688] : memref<32x1000000xf32, #tpu.memory_space<hbm>> -> memref<32x128xf32, #tpu.memory_space<hbm>>
        tpu.enqueue_dma source(%dma_start3A_1700 : memref<32x128xf32, #tpu.memory_space<hbm>>) target(%dma_start3A_1698 : memref<32x128xf32, #tpu.memory_space<vmem>>) target_semaphore(%arg15 : memref<!tpu.dma_semaphore, #tpu.memory_space<semaphore_mem>>)
      } else {
      }
    }
    %scan3A_324 = arith.constant 32 : i32
    %scan3A_325 = arith.constant 0 : i32
    %scan3A_326 = arith.constant 0 : i32
    %scan3A_327 = arith.constant 32 : i32
    %scan3A_328 = arith.addi %scan3A_326, %scan3A_327 : i32
    %scan3A_329 = arith.constant 1 : i32
    scf.for %scan3A_331 = %scan3A_326 to %scan3A_328 step %scan3A_329  : i32 {
      %mul3A_332 = arith.constant 512 : i32
      %mul3A_333 = arith.muli %scan3A_331, %mul3A_332 : i32
      %mul3A_334 = arith.constant 32 : i32
      %mul3A_335 = vector.broadcast %mul3A_334 : i32 to vector<16xi32>
      %mul3A_336 = arith.muli %iota3A, %mul3A_335 : vector<16xi32>
      %add3A_337 = vector.broadcast %mul3A_333 : i32 to vector<16xi32>
      %add3A_338 = arith.addi %add3A_337, %mul3A_336 : vector<16xi32>
      %broadcast_in_dim3A = arith.constant 0.000000e+00 : f32
      %broadcast_in_dim3A_339 = vector.broadcast %broadcast_in_dim3A : f32 to vector<16xf32>
      %add3A_340 = arith.constant 0 : i32
      %add3A_341 = vector.broadcast %add3A_340 : i32 to vector<16xi32>
      %add3A_342 = arith.addi %add3A_338, %add3A_341 : vector<16xi32>
      %gather3A = tpu.vector_load_idx %arg11[%add3A_342] : memref<16384xf32, #tpu.memory_space<vmem>>[vector<16xi32>], vector<16xf32>,
      %gather3A_343 = tpu.vector_load_idx %arg12[%add3A_342] : memref<16384xf32, #tpu.memory_space<vmem>>[vector<16xi32>], vector<16xf32>,
      %mul3A_344 = arith.mulf %gather3A, %gather3A_343 : vector<16xf32>
      %add3A_345 = arith.addf %broadcast_in_dim3A_339, %mul3A_344 : vector<16xf32>
      %add3A_346 = arith.constant 1 : i32
      %add3A_347 = vector.broadcast %add3A_346 : i32 to vector<16xi32>
      %add3A_348 = arith.addi %add3A_338, %add3A_347 : vector<16xi32>
      %gather3A_349 = tpu.vector_load_idx %arg11[%add3A_348] : memref<16384xf32, #tpu.memory_space<vmem>>[vector<16xi32>], vector<16xf32>,
      %gather3A_350 = tpu.vector_load_idx %arg12[%add3A_348] : memref<16384xf32, #tpu.memory_space<vmem>>[vector<16xi32>], vector<16xf32>,
      %mul3A_351 = arith.mulf %gather3A_349, %gather3A_350 : vector<16xf32>
      %add3A_352 = arith.addf %add3A_345, %mul3A_351 : vector<16xf32>
      %add3A_353 = arith.constant 2 : i32
      %add3A_354 = vector.broadcast %add3A_353 : i32 to vector<16xi32>
      %add3A_355 = arith.addi %add3A_338, %add3A_354 : vector<16xi32>
      %gather3A_356 = tpu.vector_load_idx %arg11[%add3A_355] : memref<16384xf32, #tpu.memory_space<vmem>>[vector<16xi32>], vector<16xf32>,
      %gather3A_357 = tpu.vector_load_idx %arg12[%add3A_355] : memref<16384xf32, #tpu.memory_space<vmem>>[vector<16xi32>], vector<16xf32>,
      %mul3A_358 = arith.mulf %gather3A_356, %gather3A_357 : vector<16xf32>
      %add3A_359 = arith.addf %add3A_352, %mul3A_358 : vector<16xf32>
      %add3A_360 = arith.constant 3 : i32
      %add3A_361 = vector.broadcast %add3A_360 : i32 to vector<16xi32>
      %add3A_362 = arith.addi %add3A_338, %add3A_361 : vector<16xi32>
      %gather3A_363 = tpu.vector_load_idx %arg11[%add3A_362] : memref<16384xf32, #tpu.memory_space<vmem>>[vector<16xi32>], vector<16xf32>,
      %gather3A_364 = tpu.vector_load_idx %arg12[%add3A_362] : memref<16384xf32, #tpu.memory_space<vmem>>[vector<16xi32>], vector<16xf32>,
      %mul3A_365 = arith.mulf %gather3A_363, %gather3A_364 : vector<16xf32>
      %add3A_366 = arith.addf %add3A_359, %mul3A_365 : vector<16xf32>
      %add3A_367 = arith.constant 4 : i32
      %add3A_368 = vector.broadcast %add3A_367 : i32 to vector<16xi32>
      %add3A_369 = arith.addi %add3A_338, %add3A_368 : vector<16xi32>
      %gather3A_370 = tpu.vector_load_idx %arg11[%add3A_369] : memref<16384xf32, #tpu.memory_space<vmem>>[vector<16xi32>], vector<16xf32>,
      %gather3A_371 = tpu.vector_load_idx %arg12[%add3A_369] : memref<16384xf32, #tpu.memory_space<vmem>>[vector<16xi32>], vector<16xf32>,
      %mul3A_372 = arith.mulf %gather3A_370, %gather3A_371 : vector<16xf32>
      %add3A_373 = arith.addf %add3A_366, %mul3A_372 : vector<16xf32>
      %add3A_374 = arith.constant 5 : i32
      %add3A_375 = vector.broadcast %add3A_374 : i32 to vector<16xi32>
      %add3A_376 = arith.addi %add3A_338, %add3A_375 : vector<16xi32>
      %gather3A_377 = tpu.vector_load_idx %arg11[%add3A_376] : memref<16384xf32, #tpu.memory_space<vmem>>[vector<16xi32>], vector<16xf32>,
      %gather3A_378 = tpu.vector_load_idx %arg12[%add3A_376] : memref<16384xf32, #tpu.memory_space<vmem>>[vector<16xi32>], vector<16xf32>,
      %mul3A_379 = arith.mulf %gather3A_377, %gather3A_378 : vector<16xf32>
      %add3A_380 = arith.addf %add3A_373, %mul3A_379 : vector<16xf32>
      %add3A_381 = arith.constant 6 : i32
      %add3A_382 = vector.broadcast %add3A_381 : i32 to vector<16xi32>
      %add3A_383 = arith.addi %add3A_338, %add3A_382 : vector<16xi32>
      %gather3A_384 = tpu.vector_load_idx %arg11[%add3A_383] : memref<16384xf32, #tpu.memory_space<vmem>>[vector<16xi32>], vector<16xf32>,
      %gather3A_385 = tpu.vector_load_idx %arg12[%add3A_383] : memref<16384xf32, #tpu.memory_space<vmem>>[vector<16xi32>], vector<16xf32>,
      %mul3A_386 = arith.mulf %gather3A_384, %gather3A_385 : vector<16xf32>
      %add3A_387 = arith.addf %add3A_380, %mul3A_386 : vector<16xf32>
      %add3A_388 = arith.constant 7 : i32
      %add3A_389 = vector.broadcast %add3A_388 : i32 to vector<16xi32>
      %add3A_390 = arith.addi %add3A_338, %add3A_389 : vector<16xi32>
      %gather3A_391 = tpu.vector_load_idx %arg11[%add3A_390] : memref<16384xf32, #tpu.memory_space<vmem>>[vector<16xi32>], vector<16xf32>,
      %gather3A_392 = tpu.vector_load_idx %arg12[%add3A_390] : memref<16384xf32, #tpu.memory_space<vmem>>[vector<16xi32>], vector<16xf32>,
      %mul3A_393 = arith.mulf %gather3A_391, %gather3A_392 : vector<16xf32>
      %add3A_394 = arith.addf %add3A_387, %mul3A_393 : vector<16xf32>
      %add3A_395 = arith.constant 8 : i32
      %add3A_396 = vector.broadcast %add3A_395 : i32 to vector<16xi32>
      %add3A_397 = arith.addi %add3A_338, %add3A_396 : vector<16xi32>
      %gather3A_398 = tpu.vector_load_idx %arg11[%add3A_397] : memref<16384xf32, #tpu.memory_space<vmem>>[vector<16xi32>], vector<16xf32>,
      %gather3A_399 = tpu.vector_load_idx %arg12[%add3A_397] : memref<16384xf32, #tpu.memory_space<vmem>>[vector<16xi32>], vector<16xf32>,
      %mul3A_400 = arith.mulf %gather3A_398, %gather3A_399 : vector<16xf32>
      %add3A_401 = arith.addf %add3A_394, %mul3A_400 : vector<16xf32>
      %add3A_402 = arith.constant 9 : i32
      %add3A_403 = vector.broadcast %add3A_402 : i32 to vector<16xi32>
      %add3A_404 = arith.addi %add3A_338, %add3A_403 : vector<16xi32>
      %gather3A_405 = tpu.vector_load_idx %arg11[%add3A_404] : memref<16384xf32, #tpu.memory_space<vmem>>[vector<16xi32>], vector<16xf32>,
      %gather3A_406 = tpu.vector_load_idx %arg12[%add3A_404] : memref<16384xf32, #tpu.memory_space<vmem>>[vector<16xi32>], vector<16xf32>,
      %mul3A_407 = arith.mulf %gather3A_405, %gather3A_406 : vector<16xf32>
      %add3A_408 = arith.addf %add3A_401, %mul3A_407 : vector<16xf32>
      %add3A_409 = arith.constant 10 : i32
      %add3A_410 = vector.broadcast %add3A_409 : i32 to vector<16xi32>
      %add3A_411 = arith.addi %add3A_338, %add3A_410 : vector<16xi32>
      %gather3A_412 = tpu.vector_load_idx %arg11[%add3A_411] : memref<16384xf32, #tpu.memory_space<vmem>>[vector<16xi32>], vector<16xf32>,
      %gather3A_413 = tpu.vector_load_idx %arg12[%add3A_411] : memref<16384xf32, #tpu.memory_space<vmem>>[vector<16xi32>], vector<16xf32>,
      %mul3A_414 = arith.mulf %gather3A_412, %gather3A_413 : vector<16xf32>
      %add3A_415 = arith.addf %add3A_408, %mul3A_414 : vector<16xf32>
      %add3A_416 = arith.constant 11 : i32
      %add3A_417 = vector.broadcast %add3A_416 : i32 to vector<16xi32>
      %add3A_418 = arith.addi %add3A_338, %add3A_417 : vector<16xi32>
      %gather3A_419 = tpu.vector_load_idx %arg11[%add3A_418] : memref<16384xf32, #tpu.memory_space<vmem>>[vector<16xi32>], vector<16xf32>,
      %gather3A_420 = tpu.vector_load_idx %arg12[%add3A_418] : memref<16384xf32, #tpu.memory_space<vmem>>[vector<16xi32>], vector<16xf32>,
      %mul3A_421 = arith.mulf %gather3A_419, %gather3A_420 : vector<16xf32>
      %add3A_422 = arith.addf %add3A_415, %mul3A_421 : vector<16xf32>
      %add3A_423 = arith.constant 12 : i32
      %add3A_424 = vector.broadcast %add3A_423 : i32 to vector<16xi32>
      %add3A_425 = arith.addi %add3A_338, %add3A_424 : vector<16xi32>
      %gather3A_426 = tpu.vector_load_idx %arg11[%add3A_425] : memref<16384xf32, #tpu.memory_space<vmem>>[vector<16xi32>], vector<16xf32>,
      %gather3A_427 = tpu.vector_load_idx %arg12[%add3A_425] : memref<16384xf32, #tpu.memory_space<vmem>>[vector<16xi32>], vector<16xf32>,
      %mul3A_428 = arith.mulf %gather3A_426, %gather3A_427 : vector<16xf32>
      %add3A_429 = arith.addf %add3A_422, %mul3A_428 : vector<16xf32>
      %add3A_430 = arith.constant 13 : i32
      %add3A_431 = vector.broadcast %add3A_430 : i32 to vector<16xi32>
      %add3A_432 = arith.addi %add3A_338, %add3A_431 : vector<16xi32>
      %gather3A_433 = tpu.vector_load_idx %arg11[%add3A_432] : memref<16384xf32, #tpu.memory_space<vmem>>[vector<16xi32>], vector<16xf32>,
      %gather3A_434 = tpu.vector_load_idx %arg12[%add3A_432] : memref<16384xf32, #tpu.memory_space<vmem>>[vector<16xi32>], vector<16xf32>,
      %mul3A_435 = arith.mulf %gather3A_433, %gather3A_434 : vector<16xf32>
      %add3A_436 = arith.addf %add3A_429, %mul3A_435 : vector<16xf32>
      %add3A_437 = arith.constant 14 : i32
      %add3A_438 = vector.broadcast %add3A_437 : i32 to vector<16xi32>
      %add3A_439 = arith.addi %add3A_338, %add3A_438 : vector<16xi32>
      %gather3A_440 = tpu.vector_load_idx %arg11[%add3A_439] : memref<16384xf32, #tpu.memory_space<vmem>>[vector<16xi32>], vector<16xf32>,
      %gather3A_441 = tpu.vector_load_idx %arg12[%add3A_439] : memref<16384xf32, #tpu.memory_space<vmem>>[vector<16xi32>], vector<16xf32>,
      %mul3A_442 = arith.mulf %gather3A_440, %gather3A_441 : vector<16xf32>
      %add3A_443 = arith.addf %add3A_436, %mul3A_442 : vector<16xf32>
      %add3A_444 = arith.constant 15 : i32
      %add3A_445 = vector.broadcast %add3A_444 : i32 to vector<16xi32>
      %add3A_446 = arith.addi %add3A_338, %add3A_445 : vector<16xi32>
      %gather3A_447 = tpu.vector_load_idx %arg11[%add3A_446] : memref<16384xf32, #tpu.memory_space<vmem>>[vector<16xi32>], vector<16xf32>,
      %gather3A_448 = tpu.vector_load_idx %arg12[%add3A_446] : memref<16384xf32, #tpu.memory_space<vmem>>[vector<16xi32>], vector<16xf32>,
      %mul3A_449 = arith.mulf %gather3A_447, %gather3A_448 : vector<16xf32>
      %add3A_450 = arith.addf %add3A_443, %mul3A_449 : vector<16xf32>
      %add3A_451 = arith.constant 16 : i32
      %add3A_452 = vector.broadcast %add3A_451 : i32 to vector<16xi32>
      %add3A_453 = arith.addi %add3A_338, %add3A_452 : vector<16xi32>
      %gather3A_454 = tpu.vector_load_idx %arg11[%add3A_453] : memref<16384xf32, #tpu.memory_space<vmem>>[vector<16xi32>], vector<16xf32>,
      %gather3A_455 = tpu.vector_load_idx %arg12[%add3A_453] : memref<16384xf32, #tpu.memory_space<vmem>>[vector<16xi32>], vector<16xf32>,
      %mul3A_456 = arith.mulf %gather3A_454, %gather3A_455 : vector<16xf32>
      %add3A_457 = arith.addf %add3A_450, %mul3A_456 : vector<16xf32>
      %add3A_458 = arith.constant 17 : i32
      %add3A_459 = vector.broadcast %add3A_458 : i32 to vector<16xi32>
      %add3A_460 = arith.addi %add3A_338, %add3A_459 : vector<16xi32>
      %gather3A_461 = tpu.vector_load_idx %arg11[%add3A_460] : memref<16384xf32, #tpu.memory_space<vmem>>[vector<16xi32>], vector<16xf32>,
      %gather3A_462 = tpu.vector_load_idx %arg12[%add3A_460] : memref<16384xf32, #tpu.memory_space<vmem>>[vector<16xi32>], vector<16xf32>,
      %mul3A_463 = arith.mulf %gather3A_461, %gather3A_462 : vector<16xf32>
      %add3A_464 = arith.addf %add3A_457, %mul3A_463 : vector<16xf32>
      %add3A_465 = arith.constant 18 : i32
      %add3A_466 = vector.broadcast %add3A_465 : i32 to vector<16xi32>
      %add3A_467 = arith.addi %add3A_338, %add3A_466 : vector<16xi32>
      %gather3A_468 = tpu.vector_load_idx %arg11[%add3A_467] : memref<16384xf32, #tpu.memory_space<vmem>>[vector<16xi32>], vector<16xf32>,
      %gather3A_469 = tpu.vector_load_idx %arg12[%add3A_467] : memref<16384xf32, #tpu.memory_space<vmem>>[vector<16xi32>], vector<16xf32>,
      %mul3A_470 = arith.mulf %gather3A_468, %gather3A_469 : vector<16xf32>
      %add3A_471 = arith.addf %add3A_464, %mul3A_470 : vector<16xf32>
      %add3A_472 = arith.constant 19 : i32
      %add3A_473 = vector.broadcast %add3A_472 : i32 to vector<16xi32>
      %add3A_474 = arith.addi %add3A_338, %add3A_473 : vector<16xi32>
      %gather3A_475 = tpu.vector_load_idx %arg11[%add3A_474] : memref<16384xf32, #tpu.memory_space<vmem>>[vector<16xi32>], vector<16xf32>,
      %gather3A_476 = tpu.vector_load_idx %arg12[%add3A_474] : memref<16384xf32, #tpu.memory_space<vmem>>[vector<16xi32>], vector<16xf32>,
      %mul3A_477 = arith.mulf %gather3A_475, %gather3A_476 : vector<16xf32>
      %add3A_478 = arith.addf %add3A_471, %mul3A_477 : vector<16xf32>
      %add3A_479 = arith.constant 20 : i32
      %add3A_480 = vector.broadcast %add3A_479 : i32 to vector<16xi32>
      %add3A_481 = arith.addi %add3A_338, %add3A_480 : vector<16xi32>
      %gather3A_482 = tpu.vector_load_idx %arg11[%add3A_481] : memref<16384xf32, #tpu.memory_space<vmem>>[vector<16xi32>], vector<16xf32>,
      %gather3A_483 = tpu.vector_load_idx %arg12[%add3A_481] : memref<16384xf32, #tpu.memory_space<vmem>>[vector<16xi32>], vector<16xf32>,
      %mul3A_484 = arith.mulf %gather3A_482, %gather3A_483 : vector<16xf32>
      %add3A_485 = arith.addf %add3A_478, %mul3A_484 : vector<16xf32>
      %add3A_486 = arith.constant 21 : i32
      %add3A_487 = vector.broadcast %add3A_486 : i32 to vector<16xi32>
      %add3A_488 = arith.addi %add3A_338, %add3A_487 : vector<16xi32>
      %gather3A_489 = tpu.vector_load_idx %arg11[%add3A_488] : memref<16384xf32, #tpu.memory_space<vmem>>[vector<16xi32>], vector<16xf32>,
      %gather3A_490 = tpu.vector_load_idx %arg12[%add3A_488] : memref<16384xf32, #tpu.memory_space<vmem>>[vector<16xi32>], vector<16xf32>,
      %mul3A_491 = arith.mulf %gather3A_489, %gather3A_490 : vector<16xf32>
      %add3A_492 = arith.addf %add3A_485, %mul3A_491 : vector<16xf32>
      %add3A_493 = arith.constant 22 : i32
      %add3A_494 = vector.broadcast %add3A_493 : i32 to vector<16xi32>
      %add3A_495 = arith.addi %add3A_338, %add3A_494 : vector<16xi32>
      %gather3A_496 = tpu.vector_load_idx %arg11[%add3A_495] : memref<16384xf32, #tpu.memory_space<vmem>>[vector<16xi32>], vector<16xf32>,
      %gather3A_497 = tpu.vector_load_idx %arg12[%add3A_495] : memref<16384xf32, #tpu.memory_space<vmem>>[vector<16xi32>], vector<16xf32>,
      %mul3A_498 = arith.mulf %gather3A_496, %gather3A_497 : vector<16xf32>
      %add3A_499 = arith.addf %add3A_492, %mul3A_498 : vector<16xf32>
      %add3A_500 = arith.constant 23 : i32
      %add3A_501 = vector.broadcast %add3A_500 : i32 to vector<16xi32>
      %add3A_502 = arith.addi %add3A_338, %add3A_501 : vector<16xi32>
      %gather3A_503 = tpu.vector_load_idx %arg11[%add3A_502] : memref<16384xf32, #tpu.memory_space<vmem>>[vector<16xi32>], vector<16xf32>,
      %gather3A_504 = tpu.vector_load_idx %arg12[%add3A_502] : memref<16384xf32, #tpu.memory_space<vmem>>[vector<16xi32>], vector<16xf32>,
      %mul3A_505 = arith.mulf %gather3A_503, %gather3A_504 : vector<16xf32>
      %add3A_506 = arith.addf %add3A_499, %mul3A_505 : vector<16xf32>
      %add3A_507 = arith.constant 24 : i32
      %add3A_508 = vector.broadcast %add3A_507 : i32 to vector<16xi32>
      %add3A_509 = arith.addi %add3A_338, %add3A_508 : vector<16xi32>
      %gather3A_510 = tpu.vector_load_idx %arg11[%add3A_509] : memref<16384xf32, #tpu.memory_space<vmem>>[vector<16xi32>], vector<16xf32>,
      %gather3A_511 = tpu.vector_load_idx %arg12[%add3A_509] : memref<16384xf32, #tpu.memory_space<vmem>>[vector<16xi32>], vector<16xf32>,
      %mul3A_512 = arith.mulf %gather3A_510, %gather3A_511 : vector<16xf32>
      %add3A_513 = arith.addf %add3A_506, %mul3A_512 : vector<16xf32>
      %add3A_514 = arith.constant 25 : i32
      %add3A_515 = vector.broadcast %add3A_514 : i32 to vector<16xi32>
      %add3A_516 = arith.addi %add3A_338, %add3A_515 : vector<16xi32>
      %gather3A_517 = tpu.vector_load_idx %arg11[%add3A_516] : memref<16384xf32, #tpu.memory_space<vmem>>[vector<16xi32>], vector<16xf32>,
      %gather3A_518 = tpu.vector_load_idx %arg12[%add3A_516] : memref<16384xf32, #tpu.memory_space<vmem>>[vector<16xi32>], vector<16xf32>,
      %mul3A_519 = arith.mulf %gather3A_517, %gather3A_518 : vector<16xf32>
      %add3A_520 = arith.addf %add3A_513, %mul3A_519 : vector<16xf32>
      %add3A_521 = arith.constant 26 : i32
      %add3A_522 = vector.broadcast %add3A_521 : i32 to vector<16xi32>
      %add3A_523 = arith.addi %add3A_338, %add3A_522 : vector<16xi32>
      %gather3A_524 = tpu.vector_load_idx %arg11[%add3A_523] : memref<16384xf32, #tpu.memory_space<vmem>>[vector<16xi32>], vector<16xf32>,
      %gather3A_525 = tpu.vector_load_idx %arg12[%add3A_523] : memref<16384xf32, #tpu.memory_space<vmem>>[vector<16xi32>], vector<16xf32>,
      %mul3A_526 = arith.mulf %gather3A_524, %gather3A_525 : vector<16xf32>
      %add3A_527 = arith.addf %add3A_520, %mul3A_526 : vector<16xf32>
      %add3A_528 = arith.constant 27 : i32
      %add3A_529 = vector.broadcast %add3A_528 : i32 to vector<16xi32>
      %add3A_530 = arith.addi %add3A_338, %add3A_529 : vector<16xi32>
      %gather3A_531 = tpu.vector_load_idx %arg11[%add3A_530] : memref<16384xf32, #tpu.memory_space<vmem>>[vector<16xi32>], vector<16xf32>,
      %gather3A_532 = tpu.vector_load_idx %arg12[%add3A_530] : memref<16384xf32, #tpu.memory_space<vmem>>[vector<16xi32>], vector<16xf32>,
      %mul3A_533 = arith.mulf %gather3A_531, %gather3A_532 : vector<16xf32>
      %add3A_534 = arith.addf %add3A_527, %mul3A_533 : vector<16xf32>
      %add3A_535 = arith.constant 28 : i32
      %add3A_536 = vector.broadcast %add3A_535 : i32 to vector<16xi32>
      %add3A_537 = arith.addi %add3A_338, %add3A_536 : vector<16xi32>
      %gather3A_538 = tpu.vector_load_idx %arg11[%add3A_537] : memref<16384xf32, #tpu.memory_space<vmem>>[vector<16xi32>], vector<16xf32>,
      %gather3A_539 = tpu.vector_load_idx %arg12[%add3A_537] : memref<16384xf32, #tpu.memory_space<vmem>>[vector<16xi32>], vector<16xf32>,
      %mul3A_540 = arith.mulf %gather3A_538, %gather3A_539 : vector<16xf32>
      %add3A_541 = arith.addf %add3A_534, %mul3A_540 : vector<16xf32>
      %add3A_542 = arith.constant 29 : i32
      %add3A_543 = vector.broadcast %add3A_542 : i32 to vector<16xi32>
      %add3A_544 = arith.addi %add3A_338, %add3A_543 : vector<16xi32>
      %gather3A_545 = tpu.vector_load_idx %arg11[%add3A_544] : memref<16384xf32, #tpu.memory_space<vmem>>[vector<16xi32>], vector<16xf32>,
      %gather3A_546 = tpu.vector_load_idx %arg12[%add3A_544] : memref<16384xf32, #tpu.memory_space<vmem>>[vector<16xi32>], vector<16xf32>,
      %mul3A_547 = arith.mulf %gather3A_545, %gather3A_546 : vector<16xf32>
      %add3A_548 = arith.addf %add3A_541, %mul3A_547 : vector<16xf32>
      %add3A_549 = arith.constant 30 : i32
      %add3A_550 = vector.broadcast %add3A_549 : i32 to vector<16xi32>
      %add3A_551 = arith.addi %add3A_338, %add3A_550 : vector<16xi32>
      %gather3A_552 = tpu.vector_load_idx %arg11[%add3A_551] : memref<16384xf32, #tpu.memory_space<vmem>>[vector<16xi32>], vector<16xf32>,
      %gather3A_553 = tpu.vector_load_idx %arg12[%add3A_551] : memref<16384xf32, #tpu.memory_space<vmem>>[vector<16xi32>], vector<16xf32>,
      %mul3A_554 = arith.mulf %gather3A_552, %gather3A_553 : vector<16xf32>
      %add3A_555 = arith.addf %add3A_548, %mul3A_554 : vector<16xf32>
      %add3A_556 = arith.constant 31 : i32
      %add3A_557 = vector.broadcast %add3A_556 : i32 to vector<16xi32>
      %add3A_558 = arith.addi %add3A_338, %add3A_557 : vector<16xi32>
      %gather3A_559 = tpu.vector_load_idx %arg11[%add3A_558] : memref<16384xf32, #tpu.memory_space<vmem>>[vector<16xi32>], vector<16xf32>,
      %gather3A_560 = tpu.vector_load_idx %arg12[%add3A_558] : memref<16384xf32, #tpu.memory_space<vmem>>[vector<16xi32>], vector<16xf32>,
      %mul3A_561 = arith.mulf %gather3A_559, %gather3A_560 : vector<16xf32>
      %add3A_562 = arith.addf %add3A_555, %mul3A_561 : vector<16xf32>
      %neg3A = arith.constant 0.000000e+00 : f32
      %neg3A_563 = vector.broadcast %neg3A : f32 to vector<16xf32>
      %neg3A_564 = arith.subf %neg3A_563, %add3A_562 : vector<16xf32>
      %exp3A = math.exp %neg3A_564 : vector<16xf32>
      %add3A_565 = arith.constant 1.000000e+00 : f32
      %add3A_566 = vector.broadcast %add3A_565 : f32 to vector<16xf32>
      %add3A_567 = arith.addf %add3A_566, %exp3A : vector<16xf32>
      %div3A = arith.constant 1.000000e+00 : f32
      %div3A_568 = vector.broadcast %div3A : f32 to vector<16xf32>
      %div3A_569 = arith.divf %div3A_568, %add3A_567 : vector<16xf32>
      %mul3A_570 = arith.constant 16 : i32
      %mul3A_571 = arith.muli %scan3A_331, %mul3A_570 : i32
      %multiple_of3A_572 = tpu.assume_multiple %mul3A_571, 16 : i32
      %swap3A = arith.index_cast %multiple_of3A_572 : i32 to index
      %swap3A_573 = tpu.vector_load %arg13[%swap3A] {strides = array<i32>} : memref<512xf32, #tpu.memory_space<vmem>>, vector<16xf32>,
      tpu.vector_store %arg13[%swap3A], %div3A_569 {strides = array<i32>} : memref<512xf32, #tpu.memory_space<vmem>>, vector<16xf32>,
    }
    %scan3A_330 = arith.constant 32 : i32
    "tpu.region"() ({
      %run_scoped3A = tpu.sem_alloc : memref<!tpu.dma_semaphore, #tpu.memory_space<semaphore_mem>>
      %dma_start3A_331 = tpu.memref_slice %arg6[%mul3A_2] : memref<16384xf32, #tpu.memory_space<hbm>> -> memref<512xf32, #tpu.memory_space<hbm>>
      %dma_start3A_332 = tpu.memref_slice %arg6[%mul3A_2] : memref<16384xf32, #tpu.memory_space<hbm>> -> memref<512xf32, #tpu.memory_space<hbm>>
      tpu.enqueue_dma source(%arg13 : memref<512xf32, #tpu.memory_space<vmem>>) target(%dma_start3A_332 : memref<512xf32, #tpu.memory_space<hbm>>) target_semaphore(%run_scoped3A : memref<!tpu.dma_semaphore, #tpu.memory_space<semaphore_mem>>)
      %dma_wait3A = tpu.memref_slice %arg6[%mul3A_2] : memref<16384xf32, #tpu.memory_space<hbm>> -> memref<512xf32, #tpu.memory_space<hbm>>
      %dma_wait3A_333 = tpu.memref_slice %arg6[%mul3A_2] : memref<16384xf32, #tpu.memory_space<hbm>> -> memref<512xf32, #tpu.memory_space<hbm>>
      tpu.wait_dma2 semaphore(%run_scoped3A : memref<!tpu.dma_semaphore, #tpu.memory_space<semaphore_mem>>) src(%arg13 : memref<512xf32, #tpu.memory_space<vmem>>) dst(%dma_wait3A_333 : memref<512xf32, #tpu.memory_space<hbm>>)
      tpu.yield
    }) : () -> ()
    return
  }
}

</mosaic_0001>

<sc_bundles>
// kernel: kernel.3.cloned.1.call-start
scs
__scs_entry_jumppad:
0x0: {  	(pc) =	sbr.rel $0x88, $3  }
0x1: {  	(tag) =	ssettag $0x0;
	lr =	simm.s32 $0x1  }
0x2: {  	[smem:$0x3F9D] =	sst lr;
	_ =	strace $0xD0000000  }
0x3: {  	_ = 	snop  }
0x4: {  	_ = 	snop  }
0x5: {  	_ = 	snop  }
0x6: {  	_ = 	snop  }
0x7: {  	_ = 	snop  }
__scs_overlays_trampoline_lowered:
0x8: {  	[smem:$0x3FAC] =	sst s0  }
0x9: {  	[smem:$0x3FAD] =	sst s1  }
0xa: {  	[smem:$0x3FAE] =	sst s2  }
0xb: {  	[smem:$0x3FAF] =	sst s3  }
0xc: {  	[smem:$0x3FB0] =	sst s4  }
0xd: {  	[smem:$0x3FB1] =	sst s5  }
0xe: {  	[smem:$0x3FB2] =	sst s6  }
0xf: {  	[smem:$0x3FB3] =	sst s7  }
0x10: {  	[smem:$0x3FB4] =	sst s8  }
0x11: {  	[smem:$0x3FB5] =	sst s9;
	s0 =	simm.s32 @!p0 $0x0  }
0x12: {  	s1 =	sld [smem:$0x3F9B];
	s0 =	simm.s32 @p0 $0x1  }
0x13: {  	[smem:$0x3FB6] =	sst s0;
	s0 =	simm.s32 @!p1 $0x0  }
0x14: {  	s2 =	sld [smem:$0x3F9A];
	s0 =	simm.s32 @p1 $0x1  }
0x15: {  	[smem:$0x3FB7] =	sst s0;
	s0 =	simm.s32 @!p2 $0x0  }
0x16: {  	s3 =	sld [smem:$0x3FDB];
	s0 =	simm.s32 @p2 $0x1  }
0x17: {  	s4 =	simm.s32 $0x1BF5;
	[smem:$0x3FB9] =	sst s0  }
0x18: {  	s0 =	sld [smem:$0x3F9C];
	_ =	swait.ge [sflag:s4], $0x0  }
0x19: {  	s7 =	sld [smem:$0x3F9D]  }
0x1a: {  	s8 =	sadd.s32 $0xFFFFE003, lr  }
0x1b: {  	s9 =	sadd.s32 $0xFFFFFEF7, lr;
	s5 =	simm.s32 $0xFFFFFFFF;
	p2 =	slt.u32 s8, $0xFFFFF086  }
0x1c: {  	p1 =	slt.u32 s9, $0xF7A;
	s5 =	simm.s32 @!p2 $0x0  }
0x1d: {  	s5 =	simm.s32 @p1 $0x1;
	p0 =	seq.s32 s7, s2  }
0x1e: {  	s7 =	smul.u32 @!p0 $0xF7A, s2;
	p2 =	seq.s32 @!p0 s5, $0x0  }
0x1f: {  	s9 =	smul.u32 $0xF7A, s1;
	s8 =	simm.s32 @!p0 $0x1BF5;
	p2 =	por !p2, p0  }
0x20: {  	[sflag:s8] =	ssyncset.s32 @!p0 $0xFFFFF086;
	s6 =	sadd.s32 @!p0 s3, s7;
	s7 =	simm.s32 @!p0 $0x108  }
0x21: {  	s3 =	sadd.s32 s3, s9;
	s6 =	sadd.s32 @!p0 $0x88, s6;
	s7 =	simm.s32 @p2 $0x1082  }
0x22: {  	[simem:s7], [sflag:s8] =	dma.local @!p0 [hbm:s6], $0xF7A  }
0x23: {  	s9 =	sor.u32 $0xD0000000, s2;
	s6 =	simm.s32 $0x108;
	_ =	swait.ge @!p0 [sflag:s8], $0x0  }
0x24: {  	s3 =	sadd.s32 $0x88, s3;
	s6 =	simm.s32 @!p1 $0x1082;
	[sflag:s4] =	ssyncset.s32 $0xFFFFF086  }
0x25: {  	[simem:s6], [sflag:s4] =	dma.local [hbm:s3], $0xF7A  }
0x26: {  	[smem:$0x3F9D] =	sst s1;
	(tag) =	ssettag s2;
	_ =	strace s9  }
0x27: {  	s1 =	sld [smem:$0x3FAD]  }
0x28: {  	s2 =	sld [smem:$0x3FAE]  }
0x29: {  	s4 =	sld [smem:$0x3FB0]  }
0x2a: {  	p0 =	seq.s32 s5, $0x0;
	s5 =	sld [smem:$0x3FB1]  }
0x2b: {  	s6 =	sld [smem:$0x3FB2]  }
0x2c: {  	s7 =	sld [smem:$0x3FB3]  }
0x2d: {  	s3 =	simm.s32 $0x108;
	s8 =	sld [smem:$0x3FB4]  }
0x2e: {  	s3 =	simm.s32 @!p0 $0x1082;
	s9 =	sld [smem:$0x3FB5]  }
0x2f: {  	lr =	sadd.s32 s0, s3;
	s0 =	sld [smem:$0x3FAC]  }
0x30: {  	s3 =	sld [smem:$0x3FAF]  }
0x31: {  	[smem:$0x3FB8] =	sst s10  }
0x32: {  	s10 =	sld [smem:$0x3FB6];
	_ =	sdelay $0x3  }
0x33: {  	p0 =	seq.s32 s10, $0x1;
	s10 =	sld [smem:$0x3FB8];
	_ =	sdelay $0x3  }
0x34: {  	[smem:$0x3FB8] =	sst s10  }
0x35: {  	s10 =	sld [smem:$0x3FB7];
	_ =	sdelay $0x3  }
0x36: {  	p1 =	seq.s32 s10, $0x1;
	s10 =	sld [smem:$0x3FB8];
	_ =	sdelay $0x3  }
0x37: {  	[smem:$0x3FB8] =	sst s10  }
0x38: {  	s10 =	sld [smem:$0x3FB9]  }
0x39: {  	_ = 	snop;
	(pc) =	sbr.ind lr, $3  }
0x3a: {  	_ = 	snop  }
0x3b: {  	_ = 	snop  }
0x3c: {  	p2 =	seq.s32 s10, $0x1;
	s10 =	sld [smem:$0x3FB8]  }
0x3d: {  	_ =	shalt  }
0x3e: {  	_ =	shalt  }
0x3f: {  	_ =	shalt  }
0x40: {  	_ =	shalt  }
0x41: {  	_ =	shalt  }
0x42: {  	_ =	shalt  }
0x43: {  	_ =	shalt  }
0x44: {  	_ =	shalt  }
0x45: {  	_ =	shalt  }
0x46: {  	_ =	shalt  }
0x47: {  	_ =	shalt  }
0x48: {  	_ =	shalt  }
0x49: {  	_ =	shalt  }
0x4a: {  	_ =	shalt  }
0x4b: {  	_ =	shalt  }
0x4c: {  	_ =	shalt  }
0x4d: {  	_ =	shalt  }
0x4e: {  	_ =	shalt  }
0x4f: {  	_ =	shalt  }
0x50: {  	_ =	shalt  }
0x51: {  	_ =	shalt  }
0x52: {  	_ =	shalt  }
0x53: {  	_ =	shalt  }
0x54: {  	_ =	shalt  }
0x55: {  	_ =	shalt  }
0x56: {  	_ =	shalt  }
0x57: {  	_ =	shalt  }
0x58: {  	_ =	shalt  }
0x59: {  	_ =	shalt  }
0x5a: {  	_ =	shalt  }
0x5b: {  	_ =	shalt  }
0x5c: {  	_ =	shalt  }
0x5d: {  	_ =	shalt  }
0x5e: {  	_ =	shalt  }
0x5f: {  	_ =	shalt  }
0x60: {  	_ =	shalt  }
0x61: {  	_ =	shalt  }
0x62: {  	_ =	shalt  }
0x63: {  	_ =	shalt  }
0x64: {  	_ =	shalt  }
0x65: {  	_ =	shalt  }
0x66: {  	_ =	shalt  }
0x67: {  	_ =	shalt  }
0x68: {  	_ =	shalt  }
0x69: {  	_ =	shalt  }
0x6a: {  	_ =	shalt  }
0x6b: {  	_ =	shalt  }
0x6c: {  	_ =	shalt  }
0x6d: {  	_ =	shalt  }
0x6e: {  	_ =	shalt  }
0x6f: {  	_ =	shalt  }
0x70: {  	_ =	shalt  }
0x71: {  	_ =	shalt  }
0x72: {  	_ =	shalt  }
0x73: {  	_ =	shalt  }
0x74: {  	_ =	shalt  }
0x75: {  	_ =	shalt  }
0x76: {  	_ =	shalt  }
0x77: {  	_ =	shalt  }
0x78: {  	_ =	shalt  }
0x79: {  	_ =	shalt  }
0x7a: {  	_ =	shalt  }
0x7b: {  	_ =	shalt  }
0x7c: {  	_ =	shalt  }
0x7d: {  	_ =	shalt  }
0x7e: {  	_ =	shalt  }
0x7f: {  	_ =	shalt  }
0x80: {  	_ =	shalt  }
0x81: {  	_ =	shalt  }
0x82: {  	_ =	shalt  }
0x83: {  	_ =	shalt  }
0x84: {  	_ =	shalt  }
0x85: {  	_ =	shalt  }
0x86: {  	_ =	shalt  }
0x87: {  	_ =	shalt  }
.Lfunc_end0:
.L_simem_size_0:
called_computation_lowered:
.L_overlay_start_0:
0x88: {  	s2 =	sld [smem:$0x3FD9]  }
0x89: {  	s3 =	sld [smem:$0x3FFE];
	_ =	sdelay $0x1  }
0x8a: {  	s1 =	srdreg.scid  }
0x8b: {  	s0 =	sand.u32 $0x1, s1  }
0x8c: {  	s18 =	sshll.u32 s0, $0xA;
	s2 =	sadd.s32 s3, s2  }
0x8d: {  	s2 =	sadd.s32 s2, s18  }
0x8e: {  	[smem:$0x3FC4] =	sst s2  }
0x8f: {  	_ = 	snop  }
0x90: {  	s2 =	sld [smem:$0x3FC9]  }
0x91: {  	s19 =	sld [smem:$0x3FC8]  }
0x92: {  	s4 =	sld [smem:$0x3FC7]  }
0x93: {  	s5 =	sld [smem:$0x3FC6]  }
0x94: {  	s6 =	sld [smem:$0x3FD0];
	(tm) =	ssettm $0x1  }
0x95: {  	s7 =	sld [smem:$0x3FFB];
	_ =	sdelay $0x3  }
0x96: {  	_ =	strace s7  }
0x97: {  	s7 =	sld [smem:$0x3FFC];
	_ =	sdelay $0x3  }
0x98: {  	_ =	strace s7  }
0x99: {  	s7 =	sld [smem:$0x3FFD];
	_ =	sdelay $0x3  }
0x9a: {  	_ =	strace s7  }
0x9b: {  	_ =	strace $0x8FFFFFFF  }
0x9c: {  	s20 =	sld [smem:$0x3FDB];
	_ =	sdelay $0x1  }
0x9d: {  	s8 =	simm.s32 $_scs_section_size  }
0x9e: {  	s9 =	simm.s32 $_size__tile_overlayer_lowered;
	s10 =	simm.s32 $_tile_overlayer_lowered  }
0x9f: {  	s23 =	simm.s32 $0x1BFF;
	s22 =	sshll.u32 s10, $0x1;
	s7 =	sadd.s32 s8, s20  }
0xa0: {  	s11 =	simm.s32 $0x0;
	s21 =	sshll.u32 s9, $0x1;
	s9 =	sadd.s32 s22, s7  }
0xa1: {  	[timem:s11], [sflag:s23] =	dma.local [hbm:s9], s21  }
0xa2: {  	_ =	swait.ge [sflag:s23], s21  }
0xa3: {  	s8 =	ssub.s32 $0x0, s21;
	[sflag:s23] =	ssyncset.done $0x0  }
0xa4: {  	[sflag:s23] =	ssyncadd.s32 s8;
	_ =	sdelay $0x1  }
0xa5: {  	s24 =	simm.s32 $0x1B8B  }
0xa6: {  	_ =	swait.ge [sflag:s24], $0x1  }
0xa7: {  	[sflag:s24] =	ssyncset.done $0x0  }
0xa8: {  	s25 =	simm.s32 $0x1B8E;
	[sflag:s24] =	ssyncadd.s32 $0xFFFFFFFF  }
0xa9: {  	s26 =	simm.s32 $execute0_lowered;
	[smem:$0x3FD2] =	sst s25  }
0xaa: {  	s8 =	sshll.u32 s26, $0x1;
	_ =	strace $0x80000046;
	[dreg:$0x1] =	wrdreg $0xFFFFFFFF  }
0xab: {  	s28 =	simm.s32 $_size_execute0_lowered;
	s7 =	sadd.s32 s7, s8;
	[dreg:$0x0] =	wrdreg $0x0  }
0xac: {  	s8 =	sshll.u32 s28, $0x1;
	[dreg:$0x2] =	wrdreg s7  }
0xad: {  	[dreg:$0x3] =	wrdreg s8  }
0xae: {  	[dreg:$0x4] =	wrdreg $0xC0  }
0xaf: {  	_ =	task [dreg:s11], $0x5FFFF  }
0xb0: {  	[dreg:$0x1] =	wrdreg $0xFFFFFFFF  }
0xb1: {  	[dreg:$0x0] =	wrdreg $0x60  }
0xb2: {  	[dreg:$0x2] =	wrdreg s2  }
0xb3: {  	[dreg:$0x3] =	wrdreg s19  }
0xb4: {  	[dreg:$0x4] =	wrdreg s4  }
0xb5: {  	[dreg:$0x5] =	wrdreg s5  }
0xb6: {  	[dreg:$0x6] =	wrdreg s6  }
0xb7: {  	[dreg:$0x7] =	wrdreg $0x9  }
0xb8: {  	_ =	task.clear_ibuf [dreg:s11], $0x8FFFF;
	_ =	strace $0x90000046  }
0xb9: {  	s29 =	simm.s32 $0x9;
	_ =	strace $0x80000048  }
0xba: {  	_ =	swait.ge [sflag:s29], $0x1  }
0xbb: {  	[sflag:s29] =	ssyncadd.s32 $0xFFFFFFFF  }
0xbc: {  	_ =	strace $0x90000048  }
0xbd: {  	_ =	sfence  }
0xbe: {  	s30 =	sld [smem:$0x0];
	_ =	sdelay $0x2  }
0xbf: {  	s31 =	sshll.u32 s1, $0xD;
	s1 =	sshrl.u32 s1, $0x2  }
0xc0: {  	s3 =	sand.u32 $0x4000, s31;
	s1 =	sadd.s32 s1, s30  }
0xc1: {  	s0 =	sor.u32 s3, s0;
	s1 =	sshll.u32 s1, $0x11  }
0xc2: {  	s0 =	sor.u32 s1, s0  }
0xc3: {  	s0 =	sadd.s32 $0x8F2B, s0  }
0xc4: {  	[sflag:s0] =	ssyncadd.remote.s32 $0x1  }
0xc5: {  	_ =	sfence.sel $0xFFFF  }
0xc6: {  	[dreg:$0x0] =	wrdreg $0xFFFFFFFF;
	(pc) =	sbr.abs _section_cstart, $3  }
0xc7: {  	[dreg:$0x1] =	wrdreg $0xFFFFFFFF  }
0xc8: {  	_ =	task.clear_ibuf [dreg:s11], $0x2FFFF;
	_ =	strace $0x9FFFFFFF  }
0xc9: {  	(tm) =	ssettm $0x7FFFFFFF  }
tec
execute0_lowered:
.L_overlay_start_1:
0x0: {  	(tag) =	ssettag $0x1  }
0x1: {  	v12 =	vlaneseq.u32  }
0x2: {  	v0 =	vmul.u32 $0x80, v12  }
0x3: {  	v13 =	vand.u32 $0x3, v12;
	v12 =	vmul.u32 $0x20, v12  }
0x4: {  	v17 =	vmul.u32 $0x20, v13;
	v1 =	vor.u32 $0x800, v0;
	v2 =	vor.u32 $0x1000, v0  }
0x5: {  	s2 =	rddreg [dreg:$0x0];
	v3 =	vor.u32 $0x1800, v0;
	v4 =	vor.u32 $0x2000, v0;
	v5 =	vor.u32 $0x2800, v0  }
0x6: {  	s3 =	rddreg [dreg:$0x1];
	v6 =	vor.u32 $0x3000, v0;
	v7 =	vor.u32 $0x3800, v0;
	v8 =	vor.u32 $0x4000, v0  }
0x7: {  	s10 =	rddreg [dreg:$0x2];
	v9 =	vor.u32 $0x4800, v0;
	v10 =	vor.u32 $0x5000, v0;
	v11 =	vor.u32 $0x5800, v0  }
0x8: {  	s11 =	rddreg [dreg:$0x3];
	v13 =	vor.u32 $0x6000, v0;
	v14 =	vor.u32 $0x6800, v0;
	v15 =	vor.u32 $0x7000, v0  }
0x9: {  	s4 =	rddreg [dreg:$0x4];
	s5 =	srdreg.scid;
	s0 =	simm.s32 $0x0;
	v16 =	vor.u32 $0x7800, v0;
	v18 =	vor.u32 $0x1, v12;
	v19 =	vor.u32 $0x2, v12  }
0xa: {  	s8 =	stileid.u32;
	s29 =	simm.s32 $0x400;
	s12 =	simm.s32 $0x7A1400;
	v20 =	vor.u32 $0x3, v12;
	v21 =	vor.u32 $0x4, v12;
	v22 =	vor.u32 $0x5, v12  }
0xb: {  	s13 =	simm.s32 $0x500;
	s14 =	simm.s32 $0x8500;
	s30 =	simm.s32 $0x1;
	v23 =	vor.u32 $0x6, v12;
	v24 =	vor.u32 $0x7, v12;
	v25 =	vor.u32 $0x8, v12  }
0xc: {  	s31 =	simm.s32 $0x2;
	s5 =	sand.u32 $0x1, s5;
	[smem:$0x7FF] =	sst s0;
	v26 =	vor.u32 $0x9, v12;
	v27 =	vor.u32 $0xA, v12;
	v28 =	vor.u32 $0xB, v12  }
0xd: {  	s8 =	sshll.u32 s8, $0x7;
	s6 =	ssub.s32 $0x2, s5;
	s5 =	sshll.u32 s5, $0x6;
	v29 =	vor.u32 $0xC, v12;
	v30 =	vor.u32 $0xD, v12;
	v31 =	vor.u32 $0xE, v12  }
0xe: {  	_ =	strace $0x80000047;
	s7 =	sshrl.u32 s6, $0x1;
	s5 =	sor.u32 s5, s8;
	v32 =	vor.u32 $0xF, v12;
	v33 =	vor.u32 $0x10, v12;
	v34 =	vor.u32 $0x11, v12  }
0xf: {  	v35 =	vor.u32 $0x12, v12;
	v36 =	vor.u32 $0x13, v12;
	v37 =	vor.u32 $0x14, v12;
	s8 =	simm.s32 $0xF500;
	s6 =	ssub.s32 s6, s7;
	s2 =	sadd.s32 s2, s5  }
0x10: {  	v38 =	vor.u32 $0x15, v12;
	v39 =	vor.u32 $0x16, v12;
	v40 =	vor.u32 $0x17, v12;
	s25 =	sadd.s32 s3, s5;
	s26 =	sadd.s32 s4, s5;
	[dreg:$0x6] =	wrdreg s2  }
0x11: {  	v41 =	vor.u32 $0x18, v12;
	v42 =	vor.u32 $0x19, v12;
	v43 =	vor.u32 $0x1A, v12;
	s5 =	simm.s32 $0x3;
	s7 =	simm.s32 $0x7500;
	[dreg:$0x7] =	wrdreg s25  }
0x12: {  	v44 =	vor.u32 $0x1B, v12;
	v45 =	vor.u32 $0x1C, v12;
	v46 =	vor.u32 $0x1D, v12;
	s4 =	simm.s32 $0x14500;
	[dreg:$0x8] =	wrdreg s26;
	s28 =	smax.u32 s6, $0x1  }
0x13: {  	v47 =	vor.u32 $0x1E, v12;
	v48 =	vor.u32 $0x1F, v12;
	v17 =	vor.u32 $0xFFFFFF80, v17;
	s2 =	simm.s32 $0x10500;
	s6 =	simm.s32 $0x0;
	[dreg:$0x9] =	wrdreg s28  }
.LBB2_1:
0x14: {  	[dreg:$0xa] =	wrdreg s6  }
0x15: {  	s3 =	rddreg [dreg:$0x6]  }
0x16: {  	[tilespmem:s0], [sflag:$0x3] =	stream.linear.gather [hbm4b:s3+s0], $0x200, $0x38;
	[tilespmem:$0x18700] =	vst v63  }
0x17: {  	_ =	swait.ge [sflag:s5], $0x200  }
0x18: {  	[sflag:s5] =	ssyncset.done $0x0  }
0x19: {  	s1 =	simm.s32 $0x280;
	s28 =	rddreg [dreg:$0x7];
	[sflag:s5] =	ssyncadd.s32 $0xFFFFFE00  }
0x1a: {  	[tilespmem:s1], [sflag:$0x3] =	stream.linear.gather [hbm4b:s28+s0], $0x200, $0x38;
	[tilespmem:$0x18700] =	vst v63  }
0x1b: {  	_ =	swait.ge [sflag:s5], $0x200  }
0x1c: {  	[sflag:s5] =	ssyncset.done $0x0  }
0x1d: {  	[sflag:s5] =	ssyncadd.s32 $0xFFFFFE00  }
0x1e: {  	v49 =	vld [tilespmem:$0x0]  }
0x1f: {  	v50 =	vld [tilespmem:$0x280];
	_ =	sdelay $0x3  }
0x20: {  	(v2sf) =	vpush v49, $0x0  }
0x21: {  	(v2sf) =	vpush v50, $0x0;
	_ =	sdelay $0x5  }
0x22: {  	(v2sf) =	vpush v49, $0x1;
	_ =	sdelay $0x1  }
0x23: {  	(v2sf) =	vpush v50, $0x1;
	_ =	sdelay $0x5  }
0x24: {  	s5 =	spop (v2sf);
	(v2sf) =	vpush v49, $0x2  }
0x25: {  	s6 =	spop (v2sf);
	(v2sf) =	vpush v50, $0x2;
	_ =	sdelay $0x4  }
0x26: {  	s3 =	sand.u32 $0xFFFFF80, s5  }
0x27: {  	s3 =	sadd.s32 s10, s3;
	s9 =	spop (v2sf);
	(v2sf) =	vpush v49, $0x3  }
0x28: {  	[tilespmem:s13], [sflag:$0x1] =	stream.strided.gather [hbm4b:s3+s29], $0x1000, s12, s29, $0x38;
	[tilespmem:$0x18700] =	vst v63  }
0x29: {  	s3 =	sand.u32 $0xFFFFF80, s6;
	s16 =	spop (v2sf);
	(v2sf) =	vpush v50, $0x3  }
0x2a: {  	s3 =	sadd.s32 s11, s3  }
0x2b: {  	[tilespmem:s14], [sflag:$0x2] =	stream.strided.gather [hbm4b:s3+s29], $0x1000, s12, s29, $0x38;
	[tilespmem:$0x18700] =	vst v63  }
0x2c: {  	s3 =	sand.u32 $0xFFFFF80, s9  }
0x2d: {  	s15 =	simm.s32 $0x1500;
	s3 =	sadd.s32 s10, s3  }
0x2e: {  	[tilespmem:s15], [sflag:$0x1] =	stream.strided.gather [hbm4b:s3+s29], $0x1000, s12, s29, $0x38;
	[tilespmem:$0x18700] =	vst v63  }
0x2f: {  	s3 =	sand.u32 $0xFFFFF80, s16;
	s18 =	spop (v2sf);
	(v2sf) =	vpush v49, $0x4  }
0x30: {  	s17 =	simm.s32 $0x9500;
	s3 =	sadd.s32 s11, s3;
	s20 =	spop (v2sf);
	(v2sf) =	vpush v50, $0x4  }
0x31: {  	[tilespmem:s17], [sflag:$0x2] =	stream.strided.gather [hbm4b:s3+s29], $0x1000, s12, s29, $0x38;
	[tilespmem:$0x18700] =	vst v63  }
0x32: {  	s3 =	sand.u32 $0xFFFFF80, s18;
	(v2sf) =	vpush v49, $0x5  }
0x33: {  	s19 =	simm.s32 $0x2500;
	s3 =	sadd.s32 s10, s3  }
0x34: {  	[tilespmem:s19], [sflag:$0x1] =	stream.strided.gather [hbm4b:s3+s29], $0x1000, s12, s29, $0x38;
	[tilespmem:$0x18700] =	vst v63  }
0x35: {  	s3 =	sand.u32 $0xFFFFF80, s20  }
0x36: {  	s21 =	simm.s32 $0xA500;
	s22 =	spop (v2sf);
	s3 =	sadd.s32 s11, s3  }
0x37: {  	(v2sf) =	vpush v50, $0x5;
	[tilespmem:s21], [sflag:$0x2] =	stream.strided.gather [hbm4b:s3+s29], $0x1000, s12, s29, $0x38;
	[tilespmem:$0x18700] =	vst v63  }
0x38: {  	s24 =	spop (v2sf);
	(v2sf) =	vpush v49, $0x6;
	s3 =	sand.u32 $0xFFFFF80, s22  }
0x39: {  	s23 =	simm.s32 $0x3500;
	s3 =	sadd.s32 s10, s3  }
0x3a: {  	[tilespmem:s23], [sflag:$0x1] =	stream.strided.gather [hbm4b:s3+s29], $0x1000, s12, s29, $0x38;
	[tilespmem:$0x18700] =	vst v63  }
0x3b: {  	s3 =	sand.u32 $0xFFFFF80, s24  }
0x3c: {  	s25 =	simm.s32 $0xB500;
	s3 =	sadd.s32 s11, s3  }
0x3d: {  	[tilespmem:s25], [sflag:$0x2] =	stream.strided.gather [hbm4b:s3+s29], $0x1000, s12, s29, $0x38;
	[tilespmem:$0x18700] =	vst v63  }
0x3e: {  	s26 =	spop (v2sf);
	(v2sf) =	vpush v50, $0x6  }
0x3f: {  	s1 =	spop (v2sf);
	(v2sf) =	vpush v49, $0x7  }
0x40: {  	s3 =	sand.u32 $0xFFFFF80, s26  }
0x41: {  	s28 =	simm.s32 $0x4500;
	s3 =	sadd.s32 s10, s3;
	s6 =	spop (v2sf)  }
0x42: {  	(v2sf) =	vpush v50, $0x7;
	[tilespmem:s28], [sflag:$0x1] =	stream.strided.gather [hbm4b:s3+s29], $0x1000, s12, s29, $0x38;
	[tilespmem:$0x18700] =	vst v63  }
0x43: {  	s3 =	sand.u32 $0xFFFFF80, s1  }
0x44: {  	s5 =	simm.s32 $0xC500;
	s3 =	sadd.s32 s11, s3  }
0x45: {  	[tilespmem:s5], [sflag:$0x2] =	stream.strided.gather [hbm4b:s3+s29], $0x1000, s12, s29, $0x38;
	[tilespmem:$0x18700] =	vst v63  }
0x46: {  	s15 =	simm.s32 $0x5500;
	s9 =	spop (v2sf);
	s3 =	sand.u32 $0xFFFFF80, s6  }
0x47: {  	s16 =	sand.u32 $0xFFFFF80, s9;
	s17 =	spop (v2sf);
	s3 =	sadd.s32 s10, s3  }
0x48: {  	[tilespmem:s15], [sflag:$0x1] =	stream.strided.gather [hbm4b:s3+s29], $0x1000, s12, s29, $0x38;
	[tilespmem:$0x18700] =	vst v63  }
0x49: {  	s18 =	simm.s32 $0xD500;
	s19 =	sand.u32 $0xFFFFF80, s17;
	s3 =	sadd.s32 s11, s16  }
0x4a: {  	[tilespmem:s18], [sflag:$0x2] =	stream.strided.gather [hbm4b:s3+s29], $0x1000, s12, s29, $0x38;
	[tilespmem:$0x18700] =	vst v63  }
0x4b: {  	s21 =	simm.s32 $0x6500;
	s3 =	sadd.s32 s10, s19  }
0x4c: {  	[tilespmem:s21], [sflag:$0x1] =	stream.strided.gather [hbm4b:s3+s29], $0x1000, s12, s29, $0x38;
	[tilespmem:$0x18700] =	vst v63  }
0x4d: {  	s20 =	spop (v2sf)  }
0x4e: {  	s22 =	sand.u32 $0xFFFFF80, s20;
	s23 =	spop (v2sf)  }
0x4f: {  	s24 =	simm.s32 $0xE500;
	s3 =	sadd.s32 s11, s22;
	s25 =	sand.u32 $0xFFFFF80, s23  }
0x50: {  	[tilespmem:s24], [sflag:$0x2] =	stream.strided.gather [hbm4b:s3+s29], $0x1000, s12, s29, $0x38;
	[tilespmem:$0x18700] =	vst v63  }
0x51: {  	s28 =	simm.s32 $0x0;
	s26 =	spop (v2sf);
	s3 =	sadd.s32 s10, s25  }
0x52: {  	[tilespmem:s7], [sflag:$0x1] =	stream.strided.gather [hbm4b:s3+s29], $0x1000, s12, s29, $0x38;
	[tilespmem:$0x18700] =	vst v63  }
0x53: {  	[dreg:$0xb] =	wrdreg s28;
	s3 =	sand.u32 $0xFFFFF80, s26  }
0x54: {  	s5 =	simm.s32 $0x10600;
	s6 =	simm.s32 $0x14600;
	s3 =	sadd.s32 s11, s3  }
0x55: {  	[tilespmem:s8], [sflag:$0x2] =	stream.strided.gather [hbm4b:s3+s29], $0x1000, s12, s29, $0x38;
	[tilespmem:$0x18700] =	vst v63  }
.LBB2_2:
0x56: {  	s7 =	rddreg [dreg:$0xb]  }
0x57: {  	s3 =	sshra.s32 s7, $0x2  }
0x58: {  	v52 =	vld [tilespmem:s3+$0x0]  }
0x59: {  	v51 =	vld [tilespmem:s3+$0x280]  }
0x5a: {  	v49 =	vld [tilespmem:s3+$0x10]  }
0x5b: {  	v50 =	vld [tilespmem:s3+$0x290];
	_ =	swait.ge [sflag:s30], $0x1000  }
0x5c: {  	[sflag:s30] =	ssyncset.done $0x0  }
0x5d: {  	[sflag:s30] =	ssyncadd.s32 $0xFFFFF000  }
0x5e: {  	_ =	swait.ge [sflag:s31], $0x1000  }
0x5f: {  	(v2sf) =	vpush v52, $0x0;
	_ =	sdelay $0xb  }
0x60: {  	(v2sf) =	vpush v51, $0x0;
	_ =	sdelay $0x2  }
0x61: {  	s20 =	spop (v2sf)  }
0x62: {  	s3 =	sand.u32 $0x7F, s20  }
0x63: {  	v53 =	vor.u32 s3, v0;
	_ =	sdelay $0x2  }
0x64: {  	[sflag:s31] =	ssyncset.done $0x0  }
0x65: {  	[sflag:s31] =	ssyncadd.s32 $0xFFFFF000  }
0x66: {  	v53 =	vld.idx.msk [tilespmem:v53+s13+$0x0], $0xffff  }
0x67: {  	v54 =	vor.u32 s3, v1;
	_ =	sdelay $0x3  }
0x68: {  	s21 =	spop (v2sf);
	[tilespmem:s5+$0xFFFFFF00] =	vst v53  }
0x69: {  	(v2sf) =	vpush v52, $0x8;
	s3 =	sand.u32 $0x7F, s21;
	v53 =	vld.idx.msk [tilespmem:v54+s13+$0x0], $0xffff  }
0x6a: {  	(v2sf) =	vpush v51, $0x8;
	v62 =	vor.u32 s3, v0;
	_ =	sdelay $0x3  }
0x6b: {  	[tilespmem:s5+$0xFFFFFF10] =	vst v53  }
0x6c: {  	v53 =	vld.idx.msk [tilespmem:v62+s14+$0x0], $0xffff  }
0x6d: {  	v63 =	vor.u32 s3, v1;
	_ =	sdelay $0x3  }
0x6e: {  	[tilespmem:s6+$0xFFFFFF00] =	vst v53  }
0x6f: {  	v53 =	vld.idx.msk [tilespmem:v63+s14+$0x0], $0xffff;
	_ =	sdelay $0x2  }
0x70: {  	s18 =	spop (v2sf)  }
0x71: {  	s22 =	sand.u32 $0xFFFFF80, s18;
	s8 =	spop (v2sf)  }
0x72: {  	s3 =	sadd.s32 s10, s22;
	s23 =	sand.u32 $0xFFFFF80, s8;
	[tilespmem:s6+$0xFFFFFF10] =	vst v53  }
0x73: {  	[tilespmem:s13], [sflag:$0x1] =	stream.strided.gather [hbm4b:s3+s29], $0x1000, s12, s29, $0x38;
	[tilespmem:$0x18700] =	vst v63  }
0x74: {  	s3 =	sadd.s32 s11, s23  }
0x75: {  	[tilespmem:s14], [sflag:$0x2] =	stream.strided.gather [hbm4b:s3+s29], $0x1000, s12, s29, $0x38;
	[tilespmem:$0x18700] =	vst v63  }
0x76: {  	_ =	swait.ge [sflag:s30], $0x1000  }
0x77: {  	[sflag:s30] =	ssyncset.done $0x0  }
0x78: {  	[sflag:s30] =	ssyncadd.s32 $0xFFFFF000  }
0x79: {  	_ =	swait.ge [sflag:s31], $0x1000  }
0x7a: {  	(v2sf) =	vpush v52, $0x1;
	_ =	sdelay $0xb  }
0x7b: {  	(v2sf) =	vpush v51, $0x1;
	_ =	sdelay $0x2  }
0x7c: {  	s24 =	spop (v2sf)  }
0x7d: {  	s3 =	sand.u32 $0x7F, s24  }
0x7e: {  	v56 =	vor.u32 s3, v2;
	_ =	sdelay $0x2  }
0x7f: {  	[sflag:s31] =	ssyncset.done $0x0  }
0x80: {  	[sflag:s31] =	ssyncadd.s32 $0xFFFFF000  }
0x81: {  	v53 =	vld.idx.msk [tilespmem:v56+s13+$0x0], $0xffff  }
0x82: {  	v57 =	vor.u32 s3, v3;
	_ =	sdelay $0x3  }
0x83: {  	s25 =	spop (v2sf);
	[tilespmem:s5+$0xFFFFFF20] =	vst v53  }
0x84: {  	(v2sf) =	vpush v52, $0x9;
	s3 =	sand.u32 $0x7F, s25;
	v53 =	vld.idx.msk [tilespmem:v57+s13+$0x0], $0xffff  }
0x85: {  	(v2sf) =	vpush v51, $0x9;
	v58 =	vor.u32 s3, v2;
	_ =	sdelay $0x3  }
0x86: {  	[tilespmem:s5+$0xFFFFFF30] =	vst v53  }
0x87: {  	v53 =	vld.idx.msk [tilespmem:v58+s14+$0x0], $0xffff  }
0x88: {  	v59 =	vor.u32 s3, v3;
	_ =	sdelay $0x3  }
0x89: {  	[tilespmem:s6+$0xFFFFFF20] =	vst v53  }
0x8a: {  	v53 =	vld.idx.msk [tilespmem:v59+s14+$0x0], $0xffff;
	_ =	sdelay $0x2  }
0x8b: {  	s16 =	spop (v2sf)  }
0x8c: {  	s9 =	sand.u32 $0xFFFFF80, s16;
	s3 =	spop (v2sf)  }
0x8d: {  	s0 =	simm.s32 $0x1500;
	s9 =	sadd.s32 s10, s9;
	s26 =	sand.u32 $0xFFFFF80, s3;
	[tilespmem:s6+$0xFFFFFF30] =	vst v53  }
0x8e: {  	[tilespmem:s0], [sflag:$0x1] =	stream.strided.gather [hbm4b:s9+s29], $0x1000, s12, s29, $0x38;
	[tilespmem:$0x18700] =	vst v63  }
0x8f: {  	s28 =	simm.s32 $0x9500;
	s9 =	sadd.s32 s11, s26  }
0x90: {  	[tilespmem:s28], [sflag:$0x2] =	stream.strided.gather [hbm4b:s9+s29], $0x1000, s12, s29, $0x38;
	[tilespmem:$0x18700] =	vst v63  }
0x91: {  	_ =	swait.ge [sflag:s30], $0x1000  }
0x92: {  	[sflag:s30] =	ssyncset.done $0x0  }
0x93: {  	[sflag:s30] =	ssyncadd.s32 $0xFFFFF000  }
0x94: {  	_ =	swait.ge [sflag:s31], $0x1000  }
0x95: {  	(v2sf) =	vpush v52, $0x2;
	_ =	sdelay $0xb  }
0x96: {  	(v2sf) =	vpush v51, $0x2;
	_ =	sdelay $0x2  }
0x97: {  	s1 =	spop (v2sf)  }
0x98: {  	s9 =	sand.u32 $0x7F, s1  }
0x99: {  	v60 =	vor.u32 s9, v4;
	_ =	sdelay $0x2  }
0x9a: {  	[sflag:s31] =	ssyncset.done $0x0  }
0x9b: {  	[sflag:s31] =	ssyncadd.s32 $0xFFFFF000  }
0x9c: {  	v53 =	vld.idx.msk [tilespmem:v60+s13+$0x0], $0xffff  }
0x9d: {  	v61 =	vor.u32 s9, v5;
	_ =	sdelay $0x3  }
0x9e: {  	s15 =	spop (v2sf);
	[tilespmem:s5+$0xFFFFFF40] =	vst v53  }
0x9f: {  	(v2sf) =	vpush v52, $0xA;
	s9 =	sand.u32 $0x7F, s15;
	v53 =	vld.idx.msk [tilespmem:v61+s13+$0x0], $0xffff  }
0xa0: {  	(v2sf) =	vpush v51, $0xA;
	v62 =	vor.u32 s9, v4;
	_ =	sdelay $0x3  }
0xa1: {  	[tilespmem:s5+$0xFFFFFF50] =	vst v53  }
0xa2: {  	v53 =	vld.idx.msk [tilespmem:v62+s14+$0x0], $0xffff  }
0xa3: {  	v63 =	vor.u32 s9, v5;
	_ =	sdelay $0x3  }
0xa4: {  	[tilespmem:s6+$0xFFFFFF40] =	vst v53  }
0xa5: {  	v53 =	vld.idx.msk [tilespmem:v63+s14+$0x0], $0xffff;
	_ =	sdelay $0x2  }
0xa6: {  	s19 =	spop (v2sf)  }
0xa7: {  	s1 =	smov.u32 s10;
	s17 =	sand.u32 $0xFFFFF80, s19;
	s9 =	spop (v2sf)  }
0xa8: {  	s20 =	simm.s32 $0x2500;
	s10 =	sadd.s32 s1, s17;
	s21 =	sand.u32 $0xFFFFF80, s9;
	[tilespmem:s6+$0xFFFFFF50] =	vst v53  }
0xa9: {  	[tilespmem:s20], [sflag:$0x1] =	stream.strided.gather [hbm4b:s10+s29], $0x1000, s12, s29, $0x38;
	[tilespmem:$0x18700] =	vst v63  }
0xaa: {  	s22 =	simm.s32 $0xA500;
	s10 =	sadd.s32 s11, s21  }
0xab: {  	[tilespmem:s22], [sflag:$0x2] =	stream.strided.gather [hbm4b:s10+s29], $0x1000, s12, s29, $0x38;
	[tilespmem:$0x18700] =	vst v63  }
0xac: {  	_ =	swait.ge [sflag:s30], $0x1000  }
0xad: {  	[sflag:s30] =	ssyncset.done $0x0  }
0xae: {  	[sflag:s30] =	ssyncadd.s32 $0xFFFFF000  }
0xaf: {  	_ =	swait.ge [sflag:s31], $0x1000  }
0xb0: {  	(v2sf) =	vpush v52, $0x3;
	_ =	sdelay $0xb  }
0xb1: {  	(v2sf) =	vpush v51, $0x3;
	_ =	sdelay $0x2  }
0xb2: {  	s23 =	spop (v2sf)  }
0xb3: {  	s10 =	sand.u32 $0x7F, s23  }
0xb4: {  	v57 =	vor.u32 s10, v6;
	_ =	sdelay $0x2  }
0xb5: {  	[sflag:s31] =	ssyncset.done $0x0  }
0xb6: {  	[sflag:s31] =	ssyncadd.s32 $0xFFFFF000  }
0xb7: {  	v53 =	vld.idx.msk [tilespmem:v57+s13+$0x0], $0xffff  }
0xb8: {  	v58 =	vor.u32 s10, v7;
	_ =	sdelay $0x3  }
0xb9: {  	s24 =	spop (v2sf);
	[tilespmem:s5+$0xFFFFFF60] =	vst v53  }
0xba: {  	(v2sf) =	vpush v52, $0xB;
	s10 =	sand.u32 $0x7F, s24;
	v53 =	vld.idx.msk [tilespmem:v58+s13+$0x0], $0xffff  }
0xbb: {  	(v2sf) =	vpush v51, $0xB;
	v59 =	vor.u32 s10, v6;
	_ =	sdelay $0x3  }
0xbc: {  	[tilespmem:s5+$0xFFFFFF70] =	vst v53  }
0xbd: {  	v53 =	vld.idx.msk [tilespmem:v59+s14+$0x0], $0xffff  }
0xbe: {  	v60 =	vor.u32 s10, v7;
	_ =	sdelay $0x3  }
0xbf: {  	[tilespmem:s6+$0xFFFFFF60] =	vst v53  }
0xc0: {  	v53 =	vld.idx.msk [tilespmem:v60+s14+$0x0], $0xffff;
	_ =	sdelay $0x2  }
0xc1: {  	s21 =	spop (v2sf)  }
0xc2: {  	s15 =	sand.u32 $0xFFFFF80, s21;
	s10 =	spop (v2sf)  }
0xc3: {  	s25 =	simm.s32 $0x3500;
	s15 =	sadd.s32 s1, s15;
	s26 =	sand.u32 $0xFFFFF80, s10;
	[tilespmem:s6+$0xFFFFFF70] =	vst v53  }
0xc4: {  	[tilespmem:s25], [sflag:$0x1] =	stream.strided.gather [hbm4b:s15+s29], $0x1000, s12, s29, $0x38;
	[tilespmem:$0x18700] =	vst v63  }
0xc5: {  	s28 =	simm.s32 $0xB500;
	s15 =	sadd.s32 s11, s26  }
0xc6: {  	[tilespmem:s28], [sflag:$0x2] =	stream.strided.gather [hbm4b:s15+s29], $0x1000, s12, s29, $0x38;
	[tilespmem:$0x18700] =	vst v63  }
0xc7: {  	_ =	swait.ge [sflag:s30], $0x1000  }
0xc8: {  	[sflag:s30] =	ssyncset.done $0x0  }
0xc9: {  	[sflag:s30] =	ssyncadd.s32 $0xFFFFF000  }
0xca: {  	_ =	swait.ge [sflag:s31], $0x1000  }
0xcb: {  	(v2sf) =	vpush v52, $0x4;
	_ =	sdelay $0xb  }
0xcc: {  	(v2sf) =	vpush v51, $0x4;
	_ =	sdelay $0x2  }
0xcd: {  	s0 =	spop (v2sf)  }
0xce: {  	s15 =	sand.u32 $0x7F, s0  }
0xcf: {  	v61 =	vor.u32 s15, v8;
	_ =	sdelay $0x2  }
0xd0: {  	[sflag:s31] =	ssyncset.done $0x0  }
0xd1: {  	[sflag:s31] =	ssyncadd.s32 $0xFFFFF000  }
0xd2: {  	v53 =	vld.idx.msk [tilespmem:v61+s13+$0x0], $0xffff  }
0xd3: {  	v62 =	vor.u32 s15, v9;
	_ =	sdelay $0x3  }
0xd4: {  	s17 =	spop (v2sf);
	[tilespmem:s5+$0xFFFFFF80] =	vst v53  }
0xd5: {  	(v2sf) =	vpush v52, $0xC;
	s15 =	sand.u32 $0x7F, s17;
	v53 =	vld.idx.msk [tilespmem:v62+s13+$0x0], $0xffff  }
0xd6: {  	(v2sf) =	vpush v51, $0xC;
	v63 =	vor.u32 s15, v8;
	_ =	sdelay $0x3  }
0xd7: {  	[tilespmem:s5+$0xFFFFFF90] =	vst v53  }
0xd8: {  	v53 =	vld.idx.msk [tilespmem:v63+s14+$0x0], $0xffff  }
0xd9: {  	v57 =	vor.u32 s15, v9;
	_ =	sdelay $0x3  }
0xda: {  	[tilespmem:s6+$0xFFFFFF80] =	vst v53  }
0xdb: {  	v53 =	vld.idx.msk [tilespmem:v57+s14+$0x0], $0xffff;
	_ =	sdelay $0x2  }
0xdc: {  	s23 =	spop (v2sf)  }
0xdd: {  	s17 =	sand.u32 $0xFFFFF80, s23;
	s15 =	spop (v2sf)  }
0xde: {  	s20 =	simm.s32 $0x4500;
	s17 =	sadd.s32 s1, s17;
	s22 =	sand.u32 $0xFFFFF80, s15;
	[tilespmem:s6+$0xFFFFFF90] =	vst v53  }
0xdf: {  	[tilespmem:s20], [sflag:$0x1] =	stream.strided.gather [hbm4b:s17+s29], $0x1000, s12, s29, $0x38;
	[tilespmem:$0x18700] =	vst v63  }
0xe0: {  	s24 =	simm.s32 $0xC500;
	s17 =	sadd.s32 s11, s22  }
0xe1: {  	[tilespmem:s24], [sflag:$0x2] =	stream.strided.gather [hbm4b:s17+s29], $0x1000, s12, s29, $0x38;
	[tilespmem:$0x18700] =	vst v63  }
0xe2: {  	_ =	swait.ge [sflag:s30], $0x1000  }
0xe3: {  	[sflag:s30] =	ssyncset.done $0x0  }
0xe4: {  	[sflag:s30] =	ssyncadd.s32 $0xFFFFF000  }
0xe5: {  	_ =	swait.ge [sflag:s31], $0x1000  }
0xe6: {  	(v2sf) =	vpush v52, $0x5;
	_ =	sdelay $0xb  }
0xe7: {  	(v2sf) =	vpush v51, $0x5;
	_ =	sdelay $0x2  }
0xe8: {  	s25 =	spop (v2sf)  }
0xe9: {  	s17 =	sand.u32 $0x7F, s25  }
0xea: {  	v58 =	vor.u32 s17, v10;
	_ =	sdelay $0x2  }
0xeb: {  	[sflag:s31] =	ssyncset.done $0x0  }
0xec: {  	[sflag:s31] =	ssyncadd.s32 $0xFFFFF000  }
0xed: {  	v53 =	vld.idx.msk [tilespmem:v58+s13+$0x0], $0xffff  }
0xee: {  	v59 =	vor.u32 s17, v11;
	_ =	sdelay $0x3  }
0xef: {  	s26 =	spop (v2sf);
	[tilespmem:s5+$0xFFFFFFA0] =	vst v53  }
0xf0: {  	(v2sf) =	vpush v52, $0xD;
	s17 =	sand.u32 $0x7F, s26;
	v53 =	vld.idx.msk [tilespmem:v59+s13+$0x0], $0xffff  }
0xf1: {  	(v2sf) =	vpush v51, $0xD;
	v60 =	vor.u32 s17, v10;
	_ =	sdelay $0x3  }
0xf2: {  	[tilespmem:s5+$0xFFFFFFB0] =	vst v53  }
0xf3: {  	v53 =	vld.idx.msk [tilespmem:v60+s14+$0x0], $0xffff  }
0xf4: {  	v61 =	vor.u32 s17, v11;
	_ =	sdelay $0x3  }
0xf5: {  	[tilespmem:s6+$0xFFFFFFA0] =	vst v53  }
0xf6: {  	v53 =	vld.idx.msk [tilespmem:v61+s14+$0x0], $0xffff;
	_ =	sdelay $0x2  }
0xf7: {  	s24 =	spop (v2sf)  }
0xf8: {  	s20 =	sand.u32 $0xFFFFF80, s24;
	s17 =	spop (v2sf)  }
0xf9: {  	s28 =	simm.s32 $0x5500;
	s20 =	sadd.s32 s1, s20;
	s0 =	sand.u32 $0xFFFFF80, s17;
	[tilespmem:s6+$0xFFFFFFB0] =	vst v53  }
0xfa: {  	[tilespmem:s28], [sflag:$0x1] =	stream.strided.gather [hbm4b:s20+s29], $0x1000, s12, s29, $0x38;
	[tilespmem:$0x18700] =	vst v63  }
0xfb: {  	s22 =	simm.s32 $0xD500;
	s20 =	sadd.s32 s11, s0  }
0xfc: {  	[tilespmem:s22], [sflag:$0x2] =	stream.strided.gather [hbm4b:s20+s29], $0x1000, s12, s29, $0x38;
	[tilespmem:$0x18700] =	vst v63  }
0xfd: {  	_ =	swait.ge [sflag:s30], $0x1000  }
0xfe: {  	[sflag:s30] =	ssyncset.done $0x0  }
0xff: {  	[sflag:s30] =	ssyncadd.s32 $0xFFFFF000  }
0x100: {  	_ =	swait.ge [sflag:s31], $0x1000  }
0x101: {  	(v2sf) =	vpush v52, $0x6;
	_ =	sdelay $0xb  }
0x102: {  	(v2sf) =	vpush v51, $0x6;
	_ =	sdelay $0x2  }
0x103: {  	s25 =	spop (v2sf)  }
0x104: {  	s20 =	sand.u32 $0x7F, s25  }
0x105: {  	v62 =	vor.u32 s20, v13;
	_ =	sdelay $0x2  }
0x106: {  	[sflag:s31] =	ssyncset.done $0x0  }
0x107: {  	[sflag:s31] =	ssyncadd.s32 $0xFFFFF000  }
0x108: {  	v53 =	vld.idx.msk [tilespmem:v62+s13+$0x0], $0xffff  }
0x109: {  	v63 =	vor.u32 s20, v14;
	_ =	sdelay $0x3  }
0x10a: {  	s26 =	spop (v2sf);
	[tilespmem:s5+$0xFFFFFFC0] =	vst v53  }
0x10b: {  	(v2sf) =	vpush v52, $0xE;
	s20 =	sand.u32 $0x7F, s26;
	v53 =	vld.idx.msk [tilespmem:v63+s13+$0x0], $0xffff  }
0x10c: {  	(v2sf) =	vpush v51, $0xE;
	v57 =	vor.u32 s20, v13;
	_ =	sdelay $0x3  }
0x10d: {  	[tilespmem:s5+$0xFFFFFFD0] =	vst v53  }
0x10e: {  	v53 =	vld.idx.msk [tilespmem:v57+s14+$0x0], $0xffff  }
0x10f: {  	v58 =	vor.u32 s20, v14;
	_ =	sdelay $0x3  }
0x110: {  	[tilespmem:s6+$0xFFFFFFC0] =	vst v53  }
0x111: {  	v53 =	vld.idx.msk [tilespmem:v58+s14+$0x0], $0xffff;
	_ =	sdelay $0x2  }
0x112: {  	s25 =	spop (v2sf)  }
0x113: {  	s22 =	sand.u32 $0xFFFFF80, s25;
	s20 =	spop (v2sf)  }
0x114: {  	s28 =	simm.s32 $0x6500;
	s22 =	sadd.s32 s1, s22;
	s26 =	sand.u32 $0xFFFFF80, s20;
	[tilespmem:s6+$0xFFFFFFD0] =	vst v53  }
0x115: {  	[tilespmem:s28], [sflag:$0x1] =	stream.strided.gather [hbm4b:s22+s29], $0x1000, s12, s29, $0x38;
	[tilespmem:$0x18700] =	vst v63  }
0x116: {  	s22 =	sadd.s32 s11, s26;
	s28 =	simm.s32 $0xE500  }
0x117: {  	[tilespmem:s28], [sflag:$0x2] =	stream.strided.gather [hbm4b:s22+s29], $0x1000, s12, s29, $0x38;
	[tilespmem:$0x18700] =	vst v63  }
0x118: {  	_ =	swait.ge [sflag:s30], $0x1000  }
0x119: {  	[sflag:s30] =	ssyncset.done $0x0  }
0x11a: {  	[sflag:s30] =	ssyncadd.s32 $0xFFFFF000  }
0x11b: {  	_ =	swait.ge [sflag:s31], $0x1000  }
0x11c: {  	(v2sf) =	vpush v52, $0x7;
	_ =	sdelay $0xb  }
0x11d: {  	(v2sf) =	vpush v51, $0x7;
	_ =	sdelay $0x2  }
0x11e: {  	s26 =	spop (v2sf)  }
0x11f: {  	s22 =	sand.u32 $0x7F, s26  }
0x120: {  	v59 =	vor.u32 s22, v15;
	_ =	sdelay $0x2  }
0x121: {  	[sflag:s31] =	ssyncset.done $0x0  }
0x122: {  	[sflag:s31] =	ssyncadd.s32 $0xFFFFF000  }
0x123: {  	v53 =	vld.idx.msk [tilespmem:v59+s13+$0x0], $0xffff  }
0x124: {  	v60 =	vor.u32 s22, v16;
	_ =	sdelay $0x3  }
0x125: {  	s28 =	spop (v2sf);
	[tilespmem:s5+$0xFFFFFFE0] =	vst v53  }
0x126: {  	(v2sf) =	vpush v52, $0xF;
	s22 =	sand.u32 $0x7F, s28;
	v53 =	vld.idx.msk [tilespmem:v60+s13+$0x0], $0xffff  }
0x127: {  	v61 =	vor.u32 s22, v15  }
0x128: {  	(v2sf) =	vpush v51, $0xF;
	_ =	sdelay $0x2  }
0x129: {  	[tilespmem:s5+$0xFFFFFFF0] =	vst v53  }
0x12a: {  	v62 =	vld.idx.msk [tilespmem:v61+s14+$0x0], $0xffff  }
0x12b: {  	v63 =	vor.u32 s22, v16;
	_ =	sdelay $0x3  }
0x12c: {  	[tilespmem:s6+$0xFFFFFFE0] =	vst v62  }
0x12d: {  	v51 =	vld.idx.msk [tilespmem:v63+s14+$0x0], $0xffff;
	_ =	sdelay $0x2  }
0x12e: {  	s26 =	spop (v2sf)  }
0x12f: {  	s28 =	sand.u32 $0xFFFFF80, s26  }
0x130: {  	s0 =	simm.s32 $0x7500;
	s22 =	spop (v2sf);
	s28 =	sadd.s32 s1, s28;
	[tilespmem:s6+$0xFFFFFFF0] =	vst v51  }
0x131: {  	[tilespmem:s0], [sflag:$0x1] =	stream.strided.gather [hbm4b:s28+s29], $0x1000, s12, s29, $0x38;
	[tilespmem:$0x18700] =	vst v63  }
0x132: {  	s0 =	sand.u32 $0xFFFFF80, s22  }
0x133: {  	s28 =	sadd.s32 s11, s0;
	s0 =	simm.s32 $0xF500  }
0x134: {  	[tilespmem:s0], [sflag:$0x2] =	stream.strided.gather [hbm4b:s28+s29], $0x1000, s12, s29, $0x38;
	[tilespmem:$0x18700] =	vst v63  }
0x135: {  	s18 =	sand.u32 $0x7F, s18;
	_ =	swait.ge [sflag:s30], $0x1000  }
0x136: {  	v56 =	vor.u32 s18, v0;
	[sflag:s30] =	ssyncset.done $0x0  }
0x137: {  	[sflag:s30] =	ssyncadd.s32 $0xFFFFF000  }
0x138: {  	_ =	swait.ge [sflag:s31], $0x1000  }
0x139: {  	[sflag:s31] =	ssyncset.done $0x0  }
0x13a: {  	[sflag:s31] =	ssyncadd.s32 $0xFFFFF000  }
0x13b: {  	v51 =	vld.idx.msk [tilespmem:v56+s13+$0x0], $0xffff  }
0x13c: {  	v57 =	vor.u32 s18, v1;
	_ =	sdelay $0x2  }
0x13d: {  	p0 =	seq.s32 s7, $0x7C0  }
0x13e: {  	(v2sf) =	vpush @!p0 v50, $0x0;
	[tilespmem:s5+$0x0] =	vst v51  }
0x13f: {  	s8 =	sand.u32 $0x7F, s8;
	(v2sf) =	vpush @!p0 v49, $0x0;
	v51 =	vld.idx.msk [tilespmem:v57+s13+$0x0], $0xffff  }
0x140: {  	v58 =	vor.u32 s8, v0;
	_ =	sdelay $0x3  }
0x141: {  	[tilespmem:s5+$0x10] =	vst v51  }
0x142: {  	v51 =	vld.idx.msk [tilespmem:v58+s14+$0x0], $0xffff  }
0x143: {  	v59 =	vor.u32 s8, v1;
	_ =	sdelay $0x3  }
0x144: {  	[tilespmem:s6+$0x0] =	vst v51  }
0x145: {  	v51 =	vld.idx.msk [tilespmem:v59+s14+$0x0], $0xffff;
	_ =	sdelay $0x1  }
0x146: {  	s28 =	spop @!p0 (v2sf)  }
0x147: {  	s8 =	spop @!p0 (v2sf)  }
0x148: {  	s18 =	simm.s32 @!p0 $0x7A1400;
	s8 =	sand.u32 @!p0 $0xFFFFF80, s8  }
0x149: {  	s0 =	simm.s32 @!p0 $0x500;
	s29 =	sadd.s32 @!p0 s1, s8;
	s8 =	simm.s32 @!p0 $0x400;
	[tilespmem:s6+$0x10] =	vst v51  }
0x14a: {  	[tilespmem:s0], [sflag:$0x1] =	stream.strided.gather @!p0 [hbm4b:s29+s8], $0x1000, s18, s8, $0x38;
	[tilespmem:$0x18700] =	vst v63  }
0x14b: {  	s0 =	sand.u32 @!p0 $0xFFFFF80, s28  }
0x14c: {  	s28 =	simm.s32 @!p0 $0x8500;
	s0 =	sadd.s32 @!p0 s11, s0  }
0x14d: {  	[tilespmem:s28], [sflag:$0x2] =	stream.strided.gather @!p0 [hbm4b:s0+s8], $0x1000, s18, s8, $0x38;
	[tilespmem:$0x18700] =	vst v63  }
0x14e: {  	s29 =	sand.u32 $0x7F, s16;
	_ =	swait.ge [sflag:s30], $0x1000  }
0x14f: {  	v60 =	vor.u32 s29, v2;
	[sflag:s30] =	ssyncset.done $0x0  }
0x150: {  	[sflag:s30] =	ssyncadd.s32 $0xFFFFF000  }
0x151: {  	_ =	swait.ge [sflag:s31], $0x1000  }
0x152: {  	[sflag:s31] =	ssyncset.done $0x0  }
0x153: {  	[sflag:s31] =	ssyncadd.s32 $0xFFFFF000  }
0x154: {  	v51 =	vld.idx.msk [tilespmem:v60+s13+$0x0], $0xffff  }
0x155: {  	v61 =	vor.u32 s29, v3;
	_ =	sdelay $0x3  }
0x156: {  	(v2sf) =	vpush @!p0 v50, $0x1;
	[tilespmem:s5+$0x20] =	vst v51  }
0x157: {  	s16 =	sand.u32 $0x7F, s3;
	(v2sf) =	vpush @!p0 v49, $0x1;
	v51 =	vld.idx.msk [tilespmem:v61+s13+$0x0], $0xffff  }
0x158: {  	v62 =	vor.u32 s16, v2;
	_ =	sdelay $0x3  }
0x159: {  	[tilespmem:s5+$0x30] =	vst v51  }
0x15a: {  	v51 =	vld.idx.msk [tilespmem:v62+s14+$0x0], $0xffff  }
0x15b: {  	v63 =	vor.u32 s16, v3;
	_ =	sdelay $0x3  }
0x15c: {  	[tilespmem:s6+$0x20] =	vst v51  }
0x15d: {  	v51 =	vld.idx.msk [tilespmem:v63+s14+$0x0], $0xffff;
	_ =	sdelay $0x1  }
0x15e: {  	s0 =	spop @!p0 (v2sf)  }
0x15f: {  	s3 =	spop @!p0 (v2sf)  }
0x160: {  	s3 =	sand.u32 @!p0 $0xFFFFF80, s3  }
0x161: {  	s16 =	simm.s32 @!p0 $0x1500;
	s0 =	sand.u32 @!p0 $0xFFFFF80, s0;
	s3 =	sadd.s32 @!p0 s1, s3;
	[tilespmem:s6+$0x30] =	vst v51  }
0x162: {  	[tilespmem:s16], [sflag:$0x1] =	stream.strided.gather @!p0 [hbm4b:s3+s8], $0x1000, s18, s8, $0x38;
	[tilespmem:$0x18700] =	vst v63  }
0x163: {  	s0 =	sadd.s32 @!p0 s11, s0;
	s3 =	simm.s32 @!p0 $0x9500  }
0x164: {  	[tilespmem:s3], [sflag:$0x2] =	stream.strided.gather @!p0 [hbm4b:s0+s8], $0x1000, s18, s8, $0x38;
	[tilespmem:$0x18700] =	vst v63  }
0x165: {  	s28 =	sand.u32 $0x7F, s19;
	_ =	swait.ge [sflag:s30], $0x1000  }
0x166: {  	v56 =	vor.u32 s28, v4;
	[sflag:s30] =	ssyncset.done $0x0  }
0x167: {  	[sflag:s30] =	ssyncadd.s32 $0xFFFFF000  }
0x168: {  	_ =	swait.ge [sflag:s31], $0x1000  }
0x169: {  	[sflag:s31] =	ssyncset.done $0x0  }
0x16a: {  	[sflag:s31] =	ssyncadd.s32 $0xFFFFF000  }
0x16b: {  	v51 =	vld.idx.msk [tilespmem:v56+s13+$0x0], $0xffff  }
0x16c: {  	v57 =	vor.u32 s28, v5;
	_ =	sdelay $0x3  }
0x16d: {  	(v2sf) =	vpush @!p0 v50, $0x2;
	[tilespmem:s5+$0x40] =	vst v51  }
0x16e: {  	s29 =	sand.u32 $0x7F, s9;
	(v2sf) =	vpush @!p0 v49, $0x2;
	v51 =	vld.idx.msk [tilespmem:v57+s13+$0x0], $0xffff  }
0x16f: {  	v58 =	vor.u32 s29, v4;
	_ =	sdelay $0x3  }
0x170: {  	[tilespmem:s5+$0x50] =	vst v51  }
0x171: {  	v51 =	vld.idx.msk [tilespmem:v58+s14+$0x0], $0xffff  }
0x172: {  	v59 =	vor.u32 s29, v5;
	_ =	sdelay $0x3  }
0x173: {  	[tilespmem:s6+$0x40] =	vst v51  }
0x174: {  	v51 =	vld.idx.msk [tilespmem:v59+s14+$0x0], $0xffff;
	_ =	sdelay $0x1  }
0x175: {  	s0 =	spop @!p0 (v2sf)  }
0x176: {  	s3 =	spop @!p0 (v2sf)  }
0x177: {  	s3 =	sand.u32 @!p0 $0xFFFFF80, s3  }
0x178: {  	s9 =	simm.s32 @!p0 $0x2500;
	s0 =	sand.u32 @!p0 $0xFFFFF80, s0;
	s3 =	sadd.s32 @!p0 s1, s3;
	[tilespmem:s6+$0x50] =	vst v51  }
0x179: {  	[tilespmem:s9], [sflag:$0x1] =	stream.strided.gather @!p0 [hbm4b:s3+s8], $0x1000, s18, s8, $0x38;
	[tilespmem:$0x18700] =	vst v63  }
0x17a: {  	s0 =	sadd.s32 @!p0 s11, s0;
	s3 =	simm.s32 @!p0 $0xA500  }
0x17b: {  	[tilespmem:s3], [sflag:$0x2] =	stream.strided.gather @!p0 [hbm4b:s0+s8], $0x1000, s18, s8, $0x38;
	[tilespmem:$0x18700] =	vst v63  }
0x17c: {  	s3 =	sand.u32 $0x7F, s21;
	_ =	swait.ge [sflag:s30], $0x1000  }
0x17d: {  	v60 =	vor.u32 s3, v6;
	[sflag:s30] =	ssyncset.done $0x0  }
0x17e: {  	[sflag:s30] =	ssyncadd.s32 $0xFFFFF000  }
0x17f: {  	_ =	swait.ge [sflag:s31], $0x1000  }
0x180: {  	[sflag:s31] =	ssyncset.done $0x0  }
0x181: {  	[sflag:s31] =	ssyncadd.s32 $0xFFFFF000  }
0x182: {  	v51 =	vld.idx.msk [tilespmem:v60+s13+$0x0], $0xffff  }
0x183: {  	v61 =	vor.u32 s3, v7;
	_ =	sdelay $0x3  }
0x184: {  	(v2sf) =	vpush @!p0 v50, $0x3;
	[tilespmem:s5+$0x60] =	vst v51  }
0x185: {  	s9 =	sand.u32 $0x7F, s10;
	(v2sf) =	vpush @!p0 v49, $0x3;
	v51 =	vld.idx.msk [tilespmem:v61+s13+$0x0], $0xffff  }
0x186: {  	v62 =	vor.u32 s9, v6;
	_ =	sdelay $0x3  }
0x187: {  	[tilespmem:s5+$0x70] =	vst v51  }
0x188: {  	v51 =	vld.idx.msk [tilespmem:v62+s14+$0x0], $0xffff  }
0x189: {  	v63 =	vor.u32 s9, v7;
	_ =	sdelay $0x3  }
0x18a: {  	[tilespmem:s6+$0x60] =	vst v51  }
0x18b: {  	v51 =	vld.idx.msk [tilespmem:v63+s14+$0x0], $0xffff;
	_ =	sdelay $0x1  }
0x18c: {  	s0 =	spop @!p0 (v2sf)  }
0x18d: {  	s3 =	spop @!p0 (v2sf)  }
0x18e: {  	s3 =	sand.u32 @!p0 $0xFFFFF80, s3  }
0x18f: {  	s9 =	simm.s32 @!p0 $0x3500;
	s0 =	sand.u32 @!p0 $0xFFFFF80, s0;
	s3 =	sadd.s32 @!p0 s1, s3;
	[tilespmem:s6+$0x70] =	vst v51  }
0x190: {  	[tilespmem:s9], [sflag:$0x1] =	stream.strided.gather @!p0 [hbm4b:s3+s8], $0x1000, s18, s8, $0x38;
	[tilespmem:$0x18700] =	vst v63  }
0x191: {  	s0 =	sadd.s32 @!p0 s11, s0;
	s3 =	simm.s32 @!p0 $0xB500  }
0x192: {  	[tilespmem:s3], [sflag:$0x2] =	stream.strided.gather @!p0 [hbm4b:s0+s8], $0x1000, s18, s8, $0x38;
	[tilespmem:$0x18700] =	vst v63  }
0x193: {  	s16 =	sand.u32 $0x7F, s23;
	_ =	swait.ge [sflag:s30], $0x1000  }
0x194: {  	v56 =	vor.u32 s16, v8;
	[sflag:s30] =	ssyncset.done $0x0  }
0x195: {  	[sflag:s30] =	ssyncadd.s32 $0xFFFFF000  }
0x196: {  	_ =	swait.ge [sflag:s31], $0x1000  }
0x197: {  	[sflag:s31] =	ssyncset.done $0x0  }
0x198: {  	[sflag:s31] =	ssyncadd.s32 $0xFFFFF000  }
0x199: {  	v51 =	vld.idx.msk [tilespmem:v56+s13+$0x0], $0xffff  }
0x19a: {  	v57 =	vor.u32 s16, v9;
	_ =	sdelay $0x3  }
0x19b: {  	(v2sf) =	vpush @!p0 v50, $0x4;
	[tilespmem:s5+$0x80] =	vst v51  }
0x19c: {  	s19 =	sand.u32 $0x7F, s15;
	(v2sf) =	vpush @!p0 v49, $0x4;
	v51 =	vld.idx.msk [tilespmem:v57+s13+$0x0], $0xffff  }
0x19d: {  	v58 =	vor.u32 s19, v8;
	_ =	sdelay $0x3  }
0x19e: {  	[tilespmem:s5+$0x90] =	vst v51  }
0x19f: {  	v51 =	vld.idx.msk [tilespmem:v58+s14+$0x0], $0xffff  }
0x1a0: {  	v59 =	vor.u32 s19, v9;
	_ =	sdelay $0x3  }
0x1a1: {  	[tilespmem:s6+$0x80] =	vst v51  }
0x1a2: {  	v51 =	vld.idx.msk [tilespmem:v59+s14+$0x0], $0xffff;
	_ =	sdelay $0x1  }
0x1a3: {  	s0 =	spop @!p0 (v2sf)  }
0x1a4: {  	s3 =	spop @!p0 (v2sf)  }
0x1a5: {  	s3 =	sand.u32 @!p0 $0xFFFFF80, s3  }
0x1a6: {  	s9 =	simm.s32 @!p0 $0x4500;
	s0 =	sand.u32 @!p0 $0xFFFFF80, s0;
	s3 =	sadd.s32 @!p0 s1, s3;
	[tilespmem:s6+$0x90] =	vst v51  }
0x1a7: {  	[tilespmem:s9], [sflag:$0x1] =	stream.strided.gather @!p0 [hbm4b:s3+s8], $0x1000, s18, s8, $0x38;
	[tilespmem:$0x18700] =	vst v63  }
0x1a8: {  	s0 =	sadd.s32 @!p0 s11, s0;
	s3 =	simm.s32 @!p0 $0xC500  }
0x1a9: {  	[tilespmem:s3], [sflag:$0x2] =	stream.strided.gather @!p0 [hbm4b:s0+s8], $0x1000, s18, s8, $0x38;
	[tilespmem:$0x18700] =	vst v63  }
0x1aa: {  	s21 =	sand.u32 $0x7F, s24;
	_ =	swait.ge [sflag:s30], $0x1000  }
0x1ab: {  	v60 =	vor.u32 s21, v10;
	[sflag:s30] =	ssyncset.done $0x0  }
0x1ac: {  	[sflag:s30] =	ssyncadd.s32 $0xFFFFF000  }
0x1ad: {  	_ =	swait.ge [sflag:s31], $0x1000  }
0x1ae: {  	[sflag:s31] =	ssyncset.done $0x0  }
0x1af: {  	[sflag:s31] =	ssyncadd.s32 $0xFFFFF000  }
0x1b0: {  	v51 =	vld.idx.msk [tilespmem:v60+s13+$0x0], $0xffff  }
0x1b1: {  	v61 =	vor.u32 s21, v11;
	_ =	sdelay $0x3  }
0x1b2: {  	(v2sf) =	vpush @!p0 v50, $0x5;
	[tilespmem:s5+$0xA0] =	vst v51  }
0x1b3: {  	s23 =	sand.u32 $0x7F, s17;
	(v2sf) =	vpush @!p0 v49, $0x5;
	v51 =	vld.idx.msk [tilespmem:v61+s13+$0x0], $0xffff  }
0x1b4: {  	v62 =	vor.u32 s23, v10;
	_ =	sdelay $0x3  }
0x1b5: {  	[tilespmem:s5+$0xB0] =	vst v51  }
0x1b6: {  	v51 =	vld.idx.msk [tilespmem:v62+s14+$0x0], $0xffff  }
0x1b7: {  	v63 =	vor.u32 s23, v11;
	_ =	sdelay $0x3  }
0x1b8: {  	[tilespmem:s6+$0xA0] =	vst v51  }
0x1b9: {  	v51 =	vld.idx.msk [tilespmem:v63+s14+$0x0], $0xffff;
	_ =	sdelay $0x1  }
0x1ba: {  	s0 =	spop @!p0 (v2sf)  }
0x1bb: {  	s3 =	spop @!p0 (v2sf)  }
0x1bc: {  	s3 =	sand.u32 @!p0 $0xFFFFF80, s3  }
0x1bd: {  	s9 =	simm.s32 @!p0 $0x5500;
	s0 =	sand.u32 @!p0 $0xFFFFF80, s0;
	s3 =	sadd.s32 @!p0 s1, s3;
	[tilespmem:s6+$0xB0] =	vst v51  }
0x1be: {  	[tilespmem:s9], [sflag:$0x1] =	stream.strided.gather @!p0 [hbm4b:s3+s8], $0x1000, s18, s8, $0x38;
	[tilespmem:$0x18700] =	vst v63  }
0x1bf: {  	s0 =	sadd.s32 @!p0 s11, s0;
	s3 =	simm.s32 @!p0 $0xD500  }
0x1c0: {  	[tilespmem:s3], [sflag:$0x2] =	stream.strided.gather @!p0 [hbm4b:s0+s8], $0x1000, s18, s8, $0x38;
	[tilespmem:$0x18700] =	vst v63  }
0x1c1: {  	s24 =	sand.u32 $0x7F, s25;
	_ =	swait.ge [sflag:s30], $0x1000  }
0x1c2: {  	v56 =	vor.u32 s24, v13;
	[sflag:s30] =	ssyncset.done $0x0  }
0x1c3: {  	[sflag:s30] =	ssyncadd.s32 $0xFFFFF000  }
0x1c4: {  	_ =	swait.ge [sflag:s31], $0x1000  }
0x1c5: {  	[sflag:s31] =	ssyncset.done $0x0  }
0x1c6: {  	[sflag:s31] =	ssyncadd.s32 $0xFFFFF000  }
0x1c7: {  	v51 =	vld.idx.msk [tilespmem:v56+s13+$0x0], $0xffff  }
0x1c8: {  	v57 =	vor.u32 s24, v14;
	_ =	sdelay $0x3  }
0x1c9: {  	(v2sf) =	vpush @!p0 v50, $0x6;
	[tilespmem:s5+$0xC0] =	vst v51  }
0x1ca: {  	s25 =	sand.u32 $0x7F, s20;
	(v2sf) =	vpush @!p0 v49, $0x6;
	v51 =	vld.idx.msk [tilespmem:v57+s13+$0x0], $0xffff  }
0x1cb: {  	v58 =	vor.u32 s25, v13;
	_ =	sdelay $0x3  }
0x1cc: {  	[tilespmem:s5+$0xD0] =	vst v51  }
0x1cd: {  	v51 =	vld.idx.msk [tilespmem:v58+s14+$0x0], $0xffff  }
0x1ce: {  	v59 =	vor.u32 s25, v14;
	_ =	sdelay $0x3  }
0x1cf: {  	[tilespmem:s6+$0xC0] =	vst v51  }
0x1d0: {  	v51 =	vld.idx.msk [tilespmem:v59+s14+$0x0], $0xffff;
	_ =	sdelay $0x1  }
0x1d1: {  	s0 =	spop @!p0 (v2sf)  }
0x1d2: {  	s3 =	spop @!p0 (v2sf)  }
0x1d3: {  	s3 =	sand.u32 @!p0 $0xFFFFF80, s3  }
0x1d4: {  	s9 =	simm.s32 @!p0 $0x6500;
	s0 =	sand.u32 @!p0 $0xFFFFF80, s0;
	s3 =	sadd.s32 @!p0 s1, s3;
	[tilespmem:s6+$0xD0] =	vst v51  }
0x1d5: {  	[tilespmem:s9], [sflag:$0x1] =	stream.strided.gather @!p0 [hbm4b:s3+s8], $0x1000, s18, s8, $0x38;
	[tilespmem:$0x18700] =	vst v63  }
0x1d6: {  	s0 =	sadd.s32 @!p0 s11, s0;
	s3 =	simm.s32 @!p0 $0xE500  }
0x1d7: {  	[tilespmem:s3], [sflag:$0x2] =	stream.strided.gather @!p0 [hbm4b:s0+s8], $0x1000, s18, s8, $0x38;
	[tilespmem:$0x18700] =	vst v63  }
0x1d8: {  	s28 =	sand.u32 $0x7F, s26;
	_ =	swait.ge [sflag:s30], $0x1000  }
0x1d9: {  	v60 =	vor.u32 s28, v15;
	[sflag:s30] =	ssyncset.done $0x0  }
0x1da: {  	[sflag:s30] =	ssyncadd.s32 $0xFFFFF000  }
0x1db: {  	_ =	swait.ge [sflag:s31], $0x1000  }
0x1dc: {  	[sflag:s31] =	ssyncset.done $0x0  }
0x1dd: {  	[sflag:s31] =	ssyncadd.s32 $0xFFFFF000  }
0x1de: {  	v51 =	vld.idx.msk [tilespmem:v60+s13+$0x0], $0xffff  }
0x1df: {  	v61 =	vor.u32 s28, v16;
	_ =	sdelay $0x3  }
0x1e0: {  	[tilespmem:s5+$0xE0] =	vst v51  }
0x1e1: {  	s29 =	sand.u32 $0x7F, s22;
	v51 =	vld.idx.msk [tilespmem:v61+s13+$0x0], $0xffff  }
0x1e2: {  	v62 =	vor.u32 s29, v15;
	_ =	sdelay $0x3  }
0x1e3: {  	[tilespmem:s5+$0xF0] =	vst v51  }
0x1e4: {  	v51 =	vld.idx.msk [tilespmem:v62+s14+$0x0], $0xffff  }
0x1e5: {  	v63 =	vor.u32 s29, v16;
	_ =	sdelay $0x3  }
0x1e6: {  	[tilespmem:s6+$0xE0] =	vst v51  }
0x1e7: {  	v51 =	vld.idx.msk [tilespmem:v63+s14+$0x0], $0xffff  }
.Ltmp0:
0x1e8: {  	_ = 	snop;
	(pc) =	sbr.rel @p0 .LBB2_3-.Ltmp0, $2  }
0x1e9: {  	_ =	sdelay $0x2  }
0x1ea: {  	s7 =	simm.s32 $0x7A1400;
	s12 =	simm.s32 $0x400;
	s10 =	smov.u32 s1;
	[tilespmem:s6+$0xF0] =	vst v51  }
0x1eb: {  	(v2sf) =	vpush v50, $0x7  }
0x1ec: {  	(v2sf) =	vpush v49, $0x7;
	_ =	sdelay $0xd  }
0x1ed: {  	s0 =	spop (v2sf)  }
0x1ee: {  	s3 =	spop (v2sf)  }
0x1ef: {  	s3 =	sand.u32 $0xFFFFF80, s3  }
0x1f0: {  	s8 =	simm.s32 $0x7500;
	s3 =	sadd.s32 s10, s3  }
0x1f1: {  	[tilespmem:s8], [sflag:$0x1] =	stream.strided.gather [hbm4b:s3+s12], $0x1000, s7, s12, $0x38;
	[tilespmem:$0x18700] =	vst v63  }
.Ltmp1:
0x1f2: {  	s0 =	sand.u32 $0xFFFFF80, s0;
	(pc) =	sbr.rel .LBB2_2-.Ltmp1, $4  }
0x1f3: {  	s26 =	simm.s32 $0xF500;
	s28 =	rddreg [dreg:$0xb];
	s0 =	sadd.s32 s11, s0  }
0x1f4: {  	[tilespmem:s26], [sflag:$0x2] =	stream.strided.gather [hbm4b:s0+s12], $0x1000, s7, s12, $0x38;
	[tilespmem:$0x18700] =	vst v63  }
0x1f5: {  	s5 =	sadd.s32 $0x200, s5;
	s6 =	sadd.s32 $0x200, s6;
	s0 =	sadd.s32 $0x40, s28  }
0x1f6: {  	s29 =	simm.s32 $0x400;
	s12 =	simm.s32 $0x7A1400;
	[dreg:$0xb] =	wrdreg s0  }
.LBB2_3:
0x1f7: {  	s3 =	simm.s32 $0x0  }
0x1f8: {  	v49 =	vor.u32 s3, v12  }
0x1f9: {  	v49 =	vand.u32 v17, v49;
	_ =	sdelay $0x1  }
0x1fa: {  	v50 =	vor.u32 s3, v18;
	_ =	sdelay $0x1  }
0x1fb: {  	v51 =	vor.u32 s3, v19  }
0x1fc: {  	v52 =	vld.idx.msk [tilespmem:v49+s4+$0x0], $0xffff  }
0x1fd: {  	v53 =	vor.u32 s3, v20;
	v49 =	vld.idx.msk [tilespmem:v49+s2+$0x0], $0xffff  }
0x1fe: {  	v54 =	vld.idx.msk [tilespmem:v50+s2+$0x0], $0xffff  }
0x1ff: {  	v55 =	vor.u32 s3, v21;
	v50 =	vld.idx.msk [tilespmem:v50+s4+$0x0], $0xffff  }
0x200: {  	v56 =	vld.idx.msk [tilespmem:v51+s2+$0x0], $0xffff  }
0x201: {  	v57 =	vor.u32 s3, v22;
	v51 =	vld.idx.msk [tilespmem:v51+s4+$0x0], $0xffff  }
0x202: {  	v58 =	vld.idx.msk [tilespmem:v53+s2+$0x0], $0xffff;
	v49 =	vmul.f32 v52, v49  }
0x203: {  	v52 =	vld.idx.msk [tilespmem:v53+s4+$0x0], $0xffff;
	v53 =	vor.u32 s3, v23  }
0x204: {  	v59 =	vld.idx.msk [tilespmem:v55+s2+$0x0], $0xffff;
	v50 =	vmul.f32 v50, v54;
	v49 =	vadd.f32 $0.0e+00, v49  }
0x205: {  	v54 =	vld.idx.msk [tilespmem:v55+s4+$0x0], $0xffff;
	v55 =	vor.u32 s3, v24  }
0x206: {  	v60 =	vld.idx.msk [tilespmem:v57+s2+$0x0], $0xffff;
	v63 =	vmul.f32 v51, v56;
	v49 =	vadd.f32 v50, v49  }
0x207: {  	v61 =	vor.u32 s3, v25;
	v51 =	vld.idx.msk [tilespmem:v57+s4+$0x0], $0xffff  }
0x208: {  	v57 =	vld.idx.msk [tilespmem:v53+s2+$0x0], $0xffff;
	v62 =	vmul.f32 v52, v58;
	v49 =	vadd.f32 v63, v49  }
0x209: {  	v52 =	vld.idx.msk [tilespmem:v53+s4+$0x0], $0xffff;
	v53 =	vor.u32 s3, v26  }
0x20a: {  	v58 =	vld.idx.msk [tilespmem:v55+s2+$0x0], $0xffff;
	v63 =	vmul.f32 v54, v59;
	v49 =	vadd.f32 v62, v49  }
0x20b: {  	v54 =	vld.idx.msk [tilespmem:v55+s4+$0x0], $0xffff;
	v55 =	vor.u32 s3, v27  }
0x20c: {  	v50 =	vmul.f32 v51, v60;
	v51 =	vld.idx.msk [tilespmem:v61+s4+$0x0], $0xffff;
	v49 =	vadd.f32 v63, v49  }
0x20d: {  	v56 =	vor.u32 s3, v28;
	v59 =	vld.idx.msk [tilespmem:v61+s2+$0x0], $0xffff  }
0x20e: {  	v60 =	vld.idx.msk [tilespmem:v53+s2+$0x0], $0xffff;
	v61 =	vmul.f32 v52, v57;
	v49 =	vadd.f32 v50, v49  }
0x20f: {  	v62 =	vor.u32 s3, v29;
	v52 =	vld.idx.msk [tilespmem:v53+s4+$0x0], $0xffff  }
0x210: {  	v57 =	vld.idx.msk [tilespmem:v55+s2+$0x0], $0xffff;
	v63 =	vmul.f32 v54, v58;
	v49 =	vadd.f32 v61, v49  }
0x211: {  	v54 =	vld.idx.msk [tilespmem:v55+s4+$0x0], $0xffff;
	v55 =	vor.u32 s3, v30  }
0x212: {  	v58 =	vld.idx.msk [tilespmem:v56+s2+$0x0], $0xffff;
	v61 =	vmul.f32 v51, v59;
	v49 =	vadd.f32 v63, v49  }
0x213: {  	v51 =	vld.idx.msk [tilespmem:v56+s4+$0x0], $0xffff;
	v56 =	vor.u32 s3, v31  }
0x214: {  	v59 =	vld.idx.msk [tilespmem:v62+s2+$0x0], $0xffff;
	v50 =	vmul.f32 v52, v60;
	v49 =	vadd.f32 v61, v49  }
0x215: {  	v53 =	vor.u32 s3, v32;
	v52 =	vld.idx.msk [tilespmem:v62+s4+$0x0], $0xffff  }
0x216: {  	v60 =	vld.idx.msk [tilespmem:v55+s2+$0x0], $0xffff;
	v62 =	vmul.f32 v54, v57;
	v49 =	vadd.f32 v50, v49  }
0x217: {  	v54 =	vld.idx.msk [tilespmem:v55+s4+$0x0], $0xffff;
	v63 =	vor.u32 s3, v33  }
0x218: {  	v57 =	vld.idx.msk [tilespmem:v56+s2+$0x0], $0xffff;
	v61 =	vmul.f32 v51, v58;
	v49 =	vadd.f32 v62, v49  }
0x219: {  	v51 =	vld.idx.msk [tilespmem:v56+s4+$0x0], $0xffff;
	v56 =	vor.u32 s3, v34  }
0x21a: {  	v58 =	vld.idx.msk [tilespmem:v53+s2+$0x0], $0xffff;
	v62 =	vmul.f32 v52, v59;
	v49 =	vadd.f32 v61, v49  }
0x21b: {  	v52 =	vld.idx.msk [tilespmem:v53+s4+$0x0], $0xffff;
	v53 =	vor.u32 s3, v35  }
0x21c: {  	v50 =	vmul.f32 v54, v60;
	v54 =	vld.idx.msk [tilespmem:v63+s4+$0x0], $0xffff;
	v49 =	vadd.f32 v62, v49  }
0x21d: {  	v55 =	vor.u32 s3, v36;
	v59 =	vld.idx.msk [tilespmem:v63+s2+$0x0], $0xffff  }
0x21e: {  	v60 =	vld.idx.msk [tilespmem:v56+s2+$0x0], $0xffff;
	v63 =	vmul.f32 v51, v57;
	v49 =	vadd.f32 v50, v49  }
0x21f: {  	v51 =	vld.idx.msk [tilespmem:v56+s4+$0x0], $0xffff;
	v61 =	vor.u32 s3, v37  }
0x220: {  	v57 =	vld.idx.msk [tilespmem:v53+s2+$0x0], $0xffff;
	v62 =	vmul.f32 v52, v58;
	v49 =	vadd.f32 v63, v49  }
0x221: {  	v52 =	vld.idx.msk [tilespmem:v53+s4+$0x0], $0xffff;
	v53 =	vor.u32 s3, v38  }
0x222: {  	v58 =	vld.idx.msk [tilespmem:v55+s2+$0x0], $0xffff;
	v63 =	vmul.f32 v54, v59;
	v49 =	vadd.f32 v62, v49  }
0x223: {  	v54 =	vld.idx.msk [tilespmem:v55+s4+$0x0], $0xffff;
	v55 =	vor.u32 s3, v39  }
0x224: {  	v50 =	vmul.f32 v51, v60;
	v51 =	vld.idx.msk [tilespmem:v61+s4+$0x0], $0xffff;
	v49 =	vadd.f32 v63, v49  }
0x225: {  	v56 =	vor.u32 s3, v40;
	v59 =	vld.idx.msk [tilespmem:v61+s2+$0x0], $0xffff  }
0x226: {  	v60 =	vld.idx.msk [tilespmem:v53+s2+$0x0], $0xffff;
	v61 =	vmul.f32 v52, v57;
	v49 =	vadd.f32 v50, v49  }
0x227: {  	v52 =	vld.idx.msk [tilespmem:v53+s4+$0x0], $0xffff;
	v62 =	vor.u32 s3, v41  }
0x228: {  	v57 =	vld.idx.msk [tilespmem:v55+s2+$0x0], $0xffff;
	v63 =	vmul.f32 v54, v58;
	v49 =	vadd.f32 v61, v49  }
0x229: {  	v54 =	vld.idx.msk [tilespmem:v55+s4+$0x0], $0xffff;
	v55 =	vor.u32 s3, v42  }
0x22a: {  	v58 =	vld.idx.msk [tilespmem:v56+s2+$0x0], $0xffff;
	v61 =	vmul.f32 v51, v59;
	v49 =	vadd.f32 v63, v49  }
0x22b: {  	v51 =	vld.idx.msk [tilespmem:v56+s4+$0x0], $0xffff;
	v56 =	vor.u32 s3, v43  }
0x22c: {  	v50 =	vmul.f32 v52, v60;
	v52 =	vld.idx.msk [tilespmem:v62+s4+$0x0], $0xffff;
	v49 =	vadd.f32 v61, v49  }
0x22d: {  	v53 =	vor.u32 s3, v44;
	v59 =	vld.idx.msk [tilespmem:v62+s2+$0x0], $0xffff  }
0x22e: {  	v60 =	vld.idx.msk [tilespmem:v55+s2+$0x0], $0xffff;
	v62 =	vmul.f32 v54, v57;
	v49 =	vadd.f32 v50, v49  }
0x22f: {  	v54 =	vld.idx.msk [tilespmem:v55+s4+$0x0], $0xffff;
	v63 =	vor.u32 s3, v45  }
0x230: {  	v57 =	vld.idx.msk [tilespmem:v56+s2+$0x0], $0xffff;
	v61 =	vmul.f32 v51, v58;
	v49 =	vadd.f32 v62, v49  }
0x231: {  	v51 =	vld.idx.msk [tilespmem:v56+s4+$0x0], $0xffff;
	v56 =	vor.u32 s3, v46  }
0x232: {  	v58 =	vld.idx.msk [tilespmem:v53+s2+$0x0], $0xffff;
	v62 =	vmul.f32 v52, v59;
	v49 =	vadd.f32 v61, v49  }
0x233: {  	v52 =	vld.idx.msk [tilespmem:v53+s4+$0x0], $0xffff;
	v53 =	vor.u32 s3, v47  }
0x234: {  	v50 =	vmul.f32 v54, v60;
	v54 =	vld.idx.msk [tilespmem:v63+s4+$0x0], $0xffff;
	v49 =	vadd.f32 v62, v49  }
0x235: {  	v55 =	vor.u32 s3, v48;
	v59 =	vld.idx.msk [tilespmem:v63+s2+$0x0], $0xffff  }
0x236: {  	v60 =	vld.idx.msk [tilespmem:v56+s2+$0x0], $0xffff;
	v63 =	vmul.f32 v51, v57;
	v49 =	vadd.f32 v50, v49  }
0x237: {  	v51 =	vld.idx.msk [tilespmem:v56+s4+$0x0], $0xffff  }
0x238: {  	v56 =	vld.idx.msk [tilespmem:v53+s2+$0x0], $0xffff;
	v57 =	vmul.f32 v52, v58;
	v49 =	vadd.f32 v63, v49  }
0x239: {  	v58 =	vld.idx.msk [tilespmem:v53+s4+$0x0], $0xffff  }
0x23a: {  	v61 =	vld.idx.msk [tilespmem:v55+s2+$0x0], $0xffff;
	v62 =	vmul.f32 v54, v59;
	v49 =	vadd.f32 v57, v49  }
0x23b: {  	v63 =	vld.idx.msk [tilespmem:v55+s4+$0x0], $0xffff  }
0x23c: {  	v55 =	vmul.f32 v51, v60;
	v49 =	vadd.f32 v62, v49;
	_ =	sdelay $0x1  }
0x23d: {  	v56 =	vmul.f32 v58, v56;
	v49 =	vadd.f32 v55, v49;
	_ =	sdelay $0x1  }
0x23e: {  	v57 =	vmul.f32 v63, v61;
	v49 =	vadd.f32 v56, v49;
	_ =	sdelay $0x1  }
0x23f: {  	v49 =	vadd.f32 v57, v49;
	_ =	sdelay $0x1  }
0x240: {  	v49 =	vsub.f32 $0.0e+00, v49;
	_ =	sdelay $0x1  }
0x241: {  	v49 =	vmul.f32 $1.442695020e+00, v49;
	_ =	sdelay $0x1  }
0x242: {  	(erf) = vpow2.f32 v49;
	_ =	sdelay $0x8  }
0x243: {  	v49 =	vpop (erf)  }
0x244: {  	v49 =	vadd.f32 $1.000000000e+00, v49;
	_ =	sdelay $0x1  }
0x245: {  	(erf) = vrcp.f32 v49;
	_ =	sdelay $0x3  }
0x246: {  	s28 =	simm.s32 $0x200  }
0x247: {  	v58 =	vor.u32 s28, v12  }
0x248: {  	v49 =	vand.u32 v17, v58;
	_ =	sdelay $0x1  }
0x249: {  	v59 =	vor.u32 s28, v18  }
0x24a: {  	s5 =	simm.s32 $0x18500;
	v62 =	vpop (erf)  }
0x24b: {  	v63 =	vor.u32 s28, v19;
	[tilespmem:s5+$0x0] =	vst v62  }
0x24c: {  	v51 =	vld.idx.msk [tilespmem:v49+s4+$0x0], $0xffff  }
0x24d: {  	v60 =	vor.u32 s28, v20;
	v49 =	vld.idx.msk [tilespmem:v49+s2+$0x0], $0xffff  }
0x24e: {  	v61 =	vld.idx.msk [tilespmem:v59+s2+$0x0], $0xffff  }
0x24f: {  	v62 =	vor.u32 s28, v21;
	v50 =	vld.idx.msk [tilespmem:v59+s4+$0x0], $0xffff  }
0x250: {  	v56 =	vld.idx.msk [tilespmem:v63+s2+$0x0], $0xffff  }
0x251: {  	v57 =	vor.u32 s28, v22;
	v52 =	vld.idx.msk [tilespmem:v63+s4+$0x0], $0xffff  }
0x252: {  	v58 =	vld.idx.msk [tilespmem:v60+s2+$0x0], $0xffff;
	v49 =	vmul.f32 v51, v49  }
0x253: {  	v53 =	vor.u32 s28, v23;
	v51 =	vld.idx.msk [tilespmem:v60+s4+$0x0], $0xffff  }
0x254: {  	v59 =	vld.idx.msk [tilespmem:v62+s2+$0x0], $0xffff;
	v50 =	vmul.f32 v50, v61;
	v49 =	vadd.f32 $0.0e+00, v49  }
0x255: {  	v55 =	vor.u32 s28, v24;
	v54 =	vld.idx.msk [tilespmem:v62+s4+$0x0], $0xffff  }
0x256: {  	v60 =	vld.idx.msk [tilespmem:v57+s2+$0x0], $0xffff;
	v63 =	vmul.f32 v52, v56;
	v49 =	vadd.f32 v50, v49  }
0x257: {  	v52 =	vld.idx.msk [tilespmem:v57+s4+$0x0], $0xffff;
	v61 =	vor.u32 s28, v25  }
0x258: {  	v57 =	vld.idx.msk [tilespmem:v53+s2+$0x0], $0xffff;
	v62 =	vmul.f32 v51, v58;
	v49 =	vadd.f32 v63, v49  }
0x259: {  	v51 =	vld.idx.msk [tilespmem:v53+s4+$0x0], $0xffff;
	v53 =	vor.u32 s28, v26  }
0x25a: {  	v58 =	vld.idx.msk [tilespmem:v55+s2+$0x0], $0xffff;
	v63 =	vmul.f32 v54, v59;
	v49 =	vadd.f32 v62, v49  }
0x25b: {  	v54 =	vld.idx.msk [tilespmem:v55+s4+$0x0], $0xffff;
	v55 =	vor.u32 s28, v27  }
0x25c: {  	v50 =	vmul.f32 v52, v60;
	v52 =	vld.idx.msk [tilespmem:v61+s4+$0x0], $0xffff;
	v49 =	vadd.f32 v63, v49  }
0x25d: {  	v56 =	vor.u32 s28, v28;
	v59 =	vld.idx.msk [tilespmem:v61+s2+$0x0], $0xffff  }
0x25e: {  	v60 =	vld.idx.msk [tilespmem:v53+s2+$0x0], $0xffff;
	v61 =	vmul.f32 v51, v57;
	v49 =	vadd.f32 v50, v49  }
0x25f: {  	v62 =	vor.u32 s28, v29;
	v51 =	vld.idx.msk [tilespmem:v53+s4+$0x0], $0xffff  }
0x260: {  	v57 =	vld.idx.msk [tilespmem:v55+s2+$0x0], $0xffff;
	v63 =	vmul.f32 v54, v58;
	v49 =	vadd.f32 v61, v49  }
0x261: {  	v54 =	vld.idx.msk [tilespmem:v55+s4+$0x0], $0xffff;
	v55 =	vor.u32 s28, v30  }
0x262: {  	v58 =	vld.idx.msk [tilespmem:v56+s2+$0x0], $0xffff;
	v61 =	vmul.f32 v52, v59;
	v49 =	vadd.f32 v63, v49  }
0x263: {  	v52 =	vld.idx.msk [tilespmem:v56+s4+$0x0], $0xffff;
	v56 =	vor.u32 s28, v31  }
0x264: {  	v59 =	vld.idx.msk [tilespmem:v62+s2+$0x0], $0xffff;
	v50 =	vmul.f32 v51, v60;
	v49 =	vadd.f32 v61, v49  }
0x265: {  	v53 =	vor.u32 s28, v32;
	v51 =	vld.idx.msk [tilespmem:v62+s4+$0x0], $0xffff  }
0x266: {  	v60 =	vld.idx.msk [tilespmem:v55+s2+$0x0], $0xffff;
	v62 =	vmul.f32 v54, v57;
	v49 =	vadd.f32 v50, v49  }
0x267: {  	v54 =	vld.idx.msk [tilespmem:v55+s4+$0x0], $0xffff;
	v63 =	vor.u32 s28, v33  }
0x268: {  	v57 =	vld.idx.msk [tilespmem:v56+s2+$0x0], $0xffff;
	v61 =	vmul.f32 v52, v58;
	v49 =	vadd.f32 v62, v49  }
0x269: {  	v52 =	vld.idx.msk [tilespmem:v56+s4+$0x0], $0xffff;
	v56 =	vor.u32 s28, v34  }
0x26a: {  	v58 =	vld.idx.msk [tilespmem:v53+s2+$0x0], $0xffff;
	v62 =	vmul.f32 v51, v59;
	v49 =	vadd.f32 v61, v49  }
0x26b: {  	v51 =	vld.idx.msk [tilespmem:v53+s4+$0x0], $0xffff;
	v53 =	vor.u32 s28, v35  }
0x26c: {  	v50 =	vmul.f32 v54, v60;
	v54 =	vld.idx.msk [tilespmem:v63+s4+$0x0], $0xffff;
	v49 =	vadd.f32 v62, v49  }
0x26d: {  	v55 =	vor.u32 s28, v36;
	v59 =	vld.idx.msk [tilespmem:v63+s2+$0x0], $0xffff  }
0x26e: {  	v60 =	vld.idx.msk [tilespmem:v56+s2+$0x0], $0xffff;
	v63 =	vmul.f32 v52, v57;
	v49 =	vadd.f32 v50, v49  }
0x26f: {  	v52 =	vld.idx.msk [tilespmem:v56+s4+$0x0], $0xffff;
	v61 =	vor.u32 s28, v37  }
0x270: {  	v57 =	vld.idx.msk [tilespmem:v53+s2+$0x0], $0xffff;
	v62 =	vmul.f32 v51, v58;
	v49 =	vadd.f32 v63, v49  }
0x271: {  	v51 =	vld.idx.msk [tilespmem:v53+s4+$0x0], $0xffff;
	v53 =	vor.u32 s28, v38  }
0x272: {  	v58 =	vld.idx.msk [tilespmem:v55+s2+$0x0], $0xffff;
	v63 =	vmul.f32 v54, v59;
	v49 =	vadd.f32 v62, v49  }
0x273: {  	v54 =	vld.idx.msk [tilespmem:v55+s4+$0x0], $0xffff;
	v55 =	vor.u32 s28, v39  }
0x274: {  	v50 =	vmul.f32 v52, v60;
	v52 =	vld.idx.msk [tilespmem:v61+s4+$0x0], $0xffff;
	v49 =	vadd.f32 v63, v49  }
0x275: {  	v56 =	vor.u32 s28, v40;
	v59 =	vld.idx.msk [tilespmem:v61+s2+$0x0], $0xffff  }
0x276: {  	v60 =	vld.idx.msk [tilespmem:v53+s2+$0x0], $0xffff;
	v61 =	vmul.f32 v51, v57;
	v49 =	vadd.f32 v50, v49  }
0x277: {  	v51 =	vld.idx.msk [tilespmem:v53+s4+$0x0], $0xffff;
	v62 =	vor.u32 s28, v41  }
0x278: {  	v57 =	vld.idx.msk [tilespmem:v55+s2+$0x0], $0xffff;
	v63 =	vmul.f32 v54, v58;
	v49 =	vadd.f32 v61, v49  }
0x279: {  	v54 =	vld.idx.msk [tilespmem:v55+s4+$0x0], $0xffff;
	v55 =	vor.u32 s28, v42  }
0x27a: {  	v58 =	vld.idx.msk [tilespmem:v56+s2+$0x0], $0xffff;
	v61 =	vmul.f32 v52, v59;
	v49 =	vadd.f32 v63, v49  }
0x27b: {  	v52 =	vld.idx.msk [tilespmem:v56+s4+$0x0], $0xffff;
	v56 =	vor.u32 s28, v43  }
0x27c: {  	v50 =	vmul.f32 v51, v60;
	v51 =	vld.idx.msk [tilespmem:v62+s4+$0x0], $0xffff;
	v49 =	vadd.f32 v61, v49  }
0x27d: {  	v53 =	vor.u32 s28, v44;
	v59 =	vld.idx.msk [tilespmem:v62+s2+$0x0], $0xffff  }
0x27e: {  	v60 =	vld.idx.msk [tilespmem:v55+s2+$0x0], $0xffff;
	v62 =	vmul.f32 v54, v57;
	v49 =	vadd.f32 v50, v49  }
0x27f: {  	v54 =	vld.idx.msk [tilespmem:v55+s4+$0x0], $0xffff;
	v63 =	vor.u32 s28, v45  }
0x280: {  	v57 =	vld.idx.msk [tilespmem:v56+s2+$0x0], $0xffff;
	v61 =	vmul.f32 v52, v58;
	v49 =	vadd.f32 v62, v49  }
0x281: {  	v52 =	vld.idx.msk [tilespmem:v56+s4+$0x0], $0xffff;
	v56 =	vor.u32 s28, v46  }
0x282: {  	v58 =	vld.idx.msk [tilespmem:v53+s2+$0x0], $0xffff;
	v62 =	vmul.f32 v51, v59;
	v49 =	vadd.f32 v61, v49  }
0x283: {  	v51 =	vld.idx.msk [tilespmem:v53+s4+$0x0], $0xffff;
	v53 =	vor.u32 s28, v47  }
0x284: {  	v50 =	vmul.f32 v54, v60;
	v54 =	vld.idx.msk [tilespmem:v63+s4+$0x0], $0xffff;
	v49 =	vadd.f32 v62, v49  }
0x285: {  	v55 =	vor.u32 s28, v48;
	v59 =	vld.idx.msk [tilespmem:v63+s2+$0x0], $0xffff  }
0x286: {  	v60 =	vld.idx.msk [tilespmem:v56+s2+$0x0], $0xffff;
	v63 =	vmul.f32 v52, v57;
	v49 =	vadd.f32 v50, v49  }
0x287: {  	v52 =	vld.idx.msk [tilespmem:v56+s4+$0x0], $0xffff  }
0x288: {  	v61 =	vld.idx.msk [tilespmem:v53+s2+$0x0], $0xffff;
	v62 =	vmul.f32 v51, v58;
	v49 =	vadd.f32 v63, v49  }
0x289: {  	v63 =	vld.idx.msk [tilespmem:v53+s4+$0x0], $0xffff  }
0x28a: {  	v57 =	vld.idx.msk [tilespmem:v55+s2+$0x0], $0xffff;
	v58 =	vmul.f32 v54, v59;
	v49 =	vadd.f32 v62, v49  }
0x28b: {  	v59 =	vld.idx.msk [tilespmem:v55+s4+$0x0], $0xffff  }
0x28c: {  	v60 =	vmul.f32 v52, v60;
	v49 =	vadd.f32 v58, v49;
	_ =	sdelay $0x1  }
0x28d: {  	v61 =	vmul.f32 v63, v61;
	v49 =	vadd.f32 v60, v49;
	_ =	sdelay $0x1  }
0x28e: {  	v62 =	vmul.f32 v59, v57;
	v49 =	vadd.f32 v61, v49;
	_ =	sdelay $0x1  }
0x28f: {  	v49 =	vadd.f32 v62, v49;
	_ =	sdelay $0x1  }
0x290: {  	v49 =	vsub.f32 $0.0e+00, v49;
	_ =	sdelay $0x1  }
0x291: {  	v49 =	vmul.f32 $1.442695020e+00, v49;
	_ =	sdelay $0x1  }
0x292: {  	(erf) = vpow2.f32 v49;
	_ =	sdelay $0x8  }
0x293: {  	v49 =	vpop (erf)  }
0x294: {  	v49 =	vadd.f32 $1.000000000e+00, v49;
	_ =	sdelay $0x1  }
0x295: {  	(erf) = vrcp.f32 v49;
	_ =	sdelay $0x3  }
0x296: {  	s6 =	simm.s32 $0x400  }
0x297: {  	s7 =	simm.s32 $0x600;
	v63 =	vor.u32 s6, v12  }
0x298: {  	s29 =	simm.s32 $0x400;
	s12 =	simm.s32 $0x7A1400;
	s8 =	simm.s32 $0xF500;
	v49 =	vand.u32 v17, v63  }
.LBB2_4:
0x299: {  	p0 =	sne.s32 s7, $0x3E00  }
0x29a: {  	v50 =	vor.u32 s6, v18  }
0x29b: {  	s5 =	sadd.s32 $0x10, s5;
	v51 =	vpop (erf)  }
0x29c: {  	v52 =	vor.u32 s6, v19;
	[tilespmem:s5+$0x0] =	vst v51  }
0x29d: {  	v51 =	vld.idx.msk [tilespmem:v49+s4+$0x0], $0xffff  }
0x29e: {  	v53 =	vor.u32 s6, v20;
	v49 =	vld.idx.msk [tilespmem:v49+s2+$0x0], $0xffff  }
0x29f: {  	v54 =	vld.idx.msk [tilespmem:v50+s2+$0x0], $0xffff  }
0x2a0: {  	v55 =	vor.u32 s6, v21;
	v50 =	vld.idx.msk [tilespmem:v50+s4+$0x0], $0xffff  }
0x2a1: {  	v56 =	vld.idx.msk [tilespmem:v52+s2+$0x0], $0xffff  }
0x2a2: {  	v57 =	vor.u32 s6, v22;
	v52 =	vld.idx.msk [tilespmem:v52+s4+$0x0], $0xffff  }
0x2a3: {  	v58 =	vld.idx.msk [tilespmem:v53+s2+$0x0], $0xffff  }
0x2a4: {  	v49 =	vmul.f32 v51, v49;
	v51 =	vld.idx.msk [tilespmem:v53+s4+$0x0], $0xffff;
	v53 =	vor.u32 s6, v23  }
0x2a5: {  	v59 =	vld.idx.msk [tilespmem:v55+s2+$0x0], $0xffff  }
0x2a6: {  	v49 =	vadd.f32 $0.0e+00, v49;
	v50 =	vmul.f32 v50, v54;
	v54 =	vld.idx.msk [tilespmem:v55+s4+$0x0], $0xffff;
	v55 =	vor.u32 s6, v24  }
0x2a7: {  	v60 =	vld.idx.msk [tilespmem:v57+s2+$0x0], $0xffff  }
0x2a8: {  	v49 =	vadd.f32 v50, v49;
	v50 =	vmul.f32 v52, v56;
	v56 =	vor.u32 s6, v25;
	v52 =	vld.idx.msk [tilespmem:v57+s4+$0x0], $0xffff  }
0x2a9: {  	v57 =	vld.idx.msk [tilespmem:v53+s2+$0x0], $0xffff  }
0x2aa: {  	v49 =	vadd.f32 v50, v49;
	v50 =	vmul.f32 v51, v58;
	v51 =	vld.idx.msk [tilespmem:v53+s4+$0x0], $0xffff;
	v53 =	vor.u32 s6, v26  }
0x2ab: {  	v58 =	vld.idx.msk [tilespmem:v55+s2+$0x0], $0xffff  }
0x2ac: {  	v49 =	vadd.f32 v50, v49;
	v50 =	vmul.f32 v54, v59;
	v54 =	vld.idx.msk [tilespmem:v55+s4+$0x0], $0xffff;
	v55 =	vor.u32 s6, v27  }
0x2ad: {  	v59 =	vld.idx.msk [tilespmem:v56+s2+$0x0], $0xffff  }
0x2ae: {  	v49 =	vadd.f32 v50, v49;
	v50 =	vmul.f32 v52, v60;
	v52 =	vld.idx.msk [tilespmem:v56+s4+$0x0], $0xffff;
	v56 =	vor.u32 s6, v28  }
0x2af: {  	v60 =	vld.idx.msk [tilespmem:v53+s2+$0x0], $0xffff  }
0x2b0: {  	v49 =	vadd.f32 v50, v49;
	v50 =	vmul.f32 v51, v57;
	v51 =	vld.idx.msk [tilespmem:v53+s4+$0x0], $0xffff;
	v53 =	vor.u32 s6, v29  }
0x2b1: {  	v57 =	vld.idx.msk [tilespmem:v55+s2+$0x0], $0xffff  }
0x2b2: {  	v49 =	vadd.f32 v50, v49;
	v50 =	vmul.f32 v54, v58;
	v54 =	vld.idx.msk [tilespmem:v55+s4+$0x0], $0xffff;
	v55 =	vor.u32 s6, v30  }
0x2b3: {  	v58 =	vld.idx.msk [tilespmem:v56+s2+$0x0], $0xffff  }
0x2b4: {  	v49 =	vadd.f32 v50, v49;
	v50 =	vmul.f32 v52, v59;
	v52 =	vld.idx.msk [tilespmem:v56+s4+$0x0], $0xffff;
	v56 =	vor.u32 s6, v31  }
0x2b5: {  	v59 =	vld.idx.msk [tilespmem:v53+s2+$0x0], $0xffff  }
0x2b6: {  	v49 =	vadd.f32 v50, v49;
	v50 =	vmul.f32 v51, v60;
	v51 =	vld.idx.msk [tilespmem:v53+s4+$0x0], $0xffff;
	v53 =	vor.u32 s6, v32  }
0x2b7: {  	v60 =	vld.idx.msk [tilespmem:v55+s2+$0x0], $0xffff  }
0x2b8: {  	v49 =	vadd.f32 v50, v49;
	v50 =	vmul.f32 v54, v57;
	v54 =	vld.idx.msk [tilespmem:v55+s4+$0x0], $0xffff;
	v55 =	vor.u32 s6, v33  }
0x2b9: {  	v57 =	vld.idx.msk [tilespmem:v56+s2+$0x0], $0xffff  }
0x2ba: {  	v49 =	vadd.f32 v50, v49;
	v50 =	vmul.f32 v52, v58;
	v52 =	vld.idx.msk [tilespmem:v56+s4+$0x0], $0xffff;
	v56 =	vor.u32 s6, v34  }
0x2bb: {  	v58 =	vld.idx.msk [tilespmem:v53+s2+$0x0], $0xffff  }
0x2bc: {  	v49 =	vadd.f32 v50, v49;
	v50 =	vmul.f32 v51, v59;
	v51 =	vld.idx.msk [tilespmem:v53+s4+$0x0], $0xffff;
	v53 =	vor.u32 s6, v35  }
0x2bd: {  	v59 =	vld.idx.msk [tilespmem:v55+s2+$0x0], $0xffff  }
0x2be: {  	v49 =	vadd.f32 v50, v49;
	v50 =	vmul.f32 v54, v60;
	v54 =	vld.idx.msk [tilespmem:v55+s4+$0x0], $0xffff;
	v55 =	vor.u32 s6, v36  }
0x2bf: {  	v60 =	vld.idx.msk [tilespmem:v56+s2+$0x0], $0xffff  }
0x2c0: {  	v49 =	vadd.f32 v50, v49;
	v50 =	vmul.f32 v52, v57;
	v52 =	vld.idx.msk [tilespmem:v56+s4+$0x0], $0xffff;
	v56 =	vor.u32 s6, v37  }
0x2c1: {  	v57 =	vld.idx.msk [tilespmem:v53+s2+$0x0], $0xffff  }
0x2c2: {  	v49 =	vadd.f32 v50, v49;
	v50 =	vmul.f32 v51, v58;
	v51 =	vld.idx.msk [tilespmem:v53+s4+$0x0], $0xffff;
	v53 =	vor.u32 s6, v38  }
0x2c3: {  	v58 =	vld.idx.msk [tilespmem:v55+s2+$0x0], $0xffff  }
0x2c4: {  	v49 =	vadd.f32 v50, v49;
	v50 =	vmul.f32 v54, v59;
	v54 =	vld.idx.msk [tilespmem:v55+s4+$0x0], $0xffff;
	v55 =	vor.u32 s6, v39  }
0x2c5: {  	v59 =	vld.idx.msk [tilespmem:v56+s2+$0x0], $0xffff  }
0x2c6: {  	v49 =	vadd.f32 v50, v49;
	v50 =	vmul.f32 v52, v60;
	v52 =	vld.idx.msk [tilespmem:v56+s4+$0x0], $0xffff;
	v56 =	vor.u32 s6, v40  }
0x2c7: {  	v60 =	vld.idx.msk [tilespmem:v53+s2+$0x0], $0xffff  }
0x2c8: {  	v49 =	vadd.f32 v50, v49;
	v50 =	vmul.f32 v51, v57;
	v51 =	vld.idx.msk [tilespmem:v53+s4+$0x0], $0xffff;
	v53 =	vor.u32 s6, v41  }
0x2c9: {  	v57 =	vld.idx.msk [tilespmem:v55+s2+$0x0], $0xffff  }
0x2ca: {  	v49 =	vadd.f32 v50, v49;
	v50 =	vmul.f32 v54, v58;
	v54 =	vld.idx.msk [tilespmem:v55+s4+$0x0], $0xffff;
	v55 =	vor.u32 s6, v42  }
0x2cb: {  	v58 =	vld.idx.msk [tilespmem:v56+s2+$0x0], $0xffff  }
0x2cc: {  	v49 =	vadd.f32 v50, v49;
	v50 =	vmul.f32 v52, v59;
	v52 =	vld.idx.msk [tilespmem:v56+s4+$0x0], $0xffff;
	v56 =	vor.u32 s6, v43  }
0x2cd: {  	v59 =	vld.idx.msk [tilespmem:v53+s2+$0x0], $0xffff  }
0x2ce: {  	v49 =	vadd.f32 v50, v49;
	v50 =	vmul.f32 v51, v60;
	v51 =	vld.idx.msk [tilespmem:v53+s4+$0x0], $0xffff;
	v53 =	vor.u32 s6, v44  }
0x2cf: {  	v60 =	vld.idx.msk [tilespmem:v55+s2+$0x0], $0xffff  }
0x2d0: {  	v49 =	vadd.f32 v50, v49;
	v50 =	vmul.f32 v54, v57;
	v54 =	vld.idx.msk [tilespmem:v55+s4+$0x0], $0xffff;
	v55 =	vor.u32 s6, v45  }
0x2d1: {  	v57 =	vld.idx.msk [tilespmem:v56+s2+$0x0], $0xffff  }
0x2d2: {  	v49 =	vadd.f32 v50, v49;
	v50 =	vmul.f32 v52, v58;
	v52 =	vld.idx.msk [tilespmem:v56+s4+$0x0], $0xffff;
	v56 =	vor.u32 s6, v46  }
0x2d3: {  	v58 =	vld.idx.msk [tilespmem:v53+s2+$0x0], $0xffff  }
0x2d4: {  	v49 =	vadd.f32 v50, v49;
	v50 =	vmul.f32 v51, v59;
	v51 =	vld.idx.msk [tilespmem:v53+s4+$0x0], $0xffff;
	v53 =	vor.u32 s6, v47  }
0x2d5: {  	v59 =	vld.idx.msk [tilespmem:v55+s2+$0x0], $0xffff  }
0x2d6: {  	v49 =	vadd.f32 v50, v49;
	v50 =	vmul.f32 v54, v60;
	v54 =	vld.idx.msk [tilespmem:v55+s4+$0x0], $0xffff;
	v55 =	vor.u32 s6, v48;
	s6 =	smov.u32 s7  }
0x2d7: {  	v60 =	vld.idx.msk [tilespmem:v56+s2+$0x0], $0xffff  }
0x2d8: {  	v49 =	vadd.f32 v50, v49;
	v50 =	vmul.f32 v52, v57;
	v52 =	vld.idx.msk [tilespmem:v56+s4+$0x0], $0xffff  }
0x2d9: {  	v56 =	vld.idx.msk [tilespmem:v53+s2+$0x0], $0xffff  }
0x2da: {  	v49 =	vadd.f32 v50, v49;
	v50 =	vmul.f32 v51, v58;
	v51 =	vld.idx.msk [tilespmem:v53+s4+$0x0], $0xffff  }
0x2db: {  	v53 =	vld.idx.msk [tilespmem:v55+s2+$0x0], $0xffff  }
0x2dc: {  	v49 =	vadd.f32 v50, v49;
	v50 =	vmul.f32 v54, v59;
	v54 =	vld.idx.msk [tilespmem:v55+s4+$0x0], $0xffff;
	_ =	sdelay $0x1  }
0x2dd: {  	v49 =	vadd.f32 v50, v49;
	v50 =	vmul.f32 v52, v60;
	_ =	sdelay $0x1  }
0x2de: {  	v49 =	vadd.f32 v50, v49;
	v50 =	vmul.f32 v51, v56;
	_ =	sdelay $0x1  }
0x2df: {  	v49 =	vadd.f32 v50, v49;
	v50 =	vmul.f32 v54, v53;
	_ =	sdelay $0x1  }
0x2e0: {  	v49 =	vadd.f32 v50, v49;
	_ =	sdelay $0x1  }
0x2e1: {  	v49 =	vsub.f32 $0.0e+00, v49;
	_ =	sdelay $0x1  }
0x2e2: {  	v49 =	vmul.f32 $1.442695020e+00, v49;
	_ =	sdelay $0x1  }
0x2e3: {  	(erf) = vpow2.f32 v49;
	_ =	sdelay $0x8  }
0x2e4: {  	v49 =	vpop (erf)  }
0x2e5: {  	v49 =	vadd.f32 $1.000000000e+00, v49;
	_ =	sdelay $0x1  }
0x2e6: {  	(erf) = vrcp.f32 v49;
	_ =	sdelay $0x1  }
.Ltmp2:
0x2e7: {  	(pc) =	sbr.rel @p0 .LBB2_4-.Ltmp2, $3  }
0x2e8: {  	_ =	sdelay $0x1  }
0x2e9: {  	v49 =	vor.u32 s7, v12  }
0x2ea: {  	s7 =	sadd.s32 $0x200, s7;
	v49 =	vand.u32 v17, v49  }
0x2eb: {  	_ = 	snop  }
0x2ec: {  	v50 =	vor.u32 s6, v18  }
0x2ed: {  	s3 =	sadd.s32 $0x10, s5;
	v51 =	vpop (erf)  }
0x2ee: {  	v52 =	vor.u32 s6, v19;
	[tilespmem:s3+$0x0] =	vst v51  }
0x2ef: {  	v51 =	vld.idx.msk [tilespmem:v49+s4+$0x0], $0xffff  }
0x2f0: {  	v53 =	vor.u32 s6, v20;
	v62 =	vld.idx.msk [tilespmem:v49+s2+$0x0], $0xffff  }
0x2f1: {  	v54 =	vld.idx.msk [tilespmem:v50+s2+$0x0], $0xffff  }
0x2f2: {  	v55 =	vor.u32 s6, v21;
	v50 =	vld.idx.msk [tilespmem:v50+s4+$0x0], $0xffff  }
0x2f3: {  	v56 =	vld.idx.msk [tilespmem:v52+s2+$0x0], $0xffff  }
0x2f4: {  	v57 =	vor.u32 s6, v22;
	v52 =	vld.idx.msk [tilespmem:v52+s4+$0x0], $0xffff  }
0x2f5: {  	v58 =	vld.idx.msk [tilespmem:v53+s2+$0x0], $0xffff;
	v49 =	vmul.f32 v51, v62  }
0x2f6: {  	v51 =	vld.idx.msk [tilespmem:v53+s4+$0x0], $0xffff;
	v53 =	vor.u32 s6, v23  }
0x2f7: {  	v59 =	vld.idx.msk [tilespmem:v55+s2+$0x0], $0xffff;
	v50 =	vmul.f32 v50, v54;
	v49 =	vadd.f32 $0.0e+00, v49  }
0x2f8: {  	v54 =	vld.idx.msk [tilespmem:v55+s4+$0x0], $0xffff;
	v55 =	vor.u32 s6, v24  }
0x2f9: {  	v60 =	vld.idx.msk [tilespmem:v57+s2+$0x0], $0xffff;
	v63 =	vmul.f32 v52, v56;
	v49 =	vadd.f32 v50, v49  }
0x2fa: {  	v61 =	vor.u32 s6, v25;
	v52 =	vld.idx.msk [tilespmem:v57+s4+$0x0], $0xffff  }
0x2fb: {  	v57 =	vld.idx.msk [tilespmem:v53+s2+$0x0], $0xffff;
	v62 =	vmul.f32 v51, v58;
	v49 =	vadd.f32 v63, v49  }
0x2fc: {  	v51 =	vld.idx.msk [tilespmem:v53+s4+$0x0], $0xffff;
	v53 =	vor.u32 s6, v26  }
0x2fd: {  	v58 =	vld.idx.msk [tilespmem:v55+s2+$0x0], $0xffff;
	v63 =	vmul.f32 v54, v59;
	v49 =	vadd.f32 v62, v49  }
0x2fe: {  	v54 =	vld.idx.msk [tilespmem:v55+s4+$0x0], $0xffff;
	v55 =	vor.u32 s6, v27  }
0x2ff: {  	v59 =	vld.idx.msk [tilespmem:v61+s2+$0x0], $0xffff;
	v50 =	vmul.f32 v52, v60;
	v49 =	vadd.f32 v63, v49  }
0x300: {  	v56 =	vor.u32 s6, v28;
	v52 =	vld.idx.msk [tilespmem:v61+s4+$0x0], $0xffff  }
0x301: {  	v60 =	vld.idx.msk [tilespmem:v53+s2+$0x0], $0xffff;
	v61 =	vmul.f32 v51, v57;
	v49 =	vadd.f32 v50, v49  }
0x302: {  	v62 =	vor.u32 s6, v29;
	v51 =	vld.idx.msk [tilespmem:v53+s4+$0x0], $0xffff  }
0x303: {  	v57 =	vld.idx.msk [tilespmem:v55+s2+$0x0], $0xffff;
	v63 =	vmul.f32 v54, v58;
	v49 =	vadd.f32 v61, v49  }
0x304: {  	v54 =	vld.idx.msk [tilespmem:v55+s4+$0x0], $0xffff;
	v55 =	vor.u32 s6, v30  }
0x305: {  	v58 =	vld.idx.msk [tilespmem:v56+s2+$0x0], $0xffff;
	v61 =	vmul.f32 v52, v59;
	v49 =	vadd.f32 v63, v49  }
0x306: {  	v52 =	vld.idx.msk [tilespmem:v56+s4+$0x0], $0xffff;
	v56 =	vor.u32 s6, v31  }
0x307: {  	v59 =	vld.idx.msk [tilespmem:v62+s2+$0x0], $0xffff;
	v50 =	vmul.f32 v51, v60;
	v49 =	vadd.f32 v61, v49  }
0x308: {  	v53 =	vor.u32 s6, v32;
	v51 =	vld.idx.msk [tilespmem:v62+s4+$0x0], $0xffff  }
0x309: {  	v60 =	vld.idx.msk [tilespmem:v55+s2+$0x0], $0xffff;
	v62 =	vmul.f32 v54, v57;
	v49 =	vadd.f32 v50, v49  }
0x30a: {  	v54 =	vld.idx.msk [tilespmem:v55+s4+$0x0], $0xffff;
	v63 =	vor.u32 s6, v33  }
0x30b: {  	v57 =	vld.idx.msk [tilespmem:v56+s2+$0x0], $0xffff;
	v61 =	vmul.f32 v52, v58;
	v49 =	vadd.f32 v62, v49  }
0x30c: {  	v52 =	vld.idx.msk [tilespmem:v56+s4+$0x0], $0xffff;
	v56 =	vor.u32 s6, v34  }
0x30d: {  	v58 =	vld.idx.msk [tilespmem:v53+s2+$0x0], $0xffff;
	v62 =	vmul.f32 v51, v59;
	v49 =	vadd.f32 v61, v49  }
0x30e: {  	v51 =	vld.idx.msk [tilespmem:v53+s4+$0x0], $0xffff;
	v53 =	vor.u32 s6, v35  }
0x30f: {  	v50 =	vmul.f32 v54, v60;
	v54 =	vld.idx.msk [tilespmem:v63+s4+$0x0], $0xffff;
	v49 =	vadd.f32 v62, v49  }
0x310: {  	v55 =	vor.u32 s6, v36;
	v59 =	vld.idx.msk [tilespmem:v63+s2+$0x0], $0xffff  }
0x311: {  	v60 =	vld.idx.msk [tilespmem:v56+s2+$0x0], $0xffff;
	v63 =	vmul.f32 v52, v57;
	v49 =	vadd.f32 v50, v49  }
0x312: {  	v52 =	vld.idx.msk [tilespmem:v56+s4+$0x0], $0xffff;
	v61 =	vor.u32 s6, v37  }
0x313: {  	v57 =	vld.idx.msk [tilespmem:v53+s2+$0x0], $0xffff;
	v62 =	vmul.f32 v51, v58;
	v49 =	vadd.f32 v63, v49  }
0x314: {  	v51 =	vld.idx.msk [tilespmem:v53+s4+$0x0], $0xffff;
	v53 =	vor.u32 s6, v38  }
0x315: {  	v58 =	vld.idx.msk [tilespmem:v55+s2+$0x0], $0xffff;
	v63 =	vmul.f32 v54, v59;
	v49 =	vadd.f32 v62, v49  }
0x316: {  	v54 =	vld.idx.msk [tilespmem:v55+s4+$0x0], $0xffff;
	v55 =	vor.u32 s6, v39  }
0x317: {  	v50 =	vmul.f32 v52, v60;
	v52 =	vld.idx.msk [tilespmem:v61+s4+$0x0], $0xffff;
	v49 =	vadd.f32 v63, v49  }
0x318: {  	v56 =	vor.u32 s6, v40;
	v59 =	vld.idx.msk [tilespmem:v61+s2+$0x0], $0xffff  }
0x319: {  	v60 =	vld.idx.msk [tilespmem:v53+s2+$0x0], $0xffff;
	v61 =	vmul.f32 v51, v57;
	v49 =	vadd.f32 v50, v49  }
0x31a: {  	v51 =	vld.idx.msk [tilespmem:v53+s4+$0x0], $0xffff;
	v62 =	vor.u32 s6, v41  }
0x31b: {  	v57 =	vld.idx.msk [tilespmem:v55+s2+$0x0], $0xffff;
	v63 =	vmul.f32 v54, v58;
	v49 =	vadd.f32 v61, v49  }
0x31c: {  	v54 =	vld.idx.msk [tilespmem:v55+s4+$0x0], $0xffff;
	v55 =	vor.u32 s6, v42  }
0x31d: {  	v58 =	vld.idx.msk [tilespmem:v56+s2+$0x0], $0xffff;
	v61 =	vmul.f32 v52, v59;
	v49 =	vadd.f32 v63, v49  }
0x31e: {  	v52 =	vld.idx.msk [tilespmem:v56+s4+$0x0], $0xffff;
	v56 =	vor.u32 s6, v43  }
0x31f: {  	v50 =	vmul.f32 v51, v60;
	v51 =	vld.idx.msk [tilespmem:v62+s4+$0x0], $0xffff;
	v49 =	vadd.f32 v61, v49  }
0x320: {  	v53 =	vor.u32 s6, v44;
	v59 =	vld.idx.msk [tilespmem:v62+s2+$0x0], $0xffff  }
0x321: {  	v60 =	vld.idx.msk [tilespmem:v55+s2+$0x0], $0xffff;
	v62 =	vmul.f32 v54, v57;
	v49 =	vadd.f32 v50, v49  }
0x322: {  	v54 =	vld.idx.msk [tilespmem:v55+s4+$0x0], $0xffff;
	v63 =	vor.u32 s6, v45  }
0x323: {  	v57 =	vld.idx.msk [tilespmem:v56+s2+$0x0], $0xffff;
	v61 =	vmul.f32 v52, v58;
	v49 =	vadd.f32 v62, v49  }
0x324: {  	v52 =	vld.idx.msk [tilespmem:v56+s4+$0x0], $0xffff;
	v56 =	vor.u32 s6, v46  }
0x325: {  	v58 =	vld.idx.msk [tilespmem:v53+s2+$0x0], $0xffff;
	v62 =	vmul.f32 v51, v59;
	v49 =	vadd.f32 v61, v49  }
0x326: {  	v51 =	vld.idx.msk [tilespmem:v53+s4+$0x0], $0xffff;
	v53 =	vor.u32 s6, v47  }
0x327: {  	v50 =	vmul.f32 v54, v60;
	v54 =	vld.idx.msk [tilespmem:v63+s4+$0x0], $0xffff;
	v49 =	vadd.f32 v62, v49  }
0x328: {  	v55 =	vor.u32 s6, v48;
	v59 =	vld.idx.msk [tilespmem:v63+s2+$0x0], $0xffff  }
0x329: {  	v60 =	vld.idx.msk [tilespmem:v56+s2+$0x0], $0xffff;
	v63 =	vmul.f32 v52, v57;
	v49 =	vadd.f32 v50, v49  }
0x32a: {  	v61 =	vld.idx.msk [tilespmem:v56+s4+$0x0], $0xffff  }
0x32b: {  	v56 =	vld.idx.msk [tilespmem:v53+s2+$0x0], $0xffff;
	v62 =	vmul.f32 v51, v58;
	v49 =	vadd.f32 v63, v49  }
0x32c: {  	v63 =	vld.idx.msk [tilespmem:v53+s4+$0x0], $0xffff  }
0x32d: {  	v57 =	vld.idx.msk [tilespmem:v55+s2+$0x0], $0xffff;
	v58 =	vmul.f32 v54, v59;
	v49 =	vadd.f32 v62, v49  }
0x32e: {  	v59 =	vld.idx.msk [tilespmem:v55+s4+$0x0], $0xffff  }
0x32f: {  	v61 =	vmul.f32 v61, v60;
	v49 =	vadd.f32 v58, v49;
	_ =	sdelay $0x1  }
0x330: {  	v62 =	vmul.f32 v63, v56;
	v49 =	vadd.f32 v61, v49;
	_ =	sdelay $0x1  }
0x331: {  	v63 =	vmul.f32 v59, v57;
	v49 =	vadd.f32 v62, v49;
	_ =	sdelay $0x1  }
0x332: {  	v49 =	vadd.f32 v63, v49;
	_ =	sdelay $0x1  }
0x333: {  	v49 =	vsub.f32 $0.0e+00, v49;
	_ =	sdelay $0x1  }
0x334: {  	v49 =	vmul.f32 $1.442695020e+00, v49;
	_ =	sdelay $0x1  }
0x335: {  	(erf) = vpow2.f32 v49;
	_ =	sdelay $0x8  }
0x336: {  	v49 =	vpop (erf)  }
0x337: {  	v49 =	vadd.f32 $1.000000000e+00, v49;
	_ =	sdelay $0x1  }
0x338: {  	(erf) = vrcp.f32 v49;
	_ =	sdelay $0x8  }
0x339: {  	s24 =	rddreg [dreg:$0x8];
	s0 =	sadd.s32 $0x10, s3;
	v49 =	vpop (erf)  }
0x33a: {  	s25 =	simm.s32 $0x18500;
	s5 =	simm.s32 $0x3;
	[tilespmem:s0+$0x0] =	vst v49;
	s0 =	simm.s32 $0x0  }
0x33b: {  	[hbm4b:s24+s0] =	stream.linear.scatter [tilespmem:s25], [sflag:$0x3], $0x200, $0x38;
	[tilespmem:$0x18700] =	vst v63  }
0x33c: {  	_ =	swait.ge [sflag:s5], $0x200  }
0x33d: {  	s26 =	rddreg [dreg:$0xa]  }
0x33e: {  	s28 =	rddreg [dreg:$0x9];
	s6 =	sadd.s32 $0x1, s26  }
0x33f: {  	p0 =	sne.s32 s6, s28  }
.Ltmp3:
0x340: {  	_ = 	snop;
	(pc) =	sbr.rel @p0 .LBB2_1-.Ltmp3, $3  }
0x341: {  	_ =	sdelay $0x1  }
0x342: {  	[sflag:s5] =	ssyncset.done $0x0  }
0x343: {  	s7 =	simm.s32 $0x7500;
	[sflag:s5] =	ssyncadd.s32 $0xFFFFFE00  }
0x344: {  	_ =	sfence.sel $0x180000  }
0x345: {  	[bflag:$0x0] =	sbarrier.arrive $0xFFFF  }
0x346: {  	_ =	strace $0x90000047  }
0x347: {  	s0 =	stileid.u32;
	[bflag:$0x2] =	sbarrier.arrive $0xFFFF  }
0x348: {  	p0 =	sne.s32 s0, $0x0;
	s0 =	rddreg [dreg:$0x5]  }
0x349: {  	s0 =	sadd.s32 @!p0 $0x100000, s0  }
0x34a: {  	[sflag:s0] =	ssyncadd.tile.s32 @!p0 $0x1;
	_ =	shalt  }
.Lfunc_end2:
_tile_overlayer_lowered:
.L_overlay_start_2:
0x34b: {  	(tag) =	ssettag $0x2  }
0x34c: {  	s0 =	rddreg [dreg:$0x0];
	s2 =	stileid.u32  }
0x34d: {  	s1 =	rddreg [dreg:$0x1];
	p0 =	sne.s32 s2, $0x0  }
0x34e: {  	s3 =	rddreg [dreg:$0x2];
	[bflag:$0x3] =	sbarrier.arrive $0xFFFF;
	s2 =	simm.s32 @!p0 $0x1C03  }
0x34f: {  	[timem:s3], [sflag:s2] =	dma.local @!p0 [hbm:s0], s1  }
0x350: {  	s0 =	simm.s32 @!p0 $0x3  }
0x351: {  	_ =	swait.ge @!p0 [sflag:s0], s1  }
0x352: {  	s1 =	ssub.s32 @!p0 $0x0, s1;
	[sflag:s0] =	ssyncset.done @!p0 $0x0  }
0x353: {  	[sflag:s0] =	ssyncadd.s32 @!p0 s1  }
0x354: {  	[bflag:$0x3] =	sbarrier.arrive $0xFFFF  }
0x355: {  	_ =	shalt  }

</sc_bundles>
